<compile_context>
chip_gen: v7x
topology: tpu7x:2x2x1
jax: 0.10.2.dev20260603
libtpu: 0.0.44.dev20260713+nightly
codegen_flags: <defaults>
</compile_context>

<pallas_src>
import functools

import jax
from jax import lax
import jax.numpy as jnp
from jax.experimental import pallas as pl
from jax.experimental.pallas import tpu as pltpu
from jax.experimental.pallas import tpu_sc as plsc

D_MODEL = 64
SCALE = 8.0
NRING = 8
GDEPTH = 4
LANES = 16
NW = 32


def kernel(x, table):
    x = x.astype(jnp.int32)
    b, s = x.shape
    rows_per_w = b // NW
    n = rows_per_w
    mesh = plsc.VectorSubcoreMesh(core_axis_name="c", subcore_axis_name="s")

    scratch = (
        [pltpu.VMEM((rows_per_w, s), jnp.int32)]
        + [pltpu.VMEM((s, D_MODEL), jnp.float32) for _ in range(NRING)]
        + [pltpu.SemaphoreType.DMA for _ in range(2 * NRING)]
    )

    @functools.partial(
        pl.kernel,
        out_type=jax.ShapeDtypeStruct((b * s, D_MODEL), table.dtype),
        mesh=mesh,
        scratch_types=scratch,
        compiler_params=pltpu.CompilerParams(use_tc_tiling_on_sc=False),
    )
    def gather_scale(table_hbm, idx_hbm, out_hbm, *bufs):
        idx_all = bufs[0]
        rows_v = bufs[1 : 1 + NRING]
        gsem = bufs[1 + NRING : 1 + 2 * NRING]
        osem = bufs[1 + 2 * NRING :]

        wid = lax.axis_index("c") * 16 + lax.axis_index("s")
        base = wid * rows_per_w

        def fire_gather(g, slot):
            pltpu.async_copy(table_hbm.at[idx_all.at[g]], rows_v[slot], gsem[slot])

        def wait_gather(g, slot):
            pltpu.make_async_copy(
                table_hbm.at[idx_all.at[g]], rows_v[slot], gsem[slot]
            ).wait()

        def scale_rows(slot):
            @pl.loop(0, s, step=4)
            def _row(t0):
                for dt in range(4):
                    for c in range(0, D_MODEL, LANES):
                        rows_v[slot][t0 + dt, pl.ds(c, LANES)] = (
                            rows_v[slot][t0 + dt, pl.ds(c, LANES)] * SCALE
                        )

        def fire_out(g, slot):
            pltpu.async_copy(
                rows_v[slot], out_hbm.at[pl.ds((base + g) * s, s)], osem[slot]
            )

        def wait_out(g, slot):
            pltpu.make_async_copy(
                rows_v[slot], out_hbm.at[pl.ds((base + g) * s, s)], osem[slot]
            ).wait()

        pltpu.sync_copy(idx_hbm.at[pl.ds(base, rows_per_w)], idx_all)

        for g in range(GDEPTH):
            fire_gather(g, g)

        for g in range(GDEPTH):
            wait_gather(g, g)
            scale_rows(g)
            fire_out(g, g)
            fire_gather(g + GDEPTH, g + GDEPTH)

        @pl.loop(GDEPTH, n - GDEPTH, step=NRING)
        def _main(g0):
            for k in range(NRING):
                g = g0 + k
                slot = (GDEPTH + k) % NRING
                wait_gather(g, slot)
                scale_rows(slot)
                fire_out(g, slot)
                wait_out(g - GDEPTH, k)
                fire_gather(g + GDEPTH, k)

        for k in range(GDEPTH):
            g = n - GDEPTH + k
            slot = (GDEPTH + k) % NRING
            wait_gather(g, slot)
            scale_rows(slot)
            fire_out(g, slot)
        for g in range(n - NRING, n):
            wait_out(g, g % NRING)

    return gather_scale(table, x).reshape(b, s, D_MODEL)

# --- scband reference (transcript-rebuilt; emitter-appended) ---
"""Pipeline reference for scband-embeddings-60387240182091 (READ-ONLY COPY).

The authoritative reference and input builder live on the scoring server;
editing this copy changes nothing except your own understanding.
"""

import jax, jax.numpy as jnp
import numpy as np

VOCAB = 1000000
D_MODEL = 64

def setup_inputs(seed: int = 0) -> dict:
    key = jax.random.key(seed)
    k_idx, k_tab = jax.random.split(key)
    x = jax.random.randint(k_idx, (4096, 200), 0, VOCAB, dtype=jnp.int64) if jax.config.jax_enable_x64 else jax.random.randint(k_idx, (4096, 200), 0, VOCAB, dtype=jnp.int32)
    table = jax.random.normal(k_tab, (VOCAB, D_MODEL), dtype=jnp.float32) * 0.02
    return {"x": x, "table": table}

def reference(x, table):
    # Embeddings.forward: self.embeds(x) * sqrt(d_model)
    emb = jnp.take(table, x, axis=0)
    return emb * np.sqrt(D_MODEL)

if __name__ == "__main__":
    import jax
    _d = setup_inputs()
    print(jax.jit(kernel)(*tuple(_d.values())))

</pallas_src>

<mosaic_0001>
#map = affine_map<(d0, d1) -> (0, 0)>
module attributes {stable_mosaic.version = 14 : i64} {
  func.func @gather_scale(%arg0: i32, %arg1: i32, %arg2: memref<1000000x64xf32, #tpu.memory_space<hbm>>, %arg3: memref<4096x200xi32, #tpu.memory_space<hbm>>, %arg4: memref<819200x64xf32, #tpu.memory_space<hbm>>, %arg5: memref<128x200xi32, #tpu.memory_space<vmem>>, %arg6: memref<200x64xf32, #tpu.memory_space<vmem>>, %arg7: memref<200x64xf32, #tpu.memory_space<vmem>>, %arg8: memref<200x64xf32, #tpu.memory_space<vmem>>, %arg9: memref<200x64xf32, #tpu.memory_space<vmem>>, %arg10: memref<200x64xf32, #tpu.memory_space<vmem>>, %arg11: memref<200x64xf32, #tpu.memory_space<vmem>>, %arg12: memref<200x64xf32, #tpu.memory_space<vmem>>, %arg13: memref<200x64xf32, #tpu.memory_space<vmem>>, %arg14: memref<!tpu.dma_semaphore, #tpu.memory_space<semaphore_mem>>, %arg15: memref<!tpu.dma_semaphore, #tpu.memory_space<semaphore_mem>>, %arg16: memref<!tpu.dma_semaphore, #tpu.memory_space<semaphore_mem>>, %arg17: memref<!tpu.dma_semaphore, #tpu.memory_space<semaphore_mem>>, %arg18: memref<!tpu.dma_semaphore, #tpu.memory_space<semaphore_mem>>, %arg19: memref<!tpu.dma_semaphore, #tpu.memory_space<semaphore_mem>>, %arg20: memref<!tpu.dma_semaphore, #tpu.memory_space<semaphore_mem>>, %arg21: memref<!tpu.dma_semaphore, #tpu.memory_space<semaphore_mem>>, %arg22: memref<!tpu.dma_semaphore, #tpu.memory_space<semaphore_mem>>, %arg23: memref<!tpu.dma_semaphore, #tpu.memory_space<semaphore_mem>>, %arg24: memref<!tpu.dma_semaphore, #tpu.memory_space<semaphore_mem>>, %arg25: memref<!tpu.dma_semaphore, #tpu.memory_space<semaphore_mem>>, %arg26: memref<!tpu.dma_semaphore, #tpu.memory_space<semaphore_mem>>, %arg27: memref<!tpu.dma_semaphore, #tpu.memory_space<semaphore_mem>>, %arg28: memref<!tpu.dma_semaphore, #tpu.memory_space<semaphore_mem>>, %arg29: memref<!tpu.dma_semaphore, #tpu.memory_space<semaphore_mem>>) attributes {dimension_semantics = [#tpu.dimension_semantics<core_parallel>, #tpu.dimension_semantics<subcore_parallel>], iteration_bounds = array<i64: 2, 16>, scalar_prefetch = 0 : i64, scratch_operands = 25 : i64, tpu.core_type = #tpu.core_type<sc_vector_subcore>, window_params = [{transform_indices = #map}, {transform_indices = #map}, {transform_indices = #map}]} {
    %mul3A = arith.constant 16 : i32
    %mul3A_0 = arith.muli %arg0, %mul3A : i32
    %add3A = arith.addi %mul3A_0, %arg1 : i32
    %mul3A_1 = arith.constant 128 : i32
    %mul3A_2 = arith.muli %add3A, %mul3A_1 : i32
    "tpu.region"() ({
      %run_scoped3A = tpu.sem_alloc : memref<!tpu.dma_semaphore, #tpu.memory_space<semaphore_mem>>
      %dma_start3A_285 = arith.constant 0 : i32
      %dma_start3A_286 = tpu.memref_slice %arg3[%mul3A_2, %dma_start3A_285] : memref<4096x200xi32, #tpu.memory_space<hbm>> -> memref<128x200xi32, #tpu.memory_space<hbm>>
      %dma_start3A_287 = arith.constant 0 : i32
      %dma_start3A_288 = tpu.memref_slice %arg3[%mul3A_2, %dma_start3A_287] : memref<4096x200xi32, #tpu.memory_space<hbm>> -> memref<128x200xi32, #tpu.memory_space<hbm>>
      tpu.enqueue_dma source(%dma_start3A_288 : memref<128x200xi32, #tpu.memory_space<hbm>>) target(%arg5 : memref<128x200xi32, #tpu.memory_space<vmem>>) target_semaphore(%run_scoped3A : memref<!tpu.dma_semaphore, #tpu.memory_space<semaphore_mem>>)
      %dma_wait3A_289 = arith.constant 0 : i32
      %dma_wait3A_290 = tpu.memref_slice %arg3[%mul3A_2, %dma_wait3A_289] : memref<4096x200xi32, #tpu.memory_space<hbm>> -> memref<128x200xi32, #tpu.memory_space<hbm>>
      %dma_wait3A_291 = arith.constant 0 : i32
      %dma_wait3A_292 = tpu.memref_slice %arg3[%mul3A_2, %dma_wait3A_291] : memref<4096x200xi32, #tpu.memory_space<hbm>> -> memref<128x200xi32, #tpu.memory_space<hbm>>
      tpu.wait_dma2 semaphore(%run_scoped3A : memref<!tpu.dma_semaphore, #tpu.memory_space<semaphore_mem>>) src(%dma_wait3A_292 : memref<128x200xi32, #tpu.memory_space<hbm>>) dst(%arg5 : memref<128x200xi32, #tpu.memory_space<vmem>>)
      tpu.yield
    }) : () -> ()
    %dma_start3A = arith.constant 0 : i32
    %dma_start3A_3 = arith.constant 0 : i32
    %dma_start3A_4 = tpu.memref_slice %arg5[%dma_start3A, %dma_start3A_3] : memref<128x200xi32, #tpu.memory_space<vmem>> -> memref<1x200xi32, #tpu.memory_space<vmem>>
    %dma_start3A_5 = tpu.memref_squeeze %dma_start3A_4 : memref<1x200xi32, #tpu.memory_space<vmem>> -> memref<200xi32, #tpu.memory_space<vmem>>
    %dma_start3A_6 = arith.constant 0 : i32
    %dma_start3A_7 = arith.constant 0 : i32
    %dma_start3A_8 = tpu.memref_slice %arg2[%dma_start3A_6, %dma_start3A_7] : memref<1000000x64xf32, #tpu.memory_space<hbm>> -> memref<1000000x64xf32, #tpu.memory_space<hbm>>
    tpu.enqueue_indirect_dma source(%dma_start3A_8 : memref<1000000x64xf32, #tpu.memory_space<hbm>>) target(%arg6 : memref<200x64xf32, #tpu.memory_space<vmem>>) offsets(%dma_start3A_5 : memref<200xi32, #tpu.memory_space<vmem>>) semaphore(%arg14 : memref<!tpu.dma_semaphore, #tpu.memory_space<semaphore_mem>>)
    %dma_start3A_9 = arith.constant 1 : i32
    %dma_start3A_10 = arith.constant 0 : i32
    %dma_start3A_11 = tpu.memref_slice %arg5[%dma_start3A_9, %dma_start3A_10] : memref<128x200xi32, #tpu.memory_space<vmem>> -> memref<1x200xi32, #tpu.memory_space<vmem>>
    %dma_start3A_12 = tpu.memref_squeeze %dma_start3A_11 : memref<1x200xi32, #tpu.memory_space<vmem>> -> memref<200xi32, #tpu.memory_space<vmem>>
    %dma_start3A_13 = arith.constant 0 : i32
    %dma_start3A_14 = arith.constant 0 : i32
    %dma_start3A_15 = tpu.memref_slice %arg2[%dma_start3A_13, %dma_start3A_14] : memref<1000000x64xf32, #tpu.memory_space<hbm>> -> memref<1000000x64xf32, #tpu.memory_space<hbm>>
    tpu.enqueue_indirect_dma source(%dma_start3A_15 : memref<1000000x64xf32, #tpu.memory_space<hbm>>) target(%arg7 : memref<200x64xf32, #tpu.memory_space<vmem>>) offsets(%dma_start3A_12 : memref<200xi32, #tpu.memory_space<vmem>>) semaphore(%arg15 : memref<!tpu.dma_semaphore, #tpu.memory_space<semaphore_mem>>)
    %dma_start3A_16 = arith.constant 2 : i32
    %dma_start3A_17 = arith.constant 0 : i32
    %dma_start3A_18 = tpu.memref_slice %arg5[%dma_start3A_16, %dma_start3A_17] : memref<128x200xi32, #tpu.memory_space<vmem>> -> memref<1x200xi32, #tpu.memory_space<vmem>>
    %dma_start3A_19 = tpu.memref_squeeze %dma_start3A_18 : memref<1x200xi32, #tpu.memory_space<vmem>> -> memref<200xi32, #tpu.memory_space<vmem>>
    %dma_start3A_20 = arith.constant 0 : i32
    %dma_start3A_21 = arith.constant 0 : i32
    %dma_start3A_22 = tpu.memref_slice %arg2[%dma_start3A_20, %dma_start3A_21] : memref<1000000x64xf32, #tpu.memory_space<hbm>> -> memref<1000000x64xf32, #tpu.memory_space<hbm>>
    tpu.enqueue_indirect_dma source(%dma_start3A_22 : memref<1000000x64xf32, #tpu.memory_space<hbm>>) target(%arg8 : memref<200x64xf32, #tpu.memory_space<vmem>>) offsets(%dma_start3A_19 : memref<200xi32, #tpu.memory_space<vmem>>) semaphore(%arg16 : memref<!tpu.dma_semaphore, #tpu.memory_space<semaphore_mem>>)
    %dma_start3A_23 = arith.constant 3 : i32
    %dma_start3A_24 = arith.constant 0 : i32
    %dma_start3A_25 = tpu.memref_slice %arg5[%dma_start3A_23, %dma_start3A_24] : memref<128x200xi32, #tpu.memory_space<vmem>> -> memref<1x200xi32, #tpu.memory_space<vmem>>
    %dma_start3A_26 = tpu.memref_squeeze %dma_start3A_25 : memref<1x200xi32, #tpu.memory_space<vmem>> -> memref<200xi32, #tpu.memory_space<vmem>>
    %dma_start3A_27 = arith.constant 0 : i32
    %dma_start3A_28 = arith.constant 0 : i32
    %dma_start3A_29 = tpu.memref_slice %arg2[%dma_start3A_27, %dma_start3A_28] : memref<1000000x64xf32, #tpu.memory_space<hbm>> -> memref<1000000x64xf32, #tpu.memory_space<hbm>>
    tpu.enqueue_indirect_dma source(%dma_start3A_29 : memref<1000000x64xf32, #tpu.memory_space<hbm>>) target(%arg9 : memref<200x64xf32, #tpu.memory_space<vmem>>) offsets(%dma_start3A_26 : memref<200xi32, #tpu.memory_space<vmem>>) semaphore(%arg17 : memref<!tpu.dma_semaphore, #tpu.memory_space<semaphore_mem>>)
    %dma_wait3A = arith.constant 0 : i32
    %dma_wait3A_30 = arith.constant 0 : i32
    %dma_wait3A_31 = tpu.memref_slice %arg5[%dma_wait3A, %dma_wait3A_30] : memref<128x200xi32, #tpu.memory_space<vmem>> -> memref<1x200xi32, #tpu.memory_space<vmem>>
    %dma_wait3A_32 = tpu.memref_squeeze %dma_wait3A_31 : memref<1x200xi32, #tpu.memory_space<vmem>> -> memref<200xi32, #tpu.memory_space<vmem>>
    %dma_wait3A_33 = arith.constant 0 : i32
    %dma_wait3A_34 = arith.constant 0 : i32
    %dma_wait3A_35 = tpu.memref_slice %arg2[%dma_wait3A_33, %dma_wait3A_34] : memref<1000000x64xf32, #tpu.memory_space<hbm>> -> memref<1000000x64xf32, #tpu.memory_space<hbm>>
    tpu.wait_indirect_dma semaphore(%arg14 : memref<!tpu.dma_semaphore, #tpu.memory_space<semaphore_mem>>) src(%dma_wait3A_35 : memref<1000000x64xf32, #tpu.memory_space<hbm>>) dst(%arg6 : memref<200x64xf32, #tpu.memory_space<vmem>>)
    %scan3A = arith.constant 0 : i32
    %scan3A_36 = arith.constant 50 : i32
    %scan3A_37 = arith.addi %scan3A, %scan3A_36 : i32
    %scan3A_38 = arith.constant 1 : i32
    scf.for %scan3A_285 = %scan3A to %scan3A_37 step %scan3A_38  : i32 {
      %mul3A_286 = arith.constant 4 : i32
      %mul3A_287 = arith.muli %scan3A_285, %mul3A_286 : i32
      %add3A_288 = arith.constant 0 : i32
      %add3A_289 = arith.addi %add3A_288, %mul3A_287 : i32
      %add3A_290 = arith.constant 0 : i32
      %add3A_291 = arith.addi %add3A_289, %add3A_290 : i32
      %get3A = arith.index_cast %add3A_291 : i32 to index
      %get3A_292 = arith.constant 0 : index
      %get3A_293 = tpu.vector_load %arg6[%get3A, %get3A_292] {strides = array<i32>} : memref<200x64xf32, #tpu.memory_space<vmem>>, vector<1x16xf32>,
      %get3A_294 = vector.shape_cast %get3A_293 : vector<1x16xf32> to vector<16xf32>
      %mul3A_295 = arith.constant 8.000000e+00 : f32
      %mul3A_296 = vector.broadcast %mul3A_295 : f32 to vector<16xf32>
      %mul3A_297 = arith.mulf %get3A_294, %mul3A_296 : vector<16xf32>
      %add3A_298 = arith.constant 0 : i32
      %add3A_299 = arith.addi %add3A_289, %add3A_298 : i32
      %swap3A = arith.index_cast %add3A_299 : i32 to index
      %swap3A_300 = arith.constant 0 : index
      %swap3A_301 = tpu.vector_load %arg6[%swap3A, %swap3A_300] {strides = array<i32>} : memref<200x64xf32, #tpu.memory_space<vmem>>, vector<1x16xf32>,
      %swap3A_302 = vector.shape_cast %swap3A_301 : vector<1x16xf32> to vector<16xf32>
      %swap3A_303 = vector.shape_cast %mul3A_297 : vector<16xf32> to vector<1x16xf32>
      tpu.vector_store %arg6[%swap3A, %swap3A_300], %swap3A_303 {strides = array<i32>} : memref<200x64xf32, #tpu.memory_space<vmem>>, vector<1x16xf32>,
      %add3A_304 = arith.constant 0 : i32
      %add3A_305 = arith.addi %add3A_289, %add3A_304 : i32
      %get3A_306 = arith.index_cast %add3A_305 : i32 to index
      %get3A_307 = arith.constant 16 : index
      %get3A_308 = tpu.vector_load %arg6[%get3A_306, %get3A_307] {strides = array<i32>} : memref<200x64xf32, #tpu.memory_space<vmem>>, vector<1x16xf32>,
      %get3A_309 = vector.shape_cast %get3A_308 : vector<1x16xf32> to vector<16xf32>
      %mul3A_310 = arith.constant 8.000000e+00 : f32
      %mul3A_311 = vector.broadcast %mul3A_310 : f32 to vector<16xf32>
      %mul3A_312 = arith.mulf %get3A_309, %mul3A_311 : vector<16xf32>
      %add3A_313 = arith.constant 0 : i32
      %add3A_314 = arith.addi %add3A_289, %add3A_313 : i32
      %swap3A_315 = arith.index_cast %add3A_314 : i32 to index
      %swap3A_316 = arith.constant 16 : index
      %swap3A_317 = tpu.vector_load %arg6[%swap3A_315, %swap3A_316] {strides = array<i32>} : memref<200x64xf32, #tpu.memory_space<vmem>>, vector<1x16xf32>,
      %swap3A_318 = vector.shape_cast %swap3A_317 : vector<1x16xf32> to vector<16xf32>
      %swap3A_319 = vector.shape_cast %mul3A_312 : vector<16xf32> to vector<1x16xf32>
      tpu.vector_store %arg6[%swap3A_315, %swap3A_316], %swap3A_319 {strides = array<i32>} : memref<200x64xf32, #tpu.memory_space<vmem>>, vector<1x16xf32>,
      %add3A_320 = arith.constant 0 : i32
      %add3A_321 = arith.addi %add3A_289, %add3A_320 : i32
      %get3A_322 = arith.index_cast %add3A_321 : i32 to index
      %get3A_323 = arith.constant 32 : index
      %get3A_324 = tpu.vector_load %arg6[%get3A_322, %get3A_323] {strides = array<i32>} : memref<200x64xf32, #tpu.memory_space<vmem>>, vector<1x16xf32>,
      %get3A_325 = vector.shape_cast %get3A_324 : vector<1x16xf32> to vector<16xf32>
      %mul3A_326 = arith.constant 8.000000e+00 : f32
      %mul3A_327 = vector.broadcast %mul3A_326 : f32 to vector<16xf32>
      %mul3A_328 = arith.mulf %get3A_325, %mul3A_327 : vector<16xf32>
      %add3A_329 = arith.constant 0 : i32
      %add3A_330 = arith.addi %add3A_289, %add3A_329 : i32
      %swap3A_331 = arith.index_cast %add3A_330 : i32 to index
      %swap3A_332 = arith.constant 32 : index
      %swap3A_333 = tpu.vector_load %arg6[%swap3A_331, %swap3A_332] {strides = array<i32>} : memref<200x64xf32, #tpu.memory_space<vmem>>, vector<1x16xf32>,
      %swap3A_334 = vector.shape_cast %swap3A_333 : vector<1x16xf32> to vector<16xf32>
      %swap3A_335 = vector.shape_cast %mul3A_328 : vector<16xf32> to vector<1x16xf32>
      tpu.vector_store %arg6[%swap3A_331, %swap3A_332], %swap3A_335 {strides = array<i32>} : memref<200x64xf32, #tpu.memory_space<vmem>>, vector<1x16xf32>,
      %add3A_336 = arith.constant 0 : i32
      %add3A_337 = arith.addi %add3A_289, %add3A_336 : i32
      %get3A_338 = arith.index_cast %add3A_337 : i32 to index
      %get3A_339 = arith.constant 48 : index
      %get3A_340 = tpu.vector_load %arg6[%get3A_338, %get3A_339] {strides = array<i32>} : memref<200x64xf32, #tpu.memory_space<vmem>>, vector<1x16xf32>,
      %get3A_341 = vector.shape_cast %get3A_340 : vector<1x16xf32> to vector<16xf32>
      %mul3A_342 = arith.constant 8.000000e+00 : f32
      %mul3A_343 = vector.broadcast %mul3A_342 : f32 to vector<16xf32>
      %mul3A_344 = arith.mulf %get3A_341, %mul3A_343 : vector<16xf32>
      %add3A_345 = arith.constant 0 : i32
      %add3A_346 = arith.addi %add3A_289, %add3A_345 : i32
      %swap3A_347 = arith.index_cast %add3A_346 : i32 to index
      %swap3A_348 = arith.constant 48 : index
      %swap3A_349 = tpu.vector_load %arg6[%swap3A_347, %swap3A_348] {strides = array<i32>} : memref<200x64xf32, #tpu.memory_space<vmem>>, vector<1x16xf32>,
      %swap3A_350 = vector.shape_cast %swap3A_349 : vector<1x16xf32> to vector<16xf32>
      %swap3A_351 = vector.shape_cast %mul3A_344 : vector<16xf32> to vector<1x16xf32>
      tpu.vector_store %arg6[%swap3A_347, %swap3A_348], %swap3A_351 {strides = array<i32>} : memref<200x64xf32, #tpu.memory_space<vmem>>, vector<1x16xf32>,
      %add3A_352 = arith.constant 1 : i32
      %add3A_353 = arith.addi %add3A_289, %add3A_352 : i32
      %get3A_354 = arith.index_cast %add3A_353 : i32 to index
      %get3A_355 = arith.constant 0 : index
      %get3A_356 = tpu.vector_load %arg6[%get3A_354, %get3A_355] {strides = array<i32>} : memref<200x64xf32, #tpu.memory_space<vmem>>, vector<1x16xf32>,
      %get3A_357 = vector.shape_cast %get3A_356 : vector<1x16xf32> to vector<16xf32>
      %mul3A_358 = arith.constant 8.000000e+00 : f32
      %mul3A_359 = vector.broadcast %mul3A_358 : f32 to vector<16xf32>
      %mul3A_360 = arith.mulf %get3A_357, %mul3A_359 : vector<16xf32>
      %add3A_361 = arith.constant 1 : i32
      %add3A_362 = arith.addi %add3A_289, %add3A_361 : i32
      %swap3A_363 = arith.index_cast %add3A_362 : i32 to index
      %swap3A_364 = arith.constant 0 : index
      %swap3A_365 = tpu.vector_load %arg6[%swap3A_363, %swap3A_364] {strides = array<i32>} : memref<200x64xf32, #tpu.memory_space<vmem>>, vector<1x16xf32>,
      %swap3A_366 = vector.shape_cast %swap3A_365 : vector<1x16xf32> to vector<16xf32>
      %swap3A_367 = vector.shape_cast %mul3A_360 : vector<16xf32> to vector<1x16xf32>
      tpu.vector_store %arg6[%swap3A_363, %swap3A_364], %swap3A_367 {strides = array<i32>} : memref<200x64xf32, #tpu.memory_space<vmem>>, vector<1x16xf32>,
      %add3A_368 = arith.constant 1 : i32
      %add3A_369 = arith.addi %add3A_289, %add3A_368 : i32
      %get3A_370 = arith.index_cast %add3A_369 : i32 to index
      %get3A_371 = arith.constant 16 : index
      %get3A_372 = tpu.vector_load %arg6[%get3A_370, %get3A_371] {strides = array<i32>} : memref<200x64xf32, #tpu.memory_space<vmem>>, vector<1x16xf32>,
      %get3A_373 = vector.shape_cast %get3A_372 : vector<1x16xf32> to vector<16xf32>
      %mul3A_374 = arith.constant 8.000000e+00 : f32
      %mul3A_375 = vector.broadcast %mul3A_374 : f32 to vector<16xf32>
      %mul3A_376 = arith.mulf %get3A_373, %mul3A_375 : vector<16xf32>
      %add3A_377 = arith.constant 1 : i32
      %add3A_378 = arith.addi %add3A_289, %add3A_377 : i32
      %swap3A_379 = arith.index_cast %add3A_378 : i32 to index
      %swap3A_380 = arith.constant 16 : index
      %swap3A_381 = tpu.vector_load %arg6[%swap3A_379, %swap3A_380] {strides = array<i32>} : memref<200x64xf32, #tpu.memory_space<vmem>>, vector<1x16xf32>,
      %swap3A_382 = vector.shape_cast %swap3A_381 : vector<1x16xf32> to vector<16xf32>
      %swap3A_383 = vector.shape_cast %mul3A_376 : vector<16xf32> to vector<1x16xf32>
      tpu.vector_store %arg6[%swap3A_379, %swap3A_380], %swap3A_383 {strides = array<i32>} : memref<200x64xf32, #tpu.memory_space<vmem>>, vector<1x16xf32>,
      %add3A_384 = arith.constant 1 : i32
      %add3A_385 = arith.addi %add3A_289, %add3A_384 : i32
      %get3A_386 = arith.index_cast %add3A_385 : i32 to index
      %get3A_387 = arith.constant 32 : index
      %get3A_388 = tpu.vector_load %arg6[%get3A_386, %get3A_387] {strides = array<i32>} : memref<200x64xf32, #tpu.memory_space<vmem>>, vector<1x16xf32>,
      %get3A_389 = vector.shape_cast %get3A_388 : vector<1x16xf32> to vector<16xf32>
      %mul3A_390 = arith.constant 8.000000e+00 : f32
      %mul3A_391 = vector.broadcast %mul3A_390 : f32 to vector<16xf32>
      %mul3A_392 = arith.mulf %get3A_389, %mul3A_391 : vector<16xf32>
      %add3A_393 = arith.constant 1 : i32
      %add3A_394 = arith.addi %add3A_289, %add3A_393 : i32
      %swap3A_395 = arith.index_cast %add3A_394 : i32 to index
      %swap3A_396 = arith.constant 32 : index
      %swap3A_397 = tpu.vector_load %arg6[%swap3A_395, %swap3A_396] {strides = array<i32>} : memref<200x64xf32, #tpu.memory_space<vmem>>, vector<1x16xf32>,
      %swap3A_398 = vector.shape_cast %swap3A_397 : vector<1x16xf32> to vector<16xf32>
      %swap3A_399 = vector.shape_cast %mul3A_392 : vector<16xf32> to vector<1x16xf32>
      tpu.vector_store %arg6[%swap3A_395, %swap3A_396], %swap3A_399 {strides = array<i32>} : memref<200x64xf32, #tpu.memory_space<vmem>>, vector<1x16xf32>,
      %add3A_400 = arith.constant 1 : i32
      %add3A_401 = arith.addi %add3A_289, %add3A_400 : i32
      %get3A_402 = arith.index_cast %add3A_401 : i32 to index
      %get3A_403 = arith.constant 48 : index
      %get3A_404 = tpu.vector_load %arg6[%get3A_402, %get3A_403] {strides = array<i32>} : memref<200x64xf32, #tpu.memory_space<vmem>>, vector<1x16xf32>,
      %get3A_405 = vector.shape_cast %get3A_404 : vector<1x16xf32> to vector<16xf32>
      %mul3A_406 = arith.constant 8.000000e+00 : f32
      %mul3A_407 = vector.broadcast %mul3A_406 : f32 to vector<16xf32>
      %mul3A_408 = arith.mulf %get3A_405, %mul3A_407 : vector<16xf32>
      %add3A_409 = arith.constant 1 : i32
      %add3A_410 = arith.addi %add3A_289, %add3A_409 : i32
      %swap3A_411 = arith.index_cast %add3A_410 : i32 to index
      %swap3A_412 = arith.constant 48 : index
      %swap3A_413 = tpu.vector_load %arg6[%swap3A_411, %swap3A_412] {strides = array<i32>} : memref<200x64xf32, #tpu.memory_space<vmem>>, vector<1x16xf32>,
      %swap3A_414 = vector.shape_cast %swap3A_413 : vector<1x16xf32> to vector<16xf32>
      %swap3A_415 = vector.shape_cast %mul3A_408 : vector<16xf32> to vector<1x16xf32>
      tpu.vector_store %arg6[%swap3A_411, %swap3A_412], %swap3A_415 {strides = array<i32>} : memref<200x64xf32, #tpu.memory_space<vmem>>, vector<1x16xf32>,
      %add3A_416 = arith.constant 2 : i32
      %add3A_417 = arith.addi %add3A_289, %add3A_416 : i32
      %get3A_418 = arith.index_cast %add3A_417 : i32 to index
      %get3A_419 = arith.constant 0 : index
      %get3A_420 = tpu.vector_load %arg6[%get3A_418, %get3A_419] {strides = array<i32>} : memref<200x64xf32, #tpu.memory_space<vmem>>, vector<1x16xf32>,
      %get3A_421 = vector.shape_cast %get3A_420 : vector<1x16xf32> to vector<16xf32>
      %mul3A_422 = arith.constant 8.000000e+00 : f32
      %mul3A_423 = vector.broadcast %mul3A_422 : f32 to vector<16xf32>
      %mul3A_424 = arith.mulf %get3A_421, %mul3A_423 : vector<16xf32>
      %add3A_425 = arith.constant 2 : i32
      %add3A_426 = arith.addi %add3A_289, %add3A_425 : i32
      %swap3A_427 = arith.index_cast %add3A_426 : i32 to index
      %swap3A_428 = arith.constant 0 : index
      %swap3A_429 = tpu.vector_load %arg6[%swap3A_427, %swap3A_428] {strides = array<i32>} : memref<200x64xf32, #tpu.memory_space<vmem>>, vector<1x16xf32>,
      %swap3A_430 = vector.shape_cast %swap3A_429 : vector<1x16xf32> to vector<16xf32>
      %swap3A_431 = vector.shape_cast %mul3A_424 : vector<16xf32> to vector<1x16xf32>
      tpu.vector_store %arg6[%swap3A_427, %swap3A_428], %swap3A_431 {strides = array<i32>} : memref<200x64xf32, #tpu.memory_space<vmem>>, vector<1x16xf32>,
      %add3A_432 = arith.constant 2 : i32
      %add3A_433 = arith.addi %add3A_289, %add3A_432 : i32
      %get3A_434 = arith.index_cast %add3A_433 : i32 to index
      %get3A_435 = arith.constant 16 : index
      %get3A_436 = tpu.vector_load %arg6[%get3A_434, %get3A_435] {strides = array<i32>} : memref<200x64xf32, #tpu.memory_space<vmem>>, vector<1x16xf32>,
      %get3A_437 = vector.shape_cast %get3A_436 : vector<1x16xf32> to vector<16xf32>
      %mul3A_438 = arith.constant 8.000000e+00 : f32
      %mul3A_439 = vector.broadcast %mul3A_438 : f32 to vector<16xf32>
      %mul3A_440 = arith.mulf %get3A_437, %mul3A_439 : vector<16xf32>
      %add3A_441 = arith.constant 2 : i32
      %add3A_442 = arith.addi %add3A_289, %add3A_441 : i32
      %swap3A_443 = arith.index_cast %add3A_442 : i32 to index
      %swap3A_444 = arith.constant 16 : index
      %swap3A_445 = tpu.vector_load %arg6[%swap3A_443, %swap3A_444] {strides = array<i32>} : memref<200x64xf32, #tpu.memory_space<vmem>>, vector<1x16xf32>,
      %swap3A_446 = vector.shape_cast %swap3A_445 : vector<1x16xf32> to vector<16xf32>
      %swap3A_447 = vector.shape_cast %mul3A_440 : vector<16xf32> to vector<1x16xf32>
      tpu.vector_store %arg6[%swap3A_443, %swap3A_444], %swap3A_447 {strides = array<i32>} : memref<200x64xf32, #tpu.memory_space<vmem>>, vector<1x16xf32>,
      %add3A_448 = arith.constant 2 : i32
      %add3A_449 = arith.addi %add3A_289, %add3A_448 : i32
      %get3A_450 = arith.index_cast %add3A_449 : i32 to index
      %get3A_451 = arith.constant 32 : index
      %get3A_452 = tpu.vector_load %arg6[%get3A_450, %get3A_451] {strides = array<i32>} : memref<200x64xf32, #tpu.memory_space<vmem>>, vector<1x16xf32>,
      %get3A_453 = vector.shape_cast %get3A_452 : vector<1x16xf32> to vector<16xf32>
      %mul3A_454 = arith.constant 8.000000e+00 : f32
      %mul3A_455 = vector.broadcast %mul3A_454 : f32 to vector<16xf32>
      %mul3A_456 = arith.mulf %get3A_453, %mul3A_455 : vector<16xf32>
      %add3A_457 = arith.constant 2 : i32
      %add3A_458 = arith.addi %add3A_289, %add3A_457 : i32
      %swap3A_459 = arith.index_cast %add3A_458 : i32 to index
      %swap3A_460 = arith.constant 32 : index
      %swap3A_461 = tpu.vector_load %arg6[%swap3A_459, %swap3A_460] {strides = array<i32>} : memref<200x64xf32, #tpu.memory_space<vmem>>, vector<1x16xf32>,
      %swap3A_462 = vector.shape_cast %swap3A_461 : vector<1x16xf32> to vector<16xf32>
      %swap3A_463 = vector.shape_cast %mul3A_456 : vector<16xf32> to vector<1x16xf32>
      tpu.vector_store %arg6[%swap3A_459, %swap3A_460], %swap3A_463 {strides = array<i32>} : memref<200x64xf32, #tpu.memory_space<vmem>>, vector<1x16xf32>,
      %add3A_464 = arith.constant 2 : i32
      %add3A_465 = arith.addi %add3A_289, %add3A_464 : i32
      %get3A_466 = arith.index_cast %add3A_465 : i32 to index
      %get3A_467 = arith.constant 48 : index
      %get3A_468 = tpu.vector_load %arg6[%get3A_466, %get3A_467] {strides = array<i32>} : memref<200x64xf32, #tpu.memory_space<vmem>>, vector<1x16xf32>,
      %get3A_469 = vector.shape_cast %get3A_468 : vector<1x16xf32> to vector<16xf32>
      %mul3A_470 = arith.constant 8.000000e+00 : f32
      %mul3A_471 = vector.broadcast %mul3A_470 : f32 to vector<16xf32>
      %mul3A_472 = arith.mulf %get3A_469, %mul3A_471 : vector<16xf32>
      %add3A_473 = arith.constant 2 : i32
      %add3A_474 = arith.addi %add3A_289, %add3A_473 : i32
      %swap3A_475 = arith.index_cast %add3A_474 : i32 to index
      %swap3A_476 = arith.constant 48 : index
      %swap3A_477 = tpu.vector_load %arg6[%swap3A_475, %swap3A_476] {strides = array<i32>} : memref<200x64xf32, #tpu.memory_space<vmem>>, vector<1x16xf32>,
      %swap3A_478 = vector.shape_cast %swap3A_477 : vector<1x16xf32> to vector<16xf32>
      %swap3A_479 = vector.shape_cast %mul3A_472 : vector<16xf32> to vector<1x16xf32>
      tpu.vector_store %arg6[%swap3A_475, %swap3A_476], %swap3A_479 {strides = array<i32>} : memref<200x64xf32, #tpu.memory_space<vmem>>, vector<1x16xf32>,
      %add3A_480 = arith.constant 3 : i32
      %add3A_481 = arith.addi %add3A_289, %add3A_480 : i32
      %get3A_482 = arith.index_cast %add3A_481 : i32 to index
      %get3A_483 = arith.constant 0 : index
      %get3A_484 = tpu.vector_load %arg6[%get3A_482, %get3A_483] {strides = array<i32>} : memref<200x64xf32, #tpu.memory_space<vmem>>, vector<1x16xf32>,
      %get3A_485 = vector.shape_cast %get3A_484 : vector<1x16xf32> to vector<16xf32>
      %mul3A_486 = arith.constant 8.000000e+00 : f32
      %mul3A_487 = vector.broadcast %mul3A_486 : f32 to vector<16xf32>
      %mul3A_488 = arith.mulf %get3A_485, %mul3A_487 : vector<16xf32>
      %add3A_489 = arith.constant 3 : i32
      %add3A_490 = arith.addi %add3A_289, %add3A_489 : i32
      %swap3A_491 = arith.index_cast %add3A_490 : i32 to index
      %swap3A_492 = arith.constant 0 : index
      %swap3A_493 = tpu.vector_load %arg6[%swap3A_491, %swap3A_492] {strides = array<i32>} : memref<200x64xf32, #tpu.memory_space<vmem>>, vector<1x16xf32>,
      %swap3A_494 = vector.shape_cast %swap3A_493 : vector<1x16xf32> to vector<16xf32>
      %swap3A_495 = vector.shape_cast %mul3A_488 : vector<16xf32> to vector<1x16xf32>
      tpu.vector_store %arg6[%swap3A_491, %swap3A_492], %swap3A_495 {strides = array<i32>} : memref<200x64xf32, #tpu.memory_space<vmem>>, vector<1x16xf32>,
      %add3A_496 = arith.constant 3 : i32
      %add3A_497 = arith.addi %add3A_289, %add3A_496 : i32
      %get3A_498 = arith.index_cast %add3A_497 : i32 to index
      %get3A_499 = arith.constant 16 : index
      %get3A_500 = tpu.vector_load %arg6[%get3A_498, %get3A_499] {strides = array<i32>} : memref<200x64xf32, #tpu.memory_space<vmem>>, vector<1x16xf32>,
      %get3A_501 = vector.shape_cast %get3A_500 : vector<1x16xf32> to vector<16xf32>
      %mul3A_502 = arith.constant 8.000000e+00 : f32
      %mul3A_503 = vector.broadcast %mul3A_502 : f32 to vector<16xf32>
      %mul3A_504 = arith.mulf %get3A_501, %mul3A_503 : vector<16xf32>
      %add3A_505 = arith.constant 3 : i32
      %add3A_506 = arith.addi %add3A_289, %add3A_505 : i32
      %swap3A_507 = arith.index_cast %add3A_506 : i32 to index
      %swap3A_508 = arith.constant 16 : index
      %swap3A_509 = tpu.vector_load %arg6[%swap3A_507, %swap3A_508] {strides = array<i32>} : memref<200x64xf32, #tpu.memory_space<vmem>>, vector<1x16xf32>,
      %swap3A_510 = vector.shape_cast %swap3A_509 : vector<1x16xf32> to vector<16xf32>
      %swap3A_511 = vector.shape_cast %mul3A_504 : vector<16xf32> to vector<1x16xf32>
      tpu.vector_store %arg6[%swap3A_507, %swap3A_508], %swap3A_511 {strides = array<i32>} : memref<200x64xf32, #tpu.memory_space<vmem>>, vector<1x16xf32>,
      %add3A_512 = arith.constant 3 : i32
      %add3A_513 = arith.addi %add3A_289, %add3A_512 : i32
      %get3A_514 = arith.index_cast %add3A_513 : i32 to index
      %get3A_515 = arith.constant 32 : index
      %get3A_516 = tpu.vector_load %arg6[%get3A_514, %get3A_515] {strides = array<i32>} : memref<200x64xf32, #tpu.memory_space<vmem>>, vector<1x16xf32>,
      %get3A_517 = vector.shape_cast %get3A_516 : vector<1x16xf32> to vector<16xf32>
      %mul3A_518 = arith.constant 8.000000e+00 : f32
      %mul3A_519 = vector.broadcast %mul3A_518 : f32 to vector<16xf32>
      %mul3A_520 = arith.mulf %get3A_517, %mul3A_519 : vector<16xf32>
      %add3A_521 = arith.constant 3 : i32
      %add3A_522 = arith.addi %add3A_289, %add3A_521 : i32
      %swap3A_523 = arith.index_cast %add3A_522 : i32 to index
      %swap3A_524 = arith.constant 32 : index
      %swap3A_525 = tpu.vector_load %arg6[%swap3A_523, %swap3A_524] {strides = array<i32>} : memref<200x64xf32, #tpu.memory_space<vmem>>, vector<1x16xf32>,
      %swap3A_526 = vector.shape_cast %swap3A_525 : vector<1x16xf32> to vector<16xf32>
      %swap3A_527 = vector.shape_cast %mul3A_520 : vector<16xf32> to vector<1x16xf32>
      tpu.vector_store %arg6[%swap3A_523, %swap3A_524], %swap3A_527 {strides = array<i32>} : memref<200x64xf32, #tpu.memory_space<vmem>>, vector<1x16xf32>,
      %add3A_528 = arith.constant 3 : i32
      %add3A_529 = arith.addi %add3A_289, %add3A_528 : i32
      %get3A_530 = arith.index_cast %add3A_529 : i32 to index
      %get3A_531 = arith.constant 48 : index
      %get3A_532 = tpu.vector_load %arg6[%get3A_530, %get3A_531] {strides = array<i32>} : memref<200x64xf32, #tpu.memory_space<vmem>>, vector<1x16xf32>,
      %get3A_533 = vector.shape_cast %get3A_532 : vector<1x16xf32> to vector<16xf32>
      %mul3A_534 = arith.constant 8.000000e+00 : f32
      %mul3A_535 = vector.broadcast %mul3A_534 : f32 to vector<16xf32>
      %mul3A_536 = arith.mulf %get3A_533, %mul3A_535 : vector<16xf32>
      %add3A_537 = arith.constant 3 : i32
      %add3A_538 = arith.addi %add3A_289, %add3A_537 : i32
      %swap3A_539 = arith.index_cast %add3A_538 : i32 to index
      %swap3A_540 = arith.constant 48 : index
      %swap3A_541 = tpu.vector_load %arg6[%swap3A_539, %swap3A_540] {strides = array<i32>} : memref<200x64xf32, #tpu.memory_space<vmem>>, vector<1x16xf32>,
      %swap3A_542 = vector.shape_cast %swap3A_541 : vector<1x16xf32> to vector<16xf32>
      %swap3A_543 = vector.shape_cast %mul3A_536 : vector<16xf32> to vector<1x16xf32>
      tpu.vector_store %arg6[%swap3A_539, %swap3A_540], %swap3A_543 {strides = array<i32>} : memref<200x64xf32, #tpu.memory_space<vmem>>, vector<1x16xf32>,
    }
    %scan3A_39 = arith.constant 50 : i32
    %add3A_40 = arith.constant 0 : i32
    %add3A_41 = arith.addi %mul3A_2, %add3A_40 : i32
    %mul3A_42 = arith.constant 200 : i32
    %mul3A_43 = arith.muli %add3A_41, %mul3A_42 : i32
    %dma_start3A_44 = arith.constant 0 : i32
    %dma_start3A_45 = tpu.memref_slice %arg4[%mul3A_43, %dma_start3A_44] : memref<819200x64xf32, #tpu.memory_space<hbm>> -> memref<200x64xf32, #tpu.memory_space<hbm>>
    %dma_start3A_46 = arith.constant 0 : i32
    %dma_start3A_47 = tpu.memref_slice %arg4[%mul3A_43, %dma_start3A_46] : memref<819200x64xf32, #tpu.memory_space<hbm>> -> memref<200x64xf32, #tpu.memory_space<hbm>>
    tpu.enqueue_dma source(%arg6 : memref<200x64xf32, #tpu.memory_space<vmem>>) target(%dma_start3A_47 : memref<200x64xf32, #tpu.memory_space<hbm>>) target_semaphore(%arg22 : memref<!tpu.dma_semaphore, #tpu.memory_space<semaphore_mem>>)
    %dma_start3A_48 = arith.constant 4 : i32
    %dma_start3A_49 = arith.constant 0 : i32
    %dma_start3A_50 = tpu.memref_slice %arg5[%dma_start3A_48, %dma_start3A_49] : memref<128x200xi32, #tpu.memory_space<vmem>> -> memref<1x200xi32, #tpu.memory_space<vmem>>
    %dma_start3A_51 = tpu.memref_squeeze %dma_start3A_50 : memref<1x200xi32, #tpu.memory_space<vmem>> -> memref<200xi32, #tpu.memory_space<vmem>>
    %dma_start3A_52 = arith.constant 0 : i32
    %dma_start3A_53 = arith.constant 0 : i32
    %dma_start3A_54 = tpu.memref_slice %arg2[%dma_start3A_52, %dma_start3A_53] : memref<1000000x64xf32, #tpu.memory_space<hbm>> -> memref<1000000x64xf32, #tpu.memory_space<hbm>>
    tpu.enqueue_indirect_dma source(%dma_start3A_54 : memref<1000000x64xf32, #tpu.memory_space<hbm>>) target(%arg10 : memref<200x64xf32, #tpu.memory_space<vmem>>) offsets(%dma_start3A_51 : memref<200xi32, #tpu.memory_space<vmem>>) semaphore(%arg18 : memref<!tpu.dma_semaphore, #tpu.memory_space<semaphore_mem>>)
    %dma_wait3A_55 = arith.constant 1 : i32
    %dma_wait3A_56 = arith.constant 0 : i32
    %dma_wait3A_57 = tpu.memref_slice %arg5[%dma_wait3A_55, %dma_wait3A_56] : memref<128x200xi32, #tpu.memory_space<vmem>> -> memref<1x200xi32, #tpu.memory_space<vmem>>
    %dma_wait3A_58 = tpu.memref_squeeze %dma_wait3A_57 : memref<1x200xi32, #tpu.memory_space<vmem>> -> memref<200xi32, #tpu.memory_space<vmem>>
    %dma_wait3A_59 = arith.constant 0 : i32
    %dma_wait3A_60 = arith.constant 0 : i32
    %dma_wait3A_61 = tpu.memref_slice %arg2[%dma_wait3A_59, %dma_wait3A_60] : memref<1000000x64xf32, #tpu.memory_space<hbm>> -> memref<1000000x64xf32, #tpu.memory_space<hbm>>
    tpu.wait_indirect_dma semaphore(%arg15 : memref<!tpu.dma_semaphore, #tpu.memory_space<semaphore_mem>>) src(%dma_wait3A_61 : memref<1000000x64xf32, #tpu.memory_space<hbm>>) dst(%arg7 : memref<200x64xf32, #tpu.memory_space<vmem>>)
    %scan3A_62 = arith.constant 0 : i32
    %scan3A_63 = arith.constant 50 : i32
    %scan3A_64 = arith.addi %scan3A_62, %scan3A_63 : i32
    %scan3A_65 = arith.constant 1 : i32
    scf.for %scan3A_285 = %scan3A_62 to %scan3A_64 step %scan3A_65  : i32 {
      %mul3A_286 = arith.constant 4 : i32
      %mul3A_287 = arith.muli %scan3A_285, %mul3A_286 : i32
      %add3A_288 = arith.constant 0 : i32
      %add3A_289 = arith.addi %add3A_288, %mul3A_287 : i32
      %add3A_290 = arith.constant 0 : i32
      %add3A_291 = arith.addi %add3A_289, %add3A_290 : i32
      %get3A = arith.index_cast %add3A_291 : i32 to index
      %get3A_292 = arith.constant 0 : index
      %get3A_293 = tpu.vector_load %arg7[%get3A, %get3A_292] {strides = array<i32>} : memref<200x64xf32, #tpu.memory_space<vmem>>, vector<1x16xf32>,
      %get3A_294 = vector.shape_cast %get3A_293 : vector<1x16xf32> to vector<16xf32>
      %mul3A_295 = arith.constant 8.000000e+00 : f32
      %mul3A_296 = vector.broadcast %mul3A_295 : f32 to vector<16xf32>
      %mul3A_297 = arith.mulf %get3A_294, %mul3A_296 : vector<16xf32>
      %add3A_298 = arith.constant 0 : i32
      %add3A_299 = arith.addi %add3A_289, %add3A_298 : i32
      %swap3A = arith.index_cast %add3A_299 : i32 to index
      %swap3A_300 = arith.constant 0 : index
      %swap3A_301 = tpu.vector_load %arg7[%swap3A, %swap3A_300] {strides = array<i32>} : memref<200x64xf32, #tpu.memory_space<vmem>>, vector<1x16xf32>,
      %swap3A_302 = vector.shape_cast %swap3A_301 : vector<1x16xf32> to vector<16xf32>
      %swap3A_303 = vector.shape_cast %mul3A_297 : vector<16xf32> to vector<1x16xf32>
      tpu.vector_store %arg7[%swap3A, %swap3A_300], %swap3A_303 {strides = array<i32>} : memref<200x64xf32, #tpu.memory_space<vmem>>, vector<1x16xf32>,
      %add3A_304 = arith.constant 0 : i32
      %add3A_305 = arith.addi %add3A_289, %add3A_304 : i32
      %get3A_306 = arith.index_cast %add3A_305 : i32 to index
      %get3A_307 = arith.constant 16 : index
      %get3A_308 = tpu.vector_load %arg7[%get3A_306, %get3A_307] {strides = array<i32>} : memref<200x64xf32, #tpu.memory_space<vmem>>, vector<1x16xf32>,
      %get3A_309 = vector.shape_cast %get3A_308 : vector<1x16xf32> to vector<16xf32>
      %mul3A_310 = arith.constant 8.000000e+00 : f32
      %mul3A_311 = vector.broadcast %mul3A_310 : f32 to vector<16xf32>
      %mul3A_312 = arith.mulf %get3A_309, %mul3A_311 : vector<16xf32>
      %add3A_313 = arith.constant 0 : i32
      %add3A_314 = arith.addi %add3A_289, %add3A_313 : i32
      %swap3A_315 = arith.index_cast %add3A_314 : i32 to index
      %swap3A_316 = arith.constant 16 : index
      %swap3A_317 = tpu.vector_load %arg7[%swap3A_315, %swap3A_316] {strides = array<i32>} : memref<200x64xf32, #tpu.memory_space<vmem>>, vector<1x16xf32>,
      %swap3A_318 = vector.shape_cast %swap3A_317 : vector<1x16xf32> to vector<16xf32>
      %swap3A_319 = vector.shape_cast %mul3A_312 : vector<16xf32> to vector<1x16xf32>
      tpu.vector_store %arg7[%swap3A_315, %swap3A_316], %swap3A_319 {strides = array<i32>} : memref<200x64xf32, #tpu.memory_space<vmem>>, vector<1x16xf32>,
      %add3A_320 = arith.constant 0 : i32
      %add3A_321 = arith.addi %add3A_289, %add3A_320 : i32
      %get3A_322 = arith.index_cast %add3A_321 : i32 to index
      %get3A_323 = arith.constant 32 : index
      %get3A_324 = tpu.vector_load %arg7[%get3A_322, %get3A_323] {strides = array<i32>} : memref<200x64xf32, #tpu.memory_space<vmem>>, vector<1x16xf32>,
      %get3A_325 = vector.shape_cast %get3A_324 : vector<1x16xf32> to vector<16xf32>
      %mul3A_326 = arith.constant 8.000000e+00 : f32
      %mul3A_327 = vector.broadcast %mul3A_326 : f32 to vector<16xf32>
      %mul3A_328 = arith.mulf %get3A_325, %mul3A_327 : vector<16xf32>
      %add3A_329 = arith.constant 0 : i32
      %add3A_330 = arith.addi %add3A_289, %add3A_329 : i32
      %swap3A_331 = arith.index_cast %add3A_330 : i32 to index
      %swap3A_332 = arith.constant 32 : index
      %swap3A_333 = tpu.vector_load %arg7[%swap3A_331, %swap3A_332] {strides = array<i32>} : memref<200x64xf32, #tpu.memory_space<vmem>>, vector<1x16xf32>,
      %swap3A_334 = vector.shape_cast %swap3A_333 : vector<1x16xf32> to vector<16xf32>
      %swap3A_335 = vector.shape_cast %mul3A_328 : vector<16xf32> to vector<1x16xf32>
      tpu.vector_store %arg7[%swap3A_331, %swap3A_332], %swap3A_335 {strides = array<i32>} : memref<200x64xf32, #tpu.memory_space<vmem>>, vector<1x16xf32>,
      %add3A_336 = arith.constant 0 : i32
      %add3A_337 = arith.addi %add3A_289, %add3A_336 : i32
      %get3A_338 = arith.index_cast %add3A_337 : i32 to index
      %get3A_339 = arith.constant 48 : index
      %get3A_340 = tpu.vector_load %arg7[%get3A_338, %get3A_339] {strides = array<i32>} : memref<200x64xf32, #tpu.memory_space<vmem>>, vector<1x16xf32>,
      %get3A_341 = vector.shape_cast %get3A_340 : vector<1x16xf32> to vector<16xf32>
      %mul3A_342 = arith.constant 8.000000e+00 : f32
      %mul3A_343 = vector.broadcast %mul3A_342 : f32 to vector<16xf32>
      %mul3A_344 = arith.mulf %get3A_341, %mul3A_343 : vector<16xf32>
      %add3A_345 = arith.constant 0 : i32
      %add3A_346 = arith.addi %add3A_289, %add3A_345 : i32
      %swap3A_347 = arith.index_cast %add3A_346 : i32 to index
      %swap3A_348 = arith.constant 48 : index
      %swap3A_349 = tpu.vector_load %arg7[%swap3A_347, %swap3A_348] {strides = array<i32>} : memref<200x64xf32, #tpu.memory_space<vmem>>, vector<1x16xf32>,
      %swap3A_350 = vector.shape_cast %swap3A_349 : vector<1x16xf32> to vector<16xf32>
      %swap3A_351 = vector.shape_cast %mul3A_344 : vector<16xf32> to vector<1x16xf32>
      tpu.vector_store %arg7[%swap3A_347, %swap3A_348], %swap3A_351 {strides = array<i32>} : memref<200x64xf32, #tpu.memory_space<vmem>>, vector<1x16xf32>,
      %add3A_352 = arith.constant 1 : i32
      %add3A_353 = arith.addi %add3A_289, %add3A_352 : i32
      %get3A_354 = arith.index_cast %add3A_353 : i32 to index
      %get3A_355 = arith.constant 0 : index
      %get3A_356 = tpu.vector_load %arg7[%get3A_354, %get3A_355] {strides = array<i32>} : memref<200x64xf32, #tpu.memory_space<vmem>>, vector<1x16xf32>,
      %get3A_357 = vector.shape_cast %get3A_356 : vector<1x16xf32> to vector<16xf32>
      %mul3A_358 = arith.constant 8.000000e+00 : f32
      %mul3A_359 = vector.broadcast %mul3A_358 : f32 to vector<16xf32>
      %mul3A_360 = arith.mulf %get3A_357, %mul3A_359 : vector<16xf32>
      %add3A_361 = arith.constant 1 : i32
      %add3A_362 = arith.addi %add3A_289, %add3A_361 : i32
      %swap3A_363 = arith.index_cast %add3A_362 : i32 to index
      %swap3A_364 = arith.constant 0 : index
      %swap3A_365 = tpu.vector_load %arg7[%swap3A_363, %swap3A_364] {strides = array<i32>} : memref<200x64xf32, #tpu.memory_space<vmem>>, vector<1x16xf32>,
      %swap3A_366 = vector.shape_cast %swap3A_365 : vector<1x16xf32> to vector<16xf32>
      %swap3A_367 = vector.shape_cast %mul3A_360 : vector<16xf32> to vector<1x16xf32>
      tpu.vector_store %arg7[%swap3A_363, %swap3A_364], %swap3A_367 {strides = array<i32>} : memref<200x64xf32, #tpu.memory_space<vmem>>, vector<1x16xf32>,
      %add3A_368 = arith.constant 1 : i32
      %add3A_369 = arith.addi %add3A_289, %add3A_368 : i32
      %get3A_370 = arith.index_cast %add3A_369 : i32 to index
      %get3A_371 = arith.constant 16 : index
      %get3A_372 = tpu.vector_load %arg7[%get3A_370, %get3A_371] {strides = array<i32>} : memref<200x64xf32, #tpu.memory_space<vmem>>, vector<1x16xf32>,
      %get3A_373 = vector.shape_cast %get3A_372 : vector<1x16xf32> to vector<16xf32>
      %mul3A_374 = arith.constant 8.000000e+00 : f32
      %mul3A_375 = vector.broadcast %mul3A_374 : f32 to vector<16xf32>
      %mul3A_376 = arith.mulf %get3A_373, %mul3A_375 : vector<16xf32>
      %add3A_377 = arith.constant 1 : i32
      %add3A_378 = arith.addi %add3A_289, %add3A_377 : i32
      %swap3A_379 = arith.index_cast %add3A_378 : i32 to index
      %swap3A_380 = arith.constant 16 : index
      %swap3A_381 = tpu.vector_load %arg7[%swap3A_379, %swap3A_380] {strides = array<i32>} : memref<200x64xf32, #tpu.memory_space<vmem>>, vector<1x16xf32>,
      %swap3A_382 = vector.shape_cast %swap3A_381 : vector<1x16xf32> to vector<16xf32>
      %swap3A_383 = vector.shape_cast %mul3A_376 : vector<16xf32> to vector<1x16xf32>
      tpu.vector_store %arg7[%swap3A_379, %swap3A_380], %swap3A_383 {strides = array<i32>} : memref<200x64xf32, #tpu.memory_space<vmem>>, vector<1x16xf32>,
      %add3A_384 = arith.constant 1 : i32
      %add3A_385 = arith.addi %add3A_289, %add3A_384 : i32
      %get3A_386 = arith.index_cast %add3A_385 : i32 to index
      %get3A_387 = arith.constant 32 : index
      %get3A_388 = tpu.vector_load %arg7[%get3A_386, %get3A_387] {strides = array<i32>} : memref<200x64xf32, #tpu.memory_space<vmem>>, vector<1x16xf32>,
      %get3A_389 = vector.shape_cast %get3A_388 : vector<1x16xf32> to vector<16xf32>
      %mul3A_390 = arith.constant 8.000000e+00 : f32
      %mul3A_391 = vector.broadcast %mul3A_390 : f32 to vector<16xf32>
      %mul3A_392 = arith.mulf %get3A_389, %mul3A_391 : vector<16xf32>
      %add3A_393 = arith.constant 1 : i32
      %add3A_394 = arith.addi %add3A_289, %add3A_393 : i32
      %swap3A_395 = arith.index_cast %add3A_394 : i32 to index
      %swap3A_396 = arith.constant 32 : index
      %swap3A_397 = tpu.vector_load %arg7[%swap3A_395, %swap3A_396] {strides = array<i32>} : memref<200x64xf32, #tpu.memory_space<vmem>>, vector<1x16xf32>,
      %swap3A_398 = vector.shape_cast %swap3A_397 : vector<1x16xf32> to vector<16xf32>
      %swap3A_399 = vector.shape_cast %mul3A_392 : vector<16xf32> to vector<1x16xf32>
      tpu.vector_store %arg7[%swap3A_395, %swap3A_396], %swap3A_399 {strides = array<i32>} : memref<200x64xf32, #tpu.memory_space<vmem>>, vector<1x16xf32>,
      %add3A_400 = arith.constant 1 : i32
      %add3A_401 = arith.addi %add3A_289, %add3A_400 : i32
      %get3A_402 = arith.index_cast %add3A_401 : i32 to index
      %get3A_403 = arith.constant 48 : index
      %get3A_404 = tpu.vector_load %arg7[%get3A_402, %get3A_403] {strides = array<i32>} : memref<200x64xf32, #tpu.memory_space<vmem>>, vector<1x16xf32>,
      %get3A_405 = vector.shape_cast %get3A_404 : vector<1x16xf32> to vector<16xf32>
      %mul3A_406 = arith.constant 8.000000e+00 : f32
      %mul3A_407 = vector.broadcast %mul3A_406 : f32 to vector<16xf32>
      %mul3A_408 = arith.mulf %get3A_405, %mul3A_407 : vector<16xf32>
      %add3A_409 = arith.constant 1 : i32
      %add3A_410 = arith.addi %add3A_289, %add3A_409 : i32
      %swap3A_411 = arith.index_cast %add3A_410 : i32 to index
      %swap3A_412 = arith.constant 48 : index
      %swap3A_413 = tpu.vector_load %arg7[%swap3A_411, %swap3A_412] {strides = array<i32>} : memref<200x64xf32, #tpu.memory_space<vmem>>, vector<1x16xf32>,
      %swap3A_414 = vector.shape_cast %swap3A_413 : vector<1x16xf32> to vector<16xf32>
      %swap3A_415 = vector.shape_cast %mul3A_408 : vector<16xf32> to vector<1x16xf32>
      tpu.vector_store %arg7[%swap3A_411, %swap3A_412], %swap3A_415 {strides = array<i32>} : memref<200x64xf32, #tpu.memory_space<vmem>>, vector<1x16xf32>,
      %add3A_416 = arith.constant 2 : i32
      %add3A_417 = arith.addi %add3A_289, %add3A_416 : i32
      %get3A_418 = arith.index_cast %add3A_417 : i32 to index
      %get3A_419 = arith.constant 0 : index
      %get3A_420 = tpu.vector_load %arg7[%get3A_418, %get3A_419] {strides = array<i32>} : memref<200x64xf32, #tpu.memory_space<vmem>>, vector<1x16xf32>,
      %get3A_421 = vector.shape_cast %get3A_420 : vector<1x16xf32> to vector<16xf32>
      %mul3A_422 = arith.constant 8.000000e+00 : f32
      %mul3A_423 = vector.broadcast %mul3A_422 : f32 to vector<16xf32>
      %mul3A_424 = arith.mulf %get3A_421, %mul3A_423 : vector<16xf32>
      %add3A_425 = arith.constant 2 : i32
      %add3A_426 = arith.addi %add3A_289, %add3A_425 : i32
      %swap3A_427 = arith.index_cast %add3A_426 : i32 to index
      %swap3A_428 = arith.constant 0 : index
      %swap3A_429 = tpu.vector_load %arg7[%swap3A_427, %swap3A_428] {strides = array<i32>} : memref<200x64xf32, #tpu.memory_space<vmem>>, vector<1x16xf32>,
      %swap3A_430 = vector.shape_cast %swap3A_429 : vector<1x16xf32> to vector<16xf32>
      %swap3A_431 = vector.shape_cast %mul3A_424 : vector<16xf32> to vector<1x16xf32>
      tpu.vector_store %arg7[%swap3A_427, %swap3A_428], %swap3A_431 {strides = array<i32>} : memref<200x64xf32, #tpu.memory_space<vmem>>, vector<1x16xf32>,
      %add3A_432 = arith.constant 2 : i32
      %add3A_433 = arith.addi %add3A_289, %add3A_432 : i32
      %get3A_434 = arith.index_cast %add3A_433 : i32 to index
      %get3A_435 = arith.constant 16 : index
      %get3A_436 = tpu.vector_load %arg7[%get3A_434, %get3A_435] {strides = array<i32>} : memref<200x64xf32, #tpu.memory_space<vmem>>, vector<1x16xf32>,
      %get3A_437 = vector.shape_cast %get3A_436 : vector<1x16xf32> to vector<16xf32>
      %mul3A_438 = arith.constant 8.000000e+00 : f32
      %mul3A_439 = vector.broadcast %mul3A_438 : f32 to vector<16xf32>
      %mul3A_440 = arith.mulf %get3A_437, %mul3A_439 : vector<16xf32>
      %add3A_441 = arith.constant 2 : i32
      %add3A_442 = arith.addi %add3A_289, %add3A_441 : i32
      %swap3A_443 = arith.index_cast %add3A_442 : i32 to index
      %swap3A_444 = arith.constant 16 : index
      %swap3A_445 = tpu.vector_load %arg7[%swap3A_443, %swap3A_444] {strides = array<i32>} : memref<200x64xf32, #tpu.memory_space<vmem>>, vector<1x16xf32>,
      %swap3A_446 = vector.shape_cast %swap3A_445 : vector<1x16xf32> to vector<16xf32>
      %swap3A_447 = vector.shape_cast %mul3A_440 : vector<16xf32> to vector<1x16xf32>
      tpu.vector_store %arg7[%swap3A_443, %swap3A_444], %swap3A_447 {strides = array<i32>} : memref<200x64xf32, #tpu.memory_space<vmem>>, vector<1x16xf32>,
      %add3A_448 = arith.constant 2 : i32
      %add3A_449 = arith.addi %add3A_289, %add3A_448 : i32
      %get3A_450 = arith.index_cast %add3A_449 : i32 to index
      %get3A_451 = arith.constant 32 : index
      %get3A_452 = tpu.vector_load %arg7[%get3A_450, %get3A_451] {strides = array<i32>} : memref<200x64xf32, #tpu.memory_space<vmem>>, vector<1x16xf32>,
      %get3A_453 = vector.shape_cast %get3A_452 : vector<1x16xf32> to vector<16xf32>
      %mul3A_454 = arith.constant 8.000000e+00 : f32
      %mul3A_455 = vector.broadcast %mul3A_454 : f32 to vector<16xf32>
      %mul3A_456 = arith.mulf %get3A_453, %mul3A_455 : vector<16xf32>
      %add3A_457 = arith.constant 2 : i32
      %add3A_458 = arith.addi %add3A_289, %add3A_457 : i32
      %swap3A_459 = arith.index_cast %add3A_458 : i32 to index
      %swap3A_460 = arith.constant 32 : index
      %swap3A_461 = tpu.vector_load %arg7[%swap3A_459, %swap3A_460] {strides = array<i32>} : memref<200x64xf32, #tpu.memory_space<vmem>>, vector<1x16xf32>,
      %swap3A_462 = vector.shape_cast %swap3A_461 : vector<1x16xf32> to vector<16xf32>
      %swap3A_463 = vector.shape_cast %mul3A_456 : vector<16xf32> to vector<1x16xf32>
      tpu.vector_store %arg7[%swap3A_459, %swap3A_460], %swap3A_463 {strides = array<i32>} : memref<200x64xf32, #tpu.memory_space<vmem>>, vector<1x16xf32>,
      %add3A_464 = arith.constant 2 : i32
      %add3A_465 = arith.addi %add3A_289, %add3A_464 : i32
      %get3A_466 = arith.index_cast %add3A_465 : i32 to index
      %get3A_467 = arith.constant 48 : index
      %get3A_468 = tpu.vector_load %arg7[%get3A_466, %get3A_467] {strides = array<i32>} : memref<200x64xf32, #tpu.memory_space<vmem>>, vector<1x16xf32>,
      %get3A_469 = vector.shape_cast %get3A_468 : vector<1x16xf32> to vector<16xf32>
      %mul3A_470 = arith.constant 8.000000e+00 : f32
      %mul3A_471 = vector.broadcast %mul3A_470 : f32 to vector<16xf32>
      %mul3A_472 = arith.mulf %get3A_469, %mul3A_471 : vector<16xf32>
      %add3A_473 = arith.constant 2 : i32
      %add3A_474 = arith.addi %add3A_289, %add3A_473 : i32
      %swap3A_475 = arith.index_cast %add3A_474 : i32 to index
      %swap3A_476 = arith.constant 48 : index
      %swap3A_477 = tpu.vector_load %arg7[%swap3A_475, %swap3A_476] {strides = array<i32>} : memref<200x64xf32, #tpu.memory_space<vmem>>, vector<1x16xf32>,
      %swap3A_478 = vector.shape_cast %swap3A_477 : vector<1x16xf32> to vector<16xf32>
      %swap3A_479 = vector.shape_cast %mul3A_472 : vector<16xf32> to vector<1x16xf32>
      tpu.vector_store %arg7[%swap3A_475, %swap3A_476], %swap3A_479 {strides = array<i32>} : memref<200x64xf32, #tpu.memory_space<vmem>>, vector<1x16xf32>,
      %add3A_480 = arith.constant 3 : i32
      %add3A_481 = arith.addi %add3A_289, %add3A_480 : i32
      %get3A_482 = arith.index_cast %add3A_481 : i32 to index
      %get3A_483 = arith.constant 0 : index
      %get3A_484 = tpu.vector_load %arg7[%get3A_482, %get3A_483] {strides = array<i32>} : memref<200x64xf32, #tpu.memory_space<vmem>>, vector<1x16xf32>,
      %get3A_485 = vector.shape_cast %get3A_484 : vector<1x16xf32> to vector<16xf32>
      %mul3A_486 = arith.constant 8.000000e+00 : f32
      %mul3A_487 = vector.broadcast %mul3A_486 : f32 to vector<16xf32>
      %mul3A_488 = arith.mulf %get3A_485, %mul3A_487 : vector<16xf32>
      %add3A_489 = arith.constant 3 : i32
      %add3A_490 = arith.addi %add3A_289, %add3A_489 : i32
      %swap3A_491 = arith.index_cast %add3A_490 : i32 to index
      %swap3A_492 = arith.constant 0 : index
      %swap3A_493 = tpu.vector_load %arg7[%swap3A_491, %swap3A_492] {strides = array<i32>} : memref<200x64xf32, #tpu.memory_space<vmem>>, vector<1x16xf32>,
      %swap3A_494 = vector.shape_cast %swap3A_493 : vector<1x16xf32> to vector<16xf32>
      %swap3A_495 = vector.shape_cast %mul3A_488 : vector<16xf32> to vector<1x16xf32>
      tpu.vector_store %arg7[%swap3A_491, %swap3A_492], %swap3A_495 {strides = array<i32>} : memref<200x64xf32, #tpu.memory_space<vmem>>, vector<1x16xf32>,
      %add3A_496 = arith.constant 3 : i32
      %add3A_497 = arith.addi %add3A_289, %add3A_496 : i32
      %get3A_498 = arith.index_cast %add3A_497 : i32 to index
      %get3A_499 = arith.constant 16 : index
      %get3A_500 = tpu.vector_load %arg7[%get3A_498, %get3A_499] {strides = array<i32>} : memref<200x64xf32, #tpu.memory_space<vmem>>, vector<1x16xf32>,
      %get3A_501 = vector.shape_cast %get3A_500 : vector<1x16xf32> to vector<16xf32>
      %mul3A_502 = arith.constant 8.000000e+00 : f32
      %mul3A_503 = vector.broadcast %mul3A_502 : f32 to vector<16xf32>
      %mul3A_504 = arith.mulf %get3A_501, %mul3A_503 : vector<16xf32>
      %add3A_505 = arith.constant 3 : i32
      %add3A_506 = arith.addi %add3A_289, %add3A_505 : i32
      %swap3A_507 = arith.index_cast %add3A_506 : i32 to index
      %swap3A_508 = arith.constant 16 : index
      %swap3A_509 = tpu.vector_load %arg7[%swap3A_507, %swap3A_508] {strides = array<i32>} : memref<200x64xf32, #tpu.memory_space<vmem>>, vector<1x16xf32>,
      %swap3A_510 = vector.shape_cast %swap3A_509 : vector<1x16xf32> to vector<16xf32>
      %swap3A_511 = vector.shape_cast %mul3A_504 : vector<16xf32> to vector<1x16xf32>
      tpu.vector_store %arg7[%swap3A_507, %swap3A_508], %swap3A_511 {strides = array<i32>} : memref<200x64xf32, #tpu.memory_space<vmem>>, vector<1x16xf32>,
      %add3A_512 = arith.constant 3 : i32
      %add3A_513 = arith.addi %add3A_289, %add3A_512 : i32
      %get3A_514 = arith.index_cast %add3A_513 : i32 to index
      %get3A_515 = arith.constant 32 : index
      %get3A_516 = tpu.vector_load %arg7[%get3A_514, %get3A_515] {strides = array<i32>} : memref<200x64xf32, #tpu.memory_space<vmem>>, vector<1x16xf32>,
      %get3A_517 = vector.shape_cast %get3A_516 : vector<1x16xf32> to vector<16xf32>
      %mul3A_518 = arith.constant 8.000000e+00 : f32
      %mul3A_519 = vector.broadcast %mul3A_518 : f32 to vector<16xf32>
      %mul3A_520 = arith.mulf %get3A_517, %mul3A_519 : vector<16xf32>
      %add3A_521 = arith.constant 3 : i32
      %add3A_522 = arith.addi %add3A_289, %add3A_521 : i32
      %swap3A_523 = arith.index_cast %add3A_522 : i32 to index
      %swap3A_524 = arith.constant 32 : index
      %swap3A_525 = tpu.vector_load %arg7[%swap3A_523, %swap3A_524] {strides = array<i32>} : memref<200x64xf32, #tpu.memory_space<vmem>>, vector<1x16xf32>,
      %swap3A_526 = vector.shape_cast %swap3A_525 : vector<1x16xf32> to vector<16xf32>
      %swap3A_527 = vector.shape_cast %mul3A_520 : vector<16xf32> to vector<1x16xf32>
      tpu.vector_store %arg7[%swap3A_523, %swap3A_524], %swap3A_527 {strides = array<i32>} : memref<200x64xf32, #tpu.memory_space<vmem>>, vector<1x16xf32>,
      %add3A_528 = arith.constant 3 : i32
      %add3A_529 = arith.addi %add3A_289, %add3A_528 : i32
      %get3A_530 = arith.index_cast %add3A_529 : i32 to index
      %get3A_531 = arith.constant 48 : index
      %get3A_532 = tpu.vector_load %arg7[%get3A_530, %get3A_531] {strides = array<i32>} : memref<200x64xf32, #tpu.memory_space<vmem>>, vector<1x16xf32>,
      %get3A_533 = vector.shape_cast %get3A_532 : vector<1x16xf32> to vector<16xf32>
      %mul3A_534 = arith.constant 8.000000e+00 : f32
      %mul3A_535 = vector.broadcast %mul3A_534 : f32 to vector<16xf32>
      %mul3A_536 = arith.mulf %get3A_533, %mul3A_535 : vector<16xf32>
      %add3A_537 = arith.constant 3 : i32
      %add3A_538 = arith.addi %add3A_289, %add3A_537 : i32
      %swap3A_539 = arith.index_cast %add3A_538 : i32 to index
      %swap3A_540 = arith.constant 48 : index
      %swap3A_541 = tpu.vector_load %arg7[%swap3A_539, %swap3A_540] {strides = array<i32>} : memref<200x64xf32, #tpu.memory_space<vmem>>, vector<1x16xf32>,
      %swap3A_542 = vector.shape_cast %swap3A_541 : vector<1x16xf32> to vector<16xf32>
      %swap3A_543 = vector.shape_cast %mul3A_536 : vector<16xf32> to vector<1x16xf32>
      tpu.vector_store %arg7[%swap3A_539, %swap3A_540], %swap3A_543 {strides = array<i32>} : memref<200x64xf32, #tpu.memory_space<vmem>>, vector<1x16xf32>,
    }
    %scan3A_66 = arith.constant 50 : i32
    %add3A_67 = arith.constant 1 : i32
    %add3A_68 = arith.addi %mul3A_2, %add3A_67 : i32
    %mul3A_69 = arith.constant 200 : i32
    %mul3A_70 = arith.muli %add3A_68, %mul3A_69 : i32
    %dma_start3A_71 = arith.constant 0 : i32
    %dma_start3A_72 = tpu.memref_slice %arg4[%mul3A_70, %dma_start3A_71] : memref<819200x64xf32, #tpu.memory_space<hbm>> -> memref<200x64xf32, #tpu.memory_space<hbm>>
    %dma_start3A_73 = arith.constant 0 : i32
    %dma_start3A_74 = tpu.memref_slice %arg4[%mul3A_70, %dma_start3A_73] : memref<819200x64xf32, #tpu.memory_space<hbm>> -> memref<200x64xf32, #tpu.memory_space<hbm>>
    tpu.enqueue_dma source(%arg7 : memref<200x64xf32, #tpu.memory_space<vmem>>) target(%dma_start3A_74 : memref<200x64xf32, #tpu.memory_space<hbm>>) target_semaphore(%arg23 : memref<!tpu.dma_semaphore, #tpu.memory_space<semaphore_mem>>)
    %dma_start3A_75 = arith.constant 5 : i32
    %dma_start3A_76 = arith.constant 0 : i32
    %dma_start3A_77 = tpu.memref_slice %arg5[%dma_start3A_75, %dma_start3A_76] : memref<128x200xi32, #tpu.memory_space<vmem>> -> memref<1x200xi32, #tpu.memory_space<vmem>>
    %dma_start3A_78 = tpu.memref_squeeze %dma_start3A_77 : memref<1x200xi32, #tpu.memory_space<vmem>> -> memref<200xi32, #tpu.memory_space<vmem>>
    %dma_start3A_79 = arith.constant 0 : i32
    %dma_start3A_80 = arith.constant 0 : i32
    %dma_start3A_81 = tpu.memref_slice %arg2[%dma_start3A_79, %dma_start3A_80] : memref<1000000x64xf32, #tpu.memory_space<hbm>> -> memref<1000000x64xf32, #tpu.memory_space<hbm>>
    tpu.enqueue_indirect_dma source(%dma_start3A_81 : memref<1000000x64xf32, #tpu.memory_space<hbm>>) target(%arg11 : memref<200x64xf32, #tpu.memory_space<vmem>>) offsets(%dma_start3A_78 : memref<200xi32, #tpu.memory_space<vmem>>) semaphore(%arg19 : memref<!tpu.dma_semaphore, #tpu.memory_space<semaphore_mem>>)
    %dma_wait3A_82 = arith.constant 2 : i32
    %dma_wait3A_83 = arith.constant 0 : i32
    %dma_wait3A_84 = tpu.memref_slice %arg5[%dma_wait3A_82, %dma_wait3A_83] : memref<128x200xi32, #tpu.memory_space<vmem>> -> memref<1x200xi32, #tpu.memory_space<vmem>>
    %dma_wait3A_85 = tpu.memref_squeeze %dma_wait3A_84 : memref<1x200xi32, #tpu.memory_space<vmem>> -> memref<200xi32, #tpu.memory_space<vmem>>
    %dma_wait3A_86 = arith.constant 0 : i32
    %dma_wait3A_87 = arith.constant 0 : i32
    %dma_wait3A_88 = tpu.memref_slice %arg2[%dma_wait3A_86, %dma_wait3A_87] : memref<1000000x64xf32, #tpu.memory_space<hbm>> -> memref<1000000x64xf32, #tpu.memory_space<hbm>>
    tpu.wait_indirect_dma semaphore(%arg16 : memref<!tpu.dma_semaphore, #tpu.memory_space<semaphore_mem>>) src(%dma_wait3A_88 : memref<1000000x64xf32, #tpu.memory_space<hbm>>) dst(%arg8 : memref<200x64xf32, #tpu.memory_space<vmem>>)
    %scan3A_89 = arith.constant 0 : i32
    %scan3A_90 = arith.constant 50 : i32
    %scan3A_91 = arith.addi %scan3A_89, %scan3A_90 : i32
    %scan3A_92 = arith.constant 1 : i32
    scf.for %scan3A_285 = %scan3A_89 to %scan3A_91 step %scan3A_92  : i32 {
      %mul3A_286 = arith.constant 4 : i32
      %mul3A_287 = arith.muli %scan3A_285, %mul3A_286 : i32
      %add3A_288 = arith.constant 0 : i32
      %add3A_289 = arith.addi %add3A_288, %mul3A_287 : i32
      %add3A_290 = arith.constant 0 : i32
      %add3A_291 = arith.addi %add3A_289, %add3A_290 : i32
      %get3A = arith.index_cast %add3A_291 : i32 to index
      %get3A_292 = arith.constant 0 : index
      %get3A_293 = tpu.vector_load %arg8[%get3A, %get3A_292] {strides = array<i32>} : memref<200x64xf32, #tpu.memory_space<vmem>>, vector<1x16xf32>,
      %get3A_294 = vector.shape_cast %get3A_293 : vector<1x16xf32> to vector<16xf32>
      %mul3A_295 = arith.constant 8.000000e+00 : f32
      %mul3A_296 = vector.broadcast %mul3A_295 : f32 to vector<16xf32>
      %mul3A_297 = arith.mulf %get3A_294, %mul3A_296 : vector<16xf32>
      %add3A_298 = arith.constant 0 : i32
      %add3A_299 = arith.addi %add3A_289, %add3A_298 : i32
      %swap3A = arith.index_cast %add3A_299 : i32 to index
      %swap3A_300 = arith.constant 0 : index
      %swap3A_301 = tpu.vector_load %arg8[%swap3A, %swap3A_300] {strides = array<i32>} : memref<200x64xf32, #tpu.memory_space<vmem>>, vector<1x16xf32>,
      %swap3A_302 = vector.shape_cast %swap3A_301 : vector<1x16xf32> to vector<16xf32>
      %swap3A_303 = vector.shape_cast %mul3A_297 : vector<16xf32> to vector<1x16xf32>
      tpu.vector_store %arg8[%swap3A, %swap3A_300], %swap3A_303 {strides = array<i32>} : memref<200x64xf32, #tpu.memory_space<vmem>>, vector<1x16xf32>,
      %add3A_304 = arith.constant 0 : i32
      %add3A_305 = arith.addi %add3A_289, %add3A_304 : i32
      %get3A_306 = arith.index_cast %add3A_305 : i32 to index
      %get3A_307 = arith.constant 16 : index
      %get3A_308 = tpu.vector_load %arg8[%get3A_306, %get3A_307] {strides = array<i32>} : memref<200x64xf32, #tpu.memory_space<vmem>>, vector<1x16xf32>,
      %get3A_309 = vector.shape_cast %get3A_308 : vector<1x16xf32> to vector<16xf32>
      %mul3A_310 = arith.constant 8.000000e+00 : f32
      %mul3A_311 = vector.broadcast %mul3A_310 : f32 to vector<16xf32>
      %mul3A_312 = arith.mulf %get3A_309, %mul3A_311 : vector<16xf32>
      %add3A_313 = arith.constant 0 : i32
      %add3A_314 = arith.addi %add3A_289, %add3A_313 : i32
      %swap3A_315 = arith.index_cast %add3A_314 : i32 to index
      %swap3A_316 = arith.constant 16 : index
      %swap3A_317 = tpu.vector_load %arg8[%swap3A_315, %swap3A_316] {strides = array<i32>} : memref<200x64xf32, #tpu.memory_space<vmem>>, vector<1x16xf32>,
      %swap3A_318 = vector.shape_cast %swap3A_317 : vector<1x16xf32> to vector<16xf32>
      %swap3A_319 = vector.shape_cast %mul3A_312 : vector<16xf32> to vector<1x16xf32>
      tpu.vector_store %arg8[%swap3A_315, %swap3A_316], %swap3A_319 {strides = array<i32>} : memref<200x64xf32, #tpu.memory_space<vmem>>, vector<1x16xf32>,
      %add3A_320 = arith.constant 0 : i32
      %add3A_321 = arith.addi %add3A_289, %add3A_320 : i32
      %get3A_322 = arith.index_cast %add3A_321 : i32 to index
      %get3A_323 = arith.constant 32 : index
      %get3A_324 = tpu.vector_load %arg8[%get3A_322, %get3A_323] {strides = array<i32>} : memref<200x64xf32, #tpu.memory_space<vmem>>, vector<1x16xf32>,
      %get3A_325 = vector.shape_cast %get3A_324 : vector<1x16xf32> to vector<16xf32>
      %mul3A_326 = arith.constant 8.000000e+00 : f32
      %mul3A_327 = vector.broadcast %mul3A_326 : f32 to vector<16xf32>
      %mul3A_328 = arith.mulf %get3A_325, %mul3A_327 : vector<16xf32>
      %add3A_329 = arith.constant 0 : i32
      %add3A_330 = arith.addi %add3A_289, %add3A_329 : i32
      %swap3A_331 = arith.index_cast %add3A_330 : i32 to index
      %swap3A_332 = arith.constant 32 : index
      %swap3A_333 = tpu.vector_load %arg8[%swap3A_331, %swap3A_332] {strides = array<i32>} : memref<200x64xf32, #tpu.memory_space<vmem>>, vector<1x16xf32>,
      %swap3A_334 = vector.shape_cast %swap3A_333 : vector<1x16xf32> to vector<16xf32>
      %swap3A_335 = vector.shape_cast %mul3A_328 : vector<16xf32> to vector<1x16xf32>
      tpu.vector_store %arg8[%swap3A_331, %swap3A_332], %swap3A_335 {strides = array<i32>} : memref<200x64xf32, #tpu.memory_space<vmem>>, vector<1x16xf32>,
      %add3A_336 = arith.constant 0 : i32
      %add3A_337 = arith.addi %add3A_289, %add3A_336 : i32
      %get3A_338 = arith.index_cast %add3A_337 : i32 to index
      %get3A_339 = arith.constant 48 : index
      %get3A_340 = tpu.vector_load %arg8[%get3A_338, %get3A_339] {strides = array<i32>} : memref<200x64xf32, #tpu.memory_space<vmem>>, vector<1x16xf32>,
      %get3A_341 = vector.shape_cast %get3A_340 : vector<1x16xf32> to vector<16xf32>
      %mul3A_342 = arith.constant 8.000000e+00 : f32
      %mul3A_343 = vector.broadcast %mul3A_342 : f32 to vector<16xf32>
      %mul3A_344 = arith.mulf %get3A_341, %mul3A_343 : vector<16xf32>
      %add3A_345 = arith.constant 0 : i32
      %add3A_346 = arith.addi %add3A_289, %add3A_345 : i32
      %swap3A_347 = arith.index_cast %add3A_346 : i32 to index
      %swap3A_348 = arith.constant 48 : index
      %swap3A_349 = tpu.vector_load %arg8[%swap3A_347, %swap3A_348] {strides = array<i32>} : memref<200x64xf32, #tpu.memory_space<vmem>>, vector<1x16xf32>,
      %swap3A_350 = vector.shape_cast %swap3A_349 : vector<1x16xf32> to vector<16xf32>
      %swap3A_351 = vector.shape_cast %mul3A_344 : vector<16xf32> to vector<1x16xf32>
      tpu.vector_store %arg8[%swap3A_347, %swap3A_348], %swap3A_351 {strides = array<i32>} : memref<200x64xf32, #tpu.memory_space<vmem>>, vector<1x16xf32>,
      %add3A_352 = arith.constant 1 : i32
      %add3A_353 = arith.addi %add3A_289, %add3A_352 : i32
      %get3A_354 = arith.index_cast %add3A_353 : i32 to index
      %get3A_355 = arith.constant 0 : index
      %get3A_356 = tpu.vector_load %arg8[%get3A_354, %get3A_355] {strides = array<i32>} : memref<200x64xf32, #tpu.memory_space<vmem>>, vector<1x16xf32>,
      %get3A_357 = vector.shape_cast %get3A_356 : vector<1x16xf32> to vector<16xf32>
      %mul3A_358 = arith.constant 8.000000e+00 : f32
      %mul3A_359 = vector.broadcast %mul3A_358 : f32 to vector<16xf32>
      %mul3A_360 = arith.mulf %get3A_357, %mul3A_359 : vector<16xf32>
      %add3A_361 = arith.constant 1 : i32
      %add3A_362 = arith.addi %add3A_289, %add3A_361 : i32
      %swap3A_363 = arith.index_cast %add3A_362 : i32 to index
      %swap3A_364 = arith.constant 0 : index
      %swap3A_365 = tpu.vector_load %arg8[%swap3A_363, %swap3A_364] {strides = array<i32>} : memref<200x64xf32, #tpu.memory_space<vmem>>, vector<1x16xf32>,
      %swap3A_366 = vector.shape_cast %swap3A_365 : vector<1x16xf32> to vector<16xf32>
      %swap3A_367 = vector.shape_cast %mul3A_360 : vector<16xf32> to vector<1x16xf32>
      tpu.vector_store %arg8[%swap3A_363, %swap3A_364], %swap3A_367 {strides = array<i32>} : memref<200x64xf32, #tpu.memory_space<vmem>>, vector<1x16xf32>,
      %add3A_368 = arith.constant 1 : i32
      %add3A_369 = arith.addi %add3A_289, %add3A_368 : i32
      %get3A_370 = arith.index_cast %add3A_369 : i32 to index
      %get3A_371 = arith.constant 16 : index
      %get3A_372 = tpu.vector_load %arg8[%get3A_370, %get3A_371] {strides = array<i32>} : memref<200x64xf32, #tpu.memory_space<vmem>>, vector<1x16xf32>,
      %get3A_373 = vector.shape_cast %get3A_372 : vector<1x16xf32> to vector<16xf32>
      %mul3A_374 = arith.constant 8.000000e+00 : f32
      %mul3A_375 = vector.broadcast %mul3A_374 : f32 to vector<16xf32>
      %mul3A_376 = arith.mulf %get3A_373, %mul3A_375 : vector<16xf32>
      %add3A_377 = arith.constant 1 : i32
      %add3A_378 = arith.addi %add3A_289, %add3A_377 : i32
      %swap3A_379 = arith.index_cast %add3A_378 : i32 to index
      %swap3A_380 = arith.constant 16 : index
      %swap3A_381 = tpu.vector_load %arg8[%swap3A_379, %swap3A_380] {strides = array<i32>} : memref<200x64xf32, #tpu.memory_space<vmem>>, vector<1x16xf32>,
      %swap3A_382 = vector.shape_cast %swap3A_381 : vector<1x16xf32> to vector<16xf32>
      %swap3A_383 = vector.shape_cast %mul3A_376 : vector<16xf32> to vector<1x16xf32>
      tpu.vector_store %arg8[%swap3A_379, %swap3A_380], %swap3A_383 {strides = array<i32>} : memref<200x64xf32, #tpu.memory_space<vmem>>, vector<1x16xf32>,
      %add3A_384 = arith.constant 1 : i32
      %add3A_385 = arith.addi %add3A_289, %add3A_384 : i32
      %get3A_386 = arith.index_cast %add3A_385 : i32 to index
      %get3A_387 = arith.constant 32 : index
      %get3A_388 = tpu.vector_load %arg8[%get3A_386, %get3A_387] {strides = array<i32>} : memref<200x64xf32, #tpu.memory_space<vmem>>, vector<1x16xf32>,
      %get3A_389 = vector.shape_cast %get3A_388 : vector<1x16xf32> to vector<16xf32>
      %mul3A_390 = arith.constant 8.000000e+00 : f32
      %mul3A_391 = vector.broadcast %mul3A_390 : f32 to vector<16xf32>
      %mul3A_392 = arith.mulf %get3A_389, %mul3A_391 : vector<16xf32>
      %add3A_393 = arith.constant 1 : i32
      %add3A_394 = arith.addi %add3A_289, %add3A_393 : i32
      %swap3A_395 = arith.index_cast %add3A_394 : i32 to index
      %swap3A_396 = arith.constant 32 : index
      %swap3A_397 = tpu.vector_load %arg8[%swap3A_395, %swap3A_396] {strides = array<i32>} : memref<200x64xf32, #tpu.memory_space<vmem>>, vector<1x16xf32>,
      %swap3A_398 = vector.shape_cast %swap3A_397 : vector<1x16xf32> to vector<16xf32>
      %swap3A_399 = vector.shape_cast %mul3A_392 : vector<16xf32> to vector<1x16xf32>
      tpu.vector_store %arg8[%swap3A_395, %swap3A_396], %swap3A_399 {strides = array<i32>} : memref<200x64xf32, #tpu.memory_space<vmem>>, vector<1x16xf32>,
      %add3A_400 = arith.constant 1 : i32
      %add3A_401 = arith.addi %add3A_289, %add3A_400 : i32
      %get3A_402 = arith.index_cast %add3A_401 : i32 to index
      %get3A_403 = arith.constant 48 : index
      %get3A_404 = tpu.vector_load %arg8[%get3A_402, %get3A_403] {strides = array<i32>} : memref<200x64xf32, #tpu.memory_space<vmem>>, vector<1x16xf32>,
      %get3A_405 = vector.shape_cast %get3A_404 : vector<1x16xf32> to vector<16xf32>
      %mul3A_406 = arith.constant 8.000000e+00 : f32
      %mul3A_407 = vector.broadcast %mul3A_406 : f32 to vector<16xf32>
      %mul3A_408 = arith.mulf %get3A_405, %mul3A_407 : vector<16xf32>
      %add3A_409 = arith.constant 1 : i32
      %add3A_410 = arith.addi %add3A_289, %add3A_409 : i32
      %swap3A_411 = arith.index_cast %add3A_410 : i32 to index
      %swap3A_412 = arith.constant 48 : index
      %swap3A_413 = tpu.vector_load %arg8[%swap3A_411, %swap3A_412] {strides = array<i32>} : memref<200x64xf32, #tpu.memory_space<vmem>>, vector<1x16xf32>,
      %swap3A_414 = vector.shape_cast %swap3A_413 : vector<1x16xf32> to vector<16xf32>
      %swap3A_415 = vector.shape_cast %mul3A_408 : vector<16xf32> to vector<1x16xf32>
      tpu.vector_store %arg8[%swap3A_411, %swap3A_412], %swap3A_415 {strides = array<i32>} : memref<200x64xf32, #tpu.memory_space<vmem>>, vector<1x16xf32>,
      %add3A_416 = arith.constant 2 : i32
      %add3A_417 = arith.addi %add3A_289, %add3A_416 : i32
      %get3A_418 = arith.index_cast %add3A_417 : i32 to index
      %get3A_419 = arith.constant 0 : index
      %get3A_420 = tpu.vector_load %arg8[%get3A_418, %get3A_419] {strides = array<i32>} : memref<200x64xf32, #tpu.memory_space<vmem>>, vector<1x16xf32>,
      %get3A_421 = vector.shape_cast %get3A_420 : vector<1x16xf32> to vector<16xf32>
      %mul3A_422 = arith.constant 8.000000e+00 : f32
      %mul3A_423 = vector.broadcast %mul3A_422 : f32 to vector<16xf32>
      %mul3A_424 = arith.mulf %get3A_421, %mul3A_423 : vector<16xf32>
      %add3A_425 = arith.constant 2 : i32
      %add3A_426 = arith.addi %add3A_289, %add3A_425 : i32
      %swap3A_427 = arith.index_cast %add3A_426 : i32 to index
      %swap3A_428 = arith.constant 0 : index
      %swap3A_429 = tpu.vector_load %arg8[%swap3A_427, %swap3A_428] {strides = array<i32>} : memref<200x64xf32, #tpu.memory_space<vmem>>, vector<1x16xf32>,
      %swap3A_430 = vector.shape_cast %swap3A_429 : vector<1x16xf32> to vector<16xf32>
      %swap3A_431 = vector.shape_cast %mul3A_424 : vector<16xf32> to vector<1x16xf32>
      tpu.vector_store %arg8[%swap3A_427, %swap3A_428], %swap3A_431 {strides = array<i32>} : memref<200x64xf32, #tpu.memory_space<vmem>>, vector<1x16xf32>,
      %add3A_432 = arith.constant 2 : i32
      %add3A_433 = arith.addi %add3A_289, %add3A_432 : i32
      %get3A_434 = arith.index_cast %add3A_433 : i32 to index
      %get3A_435 = arith.constant 16 : index
      %get3A_436 = tpu.vector_load %arg8[%get3A_434, %get3A_435] {strides = array<i32>} : memref<200x64xf32, #tpu.memory_space<vmem>>, vector<1x16xf32>,
      %get3A_437 = vector.shape_cast %get3A_436 : vector<1x16xf32> to vector<16xf32>
      %mul3A_438 = arith.constant 8.000000e+00 : f32
      %mul3A_439 = vector.broadcast %mul3A_438 : f32 to vector<16xf32>
      %mul3A_440 = arith.mulf %get3A_437, %mul3A_439 : vector<16xf32>
      %add3A_441 = arith.constant 2 : i32
      %add3A_442 = arith.addi %add3A_289, %add3A_441 : i32
      %swap3A_443 = arith.index_cast %add3A_442 : i32 to index
      %swap3A_444 = arith.constant 16 : index
      %swap3A_445 = tpu.vector_load %arg8[%swap3A_443, %swap3A_444] {strides = array<i32>} : memref<200x64xf32, #tpu.memory_space<vmem>>, vector<1x16xf32>,
      %swap3A_446 = vector.shape_cast %swap3A_445 : vector<1x16xf32> to vector<16xf32>
      %swap3A_447 = vector.shape_cast %mul3A_440 : vector<16xf32> to vector<1x16xf32>
      tpu.vector_store %arg8[%swap3A_443, %swap3A_444], %swap3A_447 {strides = array<i32>} : memref<200x64xf32, #tpu.memory_space<vmem>>, vector<1x16xf32>,
      %add3A_448 = arith.constant 2 : i32
      %add3A_449 = arith.addi %add3A_289, %add3A_448 : i32
      %get3A_450 = arith.index_cast %add3A_449 : i32 to index
      %get3A_451 = arith.constant 32 : index
      %get3A_452 = tpu.vector_load %arg8[%get3A_450, %get3A_451] {strides = array<i32>} : memref<200x64xf32, #tpu.memory_space<vmem>>, vector<1x16xf32>,
      %get3A_453 = vector.shape_cast %get3A_452 : vector<1x16xf32> to vector<16xf32>
      %mul3A_454 = arith.constant 8.000000e+00 : f32
      %mul3A_455 = vector.broadcast %mul3A_454 : f32 to vector<16xf32>
      %mul3A_456 = arith.mulf %get3A_453, %mul3A_455 : vector<16xf32>
      %add3A_457 = arith.constant 2 : i32
      %add3A_458 = arith.addi %add3A_289, %add3A_457 : i32
      %swap3A_459 = arith.index_cast %add3A_458 : i32 to index
      %swap3A_460 = arith.constant 32 : index
      %swap3A_461 = tpu.vector_load %arg8[%swap3A_459, %swap3A_460] {strides = array<i32>} : memref<200x64xf32, #tpu.memory_space<vmem>>, vector<1x16xf32>,
      %swap3A_462 = vector.shape_cast %swap3A_461 : vector<1x16xf32> to vector<16xf32>
      %swap3A_463 = vector.shape_cast %mul3A_456 : vector<16xf32> to vector<1x16xf32>
      tpu.vector_store %arg8[%swap3A_459, %swap3A_460], %swap3A_463 {strides = array<i32>} : memref<200x64xf32, #tpu.memory_space<vmem>>, vector<1x16xf32>,
      %add3A_464 = arith.constant 2 : i32
      %add3A_465 = arith.addi %add3A_289, %add3A_464 : i32
      %get3A_466 = arith.index_cast %add3A_465 : i32 to index
      %get3A_467 = arith.constant 48 : index
      %get3A_468 = tpu.vector_load %arg8[%get3A_466, %get3A_467] {strides = array<i32>} : memref<200x64xf32, #tpu.memory_space<vmem>>, vector<1x16xf32>,
      %get3A_469 = vector.shape_cast %get3A_468 : vector<1x16xf32> to vector<16xf32>
      %mul3A_470 = arith.constant 8.000000e+00 : f32
      %mul3A_471 = vector.broadcast %mul3A_470 : f32 to vector<16xf32>
      %mul3A_472 = arith.mulf %get3A_469, %mul3A_471 : vector<16xf32>
      %add3A_473 = arith.constant 2 : i32
      %add3A_474 = arith.addi %add3A_289, %add3A_473 : i32
      %swap3A_475 = arith.index_cast %add3A_474 : i32 to index
      %swap3A_476 = arith.constant 48 : index
      %swap3A_477 = tpu.vector_load %arg8[%swap3A_475, %swap3A_476] {strides = array<i32>} : memref<200x64xf32, #tpu.memory_space<vmem>>, vector<1x16xf32>,
      %swap3A_478 = vector.shape_cast %swap3A_477 : vector<1x16xf32> to vector<16xf32>
      %swap3A_479 = vector.shape_cast %mul3A_472 : vector<16xf32> to vector<1x16xf32>
      tpu.vector_store %arg8[%swap3A_475, %swap3A_476], %swap3A_479 {strides = array<i32>} : memref<200x64xf32, #tpu.memory_space<vmem>>, vector<1x16xf32>,
      %add3A_480 = arith.constant 3 : i32
      %add3A_481 = arith.addi %add3A_289, %add3A_480 : i32
      %get3A_482 = arith.index_cast %add3A_481 : i32 to index
      %get3A_483 = arith.constant 0 : index
      %get3A_484 = tpu.vector_load %arg8[%get3A_482, %get3A_483] {strides = array<i32>} : memref<200x64xf32, #tpu.memory_space<vmem>>, vector<1x16xf32>,
      %get3A_485 = vector.shape_cast %get3A_484 : vector<1x16xf32> to vector<16xf32>
      %mul3A_486 = arith.constant 8.000000e+00 : f32
      %mul3A_487 = vector.broadcast %mul3A_486 : f32 to vector<16xf32>
      %mul3A_488 = arith.mulf %get3A_485, %mul3A_487 : vector<16xf32>
      %add3A_489 = arith.constant 3 : i32
      %add3A_490 = arith.addi %add3A_289, %add3A_489 : i32
      %swap3A_491 = arith.index_cast %add3A_490 : i32 to index
      %swap3A_492 = arith.constant 0 : index
      %swap3A_493 = tpu.vector_load %arg8[%swap3A_491, %swap3A_492] {strides = array<i32>} : memref<200x64xf32, #tpu.memory_space<vmem>>, vector<1x16xf32>,
      %swap3A_494 = vector.shape_cast %swap3A_493 : vector<1x16xf32> to vector<16xf32>
      %swap3A_495 = vector.shape_cast %mul3A_488 : vector<16xf32> to vector<1x16xf32>
      tpu.vector_store %arg8[%swap3A_491, %swap3A_492], %swap3A_495 {strides = array<i32>} : memref<200x64xf32, #tpu.memory_space<vmem>>, vector<1x16xf32>,
      %add3A_496 = arith.constant 3 : i32
      %add3A_497 = arith.addi %add3A_289, %add3A_496 : i32
      %get3A_498 = arith.index_cast %add3A_497 : i32 to index
      %get3A_499 = arith.constant 16 : index
      %get3A_500 = tpu.vector_load %arg8[%get3A_498, %get3A_499] {strides = array<i32>} : memref<200x64xf32, #tpu.memory_space<vmem>>, vector<1x16xf32>,
      %get3A_501 = vector.shape_cast %get3A_500 : vector<1x16xf32> to vector<16xf32>
      %mul3A_502 = arith.constant 8.000000e+00 : f32
      %mul3A_503 = vector.broadcast %mul3A_502 : f32 to vector<16xf32>
      %mul3A_504 = arith.mulf %get3A_501, %mul3A_503 : vector<16xf32>
      %add3A_505 = arith.constant 3 : i32
      %add3A_506 = arith.addi %add3A_289, %add3A_505 : i32
      %swap3A_507 = arith.index_cast %add3A_506 : i32 to index
      %swap3A_508 = arith.constant 16 : index
      %swap3A_509 = tpu.vector_load %arg8[%swap3A_507, %swap3A_508] {strides = array<i32>} : memref<200x64xf32, #tpu.memory_space<vmem>>, vector<1x16xf32>,
      %swap3A_510 = vector.shape_cast %swap3A_509 : vector<1x16xf32> to vector<16xf32>
      %swap3A_511 = vector.shape_cast %mul3A_504 : vector<16xf32> to vector<1x16xf32>
      tpu.vector_store %arg8[%swap3A_507, %swap3A_508], %swap3A_511 {strides = array<i32>} : memref<200x64xf32, #tpu.memory_space<vmem>>, vector<1x16xf32>,
      %add3A_512 = arith.constant 3 : i32
      %add3A_513 = arith.addi %add3A_289, %add3A_512 : i32
      %get3A_514 = arith.index_cast %add3A_513 : i32 to index
      %get3A_515 = arith.constant 32 : index
      %get3A_516 = tpu.vector_load %arg8[%get3A_514, %get3A_515] {strides = array<i32>} : memref<200x64xf32, #tpu.memory_space<vmem>>, vector<1x16xf32>,
      %get3A_517 = vector.shape_cast %get3A_516 : vector<1x16xf32> to vector<16xf32>
      %mul3A_518 = arith.constant 8.000000e+00 : f32
      %mul3A_519 = vector.broadcast %mul3A_518 : f32 to vector<16xf32>
      %mul3A_520 = arith.mulf %get3A_517, %mul3A_519 : vector<16xf32>
      %add3A_521 = arith.constant 3 : i32
      %add3A_522 = arith.addi %add3A_289, %add3A_521 : i32
      %swap3A_523 = arith.index_cast %add3A_522 : i32 to index
      %swap3A_524 = arith.constant 32 : index
      %swap3A_525 = tpu.vector_load %arg8[%swap3A_523, %swap3A_524] {strides = array<i32>} : memref<200x64xf32, #tpu.memory_space<vmem>>, vector<1x16xf32>,
      %swap3A_526 = vector.shape_cast %swap3A_525 : vector<1x16xf32> to vector<16xf32>
      %swap3A_527 = vector.shape_cast %mul3A_520 : vector<16xf32> to vector<1x16xf32>
      tpu.vector_store %arg8[%swap3A_523, %swap3A_524], %swap3A_527 {strides = array<i32>} : memref<200x64xf32, #tpu.memory_space<vmem>>, vector<1x16xf32>,
      %add3A_528 = arith.constant 3 : i32
      %add3A_529 = arith.addi %add3A_289, %add3A_528 : i32
      %get3A_530 = arith.index_cast %add3A_529 : i32 to index
      %get3A_531 = arith.constant 48 : index
      %get3A_532 = tpu.vector_load %arg8[%get3A_530, %get3A_531] {strides = array<i32>} : memref<200x64xf32, #tpu.memory_space<vmem>>, vector<1x16xf32>,
      %get3A_533 = vector.shape_cast %get3A_532 : vector<1x16xf32> to vector<16xf32>
      %mul3A_534 = arith.constant 8.000000e+00 : f32
      %mul3A_535 = vector.broadcast %mul3A_534 : f32 to vector<16xf32>
      %mul3A_536 = arith.mulf %get3A_533, %mul3A_535 : vector<16xf32>
      %add3A_537 = arith.constant 3 : i32
      %add3A_538 = arith.addi %add3A_289, %add3A_537 : i32
      %swap3A_539 = arith.index_cast %add3A_538 : i32 to index
      %swap3A_540 = arith.constant 48 : index
      %swap3A_541 = tpu.vector_load %arg8[%swap3A_539, %swap3A_540] {strides = array<i32>} : memref<200x64xf32, #tpu.memory_space<vmem>>, vector<1x16xf32>,
      %swap3A_542 = vector.shape_cast %swap3A_541 : vector<1x16xf32> to vector<16xf32>
      %swap3A_543 = vector.shape_cast %mul3A_536 : vector<16xf32> to vector<1x16xf32>
      tpu.vector_store %arg8[%swap3A_539, %swap3A_540], %swap3A_543 {strides = array<i32>} : memref<200x64xf32, #tpu.memory_space<vmem>>, vector<1x16xf32>,
    }
    %scan3A_93 = arith.constant 50 : i32
    %add3A_94 = arith.constant 2 : i32
    %add3A_95 = arith.addi %mul3A_2, %add3A_94 : i32
    %mul3A_96 = arith.constant 200 : i32
    %mul3A_97 = arith.muli %add3A_95, %mul3A_96 : i32
    %dma_start3A_98 = arith.constant 0 : i32
    %dma_start3A_99 = tpu.memref_slice %arg4[%mul3A_97, %dma_start3A_98] : memref<819200x64xf32, #tpu.memory_space<hbm>> -> memref<200x64xf32, #tpu.memory_space<hbm>>
    %dma_start3A_100 = arith.constant 0 : i32
    %dma_start3A_101 = tpu.memref_slice %arg4[%mul3A_97, %dma_start3A_100] : memref<819200x64xf32, #tpu.memory_space<hbm>> -> memref<200x64xf32, #tpu.memory_space<hbm>>
    tpu.enqueue_dma source(%arg8 : memref<200x64xf32, #tpu.memory_space<vmem>>) target(%dma_start3A_101 : memref<200x64xf32, #tpu.memory_space<hbm>>) target_semaphore(%arg24 : memref<!tpu.dma_semaphore, #tpu.memory_space<semaphore_mem>>)
    %dma_start3A_102 = arith.constant 6 : i32
    %dma_start3A_103 = arith.constant 0 : i32
    %dma_start3A_104 = tpu.memref_slice %arg5[%dma_start3A_102, %dma_start3A_103] : memref<128x200xi32, #tpu.memory_space<vmem>> -> memref<1x200xi32, #tpu.memory_space<vmem>>
    %dma_start3A_105 = tpu.memref_squeeze %dma_start3A_104 : memref<1x200xi32, #tpu.memory_space<vmem>> -> memref<200xi32, #tpu.memory_space<vmem>>
    %dma_start3A_106 = arith.constant 0 : i32
    %dma_start3A_107 = arith.constant 0 : i32
    %dma_start3A_108 = tpu.memref_slice %arg2[%dma_start3A_106, %dma_start3A_107] : memref<1000000x64xf32, #tpu.memory_space<hbm>> -> memref<1000000x64xf32, #tpu.memory_space<hbm>>
    tpu.enqueue_indirect_dma source(%dma_start3A_108 : memref<1000000x64xf32, #tpu.memory_space<hbm>>) target(%arg12 : memref<200x64xf32, #tpu.memory_space<vmem>>) offsets(%dma_start3A_105 : memref<200xi32, #tpu.memory_space<vmem>>) semaphore(%arg20 : memref<!tpu.dma_semaphore, #tpu.memory_space<semaphore_mem>>)
    %dma_wait3A_109 = arith.constant 3 : i32
    %dma_wait3A_110 = arith.constant 0 : i32
    %dma_wait3A_111 = tpu.memref_slice %arg5[%dma_wait3A_109, %dma_wait3A_110] : memref<128x200xi32, #tpu.memory_space<vmem>> -> memref<1x200xi32, #tpu.memory_space<vmem>>
    %dma_wait3A_112 = tpu.memref_squeeze %dma_wait3A_111 : memref<1x200xi32, #tpu.memory_space<vmem>> -> memref<200xi32, #tpu.memory_space<vmem>>
    %dma_wait3A_113 = arith.constant 0 : i32
    %dma_wait3A_114 = arith.constant 0 : i32
    %dma_wait3A_115 = tpu.memref_slice %arg2[%dma_wait3A_113, %dma_wait3A_114] : memref<1000000x64xf32, #tpu.memory_space<hbm>> -> memref<1000000x64xf32, #tpu.memory_space<hbm>>
    tpu.wait_indirect_dma semaphore(%arg17 : memref<!tpu.dma_semaphore, #tpu.memory_space<semaphore_mem>>) src(%dma_wait3A_115 : memref<1000000x64xf32, #tpu.memory_space<hbm>>) dst(%arg9 : memref<200x64xf32, #tpu.memory_space<vmem>>)
    %scan3A_116 = arith.constant 0 : i32
    %scan3A_117 = arith.constant 50 : i32
    %scan3A_118 = arith.addi %scan3A_116, %scan3A_117 : i32
    %scan3A_119 = arith.constant 1 : i32
    scf.for %scan3A_285 = %scan3A_116 to %scan3A_118 step %scan3A_119  : i32 {
      %mul3A_286 = arith.constant 4 : i32
      %mul3A_287 = arith.muli %scan3A_285, %mul3A_286 : i32
      %add3A_288 = arith.constant 0 : i32
      %add3A_289 = arith.addi %add3A_288, %mul3A_287 : i32
      %add3A_290 = arith.constant 0 : i32
      %add3A_291 = arith.addi %add3A_289, %add3A_290 : i32
      %get3A = arith.index_cast %add3A_291 : i32 to index
      %get3A_292 = arith.constant 0 : index
      %get3A_293 = tpu.vector_load %arg9[%get3A, %get3A_292] {strides = array<i32>} : memref<200x64xf32, #tpu.memory_space<vmem>>, vector<1x16xf32>,
      %get3A_294 = vector.shape_cast %get3A_293 : vector<1x16xf32> to vector<16xf32>
      %mul3A_295 = arith.constant 8.000000e+00 : f32
      %mul3A_296 = vector.broadcast %mul3A_295 : f32 to vector<16xf32>
      %mul3A_297 = arith.mulf %get3A_294, %mul3A_296 : vector<16xf32>
      %add3A_298 = arith.constant 0 : i32
      %add3A_299 = arith.addi %add3A_289, %add3A_298 : i32
      %swap3A = arith.index_cast %add3A_299 : i32 to index
      %swap3A_300 = arith.constant 0 : index
      %swap3A_301 = tpu.vector_load %arg9[%swap3A, %swap3A_300] {strides = array<i32>} : memref<200x64xf32, #tpu.memory_space<vmem>>, vector<1x16xf32>,
      %swap3A_302 = vector.shape_cast %swap3A_301 : vector<1x16xf32> to vector<16xf32>
      %swap3A_303 = vector.shape_cast %mul3A_297 : vector<16xf32> to vector<1x16xf32>
      tpu.vector_store %arg9[%swap3A, %swap3A_300], %swap3A_303 {strides = array<i32>} : memref<200x64xf32, #tpu.memory_space<vmem>>, vector<1x16xf32>,
      %add3A_304 = arith.constant 0 : i32
      %add3A_305 = arith.addi %add3A_289, %add3A_304 : i32
      %get3A_306 = arith.index_cast %add3A_305 : i32 to index
      %get3A_307 = arith.constant 16 : index
      %get3A_308 = tpu.vector_load %arg9[%get3A_306, %get3A_307] {strides = array<i32>} : memref<200x64xf32, #tpu.memory_space<vmem>>, vector<1x16xf32>,
      %get3A_309 = vector.shape_cast %get3A_308 : vector<1x16xf32> to vector<16xf32>
      %mul3A_310 = arith.constant 8.000000e+00 : f32
      %mul3A_311 = vector.broadcast %mul3A_310 : f32 to vector<16xf32>
      %mul3A_312 = arith.mulf %get3A_309, %mul3A_311 : vector<16xf32>
      %add3A_313 = arith.constant 0 : i32
      %add3A_314 = arith.addi %add3A_289, %add3A_313 : i32
      %swap3A_315 = arith.index_cast %add3A_314 : i32 to index
      %swap3A_316 = arith.constant 16 : index
      %swap3A_317 = tpu.vector_load %arg9[%swap3A_315, %swap3A_316] {strides = array<i32>} : memref<200x64xf32, #tpu.memory_space<vmem>>, vector<1x16xf32>,
      %swap3A_318 = vector.shape_cast %swap3A_317 : vector<1x16xf32> to vector<16xf32>
      %swap3A_319 = vector.shape_cast %mul3A_312 : vector<16xf32> to vector<1x16xf32>
      tpu.vector_store %arg9[%swap3A_315, %swap3A_316], %swap3A_319 {strides = array<i32>} : memref<200x64xf32, #tpu.memory_space<vmem>>, vector<1x16xf32>,
      %add3A_320 = arith.constant 0 : i32
      %add3A_321 = arith.addi %add3A_289, %add3A_320 : i32
      %get3A_322 = arith.index_cast %add3A_321 : i32 to index
      %get3A_323 = arith.constant 32 : index
      %get3A_324 = tpu.vector_load %arg9[%get3A_322, %get3A_323] {strides = array<i32>} : memref<200x64xf32, #tpu.memory_space<vmem>>, vector<1x16xf32>,
      %get3A_325 = vector.shape_cast %get3A_324 : vector<1x16xf32> to vector<16xf32>
      %mul3A_326 = arith.constant 8.000000e+00 : f32
      %mul3A_327 = vector.broadcast %mul3A_326 : f32 to vector<16xf32>
      %mul3A_328 = arith.mulf %get3A_325, %mul3A_327 : vector<16xf32>
      %add3A_329 = arith.constant 0 : i32
      %add3A_330 = arith.addi %add3A_289, %add3A_329 : i32
      %swap3A_331 = arith.index_cast %add3A_330 : i32 to index
      %swap3A_332 = arith.constant 32 : index
      %swap3A_333 = tpu.vector_load %arg9[%swap3A_331, %swap3A_332] {strides = array<i32>} : memref<200x64xf32, #tpu.memory_space<vmem>>, vector<1x16xf32>,
      %swap3A_334 = vector.shape_cast %swap3A_333 : vector<1x16xf32> to vector<16xf32>
      %swap3A_335 = vector.shape_cast %mul3A_328 : vector<16xf32> to vector<1x16xf32>
      tpu.vector_store %arg9[%swap3A_331, %swap3A_332], %swap3A_335 {strides = array<i32>} : memref<200x64xf32, #tpu.memory_space<vmem>>, vector<1x16xf32>,
      %add3A_336 = arith.constant 0 : i32
      %add3A_337 = arith.addi %add3A_289, %add3A_336 : i32
      %get3A_338 = arith.index_cast %add3A_337 : i32 to index
      %get3A_339 = arith.constant 48 : index
      %get3A_340 = tpu.vector_load %arg9[%get3A_338, %get3A_339] {strides = array<i32>} : memref<200x64xf32, #tpu.memory_space<vmem>>, vector<1x16xf32>,
      %get3A_341 = vector.shape_cast %get3A_340 : vector<1x16xf32> to vector<16xf32>
      %mul3A_342 = arith.constant 8.000000e+00 : f32
      %mul3A_343 = vector.broadcast %mul3A_342 : f32 to vector<16xf32>
      %mul3A_344 = arith.mulf %get3A_341, %mul3A_343 : vector<16xf32>
      %add3A_345 = arith.constant 0 : i32
      %add3A_346 = arith.addi %add3A_289, %add3A_345 : i32
      %swap3A_347 = arith.index_cast %add3A_346 : i32 to index
      %swap3A_348 = arith.constant 48 : index
      %swap3A_349 = tpu.vector_load %arg9[%swap3A_347, %swap3A_348] {strides = array<i32>} : memref<200x64xf32, #tpu.memory_space<vmem>>, vector<1x16xf32>,
      %swap3A_350 = vector.shape_cast %swap3A_349 : vector<1x16xf32> to vector<16xf32>
      %swap3A_351 = vector.shape_cast %mul3A_344 : vector<16xf32> to vector<1x16xf32>
      tpu.vector_store %arg9[%swap3A_347, %swap3A_348], %swap3A_351 {strides = array<i32>} : memref<200x64xf32, #tpu.memory_space<vmem>>, vector<1x16xf32>,
      %add3A_352 = arith.constant 1 : i32
      %add3A_353 = arith.addi %add3A_289, %add3A_352 : i32
      %get3A_354 = arith.index_cast %add3A_353 : i32 to index
      %get3A_355 = arith.constant 0 : index
      %get3A_356 = tpu.vector_load %arg9[%get3A_354, %get3A_355] {strides = array<i32>} : memref<200x64xf32, #tpu.memory_space<vmem>>, vector<1x16xf32>,
      %get3A_357 = vector.shape_cast %get3A_356 : vector<1x16xf32> to vector<16xf32>
      %mul3A_358 = arith.constant 8.000000e+00 : f32
      %mul3A_359 = vector.broadcast %mul3A_358 : f32 to vector<16xf32>
      %mul3A_360 = arith.mulf %get3A_357, %mul3A_359 : vector<16xf32>
      %add3A_361 = arith.constant 1 : i32
      %add3A_362 = arith.addi %add3A_289, %add3A_361 : i32
      %swap3A_363 = arith.index_cast %add3A_362 : i32 to index
      %swap3A_364 = arith.constant 0 : index
      %swap3A_365 = tpu.vector_load %arg9[%swap3A_363, %swap3A_364] {strides = array<i32>} : memref<200x64xf32, #tpu.memory_space<vmem>>, vector<1x16xf32>,
      %swap3A_366 = vector.shape_cast %swap3A_365 : vector<1x16xf32> to vector<16xf32>
      %swap3A_367 = vector.shape_cast %mul3A_360 : vector<16xf32> to vector<1x16xf32>
      tpu.vector_store %arg9[%swap3A_363, %swap3A_364], %swap3A_367 {strides = array<i32>} : memref<200x64xf32, #tpu.memory_space<vmem>>, vector<1x16xf32>,
      %add3A_368 = arith.constant 1 : i32
      %add3A_369 = arith.addi %add3A_289, %add3A_368 : i32
      %get3A_370 = arith.index_cast %add3A_369 : i32 to index
      %get3A_371 = arith.constant 16 : index
      %get3A_372 = tpu.vector_load %arg9[%get3A_370, %get3A_371] {strides = array<i32>} : memref<200x64xf32, #tpu.memory_space<vmem>>, vector<1x16xf32>,
      %get3A_373 = vector.shape_cast %get3A_372 : vector<1x16xf32> to vector<16xf32>
      %mul3A_374 = arith.constant 8.000000e+00 : f32
      %mul3A_375 = vector.broadcast %mul3A_374 : f32 to vector<16xf32>
      %mul3A_376 = arith.mulf %get3A_373, %mul3A_375 : vector<16xf32>
      %add3A_377 = arith.constant 1 : i32
      %add3A_378 = arith.addi %add3A_289, %add3A_377 : i32
      %swap3A_379 = arith.index_cast %add3A_378 : i32 to index
      %swap3A_380 = arith.constant 16 : index
      %swap3A_381 = tpu.vector_load %arg9[%swap3A_379, %swap3A_380] {strides = array<i32>} : memref<200x64xf32, #tpu.memory_space<vmem>>, vector<1x16xf32>,
      %swap3A_382 = vector.shape_cast %swap3A_381 : vector<1x16xf32> to vector<16xf32>
      %swap3A_383 = vector.shape_cast %mul3A_376 : vector<16xf32> to vector<1x16xf32>
      tpu.vector_store %arg9[%swap3A_379, %swap3A_380], %swap3A_383 {strides = array<i32>} : memref<200x64xf32, #tpu.memory_space<vmem>>, vector<1x16xf32>,
      %add3A_384 = arith.constant 1 : i32
      %add3A_385 = arith.addi %add3A_289, %add3A_384 : i32
      %get3A_386 = arith.index_cast %add3A_385 : i32 to index
      %get3A_387 = arith.constant 32 : index
      %get3A_388 = tpu.vector_load %arg9[%get3A_386, %get3A_387] {strides = array<i32>} : memref<200x64xf32, #tpu.memory_space<vmem>>, vector<1x16xf32>,
      %get3A_389 = vector.shape_cast %get3A_388 : vector<1x16xf32> to vector<16xf32>
      %mul3A_390 = arith.constant 8.000000e+00 : f32
      %mul3A_391 = vector.broadcast %mul3A_390 : f32 to vector<16xf32>
      %mul3A_392 = arith.mulf %get3A_389, %mul3A_391 : vector<16xf32>
      %add3A_393 = arith.constant 1 : i32
      %add3A_394 = arith.addi %add3A_289, %add3A_393 : i32
      %swap3A_395 = arith.index_cast %add3A_394 : i32 to index
      %swap3A_396 = arith.constant 32 : index
      %swap3A_397 = tpu.vector_load %arg9[%swap3A_395, %swap3A_396] {strides = array<i32>} : memref<200x64xf32, #tpu.memory_space<vmem>>, vector<1x16xf32>,
      %swap3A_398 = vector.shape_cast %swap3A_397 : vector<1x16xf32> to vector<16xf32>
      %swap3A_399 = vector.shape_cast %mul3A_392 : vector<16xf32> to vector<1x16xf32>
      tpu.vector_store %arg9[%swap3A_395, %swap3A_396], %swap3A_399 {strides = array<i32>} : memref<200x64xf32, #tpu.memory_space<vmem>>, vector<1x16xf32>,
      %add3A_400 = arith.constant 1 : i32
      %add3A_401 = arith.addi %add3A_289, %add3A_400 : i32
      %get3A_402 = arith.index_cast %add3A_401 : i32 to index
      %get3A_403 = arith.constant 48 : index
      %get3A_404 = tpu.vector_load %arg9[%get3A_402, %get3A_403] {strides = array<i32>} : memref<200x64xf32, #tpu.memory_space<vmem>>, vector<1x16xf32>,
      %get3A_405 = vector.shape_cast %get3A_404 : vector<1x16xf32> to vector<16xf32>
      %mul3A_406 = arith.constant 8.000000e+00 : f32
      %mul3A_407 = vector.broadcast %mul3A_406 : f32 to vector<16xf32>
      %mul3A_408 = arith.mulf %get3A_405, %mul3A_407 : vector<16xf32>
      %add3A_409 = arith.constant 1 : i32
      %add3A_410 = arith.addi %add3A_289, %add3A_409 : i32
      %swap3A_411 = arith.index_cast %add3A_410 : i32 to index
      %swap3A_412 = arith.constant 48 : index
      %swap3A_413 = tpu.vector_load %arg9[%swap3A_411, %swap3A_412] {strides = array<i32>} : memref<200x64xf32, #tpu.memory_space<vmem>>, vector<1x16xf32>,
      %swap3A_414 = vector.shape_cast %swap3A_413 : vector<1x16xf32> to vector<16xf32>
      %swap3A_415 = vector.shape_cast %mul3A_408 : vector<16xf32> to vector<1x16xf32>
      tpu.vector_store %arg9[%swap3A_411, %swap3A_412], %swap3A_415 {strides = array<i32>} : memref<200x64xf32, #tpu.memory_space<vmem>>, vector<1x16xf32>,
      %add3A_416 = arith.constant 2 : i32
      %add3A_417 = arith.addi %add3A_289, %add3A_416 : i32
      %get3A_418 = arith.index_cast %add3A_417 : i32 to index
      %get3A_419 = arith.constant 0 : index
      %get3A_420 = tpu.vector_load %arg9[%get3A_418, %get3A_419] {strides = array<i32>} : memref<200x64xf32, #tpu.memory_space<vmem>>, vector<1x16xf32>,
      %get3A_421 = vector.shape_cast %get3A_420 : vector<1x16xf32> to vector<16xf32>
      %mul3A_422 = arith.constant 8.000000e+00 : f32
      %mul3A_423 = vector.broadcast %mul3A_422 : f32 to vector<16xf32>
      %mul3A_424 = arith.mulf %get3A_421, %mul3A_423 : vector<16xf32>
      %add3A_425 = arith.constant 2 : i32
      %add3A_426 = arith.addi %add3A_289, %add3A_425 : i32
      %swap3A_427 = arith.index_cast %add3A_426 : i32 to index
      %swap3A_428 = arith.constant 0 : index
      %swap3A_429 = tpu.vector_load %arg9[%swap3A_427, %swap3A_428] {strides = array<i32>} : memref<200x64xf32, #tpu.memory_space<vmem>>, vector<1x16xf32>,
      %swap3A_430 = vector.shape_cast %swap3A_429 : vector<1x16xf32> to vector<16xf32>
      %swap3A_431 = vector.shape_cast %mul3A_424 : vector<16xf32> to vector<1x16xf32>
      tpu.vector_store %arg9[%swap3A_427, %swap3A_428], %swap3A_431 {strides = array<i32>} : memref<200x64xf32, #tpu.memory_space<vmem>>, vector<1x16xf32>,
      %add3A_432 = arith.constant 2 : i32
      %add3A_433 = arith.addi %add3A_289, %add3A_432 : i32
      %get3A_434 = arith.index_cast %add3A_433 : i32 to index
      %get3A_435 = arith.constant 16 : index
      %get3A_436 = tpu.vector_load %arg9[%get3A_434, %get3A_435] {strides = array<i32>} : memref<200x64xf32, #tpu.memory_space<vmem>>, vector<1x16xf32>,
      %get3A_437 = vector.shape_cast %get3A_436 : vector<1x16xf32> to vector<16xf32>
      %mul3A_438 = arith.constant 8.000000e+00 : f32
      %mul3A_439 = vector.broadcast %mul3A_438 : f32 to vector<16xf32>
      %mul3A_440 = arith.mulf %get3A_437, %mul3A_439 : vector<16xf32>
      %add3A_441 = arith.constant 2 : i32
      %add3A_442 = arith.addi %add3A_289, %add3A_441 : i32
      %swap3A_443 = arith.index_cast %add3A_442 : i32 to index
      %swap3A_444 = arith.constant 16 : index
      %swap3A_445 = tpu.vector_load %arg9[%swap3A_443, %swap3A_444] {strides = array<i32>} : memref<200x64xf32, #tpu.memory_space<vmem>>, vector<1x16xf32>,
      %swap3A_446 = vector.shape_cast %swap3A_445 : vector<1x16xf32> to vector<16xf32>
      %swap3A_447 = vector.shape_cast %mul3A_440 : vector<16xf32> to vector<1x16xf32>
      tpu.vector_store %arg9[%swap3A_443, %swap3A_444], %swap3A_447 {strides = array<i32>} : memref<200x64xf32, #tpu.memory_space<vmem>>, vector<1x16xf32>,
      %add3A_448 = arith.constant 2 : i32
      %add3A_449 = arith.addi %add3A_289, %add3A_448 : i32
      %get3A_450 = arith.index_cast %add3A_449 : i32 to index
      %get3A_451 = arith.constant 32 : index
      %get3A_452 = tpu.vector_load %arg9[%get3A_450, %get3A_451] {strides = array<i32>} : memref<200x64xf32, #tpu.memory_space<vmem>>, vector<1x16xf32>,
      %get3A_453 = vector.shape_cast %get3A_452 : vector<1x16xf32> to vector<16xf32>
      %mul3A_454 = arith.constant 8.000000e+00 : f32
      %mul3A_455 = vector.broadcast %mul3A_454 : f32 to vector<16xf32>
      %mul3A_456 = arith.mulf %get3A_453, %mul3A_455 : vector<16xf32>
      %add3A_457 = arith.constant 2 : i32
      %add3A_458 = arith.addi %add3A_289, %add3A_457 : i32
      %swap3A_459 = arith.index_cast %add3A_458 : i32 to index
      %swap3A_460 = arith.constant 32 : index
      %swap3A_461 = tpu.vector_load %arg9[%swap3A_459, %swap3A_460] {strides = array<i32>} : memref<200x64xf32, #tpu.memory_space<vmem>>, vector<1x16xf32>,
      %swap3A_462 = vector.shape_cast %swap3A_461 : vector<1x16xf32> to vector<16xf32>
      %swap3A_463 = vector.shape_cast %mul3A_456 : vector<16xf32> to vector<1x16xf32>
      tpu.vector_store %arg9[%swap3A_459, %swap3A_460], %swap3A_463 {strides = array<i32>} : memref<200x64xf32, #tpu.memory_space<vmem>>, vector<1x16xf32>,
      %add3A_464 = arith.constant 2 : i32
      %add3A_465 = arith.addi %add3A_289, %add3A_464 : i32
      %get3A_466 = arith.index_cast %add3A_465 : i32 to index
      %get3A_467 = arith.constant 48 : index
      %get3A_468 = tpu.vector_load %arg9[%get3A_466, %get3A_467] {strides = array<i32>} : memref<200x64xf32, #tpu.memory_space<vmem>>, vector<1x16xf32>,
      %get3A_469 = vector.shape_cast %get3A_468 : vector<1x16xf32> to vector<16xf32>
      %mul3A_470 = arith.constant 8.000000e+00 : f32
      %mul3A_471 = vector.broadcast %mul3A_470 : f32 to vector<16xf32>
      %mul3A_472 = arith.mulf %get3A_469, %mul3A_471 : vector<16xf32>
      %add3A_473 = arith.constant 2 : i32
      %add3A_474 = arith.addi %add3A_289, %add3A_473 : i32
      %swap3A_475 = arith.index_cast %add3A_474 : i32 to index
      %swap3A_476 = arith.constant 48 : index
      %swap3A_477 = tpu.vector_load %arg9[%swap3A_475, %swap3A_476] {strides = array<i32>} : memref<200x64xf32, #tpu.memory_space<vmem>>, vector<1x16xf32>,
      %swap3A_478 = vector.shape_cast %swap3A_477 : vector<1x16xf32> to vector<16xf32>
      %swap3A_479 = vector.shape_cast %mul3A_472 : vector<16xf32> to vector<1x16xf32>
      tpu.vector_store %arg9[%swap3A_475, %swap3A_476], %swap3A_479 {strides = array<i32>} : memref<200x64xf32, #tpu.memory_space<vmem>>, vector<1x16xf32>,
      %add3A_480 = arith.constant 3 : i32
      %add3A_481 = arith.addi %add3A_289, %add3A_480 : i32
      %get3A_482 = arith.index_cast %add3A_481 : i32 to index
      %get3A_483 = arith.constant 0 : index
      %get3A_484 = tpu.vector_load %arg9[%get3A_482, %get3A_483] {strides = array<i32>} : memref<200x64xf32, #tpu.memory_space<vmem>>, vector<1x16xf32>,
      %get3A_485 = vector.shape_cast %get3A_484 : vector<1x16xf32> to vector<16xf32>
      %mul3A_486 = arith.constant 8.000000e+00 : f32
      %mul3A_487 = vector.broadcast %mul3A_486 : f32 to vector<16xf32>
      %mul3A_488 = arith.mulf %get3A_485, %mul3A_487 : vector<16xf32>
      %add3A_489 = arith.constant 3 : i32
      %add3A_490 = arith.addi %add3A_289, %add3A_489 : i32
      %swap3A_491 = arith.index_cast %add3A_490 : i32 to index
      %swap3A_492 = arith.constant 0 : index
      %swap3A_493 = tpu.vector_load %arg9[%swap3A_491, %swap3A_492] {strides = array<i32>} : memref<200x64xf32, #tpu.memory_space<vmem>>, vector<1x16xf32>,
      %swap3A_494 = vector.shape_cast %swap3A_493 : vector<1x16xf32> to vector<16xf32>
      %swap3A_495 = vector.shape_cast %mul3A_488 : vector<16xf32> to vector<1x16xf32>
      tpu.vector_store %arg9[%swap3A_491, %swap3A_492], %swap3A_495 {strides = array<i32>} : memref<200x64xf32, #tpu.memory_space<vmem>>, vector<1x16xf32>,
      %add3A_496 = arith.constant 3 : i32
      %add3A_497 = arith.addi %add3A_289, %add3A_496 : i32
      %get3A_498 = arith.index_cast %add3A_497 : i32 to index
      %get3A_499 = arith.constant 16 : index
      %get3A_500 = tpu.vector_load %arg9[%get3A_498, %get3A_499] {strides = array<i32>} : memref<200x64xf32, #tpu.memory_space<vmem>>, vector<1x16xf32>,
      %get3A_501 = vector.shape_cast %get3A_500 : vector<1x16xf32> to vector<16xf32>
      %mul3A_502 = arith.constant 8.000000e+00 : f32
      %mul3A_503 = vector.broadcast %mul3A_502 : f32 to vector<16xf32>
      %mul3A_504 = arith.mulf %get3A_501, %mul3A_503 : vector<16xf32>
      %add3A_505 = arith.constant 3 : i32
      %add3A_506 = arith.addi %add3A_289, %add3A_505 : i32
      %swap3A_507 = arith.index_cast %add3A_506 : i32 to index
      %swap3A_508 = arith.constant 16 : index
      %swap3A_509 = tpu.vector_load %arg9[%swap3A_507, %swap3A_508] {strides = array<i32>} : memref<200x64xf32, #tpu.memory_space<vmem>>, vector<1x16xf32>,
      %swap3A_510 = vector.shape_cast %swap3A_509 : vector<1x16xf32> to vector<16xf32>
      %swap3A_511 = vector.shape_cast %mul3A_504 : vector<16xf32> to vector<1x16xf32>
      tpu.vector_store %arg9[%swap3A_507, %swap3A_508], %swap3A_511 {strides = array<i32>} : memref<200x64xf32, #tpu.memory_space<vmem>>, vector<1x16xf32>,
      %add3A_512 = arith.constant 3 : i32
      %add3A_513 = arith.addi %add3A_289, %add3A_512 : i32
      %get3A_514 = arith.index_cast %add3A_513 : i32 to index
      %get3A_515 = arith.constant 32 : index
      %get3A_516 = tpu.vector_load %arg9[%get3A_514, %get3A_515] {strides = array<i32>} : memref<200x64xf32, #tpu.memory_space<vmem>>, vector<1x16xf32>,
      %get3A_517 = vector.shape_cast %get3A_516 : vector<1x16xf32> to vector<16xf32>
      %mul3A_518 = arith.constant 8.000000e+00 : f32
      %mul3A_519 = vector.broadcast %mul3A_518 : f32 to vector<16xf32>
      %mul3A_520 = arith.mulf %get3A_517, %mul3A_519 : vector<16xf32>
      %add3A_521 = arith.constant 3 : i32
      %add3A_522 = arith.addi %add3A_289, %add3A_521 : i32
      %swap3A_523 = arith.index_cast %add3A_522 : i32 to index
      %swap3A_524 = arith.constant 32 : index
      %swap3A_525 = tpu.vector_load %arg9[%swap3A_523, %swap3A_524] {strides = array<i32>} : memref<200x64xf32, #tpu.memory_space<vmem>>, vector<1x16xf32>,
      %swap3A_526 = vector.shape_cast %swap3A_525 : vector<1x16xf32> to vector<16xf32>
      %swap3A_527 = vector.shape_cast %mul3A_520 : vector<16xf32> to vector<1x16xf32>
      tpu.vector_store %arg9[%swap3A_523, %swap3A_524], %swap3A_527 {strides = array<i32>} : memref<200x64xf32, #tpu.memory_space<vmem>>, vector<1x16xf32>,
      %add3A_528 = arith.constant 3 : i32
      %add3A_529 = arith.addi %add3A_289, %add3A_528 : i32
      %get3A_530 = arith.index_cast %add3A_529 : i32 to index
      %get3A_531 = arith.constant 48 : index
      %get3A_532 = tpu.vector_load %arg9[%get3A_530, %get3A_531] {strides = array<i32>} : memref<200x64xf32, #tpu.memory_space<vmem>>, vector<1x16xf32>,
      %get3A_533 = vector.shape_cast %get3A_532 : vector<1x16xf32> to vector<16xf32>
      %mul3A_534 = arith.constant 8.000000e+00 : f32
      %mul3A_535 = vector.broadcast %mul3A_534 : f32 to vector<16xf32>
      %mul3A_536 = arith.mulf %get3A_533, %mul3A_535 : vector<16xf32>
      %add3A_537 = arith.constant 3 : i32
      %add3A_538 = arith.addi %add3A_289, %add3A_537 : i32
      %swap3A_539 = arith.index_cast %add3A_538 : i32 to index
      %swap3A_540 = arith.constant 48 : index
      %swap3A_541 = tpu.vector_load %arg9[%swap3A_539, %swap3A_540] {strides = array<i32>} : memref<200x64xf32, #tpu.memory_space<vmem>>, vector<1x16xf32>,
      %swap3A_542 = vector.shape_cast %swap3A_541 : vector<1x16xf32> to vector<16xf32>
      %swap3A_543 = vector.shape_cast %mul3A_536 : vector<16xf32> to vector<1x16xf32>
      tpu.vector_store %arg9[%swap3A_539, %swap3A_540], %swap3A_543 {strides = array<i32>} : memref<200x64xf32, #tpu.memory_space<vmem>>, vector<1x16xf32>,
    }
    %scan3A_120 = arith.constant 50 : i32
    %add3A_121 = arith.constant 3 : i32
    %add3A_122 = arith.addi %mul3A_2, %add3A_121 : i32
    %mul3A_123 = arith.constant 200 : i32
    %mul3A_124 = arith.muli %add3A_122, %mul3A_123 : i32
    %dma_start3A_125 = arith.constant 0 : i32
    %dma_start3A_126 = tpu.memref_slice %arg4[%mul3A_124, %dma_start3A_125] : memref<819200x64xf32, #tpu.memory_space<hbm>> -> memref<200x64xf32, #tpu.memory_space<hbm>>
    %dma_start3A_127 = arith.constant 0 : i32
    %dma_start3A_128 = tpu.memref_slice %arg4[%mul3A_124, %dma_start3A_127] : memref<819200x64xf32, #tpu.memory_space<hbm>> -> memref<200x64xf32, #tpu.memory_space<hbm>>
    tpu.enqueue_dma source(%arg9 : memref<200x64xf32, #tpu.memory_space<vmem>>) target(%dma_start3A_128 : memref<200x64xf32, #tpu.memory_space<hbm>>) target_semaphore(%arg25 : memref<!tpu.dma_semaphore, #tpu.memory_space<semaphore_mem>>)
    %dma_start3A_129 = arith.constant 7 : i32
    %dma_start3A_130 = arith.constant 0 : i32
    %dma_start3A_131 = tpu.memref_slice %arg5[%dma_start3A_129, %dma_start3A_130] : memref<128x200xi32, #tpu.memory_space<vmem>> -> memref<1x200xi32, #tpu.memory_space<vmem>>
    %dma_start3A_132 = tpu.memref_squeeze %dma_start3A_131 : memref<1x200xi32, #tpu.memory_space<vmem>> -> memref<200xi32, #tpu.memory_space<vmem>>
    %dma_start3A_133 = arith.constant 0 : i32
    %dma_start3A_134 = arith.constant 0 : i32
    %dma_start3A_135 = tpu.memref_slice %arg2[%dma_start3A_133, %dma_start3A_134] : memref<1000000x64xf32, #tpu.memory_space<hbm>> -> memref<1000000x64xf32, #tpu.memory_space<hbm>>
    tpu.enqueue_indirect_dma source(%dma_start3A_135 : memref<1000000x64xf32, #tpu.memory_space<hbm>>) target(%arg13 : memref<200x64xf32, #tpu.memory_space<vmem>>) offsets(%dma_start3A_132 : memref<200xi32, #tpu.memory_space<vmem>>) semaphore(%arg21 : memref<!tpu.dma_semaphore, #tpu.memory_space<semaphore_mem>>)
    %scan3A_136 = arith.constant 0 : i32
    %scan3A_137 = arith.constant 15 : i32
    %scan3A_138 = arith.addi %scan3A_136, %scan3A_137 : i32
    %scan3A_139 = arith.constant 1 : i32
    scf.for %scan3A_285 = %scan3A_136 to %scan3A_138 step %scan3A_139  : i32 {
      %mul3A_286 = arith.constant 8 : i32
      %mul3A_287 = arith.muli %scan3A_285, %mul3A_286 : i32
      %add3A_288 = arith.constant 4 : i32
      %add3A_289 = arith.addi %add3A_288, %mul3A_287 : i32
      %add3A_290 = arith.constant 0 : i32
      %add3A_291 = arith.addi %add3A_289, %add3A_290 : i32
      %dma_wait3A_292 = arith.constant 0 : i32
      %dma_wait3A_293 = tpu.memref_slice %arg5[%add3A_291, %dma_wait3A_292] : memref<128x200xi32, #tpu.memory_space<vmem>> -> memref<1x200xi32, #tpu.memory_space<vmem>>
      %dma_wait3A_294 = tpu.memref_squeeze %dma_wait3A_293 : memref<1x200xi32, #tpu.memory_space<vmem>> -> memref<200xi32, #tpu.memory_space<vmem>>
      %dma_wait3A_295 = arith.constant 0 : i32
      %dma_wait3A_296 = arith.constant 0 : i32
      %dma_wait3A_297 = tpu.memref_slice %arg2[%dma_wait3A_295, %dma_wait3A_296] : memref<1000000x64xf32, #tpu.memory_space<hbm>> -> memref<1000000x64xf32, #tpu.memory_space<hbm>>
      tpu.wait_indirect_dma semaphore(%arg18 : memref<!tpu.dma_semaphore, #tpu.memory_space<semaphore_mem>>) src(%dma_wait3A_297 : memref<1000000x64xf32, #tpu.memory_space<hbm>>) dst(%arg10 : memref<200x64xf32, #tpu.memory_space<vmem>>)
      %scan3A_298 = arith.constant 0 : i32
      %scan3A_299 = arith.constant 50 : i32
      %scan3A_300 = arith.addi %scan3A_298, %scan3A_299 : i32
      %scan3A_301 = arith.constant 1 : i32
      scf.for %scan3A_585 = %scan3A_298 to %scan3A_300 step %scan3A_301  : i32 {
        %mul3A_586 = arith.constant 4 : i32
        %mul3A_587 = arith.muli %scan3A_585, %mul3A_586 : i32
        %add3A_588 = arith.constant 0 : i32
        %add3A_589 = arith.addi %add3A_588, %mul3A_587 : i32
        %add3A_590 = arith.constant 0 : i32
        %add3A_591 = arith.addi %add3A_589, %add3A_590 : i32
        %get3A = arith.index_cast %add3A_591 : i32 to index
        %get3A_592 = arith.constant 0 : index
        %get3A_593 = tpu.vector_load %arg10[%get3A, %get3A_592] {strides = array<i32>} : memref<200x64xf32, #tpu.memory_space<vmem>>, vector<1x16xf32>,
        %get3A_594 = vector.shape_cast %get3A_593 : vector<1x16xf32> to vector<16xf32>
        %mul3A_595 = arith.constant 8.000000e+00 : f32
        %mul3A_596 = vector.broadcast %mul3A_595 : f32 to vector<16xf32>
        %mul3A_597 = arith.mulf %get3A_594, %mul3A_596 : vector<16xf32>
        %add3A_598 = arith.constant 0 : i32
        %add3A_599 = arith.addi %add3A_589, %add3A_598 : i32
        %swap3A = arith.index_cast %add3A_599 : i32 to index
        %swap3A_600 = arith.constant 0 : index
        %swap3A_601 = tpu.vector_load %arg10[%swap3A, %swap3A_600] {strides = array<i32>} : memref<200x64xf32, #tpu.memory_space<vmem>>, vector<1x16xf32>,
        %swap3A_602 = vector.shape_cast %swap3A_601 : vector<1x16xf32> to vector<16xf32>
        %swap3A_603 = vector.shape_cast %mul3A_597 : vector<16xf32> to vector<1x16xf32>
        tpu.vector_store %arg10[%swap3A, %swap3A_600], %swap3A_603 {strides = array<i32>} : memref<200x64xf32, #tpu.memory_space<vmem>>, vector<1x16xf32>,
        %add3A_604 = arith.constant 0 : i32
        %add3A_605 = arith.addi %add3A_589, %add3A_604 : i32
        %get3A_606 = arith.index_cast %add3A_605 : i32 to index
        %get3A_607 = arith.constant 16 : index
        %get3A_608 = tpu.vector_load %arg10[%get3A_606, %get3A_607] {strides = array<i32>} : memref<200x64xf32, #tpu.memory_space<vmem>>, vector<1x16xf32>,
        %get3A_609 = vector.shape_cast %get3A_608 : vector<1x16xf32> to vector<16xf32>
        %mul3A_610 = arith.constant 8.000000e+00 : f32
        %mul3A_611 = vector.broadcast %mul3A_610 : f32 to vector<16xf32>
        %mul3A_612 = arith.mulf %get3A_609, %mul3A_611 : vector<16xf32>
        %add3A_613 = arith.constant 0 : i32
        %add3A_614 = arith.addi %add3A_589, %add3A_613 : i32
        %swap3A_615 = arith.index_cast %add3A_614 : i32 to index
        %swap3A_616 = arith.constant 16 : index
        %swap3A_617 = tpu.vector_load %arg10[%swap3A_615, %swap3A_616] {strides = array<i32>} : memref<200x64xf32, #tpu.memory_space<vmem>>, vector<1x16xf32>,
        %swap3A_618 = vector.shape_cast %swap3A_617 : vector<1x16xf32> to vector<16xf32>
        %swap3A_619 = vector.shape_cast %mul3A_612 : vector<16xf32> to vector<1x16xf32>
        tpu.vector_store %arg10[%swap3A_615, %swap3A_616], %swap3A_619 {strides = array<i32>} : memref<200x64xf32, #tpu.memory_space<vmem>>, vector<1x16xf32>,
        %add3A_620 = arith.constant 0 : i32
        %add3A_621 = arith.addi %add3A_589, %add3A_620 : i32
        %get3A_622 = arith.index_cast %add3A_621 : i32 to index
        %get3A_623 = arith.constant 32 : index
        %get3A_624 = tpu.vector_load %arg10[%get3A_622, %get3A_623] {strides = array<i32>} : memref<200x64xf32, #tpu.memory_space<vmem>>, vector<1x16xf32>,
        %get3A_625 = vector.shape_cast %get3A_624 : vector<1x16xf32> to vector<16xf32>
        %mul3A_626 = arith.constant 8.000000e+00 : f32
        %mul3A_627 = vector.broadcast %mul3A_626 : f32 to vector<16xf32>
        %mul3A_628 = arith.mulf %get3A_625, %mul3A_627 : vector<16xf32>
        %add3A_629 = arith.constant 0 : i32
        %add3A_630 = arith.addi %add3A_589, %add3A_629 : i32
        %swap3A_631 = arith.index_cast %add3A_630 : i32 to index
        %swap3A_632 = arith.constant 32 : index
        %swap3A_633 = tpu.vector_load %arg10[%swap3A_631, %swap3A_632] {strides = array<i32>} : memref<200x64xf32, #tpu.memory_space<vmem>>, vector<1x16xf32>,
        %swap3A_634 = vector.shape_cast %swap3A_633 : vector<1x16xf32> to vector<16xf32>
        %swap3A_635 = vector.shape_cast %mul3A_628 : vector<16xf32> to vector<1x16xf32>
        tpu.vector_store %arg10[%swap3A_631, %swap3A_632], %swap3A_635 {strides = array<i32>} : memref<200x64xf32, #tpu.memory_space<vmem>>, vector<1x16xf32>,
        %add3A_636 = arith.constant 0 : i32
        %add3A_637 = arith.addi %add3A_589, %add3A_636 : i32
        %get3A_638 = arith.index_cast %add3A_637 : i32 to index
        %get3A_639 = arith.constant 48 : index
        %get3A_640 = tpu.vector_load %arg10[%get3A_638, %get3A_639] {strides = array<i32>} : memref<200x64xf32, #tpu.memory_space<vmem>>, vector<1x16xf32>,
        %get3A_641 = vector.shape_cast %get3A_640 : vector<1x16xf32> to vector<16xf32>
        %mul3A_642 = arith.constant 8.000000e+00 : f32
        %mul3A_643 = vector.broadcast %mul3A_642 : f32 to vector<16xf32>
        %mul3A_644 = arith.mulf %get3A_641, %mul3A_643 : vector<16xf32>
        %add3A_645 = arith.constant 0 : i32
        %add3A_646 = arith.addi %add3A_589, %add3A_645 : i32
        %swap3A_647 = arith.index_cast %add3A_646 : i32 to index
        %swap3A_648 = arith.constant 48 : index
        %swap3A_649 = tpu.vector_load %arg10[%swap3A_647, %swap3A_648] {strides = array<i32>} : memref<200x64xf32, #tpu.memory_space<vmem>>, vector<1x16xf32>,
        %swap3A_650 = vector.shape_cast %swap3A_649 : vector<1x16xf32> to vector<16xf32>
        %swap3A_651 = vector.shape_cast %mul3A_644 : vector<16xf32> to vector<1x16xf32>
        tpu.vector_store %arg10[%swap3A_647, %swap3A_648], %swap3A_651 {strides = array<i32>} : memref<200x64xf32, #tpu.memory_space<vmem>>, vector<1x16xf32>,
        %add3A_652 = arith.constant 1 : i32
        %add3A_653 = arith.addi %add3A_589, %add3A_652 : i32
        %get3A_654 = arith.index_cast %add3A_653 : i32 to index
        %get3A_655 = arith.constant 0 : index
        %get3A_656 = tpu.vector_load %arg10[%get3A_654, %get3A_655] {strides = array<i32>} : memref<200x64xf32, #tpu.memory_space<vmem>>, vector<1x16xf32>,
        %get3A_657 = vector.shape_cast %get3A_656 : vector<1x16xf32> to vector<16xf32>
        %mul3A_658 = arith.constant 8.000000e+00 : f32
        %mul3A_659 = vector.broadcast %mul3A_658 : f32 to vector<16xf32>
        %mul3A_660 = arith.mulf %get3A_657, %mul3A_659 : vector<16xf32>
        %add3A_661 = arith.constant 1 : i32
        %add3A_662 = arith.addi %add3A_589, %add3A_661 : i32
        %swap3A_663 = arith.index_cast %add3A_662 : i32 to index
        %swap3A_664 = arith.constant 0 : index
        %swap3A_665 = tpu.vector_load %arg10[%swap3A_663, %swap3A_664] {strides = array<i32>} : memref<200x64xf32, #tpu.memory_space<vmem>>, vector<1x16xf32>,
        %swap3A_666 = vector.shape_cast %swap3A_665 : vector<1x16xf32> to vector<16xf32>
        %swap3A_667 = vector.shape_cast %mul3A_660 : vector<16xf32> to vector<1x16xf32>
        tpu.vector_store %arg10[%swap3A_663, %swap3A_664], %swap3A_667 {strides = array<i32>} : memref<200x64xf32, #tpu.memory_space<vmem>>, vector<1x16xf32>,
        %add3A_668 = arith.constant 1 : i32
        %add3A_669 = arith.addi %add3A_589, %add3A_668 : i32
        %get3A_670 = arith.index_cast %add3A_669 : i32 to index
        %get3A_671 = arith.constant 16 : index
        %get3A_672 = tpu.vector_load %arg10[%get3A_670, %get3A_671] {strides = array<i32>} : memref<200x64xf32, #tpu.memory_space<vmem>>, vector<1x16xf32>,
        %get3A_673 = vector.shape_cast %get3A_672 : vector<1x16xf32> to vector<16xf32>
        %mul3A_674 = arith.constant 8.000000e+00 : f32
        %mul3A_675 = vector.broadcast %mul3A_674 : f32 to vector<16xf32>
        %mul3A_676 = arith.mulf %get3A_673, %mul3A_675 : vector<16xf32>
        %add3A_677 = arith.constant 1 : i32
        %add3A_678 = arith.addi %add3A_589, %add3A_677 : i32
        %swap3A_679 = arith.index_cast %add3A_678 : i32 to index
        %swap3A_680 = arith.constant 16 : index
        %swap3A_681 = tpu.vector_load %arg10[%swap3A_679, %swap3A_680] {strides = array<i32>} : memref<200x64xf32, #tpu.memory_space<vmem>>, vector<1x16xf32>,
        %swap3A_682 = vector.shape_cast %swap3A_681 : vector<1x16xf32> to vector<16xf32>
        %swap3A_683 = vector.shape_cast %mul3A_676 : vector<16xf32> to vector<1x16xf32>
        tpu.vector_store %arg10[%swap3A_679, %swap3A_680], %swap3A_683 {strides = array<i32>} : memref<200x64xf32, #tpu.memory_space<vmem>>, vector<1x16xf32>,
        %add3A_684 = arith.constant 1 : i32
        %add3A_685 = arith.addi %add3A_589, %add3A_684 : i32
        %get3A_686 = arith.index_cast %add3A_685 : i32 to index
        %get3A_687 = arith.constant 32 : index
        %get3A_688 = tpu.vector_load %arg10[%get3A_686, %get3A_687] {strides = array<i32>} : memref<200x64xf32, #tpu.memory_space<vmem>>, vector<1x16xf32>,
        %get3A_689 = vector.shape_cast %get3A_688 : vector<1x16xf32> to vector<16xf32>
        %mul3A_690 = arith.constant 8.000000e+00 : f32
        %mul3A_691 = vector.broadcast %mul3A_690 : f32 to vector<16xf32>
        %mul3A_692 = arith.mulf %get3A_689, %mul3A_691 : vector<16xf32>
        %add3A_693 = arith.constant 1 : i32
        %add3A_694 = arith.addi %add3A_589, %add3A_693 : i32
        %swap3A_695 = arith.index_cast %add3A_694 : i32 to index
        %swap3A_696 = arith.constant 32 : index
        %swap3A_697 = tpu.vector_load %arg10[%swap3A_695, %swap3A_696] {strides = array<i32>} : memref<200x64xf32, #tpu.memory_space<vmem>>, vector<1x16xf32>,
        %swap3A_698 = vector.shape_cast %swap3A_697 : vector<1x16xf32> to vector<16xf32>
        %swap3A_699 = vector.shape_cast %mul3A_692 : vector<16xf32> to vector<1x16xf32>
        tpu.vector_store %arg10[%swap3A_695, %swap3A_696], %swap3A_699 {strides = array<i32>} : memref<200x64xf32, #tpu.memory_space<vmem>>, vector<1x16xf32>,
        %add3A_700 = arith.constant 1 : i32
        %add3A_701 = arith.addi %add3A_589, %add3A_700 : i32
        %get3A_702 = arith.index_cast %add3A_701 : i32 to index
        %get3A_703 = arith.constant 48 : index
        %get3A_704 = tpu.vector_load %arg10[%get3A_702, %get3A_703] {strides = array<i32>} : memref<200x64xf32, #tpu.memory_space<vmem>>, vector<1x16xf32>,
        %get3A_705 = vector.shape_cast %get3A_704 : vector<1x16xf32> to vector<16xf32>
        %mul3A_706 = arith.constant 8.000000e+00 : f32
        %mul3A_707 = vector.broadcast %mul3A_706 : f32 to vector<16xf32>
        %mul3A_708 = arith.mulf %get3A_705, %mul3A_707 : vector<16xf32>
        %add3A_709 = arith.constant 1 : i32
        %add3A_710 = arith.addi %add3A_589, %add3A_709 : i32
        %swap3A_711 = arith.index_cast %add3A_710 : i32 to index
        %swap3A_712 = arith.constant 48 : index
        %swap3A_713 = tpu.vector_load %arg10[%swap3A_711, %swap3A_712] {strides = array<i32>} : memref<200x64xf32, #tpu.memory_space<vmem>>, vector<1x16xf32>,
        %swap3A_714 = vector.shape_cast %swap3A_713 : vector<1x16xf32> to vector<16xf32>
        %swap3A_715 = vector.shape_cast %mul3A_708 : vector<16xf32> to vector<1x16xf32>
        tpu.vector_store %arg10[%swap3A_711, %swap3A_712], %swap3A_715 {strides = array<i32>} : memref<200x64xf32, #tpu.memory_space<vmem>>, vector<1x16xf32>,
        %add3A_716 = arith.constant 2 : i32
        %add3A_717 = arith.addi %add3A_589, %add3A_716 : i32
        %get3A_718 = arith.index_cast %add3A_717 : i32 to index
        %get3A_719 = arith.constant 0 : index
        %get3A_720 = tpu.vector_load %arg10[%get3A_718, %get3A_719] {strides = array<i32>} : memref<200x64xf32, #tpu.memory_space<vmem>>, vector<1x16xf32>,
        %get3A_721 = vector.shape_cast %get3A_720 : vector<1x16xf32> to vector<16xf32>
        %mul3A_722 = arith.constant 8.000000e+00 : f32
        %mul3A_723 = vector.broadcast %mul3A_722 : f32 to vector<16xf32>
        %mul3A_724 = arith.mulf %get3A_721, %mul3A_723 : vector<16xf32>
        %add3A_725 = arith.constant 2 : i32
        %add3A_726 = arith.addi %add3A_589, %add3A_725 : i32
        %swap3A_727 = arith.index_cast %add3A_726 : i32 to index
        %swap3A_728 = arith.constant 0 : index
        %swap3A_729 = tpu.vector_load %arg10[%swap3A_727, %swap3A_728] {strides = array<i32>} : memref<200x64xf32, #tpu.memory_space<vmem>>, vector<1x16xf32>,
        %swap3A_730 = vector.shape_cast %swap3A_729 : vector<1x16xf32> to vector<16xf32>
        %swap3A_731 = vector.shape_cast %mul3A_724 : vector<16xf32> to vector<1x16xf32>
        tpu.vector_store %arg10[%swap3A_727, %swap3A_728], %swap3A_731 {strides = array<i32>} : memref<200x64xf32, #tpu.memory_space<vmem>>, vector<1x16xf32>,
        %add3A_732 = arith.constant 2 : i32
        %add3A_733 = arith.addi %add3A_589, %add3A_732 : i32
        %get3A_734 = arith.index_cast %add3A_733 : i32 to index
        %get3A_735 = arith.constant 16 : index
        %get3A_736 = tpu.vector_load %arg10[%get3A_734, %get3A_735] {strides = array<i32>} : memref<200x64xf32, #tpu.memory_space<vmem>>, vector<1x16xf32>,
        %get3A_737 = vector.shape_cast %get3A_736 : vector<1x16xf32> to vector<16xf32>
        %mul3A_738 = arith.constant 8.000000e+00 : f32
        %mul3A_739 = vector.broadcast %mul3A_738 : f32 to vector<16xf32>
        %mul3A_740 = arith.mulf %get3A_737, %mul3A_739 : vector<16xf32>
        %add3A_741 = arith.constant 2 : i32
        %add3A_742 = arith.addi %add3A_589, %add3A_741 : i32
        %swap3A_743 = arith.index_cast %add3A_742 : i32 to index
        %swap3A_744 = arith.constant 16 : index
        %swap3A_745 = tpu.vector_load %arg10[%swap3A_743, %swap3A_744] {strides = array<i32>} : memref<200x64xf32, #tpu.memory_space<vmem>>, vector<1x16xf32>,
        %swap3A_746 = vector.shape_cast %swap3A_745 : vector<1x16xf32> to vector<16xf32>
        %swap3A_747 = vector.shape_cast %mul3A_740 : vector<16xf32> to vector<1x16xf32>
        tpu.vector_store %arg10[%swap3A_743, %swap3A_744], %swap3A_747 {strides = array<i32>} : memref<200x64xf32, #tpu.memory_space<vmem>>, vector<1x16xf32>,
        %add3A_748 = arith.constant 2 : i32
        %add3A_749 = arith.addi %add3A_589, %add3A_748 : i32
        %get3A_750 = arith.index_cast %add3A_749 : i32 to index
        %get3A_751 = arith.constant 32 : index
        %get3A_752 = tpu.vector_load %arg10[%get3A_750, %get3A_751] {strides = array<i32>} : memref<200x64xf32, #tpu.memory_space<vmem>>, vector<1x16xf32>,
        %get3A_753 = vector.shape_cast %get3A_752 : vector<1x16xf32> to vector<16xf32>
        %mul3A_754 = arith.constant 8.000000e+00 : f32
        %mul3A_755 = vector.broadcast %mul3A_754 : f32 to vector<16xf32>
        %mul3A_756 = arith.mulf %get3A_753, %mul3A_755 : vector<16xf32>
        %add3A_757 = arith.constant 2 : i32
        %add3A_758 = arith.addi %add3A_589, %add3A_757 : i32
        %swap3A_759 = arith.index_cast %add3A_758 : i32 to index
        %swap3A_760 = arith.constant 32 : index
        %swap3A_761 = tpu.vector_load %arg10[%swap3A_759, %swap3A_760] {strides = array<i32>} : memref<200x64xf32, #tpu.memory_space<vmem>>, vector<1x16xf32>,
        %swap3A_762 = vector.shape_cast %swap3A_761 : vector<1x16xf32> to vector<16xf32>
        %swap3A_763 = vector.shape_cast %mul3A_756 : vector<16xf32> to vector<1x16xf32>
        tpu.vector_store %arg10[%swap3A_759, %swap3A_760], %swap3A_763 {strides = array<i32>} : memref<200x64xf32, #tpu.memory_space<vmem>>, vector<1x16xf32>,
        %add3A_764 = arith.constant 2 : i32
        %add3A_765 = arith.addi %add3A_589, %add3A_764 : i32
        %get3A_766 = arith.index_cast %add3A_765 : i32 to index
        %get3A_767 = arith.constant 48 : index
        %get3A_768 = tpu.vector_load %arg10[%get3A_766, %get3A_767] {strides = array<i32>} : memref<200x64xf32, #tpu.memory_space<vmem>>, vector<1x16xf32>,
        %get3A_769 = vector.shape_cast %get3A_768 : vector<1x16xf32> to vector<16xf32>
        %mul3A_770 = arith.constant 8.000000e+00 : f32
        %mul3A_771 = vector.broadcast %mul3A_770 : f32 to vector<16xf32>
        %mul3A_772 = arith.mulf %get3A_769, %mul3A_771 : vector<16xf32>
        %add3A_773 = arith.constant 2 : i32
        %add3A_774 = arith.addi %add3A_589, %add3A_773 : i32
        %swap3A_775 = arith.index_cast %add3A_774 : i32 to index
        %swap3A_776 = arith.constant 48 : index
        %swap3A_777 = tpu.vector_load %arg10[%swap3A_775, %swap3A_776] {strides = array<i32>} : memref<200x64xf32, #tpu.memory_space<vmem>>, vector<1x16xf32>,
        %swap3A_778 = vector.shape_cast %swap3A_777 : vector<1x16xf32> to vector<16xf32>
        %swap3A_779 = vector.shape_cast %mul3A_772 : vector<16xf32> to vector<1x16xf32>
        tpu.vector_store %arg10[%swap3A_775, %swap3A_776], %swap3A_779 {strides = array<i32>} : memref<200x64xf32, #tpu.memory_space<vmem>>, vector<1x16xf32>,
        %add3A_780 = arith.constant 3 : i32
        %add3A_781 = arith.addi %add3A_589, %add3A_780 : i32
        %get3A_782 = arith.index_cast %add3A_781 : i32 to index
        %get3A_783 = arith.constant 0 : index
        %get3A_784 = tpu.vector_load %arg10[%get3A_782, %get3A_783] {strides = array<i32>} : memref<200x64xf32, #tpu.memory_space<vmem>>, vector<1x16xf32>,
        %get3A_785 = vector.shape_cast %get3A_784 : vector<1x16xf32> to vector<16xf32>
        %mul3A_786 = arith.constant 8.000000e+00 : f32
        %mul3A_787 = vector.broadcast %mul3A_786 : f32 to vector<16xf32>
        %mul3A_788 = arith.mulf %get3A_785, %mul3A_787 : vector<16xf32>
        %add3A_789 = arith.constant 3 : i32
        %add3A_790 = arith.addi %add3A_589, %add3A_789 : i32
        %swap3A_791 = arith.index_cast %add3A_790 : i32 to index
        %swap3A_792 = arith.constant 0 : index
        %swap3A_793 = tpu.vector_load %arg10[%swap3A_791, %swap3A_792] {strides = array<i32>} : memref<200x64xf32, #tpu.memory_space<vmem>>, vector<1x16xf32>,
        %swap3A_794 = vector.shape_cast %swap3A_793 : vector<1x16xf32> to vector<16xf32>
        %swap3A_795 = vector.shape_cast %mul3A_788 : vector<16xf32> to vector<1x16xf32>
        tpu.vector_store %arg10[%swap3A_791, %swap3A_792], %swap3A_795 {strides = array<i32>} : memref<200x64xf32, #tpu.memory_space<vmem>>, vector<1x16xf32>,
        %add3A_796 = arith.constant 3 : i32
        %add3A_797 = arith.addi %add3A_589, %add3A_796 : i32
        %get3A_798 = arith.index_cast %add3A_797 : i32 to index
        %get3A_799 = arith.constant 16 : index
        %get3A_800 = tpu.vector_load %arg10[%get3A_798, %get3A_799] {strides = array<i32>} : memref<200x64xf32, #tpu.memory_space<vmem>>, vector<1x16xf32>,
        %get3A_801 = vector.shape_cast %get3A_800 : vector<1x16xf32> to vector<16xf32>
        %mul3A_802 = arith.constant 8.000000e+00 : f32
        %mul3A_803 = vector.broadcast %mul3A_802 : f32 to vector<16xf32>
        %mul3A_804 = arith.mulf %get3A_801, %mul3A_803 : vector<16xf32>
        %add3A_805 = arith.constant 3 : i32
        %add3A_806 = arith.addi %add3A_589, %add3A_805 : i32
        %swap3A_807 = arith.index_cast %add3A_806 : i32 to index
        %swap3A_808 = arith.constant 16 : index
        %swap3A_809 = tpu.vector_load %arg10[%swap3A_807, %swap3A_808] {strides = array<i32>} : memref<200x64xf32, #tpu.memory_space<vmem>>, vector<1x16xf32>,
        %swap3A_810 = vector.shape_cast %swap3A_809 : vector<1x16xf32> to vector<16xf32>
        %swap3A_811 = vector.shape_cast %mul3A_804 : vector<16xf32> to vector<1x16xf32>
        tpu.vector_store %arg10[%swap3A_807, %swap3A_808], %swap3A_811 {strides = array<i32>} : memref<200x64xf32, #tpu.memory_space<vmem>>, vector<1x16xf32>,
        %add3A_812 = arith.constant 3 : i32
        %add3A_813 = arith.addi %add3A_589, %add3A_812 : i32
        %get3A_814 = arith.index_cast %add3A_813 : i32 to index
        %get3A_815 = arith.constant 32 : index
        %get3A_816 = tpu.vector_load %arg10[%get3A_814, %get3A_815] {strides = array<i32>} : memref<200x64xf32, #tpu.memory_space<vmem>>, vector<1x16xf32>,
        %get3A_817 = vector.shape_cast %get3A_816 : vector<1x16xf32> to vector<16xf32>
        %mul3A_818 = arith.constant 8.000000e+00 : f32
        %mul3A_819 = vector.broadcast %mul3A_818 : f32 to vector<16xf32>
        %mul3A_820 = arith.mulf %get3A_817, %mul3A_819 : vector<16xf32>
        %add3A_821 = arith.constant 3 : i32
        %add3A_822 = arith.addi %add3A_589, %add3A_821 : i32
        %swap3A_823 = arith.index_cast %add3A_822 : i32 to index
        %swap3A_824 = arith.constant 32 : index
        %swap3A_825 = tpu.vector_load %arg10[%swap3A_823, %swap3A_824] {strides = array<i32>} : memref<200x64xf32, #tpu.memory_space<vmem>>, vector<1x16xf32>,
        %swap3A_826 = vector.shape_cast %swap3A_825 : vector<1x16xf32> to vector<16xf32>
        %swap3A_827 = vector.shape_cast %mul3A_820 : vector<16xf32> to vector<1x16xf32>
        tpu.vector_store %arg10[%swap3A_823, %swap3A_824], %swap3A_827 {strides = array<i32>} : memref<200x64xf32, #tpu.memory_space<vmem>>, vector<1x16xf32>,
        %add3A_828 = arith.constant 3 : i32
        %add3A_829 = arith.addi %add3A_589, %add3A_828 : i32
        %get3A_830 = arith.index_cast %add3A_829 : i32 to index
        %get3A_831 = arith.constant 48 : index
        %get3A_832 = tpu.vector_load %arg10[%get3A_830, %get3A_831] {strides = array<i32>} : memref<200x64xf32, #tpu.memory_space<vmem>>, vector<1x16xf32>,
        %get3A_833 = vector.shape_cast %get3A_832 : vector<1x16xf32> to vector<16xf32>
        %mul3A_834 = arith.constant 8.000000e+00 : f32
        %mul3A_835 = vector.broadcast %mul3A_834 : f32 to vector<16xf32>
        %mul3A_836 = arith.mulf %get3A_833, %mul3A_835 : vector<16xf32>
        %add3A_837 = arith.constant 3 : i32
        %add3A_838 = arith.addi %add3A_589, %add3A_837 : i32
        %swap3A_839 = arith.index_cast %add3A_838 : i32 to index
        %swap3A_840 = arith.constant 48 : index
        %swap3A_841 = tpu.vector_load %arg10[%swap3A_839, %swap3A_840] {strides = array<i32>} : memref<200x64xf32, #tpu.memory_space<vmem>>, vector<1x16xf32>,
        %swap3A_842 = vector.shape_cast %swap3A_841 : vector<1x16xf32> to vector<16xf32>
        %swap3A_843 = vector.shape_cast %mul3A_836 : vector<16xf32> to vector<1x16xf32>
        tpu.vector_store %arg10[%swap3A_839, %swap3A_840], %swap3A_843 {strides = array<i32>} : memref<200x64xf32, #tpu.memory_space<vmem>>, vector<1x16xf32>,
      }
      %scan3A_302 = arith.constant 50 : i32
      %add3A_303 = arith.addi %mul3A_2, %add3A_291 : i32
      %mul3A_304 = arith.constant 200 : i32
      %mul3A_305 = arith.muli %add3A_303, %mul3A_304 : i32
      %dma_start3A_306 = arith.constant 0 : i32
      %dma_start3A_307 = tpu.memref_slice %arg4[%mul3A_305, %dma_start3A_306] : memref<819200x64xf32, #tpu.memory_space<hbm>> -> memref<200x64xf32, #tpu.memory_space<hbm>>
      %dma_start3A_308 = arith.constant 0 : i32
      %dma_start3A_309 = tpu.memref_slice %arg4[%mul3A_305, %dma_start3A_308] : memref<819200x64xf32, #tpu.memory_space<hbm>> -> memref<200x64xf32, #tpu.memory_space<hbm>>
      tpu.enqueue_dma source(%arg10 : memref<200x64xf32, #tpu.memory_space<vmem>>) target(%dma_start3A_309 : memref<200x64xf32, #tpu.memory_space<hbm>>) target_semaphore(%arg26 : memref<!tpu.dma_semaphore, #tpu.memory_space<semaphore_mem>>)
      %sub3A = arith.constant 4 : i32
      %sub3A_310 = arith.subi %add3A_291, %sub3A : i32
      %add3A_311 = arith.addi %mul3A_2, %sub3A_310 : i32
      %mul3A_312 = arith.constant 200 : i32
      %mul3A_313 = arith.muli %add3A_311, %mul3A_312 : i32
      %dma_wait3A_314 = arith.constant 0 : i32
      %dma_wait3A_315 = tpu.memref_slice %arg4[%mul3A_313, %dma_wait3A_314] : memref<819200x64xf32, #tpu.memory_space<hbm>> -> memref<200x64xf32, #tpu.memory_space<hbm>>
      %dma_wait3A_316 = arith.constant 0 : i32
      %dma_wait3A_317 = tpu.memref_slice %arg4[%mul3A_313, %dma_wait3A_316] : memref<819200x64xf32, #tpu.memory_space<hbm>> -> memref<200x64xf32, #tpu.memory_space<hbm>>
      tpu.wait_dma2 semaphore(%arg22 : memref<!tpu.dma_semaphore, #tpu.memory_space<semaphore_mem>>) src(%arg6 : memref<200x64xf32, #tpu.memory_space<vmem>>) dst(%dma_wait3A_317 : memref<200x64xf32, #tpu.memory_space<hbm>>)
      %add3A_318 = arith.constant 4 : i32
      %add3A_319 = arith.addi %add3A_291, %add3A_318 : i32
      %dma_start3A_320 = arith.constant 0 : i32
      %dma_start3A_321 = tpu.memref_slice %arg5[%add3A_319, %dma_start3A_320] : memref<128x200xi32, #tpu.memory_space<vmem>> -> memref<1x200xi32, #tpu.memory_space<vmem>>
      %dma_start3A_322 = tpu.memref_squeeze %dma_start3A_321 : memref<1x200xi32, #tpu.memory_space<vmem>> -> memref<200xi32, #tpu.memory_space<vmem>>
      %dma_start3A_323 = arith.constant 0 : i32
      %dma_start3A_324 = arith.constant 0 : i32
      %dma_start3A_325 = tpu.memref_slice %arg2[%dma_start3A_323, %dma_start3A_324] : memref<1000000x64xf32, #tpu.memory_space<hbm>> -> memref<1000000x64xf32, #tpu.memory_space<hbm>>
      tpu.enqueue_indirect_dma source(%dma_start3A_325 : memref<1000000x64xf32, #tpu.memory_space<hbm>>) target(%arg6 : memref<200x64xf32, #tpu.memory_space<vmem>>) offsets(%dma_start3A_322 : memref<200xi32, #tpu.memory_space<vmem>>) semaphore(%arg14 : memref<!tpu.dma_semaphore, #tpu.memory_space<semaphore_mem>>)
      %add3A_326 = arith.constant 1 : i32
      %add3A_327 = arith.addi %add3A_289, %add3A_326 : i32
      %dma_wait3A_328 = arith.constant 0 : i32
      %dma_wait3A_329 = tpu.memref_slice %arg5[%add3A_327, %dma_wait3A_328] : memref<128x200xi32, #tpu.memory_space<vmem>> -> memref<1x200xi32, #tpu.memory_space<vmem>>
      %dma_wait3A_330 = tpu.memref_squeeze %dma_wait3A_329 : memref<1x200xi32, #tpu.memory_space<vmem>> -> memref<200xi32, #tpu.memory_space<vmem>>
      %dma_wait3A_331 = arith.constant 0 : i32
      %dma_wait3A_332 = arith.constant 0 : i32
      %dma_wait3A_333 = tpu.memref_slice %arg2[%dma_wait3A_331, %dma_wait3A_332] : memref<1000000x64xf32, #tpu.memory_space<hbm>> -> memref<1000000x64xf32, #tpu.memory_space<hbm>>
      tpu.wait_indirect_dma semaphore(%arg19 : memref<!tpu.dma_semaphore, #tpu.memory_space<semaphore_mem>>) src(%dma_wait3A_333 : memref<1000000x64xf32, #tpu.memory_space<hbm>>) dst(%arg11 : memref<200x64xf32, #tpu.memory_space<vmem>>)
      %scan3A_334 = arith.constant 0 : i32
      %scan3A_335 = arith.constant 50 : i32
      %scan3A_336 = arith.addi %scan3A_334, %scan3A_335 : i32
      %scan3A_337 = arith.constant 1 : i32
      scf.for %scan3A_585 = %scan3A_334 to %scan3A_336 step %scan3A_337  : i32 {
        %mul3A_586 = arith.constant 4 : i32
        %mul3A_587 = arith.muli %scan3A_585, %mul3A_586 : i32
        %add3A_588 = arith.constant 0 : i32
        %add3A_589 = arith.addi %add3A_588, %mul3A_587 : i32
        %add3A_590 = arith.constant 0 : i32
        %add3A_591 = arith.addi %add3A_589, %add3A_590 : i32
        %get3A = arith.index_cast %add3A_591 : i32 to index
        %get3A_592 = arith.constant 0 : index
        %get3A_593 = tpu.vector_load %arg11[%get3A, %get3A_592] {strides = array<i32>} : memref<200x64xf32, #tpu.memory_space<vmem>>, vector<1x16xf32>,
        %get3A_594 = vector.shape_cast %get3A_593 : vector<1x16xf32> to vector<16xf32>
        %mul3A_595 = arith.constant 8.000000e+00 : f32
        %mul3A_596 = vector.broadcast %mul3A_595 : f32 to vector<16xf32>
        %mul3A_597 = arith.mulf %get3A_594, %mul3A_596 : vector<16xf32>
        %add3A_598 = arith.constant 0 : i32
        %add3A_599 = arith.addi %add3A_589, %add3A_598 : i32
        %swap3A = arith.index_cast %add3A_599 : i32 to index
        %swap3A_600 = arith.constant 0 : index
        %swap3A_601 = tpu.vector_load %arg11[%swap3A, %swap3A_600] {strides = array<i32>} : memref<200x64xf32, #tpu.memory_space<vmem>>, vector<1x16xf32>,
        %swap3A_602 = vector.shape_cast %swap3A_601 : vector<1x16xf32> to vector<16xf32>
        %swap3A_603 = vector.shape_cast %mul3A_597 : vector<16xf32> to vector<1x16xf32>
        tpu.vector_store %arg11[%swap3A, %swap3A_600], %swap3A_603 {strides = array<i32>} : memref<200x64xf32, #tpu.memory_space<vmem>>, vector<1x16xf32>,
        %add3A_604 = arith.constant 0 : i32
        %add3A_605 = arith.addi %add3A_589, %add3A_604 : i32
        %get3A_606 = arith.index_cast %add3A_605 : i32 to index
        %get3A_607 = arith.constant 16 : index
        %get3A_608 = tpu.vector_load %arg11[%get3A_606, %get3A_607] {strides = array<i32>} : memref<200x64xf32, #tpu.memory_space<vmem>>, vector<1x16xf32>,
        %get3A_609 = vector.shape_cast %get3A_608 : vector<1x16xf32> to vector<16xf32>
        %mul3A_610 = arith.constant 8.000000e+00 : f32
        %mul3A_611 = vector.broadcast %mul3A_610 : f32 to vector<16xf32>
        %mul3A_612 = arith.mulf %get3A_609, %mul3A_611 : vector<16xf32>
        %add3A_613 = arith.constant 0 : i32
        %add3A_614 = arith.addi %add3A_589, %add3A_613 : i32
        %swap3A_615 = arith.index_cast %add3A_614 : i32 to index
        %swap3A_616 = arith.constant 16 : index
        %swap3A_617 = tpu.vector_load %arg11[%swap3A_615, %swap3A_616] {strides = array<i32>} : memref<200x64xf32, #tpu.memory_space<vmem>>, vector<1x16xf32>,
        %swap3A_618 = vector.shape_cast %swap3A_617 : vector<1x16xf32> to vector<16xf32>
        %swap3A_619 = vector.shape_cast %mul3A_612 : vector<16xf32> to vector<1x16xf32>
        tpu.vector_store %arg11[%swap3A_615, %swap3A_616], %swap3A_619 {strides = array<i32>} : memref<200x64xf32, #tpu.memory_space<vmem>>, vector<1x16xf32>,
        %add3A_620 = arith.constant 0 : i32
        %add3A_621 = arith.addi %add3A_589, %add3A_620 : i32
        %get3A_622 = arith.index_cast %add3A_621 : i32 to index
        %get3A_623 = arith.constant 32 : index
        %get3A_624 = tpu.vector_load %arg11[%get3A_622, %get3A_623] {strides = array<i32>} : memref<200x64xf32, #tpu.memory_space<vmem>>, vector<1x16xf32>,
        %get3A_625 = vector.shape_cast %get3A_624 : vector<1x16xf32> to vector<16xf32>
        %mul3A_626 = arith.constant 8.000000e+00 : f32
        %mul3A_627 = vector.broadcast %mul3A_626 : f32 to vector<16xf32>
        %mul3A_628 = arith.mulf %get3A_625, %mul3A_627 : vector<16xf32>
        %add3A_629 = arith.constant 0 : i32
        %add3A_630 = arith.addi %add3A_589, %add3A_629 : i32
        %swap3A_631 = arith.index_cast %add3A_630 : i32 to index
        %swap3A_632 = arith.constant 32 : index
        %swap3A_633 = tpu.vector_load %arg11[%swap3A_631, %swap3A_632] {strides = array<i32>} : memref<200x64xf32, #tpu.memory_space<vmem>>, vector<1x16xf32>,
        %swap3A_634 = vector.shape_cast %swap3A_633 : vector<1x16xf32> to vector<16xf32>
        %swap3A_635 = vector.shape_cast %mul3A_628 : vector<16xf32> to vector<1x16xf32>
        tpu.vector_store %arg11[%swap3A_631, %swap3A_632], %swap3A_635 {strides = array<i32>} : memref<200x64xf32, #tpu.memory_space<vmem>>, vector<1x16xf32>,
        %add3A_636 = arith.constant 0 : i32
        %add3A_637 = arith.addi %add3A_589, %add3A_636 : i32
        %get3A_638 = arith.index_cast %add3A_637 : i32 to index
        %get3A_639 = arith.constant 48 : index
        %get3A_640 = tpu.vector_load %arg11[%get3A_638, %get3A_639] {strides = array<i32>} : memref<200x64xf32, #tpu.memory_space<vmem>>, vector<1x16xf32>,
        %get3A_641 = vector.shape_cast %get3A_640 : vector<1x16xf32> to vector<16xf32>
        %mul3A_642 = arith.constant 8.000000e+00 : f32
        %mul3A_643 = vector.broadcast %mul3A_642 : f32 to vector<16xf32>
        %mul3A_644 = arith.mulf %get3A_641, %mul3A_643 : vector<16xf32>
        %add3A_645 = arith.constant 0 : i32
        %add3A_646 = arith.addi %add3A_589, %add3A_645 : i32
        %swap3A_647 = arith.index_cast %add3A_646 : i32 to index
        %swap3A_648 = arith.constant 48 : index
        %swap3A_649 = tpu.vector_load %arg11[%swap3A_647, %swap3A_648] {strides = array<i32>} : memref<200x64xf32, #tpu.memory_space<vmem>>, vector<1x16xf32>,
        %swap3A_650 = vector.shape_cast %swap3A_649 : vector<1x16xf32> to vector<16xf32>
        %swap3A_651 = vector.shape_cast %mul3A_644 : vector<16xf32> to vector<1x16xf32>
        tpu.vector_store %arg11[%swap3A_647, %swap3A_648], %swap3A_651 {strides = array<i32>} : memref<200x64xf32, #tpu.memory_space<vmem>>, vector<1x16xf32>,
        %add3A_652 = arith.constant 1 : i32
        %add3A_653 = arith.addi %add3A_589, %add3A_652 : i32
        %get3A_654 = arith.index_cast %add3A_653 : i32 to index
        %get3A_655 = arith.constant 0 : index
        %get3A_656 = tpu.vector_load %arg11[%get3A_654, %get3A_655] {strides = array<i32>} : memref<200x64xf32, #tpu.memory_space<vmem>>, vector<1x16xf32>,
        %get3A_657 = vector.shape_cast %get3A_656 : vector<1x16xf32> to vector<16xf32>
        %mul3A_658 = arith.constant 8.000000e+00 : f32
        %mul3A_659 = vector.broadcast %mul3A_658 : f32 to vector<16xf32>
        %mul3A_660 = arith.mulf %get3A_657, %mul3A_659 : vector<16xf32>
        %add3A_661 = arith.constant 1 : i32
        %add3A_662 = arith.addi %add3A_589, %add3A_661 : i32
        %swap3A_663 = arith.index_cast %add3A_662 : i32 to index
        %swap3A_664 = arith.constant 0 : index
        %swap3A_665 = tpu.vector_load %arg11[%swap3A_663, %swap3A_664] {strides = array<i32>} : memref<200x64xf32, #tpu.memory_space<vmem>>, vector<1x16xf32>,
        %swap3A_666 = vector.shape_cast %swap3A_665 : vector<1x16xf32> to vector<16xf32>
        %swap3A_667 = vector.shape_cast %mul3A_660 : vector<16xf32> to vector<1x16xf32>
        tpu.vector_store %arg11[%swap3A_663, %swap3A_664], %swap3A_667 {strides = array<i32>} : memref<200x64xf32, #tpu.memory_space<vmem>>, vector<1x16xf32>,
        %add3A_668 = arith.constant 1 : i32
        %add3A_669 = arith.addi %add3A_589, %add3A_668 : i32
        %get3A_670 = arith.index_cast %add3A_669 : i32 to index
        %get3A_671 = arith.constant 16 : index
        %get3A_672 = tpu.vector_load %arg11[%get3A_670, %get3A_671] {strides = array<i32>} : memref<200x64xf32, #tpu.memory_space<vmem>>, vector<1x16xf32>,
        %get3A_673 = vector.shape_cast %get3A_672 : vector<1x16xf32> to vector<16xf32>
        %mul3A_674 = arith.constant 8.000000e+00 : f32
        %mul3A_675 = vector.broadcast %mul3A_674 : f32 to vector<16xf32>
        %mul3A_676 = arith.mulf %get3A_673, %mul3A_675 : vector<16xf32>
        %add3A_677 = arith.constant 1 : i32
        %add3A_678 = arith.addi %add3A_589, %add3A_677 : i32
        %swap3A_679 = arith.index_cast %add3A_678 : i32 to index
        %swap3A_680 = arith.constant 16 : index
        %swap3A_681 = tpu.vector_load %arg11[%swap3A_679, %swap3A_680] {strides = array<i32>} : memref<200x64xf32, #tpu.memory_space<vmem>>, vector<1x16xf32>,
        %swap3A_682 = vector.shape_cast %swap3A_681 : vector<1x16xf32> to vector<16xf32>
        %swap3A_683 = vector.shape_cast %mul3A_676 : vector<16xf32> to vector<1x16xf32>
        tpu.vector_store %arg11[%swap3A_679, %swap3A_680], %swap3A_683 {strides = array<i32>} : memref<200x64xf32, #tpu.memory_space<vmem>>, vector<1x16xf32>,
        %add3A_684 = arith.constant 1 : i32
        %add3A_685 = arith.addi %add3A_589, %add3A_684 : i32
        %get3A_686 = arith.index_cast %add3A_685 : i32 to index
        %get3A_687 = arith.constant 32 : index
        %get3A_688 = tpu.vector_load %arg11[%get3A_686, %get3A_687] {strides = array<i32>} : memref<200x64xf32, #tpu.memory_space<vmem>>, vector<1x16xf32>,
        %get3A_689 = vector.shape_cast %get3A_688 : vector<1x16xf32> to vector<16xf32>
        %mul3A_690 = arith.constant 8.000000e+00 : f32
        %mul3A_691 = vector.broadcast %mul3A_690 : f32 to vector<16xf32>
        %mul3A_692 = arith.mulf %get3A_689, %mul3A_691 : vector<16xf32>
        %add3A_693 = arith.constant 1 : i32
        %add3A_694 = arith.addi %add3A_589, %add3A_693 : i32
        %swap3A_695 = arith.index_cast %add3A_694 : i32 to index
        %swap3A_696 = arith.constant 32 : index
        %swap3A_697 = tpu.vector_load %arg11[%swap3A_695, %swap3A_696] {strides = array<i32>} : memref<200x64xf32, #tpu.memory_space<vmem>>, vector<1x16xf32>,
        %swap3A_698 = vector.shape_cast %swap3A_697 : vector<1x16xf32> to vector<16xf32>
        %swap3A_699 = vector.shape_cast %mul3A_692 : vector<16xf32> to vector<1x16xf32>
        tpu.vector_store %arg11[%swap3A_695, %swap3A_696], %swap3A_699 {strides = array<i32>} : memref<200x64xf32, #tpu.memory_space<vmem>>, vector<1x16xf32>,
        %add3A_700 = arith.constant 1 : i32
        %add3A_701 = arith.addi %add3A_589, %add3A_700 : i32
        %get3A_702 = arith.index_cast %add3A_701 : i32 to index
        %get3A_703 = arith.constant 48 : index
        %get3A_704 = tpu.vector_load %arg11[%get3A_702, %get3A_703] {strides = array<i32>} : memref<200x64xf32, #tpu.memory_space<vmem>>, vector<1x16xf32>,
        %get3A_705 = vector.shape_cast %get3A_704 : vector<1x16xf32> to vector<16xf32>
        %mul3A_706 = arith.constant 8.000000e+00 : f32
        %mul3A_707 = vector.broadcast %mul3A_706 : f32 to vector<16xf32>
        %mul3A_708 = arith.mulf %get3A_705, %mul3A_707 : vector<16xf32>
        %add3A_709 = arith.constant 1 : i32
        %add3A_710 = arith.addi %add3A_589, %add3A_709 : i32
        %swap3A_711 = arith.index_cast %add3A_710 : i32 to index
        %swap3A_712 = arith.constant 48 : index
        %swap3A_713 = tpu.vector_load %arg11[%swap3A_711, %swap3A_712] {strides = array<i32>} : memref<200x64xf32, #tpu.memory_space<vmem>>, vector<1x16xf32>,
        %swap3A_714 = vector.shape_cast %swap3A_713 : vector<1x16xf32> to vector<16xf32>
        %swap3A_715 = vector.shape_cast %mul3A_708 : vector<16xf32> to vector<1x16xf32>
        tpu.vector_store %arg11[%swap3A_711, %swap3A_712], %swap3A_715 {strides = array<i32>} : memref<200x64xf32, #tpu.memory_space<vmem>>, vector<1x16xf32>,
        %add3A_716 = arith.constant 2 : i32
        %add3A_717 = arith.addi %add3A_589, %add3A_716 : i32
        %get3A_718 = arith.index_cast %add3A_717 : i32 to index
        %get3A_719 = arith.constant 0 : index
        %get3A_720 = tpu.vector_load %arg11[%get3A_718, %get3A_719] {strides = array<i32>} : memref<200x64xf32, #tpu.memory_space<vmem>>, vector<1x16xf32>,
        %get3A_721 = vector.shape_cast %get3A_720 : vector<1x16xf32> to vector<16xf32>
        %mul3A_722 = arith.constant 8.000000e+00 : f32
        %mul3A_723 = vector.broadcast %mul3A_722 : f32 to vector<16xf32>
        %mul3A_724 = arith.mulf %get3A_721, %mul3A_723 : vector<16xf32>
        %add3A_725 = arith.constant 2 : i32
        %add3A_726 = arith.addi %add3A_589, %add3A_725 : i32
        %swap3A_727 = arith.index_cast %add3A_726 : i32 to index
        %swap3A_728 = arith.constant 0 : index
        %swap3A_729 = tpu.vector_load %arg11[%swap3A_727, %swap3A_728] {strides = array<i32>} : memref<200x64xf32, #tpu.memory_space<vmem>>, vector<1x16xf32>,
        %swap3A_730 = vector.shape_cast %swap3A_729 : vector<1x16xf32> to vector<16xf32>
        %swap3A_731 = vector.shape_cast %mul3A_724 : vector<16xf32> to vector<1x16xf32>
        tpu.vector_store %arg11[%swap3A_727, %swap3A_728], %swap3A_731 {strides = array<i32>} : memref<200x64xf32, #tpu.memory_space<vmem>>, vector<1x16xf32>,
        %add3A_732 = arith.constant 2 : i32
        %add3A_733 = arith.addi %add3A_589, %add3A_732 : i32
        %get3A_734 = arith.index_cast %add3A_733 : i32 to index
        %get3A_735 = arith.constant 16 : index
        %get3A_736 = tpu.vector_load %arg11[%get3A_734, %get3A_735] {strides = array<i32>} : memref<200x64xf32, #tpu.memory_space<vmem>>, vector<1x16xf32>,
        %get3A_737 = vector.shape_cast %get3A_736 : vector<1x16xf32> to vector<16xf32>
        %mul3A_738 = arith.constant 8.000000e+00 : f32
        %mul3A_739 = vector.broadcast %mul3A_738 : f32 to vector<16xf32>
        %mul3A_740 = arith.mulf %get3A_737, %mul3A_739 : vector<16xf32>
        %add3A_741 = arith.constant 2 : i32
        %add3A_742 = arith.addi %add3A_589, %add3A_741 : i32
        %swap3A_743 = arith.index_cast %add3A_742 : i32 to index
        %swap3A_744 = arith.constant 16 : index
        %swap3A_745 = tpu.vector_load %arg11[%swap3A_743, %swap3A_744] {strides = array<i32>} : memref<200x64xf32, #tpu.memory_space<vmem>>, vector<1x16xf32>,
        %swap3A_746 = vector.shape_cast %swap3A_745 : vector<1x16xf32> to vector<16xf32>
        %swap3A_747 = vector.shape_cast %mul3A_740 : vector<16xf32> to vector<1x16xf32>
        tpu.vector_store %arg11[%swap3A_743, %swap3A_744], %swap3A_747 {strides = array<i32>} : memref<200x64xf32, #tpu.memory_space<vmem>>, vector<1x16xf32>,
        %add3A_748 = arith.constant 2 : i32
        %add3A_749 = arith.addi %add3A_589, %add3A_748 : i32
        %get3A_750 = arith.index_cast %add3A_749 : i32 to index
        %get3A_751 = arith.constant 32 : index
        %get3A_752 = tpu.vector_load %arg11[%get3A_750, %get3A_751] {strides = array<i32>} : memref<200x64xf32, #tpu.memory_space<vmem>>, vector<1x16xf32>,
        %get3A_753 = vector.shape_cast %get3A_752 : vector<1x16xf32> to vector<16xf32>
        %mul3A_754 = arith.constant 8.000000e+00 : f32
        %mul3A_755 = vector.broadcast %mul3A_754 : f32 to vector<16xf32>
        %mul3A_756 = arith.mulf %get3A_753, %mul3A_755 : vector<16xf32>
        %add3A_757 = arith.constant 2 : i32
        %add3A_758 = arith.addi %add3A_589, %add3A_757 : i32
        %swap3A_759 = arith.index_cast %add3A_758 : i32 to index
        %swap3A_760 = arith.constant 32 : index
        %swap3A_761 = tpu.vector_load %arg11[%swap3A_759, %swap3A_760] {strides = array<i32>} : memref<200x64xf32, #tpu.memory_space<vmem>>, vector<1x16xf32>,
        %swap3A_762 = vector.shape_cast %swap3A_761 : vector<1x16xf32> to vector<16xf32>
        %swap3A_763 = vector.shape_cast %mul3A_756 : vector<16xf32> to vector<1x16xf32>
        tpu.vector_store %arg11[%swap3A_759, %swap3A_760], %swap3A_763 {strides = array<i32>} : memref<200x64xf32, #tpu.memory_space<vmem>>, vector<1x16xf32>,
        %add3A_764 = arith.constant 2 : i32
        %add3A_765 = arith.addi %add3A_589, %add3A_764 : i32
        %get3A_766 = arith.index_cast %add3A_765 : i32 to index
        %get3A_767 = arith.constant 48 : index
        %get3A_768 = tpu.vector_load %arg11[%get3A_766, %get3A_767] {strides = array<i32>} : memref<200x64xf32, #tpu.memory_space<vmem>>, vector<1x16xf32>,
        %get3A_769 = vector.shape_cast %get3A_768 : vector<1x16xf32> to vector<16xf32>
        %mul3A_770 = arith.constant 8.000000e+00 : f32
        %mul3A_771 = vector.broadcast %mul3A_770 : f32 to vector<16xf32>
        %mul3A_772 = arith.mulf %get3A_769, %mul3A_771 : vector<16xf32>
        %add3A_773 = arith.constant 2 : i32
        %add3A_774 = arith.addi %add3A_589, %add3A_773 : i32
        %swap3A_775 = arith.index_cast %add3A_774 : i32 to index
        %swap3A_776 = arith.constant 48 : index
        %swap3A_777 = tpu.vector_load %arg11[%swap3A_775, %swap3A_776] {strides = array<i32>} : memref<200x64xf32, #tpu.memory_space<vmem>>, vector<1x16xf32>,
        %swap3A_778 = vector.shape_cast %swap3A_777 : vector<1x16xf32> to vector<16xf32>
        %swap3A_779 = vector.shape_cast %mul3A_772 : vector<16xf32> to vector<1x16xf32>
        tpu.vector_store %arg11[%swap3A_775, %swap3A_776], %swap3A_779 {strides = array<i32>} : memref<200x64xf32, #tpu.memory_space<vmem>>, vector<1x16xf32>,
        %add3A_780 = arith.constant 3 : i32
        %add3A_781 = arith.addi %add3A_589, %add3A_780 : i32
        %get3A_782 = arith.index_cast %add3A_781 : i32 to index
        %get3A_783 = arith.constant 0 : index
        %get3A_784 = tpu.vector_load %arg11[%get3A_782, %get3A_783] {strides = array<i32>} : memref<200x64xf32, #tpu.memory_space<vmem>>, vector<1x16xf32>,
        %get3A_785 = vector.shape_cast %get3A_784 : vector<1x16xf32> to vector<16xf32>
        %mul3A_786 = arith.constant 8.000000e+00 : f32
        %mul3A_787 = vector.broadcast %mul3A_786 : f32 to vector<16xf32>
        %mul3A_788 = arith.mulf %get3A_785, %mul3A_787 : vector<16xf32>
        %add3A_789 = arith.constant 3 : i32
        %add3A_790 = arith.addi %add3A_589, %add3A_789 : i32
        %swap3A_791 = arith.index_cast %add3A_790 : i32 to index
        %swap3A_792 = arith.constant 0 : index
        %swap3A_793 = tpu.vector_load %arg11[%swap3A_791, %swap3A_792] {strides = array<i32>} : memref<200x64xf32, #tpu.memory_space<vmem>>, vector<1x16xf32>,
        %swap3A_794 = vector.shape_cast %swap3A_793 : vector<1x16xf32> to vector<16xf32>
        %swap3A_795 = vector.shape_cast %mul3A_788 : vector<16xf32> to vector<1x16xf32>
        tpu.vector_store %arg11[%swap3A_791, %swap3A_792], %swap3A_795 {strides = array<i32>} : memref<200x64xf32, #tpu.memory_space<vmem>>, vector<1x16xf32>,
        %add3A_796 = arith.constant 3 : i32
        %add3A_797 = arith.addi %add3A_589, %add3A_796 : i32
        %get3A_798 = arith.index_cast %add3A_797 : i32 to index
        %get3A_799 = arith.constant 16 : index
        %get3A_800 = tpu.vector_load %arg11[%get3A_798, %get3A_799] {strides = array<i32>} : memref<200x64xf32, #tpu.memory_space<vmem>>, vector<1x16xf32>,
        %get3A_801 = vector.shape_cast %get3A_800 : vector<1x16xf32> to vector<16xf32>
        %mul3A_802 = arith.constant 8.000000e+00 : f32
        %mul3A_803 = vector.broadcast %mul3A_802 : f32 to vector<16xf32>
        %mul3A_804 = arith.mulf %get3A_801, %mul3A_803 : vector<16xf32>
        %add3A_805 = arith.constant 3 : i32
        %add3A_806 = arith.addi %add3A_589, %add3A_805 : i32
        %swap3A_807 = arith.index_cast %add3A_806 : i32 to index
        %swap3A_808 = arith.constant 16 : index
        %swap3A_809 = tpu.vector_load %arg11[%swap3A_807, %swap3A_808] {strides = array<i32>} : memref<200x64xf32, #tpu.memory_space<vmem>>, vector<1x16xf32>,
        %swap3A_810 = vector.shape_cast %swap3A_809 : vector<1x16xf32> to vector<16xf32>
        %swap3A_811 = vector.shape_cast %mul3A_804 : vector<16xf32> to vector<1x16xf32>
        tpu.vector_store %arg11[%swap3A_807, %swap3A_808], %swap3A_811 {strides = array<i32>} : memref<200x64xf32, #tpu.memory_space<vmem>>, vector<1x16xf32>,
        %add3A_812 = arith.constant 3 : i32
        %add3A_813 = arith.addi %add3A_589, %add3A_812 : i32
        %get3A_814 = arith.index_cast %add3A_813 : i32 to index
        %get3A_815 = arith.constant 32 : index
        %get3A_816 = tpu.vector_load %arg11[%get3A_814, %get3A_815] {strides = array<i32>} : memref<200x64xf32, #tpu.memory_space<vmem>>, vector<1x16xf32>,
        %get3A_817 = vector.shape_cast %get3A_816 : vector<1x16xf32> to vector<16xf32>
        %mul3A_818 = arith.constant 8.000000e+00 : f32
        %mul3A_819 = vector.broadcast %mul3A_818 : f32 to vector<16xf32>
        %mul3A_820 = arith.mulf %get3A_817, %mul3A_819 : vector<16xf32>
        %add3A_821 = arith.constant 3 : i32
        %add3A_822 = arith.addi %add3A_589, %add3A_821 : i32
        %swap3A_823 = arith.index_cast %add3A_822 : i32 to index
        %swap3A_824 = arith.constant 32 : index
        %swap3A_825 = tpu.vector_load %arg11[%swap3A_823, %swap3A_824] {strides = array<i32>} : memref<200x64xf32, #tpu.memory_space<vmem>>, vector<1x16xf32>,
        %swap3A_826 = vector.shape_cast %swap3A_825 : vector<1x16xf32> to vector<16xf32>
        %swap3A_827 = vector.shape_cast %mul3A_820 : vector<16xf32> to vector<1x16xf32>
        tpu.vector_store %arg11[%swap3A_823, %swap3A_824], %swap3A_827 {strides = array<i32>} : memref<200x64xf32, #tpu.memory_space<vmem>>, vector<1x16xf32>,
        %add3A_828 = arith.constant 3 : i32
        %add3A_829 = arith.addi %add3A_589, %add3A_828 : i32
        %get3A_830 = arith.index_cast %add3A_829 : i32 to index
        %get3A_831 = arith.constant 48 : index
        %get3A_832 = tpu.vector_load %arg11[%get3A_830, %get3A_831] {strides = array<i32>} : memref<200x64xf32, #tpu.memory_space<vmem>>, vector<1x16xf32>,
        %get3A_833 = vector.shape_cast %get3A_832 : vector<1x16xf32> to vector<16xf32>
        %mul3A_834 = arith.constant 8.000000e+00 : f32
        %mul3A_835 = vector.broadcast %mul3A_834 : f32 to vector<16xf32>
        %mul3A_836 = arith.mulf %get3A_833, %mul3A_835 : vector<16xf32>
        %add3A_837 = arith.constant 3 : i32
        %add3A_838 = arith.addi %add3A_589, %add3A_837 : i32
        %swap3A_839 = arith.index_cast %add3A_838 : i32 to index
        %swap3A_840 = arith.constant 48 : index
        %swap3A_841 = tpu.vector_load %arg11[%swap3A_839, %swap3A_840] {strides = array<i32>} : memref<200x64xf32, #tpu.memory_space<vmem>>, vector<1x16xf32>,
        %swap3A_842 = vector.shape_cast %swap3A_841 : vector<1x16xf32> to vector<16xf32>
        %swap3A_843 = vector.shape_cast %mul3A_836 : vector<16xf32> to vector<1x16xf32>
        tpu.vector_store %arg11[%swap3A_839, %swap3A_840], %swap3A_843 {strides = array<i32>} : memref<200x64xf32, #tpu.memory_space<vmem>>, vector<1x16xf32>,
      }
      %scan3A_338 = arith.constant 50 : i32
      %add3A_339 = arith.addi %mul3A_2, %add3A_327 : i32
      %mul3A_340 = arith.constant 200 : i32
      %mul3A_341 = arith.muli %add3A_339, %mul3A_340 : i32
      %dma_start3A_342 = arith.constant 0 : i32
      %dma_start3A_343 = tpu.memref_slice %arg4[%mul3A_341, %dma_start3A_342] : memref<819200x64xf32, #tpu.memory_space<hbm>> -> memref<200x64xf32, #tpu.memory_space<hbm>>
      %dma_start3A_344 = arith.constant 0 : i32
      %dma_start3A_345 = tpu.memref_slice %arg4[%mul3A_341, %dma_start3A_344] : memref<819200x64xf32, #tpu.memory_space<hbm>> -> memref<200x64xf32, #tpu.memory_space<hbm>>
      tpu.enqueue_dma source(%arg11 : memref<200x64xf32, #tpu.memory_space<vmem>>) target(%dma_start3A_345 : memref<200x64xf32, #tpu.memory_space<hbm>>) target_semaphore(%arg27 : memref<!tpu.dma_semaphore, #tpu.memory_space<semaphore_mem>>)
      %sub3A_346 = arith.constant 4 : i32
      %sub3A_347 = arith.subi %add3A_327, %sub3A_346 : i32
      %add3A_348 = arith.addi %mul3A_2, %sub3A_347 : i32
      %mul3A_349 = arith.constant 200 : i32
      %mul3A_350 = arith.muli %add3A_348, %mul3A_349 : i32
      %dma_wait3A_351 = arith.constant 0 : i32
      %dma_wait3A_352 = tpu.memref_slice %arg4[%mul3A_350, %dma_wait3A_351] : memref<819200x64xf32, #tpu.memory_space<hbm>> -> memref<200x64xf32, #tpu.memory_space<hbm>>
      %dma_wait3A_353 = arith.constant 0 : i32
      %dma_wait3A_354 = tpu.memref_slice %arg4[%mul3A_350, %dma_wait3A_353] : memref<819200x64xf32, #tpu.memory_space<hbm>> -> memref<200x64xf32, #tpu.memory_space<hbm>>
      tpu.wait_dma2 semaphore(%arg23 : memref<!tpu.dma_semaphore, #tpu.memory_space<semaphore_mem>>) src(%arg7 : memref<200x64xf32, #tpu.memory_space<vmem>>) dst(%dma_wait3A_354 : memref<200x64xf32, #tpu.memory_space<hbm>>)
      %add3A_355 = arith.constant 4 : i32
      %add3A_356 = arith.addi %add3A_327, %add3A_355 : i32
      %dma_start3A_357 = arith.constant 0 : i32
      %dma_start3A_358 = tpu.memref_slice %arg5[%add3A_356, %dma_start3A_357] : memref<128x200xi32, #tpu.memory_space<vmem>> -> memref<1x200xi32, #tpu.memory_space<vmem>>
      %dma_start3A_359 = tpu.memref_squeeze %dma_start3A_358 : memref<1x200xi32, #tpu.memory_space<vmem>> -> memref<200xi32, #tpu.memory_space<vmem>>
      %dma_start3A_360 = arith.constant 0 : i32
      %dma_start3A_361 = arith.constant 0 : i32
      %dma_start3A_362 = tpu.memref_slice %arg2[%dma_start3A_360, %dma_start3A_361] : memref<1000000x64xf32, #tpu.memory_space<hbm>> -> memref<1000000x64xf32, #tpu.memory_space<hbm>>
      tpu.enqueue_indirect_dma source(%dma_start3A_362 : memref<1000000x64xf32, #tpu.memory_space<hbm>>) target(%arg7 : memref<200x64xf32, #tpu.memory_space<vmem>>) offsets(%dma_start3A_359 : memref<200xi32, #tpu.memory_space<vmem>>) semaphore(%arg15 : memref<!tpu.dma_semaphore, #tpu.memory_space<semaphore_mem>>)
      %add3A_363 = arith.constant 2 : i32
      %add3A_364 = arith.addi %add3A_289, %add3A_363 : i32
      %dma_wait3A_365 = arith.constant 0 : i32
      %dma_wait3A_366 = tpu.memref_slice %arg5[%add3A_364, %dma_wait3A_365] : memref<128x200xi32, #tpu.memory_space<vmem>> -> memref<1x200xi32, #tpu.memory_space<vmem>>
      %dma_wait3A_367 = tpu.memref_squeeze %dma_wait3A_366 : memref<1x200xi32, #tpu.memory_space<vmem>> -> memref<200xi32, #tpu.memory_space<vmem>>
      %dma_wait3A_368 = arith.constant 0 : i32
      %dma_wait3A_369 = arith.constant 0 : i32
      %dma_wait3A_370 = tpu.memref_slice %arg2[%dma_wait3A_368, %dma_wait3A_369] : memref<1000000x64xf32, #tpu.memory_space<hbm>> -> memref<1000000x64xf32, #tpu.memory_space<hbm>>
      tpu.wait_indirect_dma semaphore(%arg20 : memref<!tpu.dma_semaphore, #tpu.memory_space<semaphore_mem>>) src(%dma_wait3A_370 : memref<1000000x64xf32, #tpu.memory_space<hbm>>) dst(%arg12 : memref<200x64xf32, #tpu.memory_space<vmem>>)
      %scan3A_371 = arith.constant 0 : i32
      %scan3A_372 = arith.constant 50 : i32
      %scan3A_373 = arith.addi %scan3A_371, %scan3A_372 : i32
      %scan3A_374 = arith.constant 1 : i32
      scf.for %scan3A_585 = %scan3A_371 to %scan3A_373 step %scan3A_374  : i32 {
        %mul3A_586 = arith.constant 4 : i32
        %mul3A_587 = arith.muli %scan3A_585, %mul3A_586 : i32
        %add3A_588 = arith.constant 0 : i32
        %add3A_589 = arith.addi %add3A_588, %mul3A_587 : i32
        %add3A_590 = arith.constant 0 : i32
        %add3A_591 = arith.addi %add3A_589, %add3A_590 : i32
        %get3A = arith.index_cast %add3A_591 : i32 to index
        %get3A_592 = arith.constant 0 : index
        %get3A_593 = tpu.vector_load %arg12[%get3A, %get3A_592] {strides = array<i32>} : memref<200x64xf32, #tpu.memory_space<vmem>>, vector<1x16xf32>,
        %get3A_594 = vector.shape_cast %get3A_593 : vector<1x16xf32> to vector<16xf32>
        %mul3A_595 = arith.constant 8.000000e+00 : f32
        %mul3A_596 = vector.broadcast %mul3A_595 : f32 to vector<16xf32>
        %mul3A_597 = arith.mulf %get3A_594, %mul3A_596 : vector<16xf32>
        %add3A_598 = arith.constant 0 : i32
        %add3A_599 = arith.addi %add3A_589, %add3A_598 : i32
        %swap3A = arith.index_cast %add3A_599 : i32 to index
        %swap3A_600 = arith.constant 0 : index
        %swap3A_601 = tpu.vector_load %arg12[%swap3A, %swap3A_600] {strides = array<i32>} : memref<200x64xf32, #tpu.memory_space<vmem>>, vector<1x16xf32>,
        %swap3A_602 = vector.shape_cast %swap3A_601 : vector<1x16xf32> to vector<16xf32>
        %swap3A_603 = vector.shape_cast %mul3A_597 : vector<16xf32> to vector<1x16xf32>
        tpu.vector_store %arg12[%swap3A, %swap3A_600], %swap3A_603 {strides = array<i32>} : memref<200x64xf32, #tpu.memory_space<vmem>>, vector<1x16xf32>,
        %add3A_604 = arith.constant 0 : i32
        %add3A_605 = arith.addi %add3A_589, %add3A_604 : i32
        %get3A_606 = arith.index_cast %add3A_605 : i32 to index
        %get3A_607 = arith.constant 16 : index
        %get3A_608 = tpu.vector_load %arg12[%get3A_606, %get3A_607] {strides = array<i32>} : memref<200x64xf32, #tpu.memory_space<vmem>>, vector<1x16xf32>,
        %get3A_609 = vector.shape_cast %get3A_608 : vector<1x16xf32> to vector<16xf32>
        %mul3A_610 = arith.constant 8.000000e+00 : f32
        %mul3A_611 = vector.broadcast %mul3A_610 : f32 to vector<16xf32>
        %mul3A_612 = arith.mulf %get3A_609, %mul3A_611 : vector<16xf32>
        %add3A_613 = arith.constant 0 : i32
        %add3A_614 = arith.addi %add3A_589, %add3A_613 : i32
        %swap3A_615 = arith.index_cast %add3A_614 : i32 to index
        %swap3A_616 = arith.constant 16 : index
        %swap3A_617 = tpu.vector_load %arg12[%swap3A_615, %swap3A_616] {strides = array<i32>} : memref<200x64xf32, #tpu.memory_space<vmem>>, vector<1x16xf32>,
        %swap3A_618 = vector.shape_cast %swap3A_617 : vector<1x16xf32> to vector<16xf32>
        %swap3A_619 = vector.shape_cast %mul3A_612 : vector<16xf32> to vector<1x16xf32>
        tpu.vector_store %arg12[%swap3A_615, %swap3A_616], %swap3A_619 {strides = array<i32>} : memref<200x64xf32, #tpu.memory_space<vmem>>, vector<1x16xf32>,
        %add3A_620 = arith.constant 0 : i32
        %add3A_621 = arith.addi %add3A_589, %add3A_620 : i32
        %get3A_622 = arith.index_cast %add3A_621 : i32 to index
        %get3A_623 = arith.constant 32 : index
        %get3A_624 = tpu.vector_load %arg12[%get3A_622, %get3A_623] {strides = array<i32>} : memref<200x64xf32, #tpu.memory_space<vmem>>, vector<1x16xf32>,
        %get3A_625 = vector.shape_cast %get3A_624 : vector<1x16xf32> to vector<16xf32>
        %mul3A_626 = arith.constant 8.000000e+00 : f32
        %mul3A_627 = vector.broadcast %mul3A_626 : f32 to vector<16xf32>
        %mul3A_628 = arith.mulf %get3A_625, %mul3A_627 : vector<16xf32>
        %add3A_629 = arith.constant 0 : i32
        %add3A_630 = arith.addi %add3A_589, %add3A_629 : i32
        %swap3A_631 = arith.index_cast %add3A_630 : i32 to index
        %swap3A_632 = arith.constant 32 : index
        %swap3A_633 = tpu.vector_load %arg12[%swap3A_631, %swap3A_632] {strides = array<i32>} : memref<200x64xf32, #tpu.memory_space<vmem>>, vector<1x16xf32>,
        %swap3A_634 = vector.shape_cast %swap3A_633 : vector<1x16xf32> to vector<16xf32>
        %swap3A_635 = vector.shape_cast %mul3A_628 : vector<16xf32> to vector<1x16xf32>
        tpu.vector_store %arg12[%swap3A_631, %swap3A_632], %swap3A_635 {strides = array<i32>} : memref<200x64xf32, #tpu.memory_space<vmem>>, vector<1x16xf32>,
        %add3A_636 = arith.constant 0 : i32
        %add3A_637 = arith.addi %add3A_589, %add3A_636 : i32
        %get3A_638 = arith.index_cast %add3A_637 : i32 to index
        %get3A_639 = arith.constant 48 : index
        %get3A_640 = tpu.vector_load %arg12[%get3A_638, %get3A_639] {strides = array<i32>} : memref<200x64xf32, #tpu.memory_space<vmem>>, vector<1x16xf32>,
        %get3A_641 = vector.shape_cast %get3A_640 : vector<1x16xf32> to vector<16xf32>
        %mul3A_642 = arith.constant 8.000000e+00 : f32
        %mul3A_643 = vector.broadcast %mul3A_642 : f32 to vector<16xf32>
        %mul3A_644 = arith.mulf %get3A_641, %mul3A_643 : vector<16xf32>
        %add3A_645 = arith.constant 0 : i32
        %add3A_646 = arith.addi %add3A_589, %add3A_645 : i32
        %swap3A_647 = arith.index_cast %add3A_646 : i32 to index
        %swap3A_648 = arith.constant 48 : index
        %swap3A_649 = tpu.vector_load %arg12[%swap3A_647, %swap3A_648] {strides = array<i32>} : memref<200x64xf32, #tpu.memory_space<vmem>>, vector<1x16xf32>,
        %swap3A_650 = vector.shape_cast %swap3A_649 : vector<1x16xf32> to vector<16xf32>
        %swap3A_651 = vector.shape_cast %mul3A_644 : vector<16xf32> to vector<1x16xf32>
        tpu.vector_store %arg12[%swap3A_647, %swap3A_648], %swap3A_651 {strides = array<i32>} : memref<200x64xf32, #tpu.memory_space<vmem>>, vector<1x16xf32>,
        %add3A_652 = arith.constant 1 : i32
        %add3A_653 = arith.addi %add3A_589, %add3A_652 : i32
        %get3A_654 = arith.index_cast %add3A_653 : i32 to index
        %get3A_655 = arith.constant 0 : index
        %get3A_656 = tpu.vector_load %arg12[%get3A_654, %get3A_655] {strides = array<i32>} : memref<200x64xf32, #tpu.memory_space<vmem>>, vector<1x16xf32>,
        %get3A_657 = vector.shape_cast %get3A_656 : vector<1x16xf32> to vector<16xf32>
        %mul3A_658 = arith.constant 8.000000e+00 : f32
        %mul3A_659 = vector.broadcast %mul3A_658 : f32 to vector<16xf32>
        %mul3A_660 = arith.mulf %get3A_657, %mul3A_659 : vector<16xf32>
        %add3A_661 = arith.constant 1 : i32
        %add3A_662 = arith.addi %add3A_589, %add3A_661 : i32
        %swap3A_663 = arith.index_cast %add3A_662 : i32 to index
        %swap3A_664 = arith.constant 0 : index
        %swap3A_665 = tpu.vector_load %arg12[%swap3A_663, %swap3A_664] {strides = array<i32>} : memref<200x64xf32, #tpu.memory_space<vmem>>, vector<1x16xf32>,
        %swap3A_666 = vector.shape_cast %swap3A_665 : vector<1x16xf32> to vector<16xf32>
        %swap3A_667 = vector.shape_cast %mul3A_660 : vector<16xf32> to vector<1x16xf32>
        tpu.vector_store %arg12[%swap3A_663, %swap3A_664], %swap3A_667 {strides = array<i32>} : memref<200x64xf32, #tpu.memory_space<vmem>>, vector<1x16xf32>,
        %add3A_668 = arith.constant 1 : i32
        %add3A_669 = arith.addi %add3A_589, %add3A_668 : i32
        %get3A_670 = arith.index_cast %add3A_669 : i32 to index
        %get3A_671 = arith.constant 16 : index
        %get3A_672 = tpu.vector_load %arg12[%get3A_670, %get3A_671] {strides = array<i32>} : memref<200x64xf32, #tpu.memory_space<vmem>>, vector<1x16xf32>,
        %get3A_673 = vector.shape_cast %get3A_672 : vector<1x16xf32> to vector<16xf32>
        %mul3A_674 = arith.constant 8.000000e+00 : f32
        %mul3A_675 = vector.broadcast %mul3A_674 : f32 to vector<16xf32>
        %mul3A_676 = arith.mulf %get3A_673, %mul3A_675 : vector<16xf32>
        %add3A_677 = arith.constant 1 : i32
        %add3A_678 = arith.addi %add3A_589, %add3A_677 : i32
        %swap3A_679 = arith.index_cast %add3A_678 : i32 to index
        %swap3A_680 = arith.constant 16 : index
        %swap3A_681 = tpu.vector_load %arg12[%swap3A_679, %swap3A_680] {strides = array<i32>} : memref<200x64xf32, #tpu.memory_space<vmem>>, vector<1x16xf32>,
        %swap3A_682 = vector.shape_cast %swap3A_681 : vector<1x16xf32> to vector<16xf32>
        %swap3A_683 = vector.shape_cast %mul3A_676 : vector<16xf32> to vector<1x16xf32>
        tpu.vector_store %arg12[%swap3A_679, %swap3A_680], %swap3A_683 {strides = array<i32>} : memref<200x64xf32, #tpu.memory_space<vmem>>, vector<1x16xf32>,
        %add3A_684 = arith.constant 1 : i32
        %add3A_685 = arith.addi %add3A_589, %add3A_684 : i32
        %get3A_686 = arith.index_cast %add3A_685 : i32 to index
        %get3A_687 = arith.constant 32 : index
        %get3A_688 = tpu.vector_load %arg12[%get3A_686, %get3A_687] {strides = array<i32>} : memref<200x64xf32, #tpu.memory_space<vmem>>, vector<1x16xf32>,
        %get3A_689 = vector.shape_cast %get3A_688 : vector<1x16xf32> to vector<16xf32>
        %mul3A_690 = arith.constant 8.000000e+00 : f32
        %mul3A_691 = vector.broadcast %mul3A_690 : f32 to vector<16xf32>
        %mul3A_692 = arith.mulf %get3A_689, %mul3A_691 : vector<16xf32>
        %add3A_693 = arith.constant 1 : i32
        %add3A_694 = arith.addi %add3A_589, %add3A_693 : i32
        %swap3A_695 = arith.index_cast %add3A_694 : i32 to index
        %swap3A_696 = arith.constant 32 : index
        %swap3A_697 = tpu.vector_load %arg12[%swap3A_695, %swap3A_696] {strides = array<i32>} : memref<200x64xf32, #tpu.memory_space<vmem>>, vector<1x16xf32>,
        %swap3A_698 = vector.shape_cast %swap3A_697 : vector<1x16xf32> to vector<16xf32>
        %swap3A_699 = vector.shape_cast %mul3A_692 : vector<16xf32> to vector<1x16xf32>
        tpu.vector_store %arg12[%swap3A_695, %swap3A_696], %swap3A_699 {strides = array<i32>} : memref<200x64xf32, #tpu.memory_space<vmem>>, vector<1x16xf32>,
        %add3A_700 = arith.constant 1 : i32
        %add3A_701 = arith.addi %add3A_589, %add3A_700 : i32
        %get3A_702 = arith.index_cast %add3A_701 : i32 to index
        %get3A_703 = arith.constant 48 : index
        %get3A_704 = tpu.vector_load %arg12[%get3A_702, %get3A_703] {strides = array<i32>} : memref<200x64xf32, #tpu.memory_space<vmem>>, vector<1x16xf32>,
        %get3A_705 = vector.shape_cast %get3A_704 : vector<1x16xf32> to vector<16xf32>
        %mul3A_706 = arith.constant 8.000000e+00 : f32
        %mul3A_707 = vector.broadcast %mul3A_706 : f32 to vector<16xf32>
        %mul3A_708 = arith.mulf %get3A_705, %mul3A_707 : vector<16xf32>
        %add3A_709 = arith.constant 1 : i32
        %add3A_710 = arith.addi %add3A_589, %add3A_709 : i32
        %swap3A_711 = arith.index_cast %add3A_710 : i32 to index
        %swap3A_712 = arith.constant 48 : index
        %swap3A_713 = tpu.vector_load %arg12[%swap3A_711, %swap3A_712] {strides = array<i32>} : memref<200x64xf32, #tpu.memory_space<vmem>>, vector<1x16xf32>,
        %swap3A_714 = vector.shape_cast %swap3A_713 : vector<1x16xf32> to vector<16xf32>
        %swap3A_715 = vector.shape_cast %mul3A_708 : vector<16xf32> to vector<1x16xf32>
        tpu.vector_store %arg12[%swap3A_711, %swap3A_712], %swap3A_715 {strides = array<i32>} : memref<200x64xf32, #tpu.memory_space<vmem>>, vector<1x16xf32>,
        %add3A_716 = arith.constant 2 : i32
        %add3A_717 = arith.addi %add3A_589, %add3A_716 : i32
        %get3A_718 = arith.index_cast %add3A_717 : i32 to index
        %get3A_719 = arith.constant 0 : index
        %get3A_720 = tpu.vector_load %arg12[%get3A_718, %get3A_719] {strides = array<i32>} : memref<200x64xf32, #tpu.memory_space<vmem>>, vector<1x16xf32>,
        %get3A_721 = vector.shape_cast %get3A_720 : vector<1x16xf32> to vector<16xf32>
        %mul3A_722 = arith.constant 8.000000e+00 : f32
        %mul3A_723 = vector.broadcast %mul3A_722 : f32 to vector<16xf32>
        %mul3A_724 = arith.mulf %get3A_721, %mul3A_723 : vector<16xf32>
        %add3A_725 = arith.constant 2 : i32
        %add3A_726 = arith.addi %add3A_589, %add3A_725 : i32
        %swap3A_727 = arith.index_cast %add3A_726 : i32 to index
        %swap3A_728 = arith.constant 0 : index
        %swap3A_729 = tpu.vector_load %arg12[%swap3A_727, %swap3A_728] {strides = array<i32>} : memref<200x64xf32, #tpu.memory_space<vmem>>, vector<1x16xf32>,
        %swap3A_730 = vector.shape_cast %swap3A_729 : vector<1x16xf32> to vector<16xf32>
        %swap3A_731 = vector.shape_cast %mul3A_724 : vector<16xf32> to vector<1x16xf32>
        tpu.vector_store %arg12[%swap3A_727, %swap3A_728], %swap3A_731 {strides = array<i32>} : memref<200x64xf32, #tpu.memory_space<vmem>>, vector<1x16xf32>,
        %add3A_732 = arith.constant 2 : i32
        %add3A_733 = arith.addi %add3A_589, %add3A_732 : i32
        %get3A_734 = arith.index_cast %add3A_733 : i32 to index
        %get3A_735 = arith.constant 16 : index
        %get3A_736 = tpu.vector_load %arg12[%get3A_734, %get3A_735] {strides = array<i32>} : memref<200x64xf32, #tpu.memory_space<vmem>>, vector<1x16xf32>,
        %get3A_737 = vector.shape_cast %get3A_736 : vector<1x16xf32> to vector<16xf32>
        %mul3A_738 = arith.constant 8.000000e+00 : f32
        %mul3A_739 = vector.broadcast %mul3A_738 : f32 to vector<16xf32>
        %mul3A_740 = arith.mulf %get3A_737, %mul3A_739 : vector<16xf32>
        %add3A_741 = arith.constant 2 : i32
        %add3A_742 = arith.addi %add3A_589, %add3A_741 : i32
        %swap3A_743 = arith.index_cast %add3A_742 : i32 to index
        %swap3A_744 = arith.constant 16 : index
        %swap3A_745 = tpu.vector_load %arg12[%swap3A_743, %swap3A_744] {strides = array<i32>} : memref<200x64xf32, #tpu.memory_space<vmem>>, vector<1x16xf32>,
        %swap3A_746 = vector.shape_cast %swap3A_745 : vector<1x16xf32> to vector<16xf32>
        %swap3A_747 = vector.shape_cast %mul3A_740 : vector<16xf32> to vector<1x16xf32>
        tpu.vector_store %arg12[%swap3A_743, %swap3A_744], %swap3A_747 {strides = array<i32>} : memref<200x64xf32, #tpu.memory_space<vmem>>, vector<1x16xf32>,
        %add3A_748 = arith.constant 2 : i32
        %add3A_749 = arith.addi %add3A_589, %add3A_748 : i32
        %get3A_750 = arith.index_cast %add3A_749 : i32 to index
        %get3A_751 = arith.constant 32 : index
        %get3A_752 = tpu.vector_load %arg12[%get3A_750, %get3A_751] {strides = array<i32>} : memref<200x64xf32, #tpu.memory_space<vmem>>, vector<1x16xf32>,
        %get3A_753 = vector.shape_cast %get3A_752 : vector<1x16xf32> to vector<16xf32>
        %mul3A_754 = arith.constant 8.000000e+00 : f32
        %mul3A_755 = vector.broadcast %mul3A_754 : f32 to vector<16xf32>
        %mul3A_756 = arith.mulf %get3A_753, %mul3A_755 : vector<16xf32>
        %add3A_757 = arith.constant 2 : i32
        %add3A_758 = arith.addi %add3A_589, %add3A_757 : i32
        %swap3A_759 = arith.index_cast %add3A_758 : i32 to index
        %swap3A_760 = arith.constant 32 : index
        %swap3A_761 = tpu.vector_load %arg12[%swap3A_759, %swap3A_760] {strides = array<i32>} : memref<200x64xf32, #tpu.memory_space<vmem>>, vector<1x16xf32>,
        %swap3A_762 = vector.shape_cast %swap3A_761 : vector<1x16xf32> to vector<16xf32>
        %swap3A_763 = vector.shape_cast %mul3A_756 : vector<16xf32> to vector<1x16xf32>
        tpu.vector_store %arg12[%swap3A_759, %swap3A_760], %swap3A_763 {strides = array<i32>} : memref<200x64xf32, #tpu.memory_space<vmem>>, vector<1x16xf32>,
        %add3A_764 = arith.constant 2 : i32
        %add3A_765 = arith.addi %add3A_589, %add3A_764 : i32
        %get3A_766 = arith.index_cast %add3A_765 : i32 to index
        %get3A_767 = arith.constant 48 : index
        %get3A_768 = tpu.vector_load %arg12[%get3A_766, %get3A_767] {strides = array<i32>} : memref<200x64xf32, #tpu.memory_space<vmem>>, vector<1x16xf32>,
        %get3A_769 = vector.shape_cast %get3A_768 : vector<1x16xf32> to vector<16xf32>
        %mul3A_770 = arith.constant 8.000000e+00 : f32
        %mul3A_771 = vector.broadcast %mul3A_770 : f32 to vector<16xf32>
        %mul3A_772 = arith.mulf %get3A_769, %mul3A_771 : vector<16xf32>
        %add3A_773 = arith.constant 2 : i32
        %add3A_774 = arith.addi %add3A_589, %add3A_773 : i32
        %swap3A_775 = arith.index_cast %add3A_774 : i32 to index
        %swap3A_776 = arith.constant 48 : index
        %swap3A_777 = tpu.vector_load %arg12[%swap3A_775, %swap3A_776] {strides = array<i32>} : memref<200x64xf32, #tpu.memory_space<vmem>>, vector<1x16xf32>,
        %swap3A_778 = vector.shape_cast %swap3A_777 : vector<1x16xf32> to vector<16xf32>
        %swap3A_779 = vector.shape_cast %mul3A_772 : vector<16xf32> to vector<1x16xf32>
        tpu.vector_store %arg12[%swap3A_775, %swap3A_776], %swap3A_779 {strides = array<i32>} : memref<200x64xf32, #tpu.memory_space<vmem>>, vector<1x16xf32>,
        %add3A_780 = arith.constant 3 : i32
        %add3A_781 = arith.addi %add3A_589, %add3A_780 : i32
        %get3A_782 = arith.index_cast %add3A_781 : i32 to index
        %get3A_783 = arith.constant 0 : index
        %get3A_784 = tpu.vector_load %arg12[%get3A_782, %get3A_783] {strides = array<i32>} : memref<200x64xf32, #tpu.memory_space<vmem>>, vector<1x16xf32>,
        %get3A_785 = vector.shape_cast %get3A_784 : vector<1x16xf32> to vector<16xf32>
        %mul3A_786 = arith.constant 8.000000e+00 : f32
        %mul3A_787 = vector.broadcast %mul3A_786 : f32 to vector<16xf32>
        %mul3A_788 = arith.mulf %get3A_785, %mul3A_787 : vector<16xf32>
        %add3A_789 = arith.constant 3 : i32
        %add3A_790 = arith.addi %add3A_589, %add3A_789 : i32
        %swap3A_791 = arith.index_cast %add3A_790 : i32 to index
        %swap3A_792 = arith.constant 0 : index
        %swap3A_793 = tpu.vector_load %arg12[%swap3A_791, %swap3A_792] {strides = array<i32>} : memref<200x64xf32, #tpu.memory_space<vmem>>, vector<1x16xf32>,
        %swap3A_794 = vector.shape_cast %swap3A_793 : vector<1x16xf32> to vector<16xf32>
        %swap3A_795 = vector.shape_cast %mul3A_788 : vector<16xf32> to vector<1x16xf32>
        tpu.vector_store %arg12[%swap3A_791, %swap3A_792], %swap3A_795 {strides = array<i32>} : memref<200x64xf32, #tpu.memory_space<vmem>>, vector<1x16xf32>,
        %add3A_796 = arith.constant 3 : i32
        %add3A_797 = arith.addi %add3A_589, %add3A_796 : i32
        %get3A_798 = arith.index_cast %add3A_797 : i32 to index
        %get3A_799 = arith.constant 16 : index
        %get3A_800 = tpu.vector_load %arg12[%get3A_798, %get3A_799] {strides = array<i32>} : memref<200x64xf32, #tpu.memory_space<vmem>>, vector<1x16xf32>,
        %get3A_801 = vector.shape_cast %get3A_800 : vector<1x16xf32> to vector<16xf32>
        %mul3A_802 = arith.constant 8.000000e+00 : f32
        %mul3A_803 = vector.broadcast %mul3A_802 : f32 to vector<16xf32>
        %mul3A_804 = arith.mulf %get3A_801, %mul3A_803 : vector<16xf32>
        %add3A_805 = arith.constant 3 : i32
        %add3A_806 = arith.addi %add3A_589, %add3A_805 : i32
        %swap3A_807 = arith.index_cast %add3A_806 : i32 to index
        %swap3A_808 = arith.constant 16 : index
        %swap3A_809 = tpu.vector_load %arg12[%swap3A_807, %swap3A_808] {strides = array<i32>} : memref<200x64xf32, #tpu.memory_space<vmem>>, vector<1x16xf32>,
        %swap3A_810 = vector.shape_cast %swap3A_809 : vector<1x16xf32> to vector<16xf32>
        %swap3A_811 = vector.shape_cast %mul3A_804 : vector<16xf32> to vector<1x16xf32>
        tpu.vector_store %arg12[%swap3A_807, %swap3A_808], %swap3A_811 {strides = array<i32>} : memref<200x64xf32, #tpu.memory_space<vmem>>, vector<1x16xf32>,
        %add3A_812 = arith.constant 3 : i32
        %add3A_813 = arith.addi %add3A_589, %add3A_812 : i32
        %get3A_814 = arith.index_cast %add3A_813 : i32 to index
        %get3A_815 = arith.constant 32 : index
        %get3A_816 = tpu.vector_load %arg12[%get3A_814, %get3A_815] {strides = array<i32>} : memref<200x64xf32, #tpu.memory_space<vmem>>, vector<1x16xf32>,
        %get3A_817 = vector.shape_cast %get3A_816 : vector<1x16xf32> to vector<16xf32>
        %mul3A_818 = arith.constant 8.000000e+00 : f32
        %mul3A_819 = vector.broadcast %mul3A_818 : f32 to vector<16xf32>
        %mul3A_820 = arith.mulf %get3A_817, %mul3A_819 : vector<16xf32>
        %add3A_821 = arith.constant 3 : i32
        %add3A_822 = arith.addi %add3A_589, %add3A_821 : i32
        %swap3A_823 = arith.index_cast %add3A_822 : i32 to index
        %swap3A_824 = arith.constant 32 : index
        %swap3A_825 = tpu.vector_load %arg12[%swap3A_823, %swap3A_824] {strides = array<i32>} : memref<200x64xf32, #tpu.memory_space<vmem>>, vector<1x16xf32>,
        %swap3A_826 = vector.shape_cast %swap3A_825 : vector<1x16xf32> to vector<16xf32>
        %swap3A_827 = vector.shape_cast %mul3A_820 : vector<16xf32> to vector<1x16xf32>
        tpu.vector_store %arg12[%swap3A_823, %swap3A_824], %swap3A_827 {strides = array<i32>} : memref<200x64xf32, #tpu.memory_space<vmem>>, vector<1x16xf32>,
        %add3A_828 = arith.constant 3 : i32
        %add3A_829 = arith.addi %add3A_589, %add3A_828 : i32
        %get3A_830 = arith.index_cast %add3A_829 : i32 to index
        %get3A_831 = arith.constant 48 : index
        %get3A_832 = tpu.vector_load %arg12[%get3A_830, %get3A_831] {strides = array<i32>} : memref<200x64xf32, #tpu.memory_space<vmem>>, vector<1x16xf32>,
        %get3A_833 = vector.shape_cast %get3A_832 : vector<1x16xf32> to vector<16xf32>
        %mul3A_834 = arith.constant 8.000000e+00 : f32
        %mul3A_835 = vector.broadcast %mul3A_834 : f32 to vector<16xf32>
        %mul3A_836 = arith.mulf %get3A_833, %mul3A_835 : vector<16xf32>
        %add3A_837 = arith.constant 3 : i32
        %add3A_838 = arith.addi %add3A_589, %add3A_837 : i32
        %swap3A_839 = arith.index_cast %add3A_838 : i32 to index
        %swap3A_840 = arith.constant 48 : index
        %swap3A_841 = tpu.vector_load %arg12[%swap3A_839, %swap3A_840] {strides = array<i32>} : memref<200x64xf32, #tpu.memory_space<vmem>>, vector<1x16xf32>,
        %swap3A_842 = vector.shape_cast %swap3A_841 : vector<1x16xf32> to vector<16xf32>
        %swap3A_843 = vector.shape_cast %mul3A_836 : vector<16xf32> to vector<1x16xf32>
        tpu.vector_store %arg12[%swap3A_839, %swap3A_840], %swap3A_843 {strides = array<i32>} : memref<200x64xf32, #tpu.memory_space<vmem>>, vector<1x16xf32>,
      }
      %scan3A_375 = arith.constant 50 : i32
      %add3A_376 = arith.addi %mul3A_2, %add3A_364 : i32
      %mul3A_377 = arith.constant 200 : i32
      %mul3A_378 = arith.muli %add3A_376, %mul3A_377 : i32
      %dma_start3A_379 = arith.constant 0 : i32
      %dma_start3A_380 = tpu.memref_slice %arg4[%mul3A_378, %dma_start3A_379] : memref<819200x64xf32, #tpu.memory_space<hbm>> -> memref<200x64xf32, #tpu.memory_space<hbm>>
      %dma_start3A_381 = arith.constant 0 : i32
      %dma_start3A_382 = tpu.memref_slice %arg4[%mul3A_378, %dma_start3A_381] : memref<819200x64xf32, #tpu.memory_space<hbm>> -> memref<200x64xf32, #tpu.memory_space<hbm>>
      tpu.enqueue_dma source(%arg12 : memref<200x64xf32, #tpu.memory_space<vmem>>) target(%dma_start3A_382 : memref<200x64xf32, #tpu.memory_space<hbm>>) target_semaphore(%arg28 : memref<!tpu.dma_semaphore, #tpu.memory_space<semaphore_mem>>)
      %sub3A_383 = arith.constant 4 : i32
      %sub3A_384 = arith.subi %add3A_364, %sub3A_383 : i32
      %add3A_385 = arith.addi %mul3A_2, %sub3A_384 : i32
      %mul3A_386 = arith.constant 200 : i32
      %mul3A_387 = arith.muli %add3A_385, %mul3A_386 : i32
      %dma_wait3A_388 = arith.constant 0 : i32
      %dma_wait3A_389 = tpu.memref_slice %arg4[%mul3A_387, %dma_wait3A_388] : memref<819200x64xf32, #tpu.memory_space<hbm>> -> memref<200x64xf32, #tpu.memory_space<hbm>>
      %dma_wait3A_390 = arith.constant 0 : i32
      %dma_wait3A_391 = tpu.memref_slice %arg4[%mul3A_387, %dma_wait3A_390] : memref<819200x64xf32, #tpu.memory_space<hbm>> -> memref<200x64xf32, #tpu.memory_space<hbm>>
      tpu.wait_dma2 semaphore(%arg24 : memref<!tpu.dma_semaphore, #tpu.memory_space<semaphore_mem>>) src(%arg8 : memref<200x64xf32, #tpu.memory_space<vmem>>) dst(%dma_wait3A_391 : memref<200x64xf32, #tpu.memory_space<hbm>>)
      %add3A_392 = arith.constant 4 : i32
      %add3A_393 = arith.addi %add3A_364, %add3A_392 : i32
      %dma_start3A_394 = arith.constant 0 : i32
      %dma_start3A_395 = tpu.memref_slice %arg5[%add3A_393, %dma_start3A_394] : memref<128x200xi32, #tpu.memory_space<vmem>> -> memref<1x200xi32, #tpu.memory_space<vmem>>
      %dma_start3A_396 = tpu.memref_squeeze %dma_start3A_395 : memref<1x200xi32, #tpu.memory_space<vmem>> -> memref<200xi32, #tpu.memory_space<vmem>>
      %dma_start3A_397 = arith.constant 0 : i32
      %dma_start3A_398 = arith.constant 0 : i32
      %dma_start3A_399 = tpu.memref_slice %arg2[%dma_start3A_397, %dma_start3A_398] : memref<1000000x64xf32, #tpu.memory_space<hbm>> -> memref<1000000x64xf32, #tpu.memory_space<hbm>>
      tpu.enqueue_indirect_dma source(%dma_start3A_399 : memref<1000000x64xf32, #tpu.memory_space<hbm>>) target(%arg8 : memref<200x64xf32, #tpu.memory_space<vmem>>) offsets(%dma_start3A_396 : memref<200xi32, #tpu.memory_space<vmem>>) semaphore(%arg16 : memref<!tpu.dma_semaphore, #tpu.memory_space<semaphore_mem>>)
      %add3A_400 = arith.constant 3 : i32
      %add3A_401 = arith.addi %add3A_289, %add3A_400 : i32
      %dma_wait3A_402 = arith.constant 0 : i32
      %dma_wait3A_403 = tpu.memref_slice %arg5[%add3A_401, %dma_wait3A_402] : memref<128x200xi32, #tpu.memory_space<vmem>> -> memref<1x200xi32, #tpu.memory_space<vmem>>
      %dma_wait3A_404 = tpu.memref_squeeze %dma_wait3A_403 : memref<1x200xi32, #tpu.memory_space<vmem>> -> memref<200xi32, #tpu.memory_space<vmem>>
      %dma_wait3A_405 = arith.constant 0 : i32
      %dma_wait3A_406 = arith.constant 0 : i32
      %dma_wait3A_407 = tpu.memref_slice %arg2[%dma_wait3A_405, %dma_wait3A_406] : memref<1000000x64xf32, #tpu.memory_space<hbm>> -> memref<1000000x64xf32, #tpu.memory_space<hbm>>
      tpu.wait_indirect_dma semaphore(%arg21 : memref<!tpu.dma_semaphore, #tpu.memory_space<semaphore_mem>>) src(%dma_wait3A_407 : memref<1000000x64xf32, #tpu.memory_space<hbm>>) dst(%arg13 : memref<200x64xf32, #tpu.memory_space<vmem>>)
      %scan3A_408 = arith.constant 0 : i32
      %scan3A_409 = arith.constant 50 : i32
      %scan3A_410 = arith.addi %scan3A_408, %scan3A_409 : i32
      %scan3A_411 = arith.constant 1 : i32
      scf.for %scan3A_585 = %scan3A_408 to %scan3A_410 step %scan3A_411  : i32 {
        %mul3A_586 = arith.constant 4 : i32
        %mul3A_587 = arith.muli %scan3A_585, %mul3A_586 : i32
        %add3A_588 = arith.constant 0 : i32
        %add3A_589 = arith.addi %add3A_588, %mul3A_587 : i32
        %add3A_590 = arith.constant 0 : i32
        %add3A_591 = arith.addi %add3A_589, %add3A_590 : i32
        %get3A = arith.index_cast %add3A_591 : i32 to index
        %get3A_592 = arith.constant 0 : index
        %get3A_593 = tpu.vector_load %arg13[%get3A, %get3A_592] {strides = array<i32>} : memref<200x64xf32, #tpu.memory_space<vmem>>, vector<1x16xf32>,
        %get3A_594 = vector.shape_cast %get3A_593 : vector<1x16xf32> to vector<16xf32>
        %mul3A_595 = arith.constant 8.000000e+00 : f32
        %mul3A_596 = vector.broadcast %mul3A_595 : f32 to vector<16xf32>
        %mul3A_597 = arith.mulf %get3A_594, %mul3A_596 : vector<16xf32>
        %add3A_598 = arith.constant 0 : i32
        %add3A_599 = arith.addi %add3A_589, %add3A_598 : i32
        %swap3A = arith.index_cast %add3A_599 : i32 to index
        %swap3A_600 = arith.constant 0 : index
        %swap3A_601 = tpu.vector_load %arg13[%swap3A, %swap3A_600] {strides = array<i32>} : memref<200x64xf32, #tpu.memory_space<vmem>>, vector<1x16xf32>,
        %swap3A_602 = vector.shape_cast %swap3A_601 : vector<1x16xf32> to vector<16xf32>
        %swap3A_603 = vector.shape_cast %mul3A_597 : vector<16xf32> to vector<1x16xf32>
        tpu.vector_store %arg13[%swap3A, %swap3A_600], %swap3A_603 {strides = array<i32>} : memref<200x64xf32, #tpu.memory_space<vmem>>, vector<1x16xf32>,
        %add3A_604 = arith.constant 0 : i32
        %add3A_605 = arith.addi %add3A_589, %add3A_604 : i32
        %get3A_606 = arith.index_cast %add3A_605 : i32 to index
        %get3A_607 = arith.constant 16 : index
        %get3A_608 = tpu.vector_load %arg13[%get3A_606, %get3A_607] {strides = array<i32>} : memref<200x64xf32, #tpu.memory_space<vmem>>, vector<1x16xf32>,
        %get3A_609 = vector.shape_cast %get3A_608 : vector<1x16xf32> to vector<16xf32>
        %mul3A_610 = arith.constant 8.000000e+00 : f32
        %mul3A_611 = vector.broadcast %mul3A_610 : f32 to vector<16xf32>
        %mul3A_612 = arith.mulf %get3A_609, %mul3A_611 : vector<16xf32>
        %add3A_613 = arith.constant 0 : i32
        %add3A_614 = arith.addi %add3A_589, %add3A_613 : i32
        %swap3A_615 = arith.index_cast %add3A_614 : i32 to index
        %swap3A_616 = arith.constant 16 : index
        %swap3A_617 = tpu.vector_load %arg13[%swap3A_615, %swap3A_616] {strides = array<i32>} : memref<200x64xf32, #tpu.memory_space<vmem>>, vector<1x16xf32>,
        %swap3A_618 = vector.shape_cast %swap3A_617 : vector<1x16xf32> to vector<16xf32>
        %swap3A_619 = vector.shape_cast %mul3A_612 : vector<16xf32> to vector<1x16xf32>
        tpu.vector_store %arg13[%swap3A_615, %swap3A_616], %swap3A_619 {strides = array<i32>} : memref<200x64xf32, #tpu.memory_space<vmem>>, vector<1x16xf32>,
        %add3A_620 = arith.constant 0 : i32
        %add3A_621 = arith.addi %add3A_589, %add3A_620 : i32
        %get3A_622 = arith.index_cast %add3A_621 : i32 to index
        %get3A_623 = arith.constant 32 : index
        %get3A_624 = tpu.vector_load %arg13[%get3A_622, %get3A_623] {strides = array<i32>} : memref<200x64xf32, #tpu.memory_space<vmem>>, vector<1x16xf32>,
        %get3A_625 = vector.shape_cast %get3A_624 : vector<1x16xf32> to vector<16xf32>
        %mul3A_626 = arith.constant 8.000000e+00 : f32
        %mul3A_627 = vector.broadcast %mul3A_626 : f32 to vector<16xf32>
        %mul3A_628 = arith.mulf %get3A_625, %mul3A_627 : vector<16xf32>
        %add3A_629 = arith.constant 0 : i32
        %add3A_630 = arith.addi %add3A_589, %add3A_629 : i32
        %swap3A_631 = arith.index_cast %add3A_630 : i32 to index
        %swap3A_632 = arith.constant 32 : index
        %swap3A_633 = tpu.vector_load %arg13[%swap3A_631, %swap3A_632] {strides = array<i32>} : memref<200x64xf32, #tpu.memory_space<vmem>>, vector<1x16xf32>,
        %swap3A_634 = vector.shape_cast %swap3A_633 : vector<1x16xf32> to vector<16xf32>
        %swap3A_635 = vector.shape_cast %mul3A_628 : vector<16xf32> to vector<1x16xf32>
        tpu.vector_store %arg13[%swap3A_631, %swap3A_632], %swap3A_635 {strides = array<i32>} : memref<200x64xf32, #tpu.memory_space<vmem>>, vector<1x16xf32>,
        %add3A_636 = arith.constant 0 : i32
        %add3A_637 = arith.addi %add3A_589, %add3A_636 : i32
        %get3A_638 = arith.index_cast %add3A_637 : i32 to index
        %get3A_639 = arith.constant 48 : index
        %get3A_640 = tpu.vector_load %arg13[%get3A_638, %get3A_639] {strides = array<i32>} : memref<200x64xf32, #tpu.memory_space<vmem>>, vector<1x16xf32>,
        %get3A_641 = vector.shape_cast %get3A_640 : vector<1x16xf32> to vector<16xf32>
        %mul3A_642 = arith.constant 8.000000e+00 : f32
        %mul3A_643 = vector.broadcast %mul3A_642 : f32 to vector<16xf32>
        %mul3A_644 = arith.mulf %get3A_641, %mul3A_643 : vector<16xf32>
        %add3A_645 = arith.constant 0 : i32
        %add3A_646 = arith.addi %add3A_589, %add3A_645 : i32
        %swap3A_647 = arith.index_cast %add3A_646 : i32 to index
        %swap3A_648 = arith.constant 48 : index
        %swap3A_649 = tpu.vector_load %arg13[%swap3A_647, %swap3A_648] {strides = array<i32>} : memref<200x64xf32, #tpu.memory_space<vmem>>, vector<1x16xf32>,
        %swap3A_650 = vector.shape_cast %swap3A_649 : vector<1x16xf32> to vector<16xf32>
        %swap3A_651 = vector.shape_cast %mul3A_644 : vector<16xf32> to vector<1x16xf32>
        tpu.vector_store %arg13[%swap3A_647, %swap3A_648], %swap3A_651 {strides = array<i32>} : memref<200x64xf32, #tpu.memory_space<vmem>>, vector<1x16xf32>,
        %add3A_652 = arith.constant 1 : i32
        %add3A_653 = arith.addi %add3A_589, %add3A_652 : i32
        %get3A_654 = arith.index_cast %add3A_653 : i32 to index
        %get3A_655 = arith.constant 0 : index
        %get3A_656 = tpu.vector_load %arg13[%get3A_654, %get3A_655] {strides = array<i32>} : memref<200x64xf32, #tpu.memory_space<vmem>>, vector<1x16xf32>,
        %get3A_657 = vector.shape_cast %get3A_656 : vector<1x16xf32> to vector<16xf32>
        %mul3A_658 = arith.constant 8.000000e+00 : f32
        %mul3A_659 = vector.broadcast %mul3A_658 : f32 to vector<16xf32>
        %mul3A_660 = arith.mulf %get3A_657, %mul3A_659 : vector<16xf32>
        %add3A_661 = arith.constant 1 : i32
        %add3A_662 = arith.addi %add3A_589, %add3A_661 : i32
        %swap3A_663 = arith.index_cast %add3A_662 : i32 to index
        %swap3A_664 = arith.constant 0 : index
        %swap3A_665 = tpu.vector_load %arg13[%swap3A_663, %swap3A_664] {strides = array<i32>} : memref<200x64xf32, #tpu.memory_space<vmem>>, vector<1x16xf32>,
        %swap3A_666 = vector.shape_cast %swap3A_665 : vector<1x16xf32> to vector<16xf32>
        %swap3A_667 = vector.shape_cast %mul3A_660 : vector<16xf32> to vector<1x16xf32>
        tpu.vector_store %arg13[%swap3A_663, %swap3A_664], %swap3A_667 {strides = array<i32>} : memref<200x64xf32, #tpu.memory_space<vmem>>, vector<1x16xf32>,
        %add3A_668 = arith.constant 1 : i32
        %add3A_669 = arith.addi %add3A_589, %add3A_668 : i32
        %get3A_670 = arith.index_cast %add3A_669 : i32 to index
        %get3A_671 = arith.constant 16 : index
        %get3A_672 = tpu.vector_load %arg13[%get3A_670, %get3A_671] {strides = array<i32>} : memref<200x64xf32, #tpu.memory_space<vmem>>, vector<1x16xf32>,
        %get3A_673 = vector.shape_cast %get3A_672 : vector<1x16xf32> to vector<16xf32>
        %mul3A_674 = arith.constant 8.000000e+00 : f32
        %mul3A_675 = vector.broadcast %mul3A_674 : f32 to vector<16xf32>
        %mul3A_676 = arith.mulf %get3A_673, %mul3A_675 : vector<16xf32>
        %add3A_677 = arith.constant 1 : i32
        %add3A_678 = arith.addi %add3A_589, %add3A_677 : i32
        %swap3A_679 = arith.index_cast %add3A_678 : i32 to index
        %swap3A_680 = arith.constant 16 : index
        %swap3A_681 = tpu.vector_load %arg13[%swap3A_679, %swap3A_680] {strides = array<i32>} : memref<200x64xf32, #tpu.memory_space<vmem>>, vector<1x16xf32>,
        %swap3A_682 = vector.shape_cast %swap3A_681 : vector<1x16xf32> to vector<16xf32>
        %swap3A_683 = vector.shape_cast %mul3A_676 : vector<16xf32> to vector<1x16xf32>
        tpu.vector_store %arg13[%swap3A_679, %swap3A_680], %swap3A_683 {strides = array<i32>} : memref<200x64xf32, #tpu.memory_space<vmem>>, vector<1x16xf32>,
        %add3A_684 = arith.constant 1 : i32
        %add3A_685 = arith.addi %add3A_589, %add3A_684 : i32
        %get3A_686 = arith.index_cast %add3A_685 : i32 to index
        %get3A_687 = arith.constant 32 : index
        %get3A_688 = tpu.vector_load %arg13[%get3A_686, %get3A_687] {strides = array<i32>} : memref<200x64xf32, #tpu.memory_space<vmem>>, vector<1x16xf32>,
        %get3A_689 = vector.shape_cast %get3A_688 : vector<1x16xf32> to vector<16xf32>
        %mul3A_690 = arith.constant 8.000000e+00 : f32
        %mul3A_691 = vector.broadcast %mul3A_690 : f32 to vector<16xf32>
        %mul3A_692 = arith.mulf %get3A_689, %mul3A_691 : vector<16xf32>
        %add3A_693 = arith.constant 1 : i32
        %add3A_694 = arith.addi %add3A_589, %add3A_693 : i32
        %swap3A_695 = arith.index_cast %add3A_694 : i32 to index
        %swap3A_696 = arith.constant 32 : index
        %swap3A_697 = tpu.vector_load %arg13[%swap3A_695, %swap3A_696] {strides = array<i32>} : memref<200x64xf32, #tpu.memory_space<vmem>>, vector<1x16xf32>,
        %swap3A_698 = vector.shape_cast %swap3A_697 : vector<1x16xf32> to vector<16xf32>
        %swap3A_699 = vector.shape_cast %mul3A_692 : vector<16xf32> to vector<1x16xf32>
        tpu.vector_store %arg13[%swap3A_695, %swap3A_696], %swap3A_699 {strides = array<i32>} : memref<200x64xf32, #tpu.memory_space<vmem>>, vector<1x16xf32>,
        %add3A_700 = arith.constant 1 : i32
        %add3A_701 = arith.addi %add3A_589, %add3A_700 : i32
        %get3A_702 = arith.index_cast %add3A_701 : i32 to index
        %get3A_703 = arith.constant 48 : index
        %get3A_704 = tpu.vector_load %arg13[%get3A_702, %get3A_703] {strides = array<i32>} : memref<200x64xf32, #tpu.memory_space<vmem>>, vector<1x16xf32>,
        %get3A_705 = vector.shape_cast %get3A_704 : vector<1x16xf32> to vector<16xf32>
        %mul3A_706 = arith.constant 8.000000e+00 : f32
        %mul3A_707 = vector.broadcast %mul3A_706 : f32 to vector<16xf32>
        %mul3A_708 = arith.mulf %get3A_705, %mul3A_707 : vector<16xf32>
        %add3A_709 = arith.constant 1 : i32
        %add3A_710 = arith.addi %add3A_589, %add3A_709 : i32
        %swap3A_711 = arith.index_cast %add3A_710 : i32 to index
        %swap3A_712 = arith.constant 48 : index
        %swap3A_713 = tpu.vector_load %arg13[%swap3A_711, %swap3A_712] {strides = array<i32>} : memref<200x64xf32, #tpu.memory_space<vmem>>, vector<1x16xf32>,
        %swap3A_714 = vector.shape_cast %swap3A_713 : vector<1x16xf32> to vector<16xf32>
        %swap3A_715 = vector.shape_cast %mul3A_708 : vector<16xf32> to vector<1x16xf32>
        tpu.vector_store %arg13[%swap3A_711, %swap3A_712], %swap3A_715 {strides = array<i32>} : memref<200x64xf32, #tpu.memory_space<vmem>>, vector<1x16xf32>,
        %add3A_716 = arith.constant 2 : i32
        %add3A_717 = arith.addi %add3A_589, %add3A_716 : i32
        %get3A_718 = arith.index_cast %add3A_717 : i32 to index
        %get3A_719 = arith.constant 0 : index
        %get3A_720 = tpu.vector_load %arg13[%get3A_718, %get3A_719] {strides = array<i32>} : memref<200x64xf32, #tpu.memory_space<vmem>>, vector<1x16xf32>,
        %get3A_721 = vector.shape_cast %get3A_720 : vector<1x16xf32> to vector<16xf32>
        %mul3A_722 = arith.constant 8.000000e+00 : f32
        %mul3A_723 = vector.broadcast %mul3A_722 : f32 to vector<16xf32>
        %mul3A_724 = arith.mulf %get3A_721, %mul3A_723 : vector<16xf32>
        %add3A_725 = arith.constant 2 : i32
        %add3A_726 = arith.addi %add3A_589, %add3A_725 : i32
        %swap3A_727 = arith.index_cast %add3A_726 : i32 to index
        %swap3A_728 = arith.constant 0 : index
        %swap3A_729 = tpu.vector_load %arg13[%swap3A_727, %swap3A_728] {strides = array<i32>} : memref<200x64xf32, #tpu.memory_space<vmem>>, vector<1x16xf32>,
        %swap3A_730 = vector.shape_cast %swap3A_729 : vector<1x16xf32> to vector<16xf32>
        %swap3A_731 = vector.shape_cast %mul3A_724 : vector<16xf32> to vector<1x16xf32>
        tpu.vector_store %arg13[%swap3A_727, %swap3A_728], %swap3A_731 {strides = array<i32>} : memref<200x64xf32, #tpu.memory_space<vmem>>, vector<1x16xf32>,
        %add3A_732 = arith.constant 2 : i32
        %add3A_733 = arith.addi %add3A_589, %add3A_732 : i32
        %get3A_734 = arith.index_cast %add3A_733 : i32 to index
        %get3A_735 = arith.constant 16 : index
        %get3A_736 = tpu.vector_load %arg13[%get3A_734, %get3A_735] {strides = array<i32>} : memref<200x64xf32, #tpu.memory_space<vmem>>, vector<1x16xf32>,
        %get3A_737 = vector.shape_cast %get3A_736 : vector<1x16xf32> to vector<16xf32>
        %mul3A_738 = arith.constant 8.000000e+00 : f32
        %mul3A_739 = vector.broadcast %mul3A_738 : f32 to vector<16xf32>
        %mul3A_740 = arith.mulf %get3A_737, %mul3A_739 : vector<16xf32>
        %add3A_741 = arith.constant 2 : i32
        %add3A_742 = arith.addi %add3A_589, %add3A_741 : i32
        %swap3A_743 = arith.index_cast %add3A_742 : i32 to index
        %swap3A_744 = arith.constant 16 : index
        %swap3A_745 = tpu.vector_load %arg13[%swap3A_743, %swap3A_744] {strides = array<i32>} : memref<200x64xf32, #tpu.memory_space<vmem>>, vector<1x16xf32>,
        %swap3A_746 = vector.shape_cast %swap3A_745 : vector<1x16xf32> to vector<16xf32>
        %swap3A_747 = vector.shape_cast %mul3A_740 : vector<16xf32> to vector<1x16xf32>
        tpu.vector_store %arg13[%swap3A_743, %swap3A_744], %swap3A_747 {strides = array<i32>} : memref<200x64xf32, #tpu.memory_space<vmem>>, vector<1x16xf32>,
        %add3A_748 = arith.constant 2 : i32
        %add3A_749 = arith.addi %add3A_589, %add3A_748 : i32
        %get3A_750 = arith.index_cast %add3A_749 : i32 to index
        %get3A_751 = arith.constant 32 : index
        %get3A_752 = tpu.vector_load %arg13[%get3A_750, %get3A_751] {strides = array<i32>} : memref<200x64xf32, #tpu.memory_space<vmem>>, vector<1x16xf32>,
        %get3A_753 = vector.shape_cast %get3A_752 : vector<1x16xf32> to vector<16xf32>
        %mul3A_754 = arith.constant 8.000000e+00 : f32
        %mul3A_755 = vector.broadcast %mul3A_754 : f32 to vector<16xf32>
        %mul3A_756 = arith.mulf %get3A_753, %mul3A_755 : vector<16xf32>
        %add3A_757 = arith.constant 2 : i32
        %add3A_758 = arith.addi %add3A_589, %add3A_757 : i32
        %swap3A_759 = arith.index_cast %add3A_758 : i32 to index
        %swap3A_760 = arith.constant 32 : index
        %swap3A_761 = tpu.vector_load %arg13[%swap3A_759, %swap3A_760] {strides = array<i32>} : memref<200x64xf32, #tpu.memory_space<vmem>>, vector<1x16xf32>,
        %swap3A_762 = vector.shape_cast %swap3A_761 : vector<1x16xf32> to vector<16xf32>
        %swap3A_763 = vector.shape_cast %mul3A_756 : vector<16xf32> to vector<1x16xf32>
        tpu.vector_store %arg13[%swap3A_759, %swap3A_760], %swap3A_763 {strides = array<i32>} : memref<200x64xf32, #tpu.memory_space<vmem>>, vector<1x16xf32>,
        %add3A_764 = arith.constant 2 : i32
        %add3A_765 = arith.addi %add3A_589, %add3A_764 : i32
        %get3A_766 = arith.index_cast %add3A_765 : i32 to index
        %get3A_767 = arith.constant 48 : index
        %get3A_768 = tpu.vector_load %arg13[%get3A_766, %get3A_767] {strides = array<i32>} : memref<200x64xf32, #tpu.memory_space<vmem>>, vector<1x16xf32>,
        %get3A_769 = vector.shape_cast %get3A_768 : vector<1x16xf32> to vector<16xf32>
        %mul3A_770 = arith.constant 8.000000e+00 : f32
        %mul3A_771 = vector.broadcast %mul3A_770 : f32 to vector<16xf32>
        %mul3A_772 = arith.mulf %get3A_769, %mul3A_771 : vector<16xf32>
        %add3A_773 = arith.constant 2 : i32
        %add3A_774 = arith.addi %add3A_589, %add3A_773 : i32
        %swap3A_775 = arith.index_cast %add3A_774 : i32 to index
        %swap3A_776 = arith.constant 48 : index
        %swap3A_777 = tpu.vector_load %arg13[%swap3A_775, %swap3A_776] {strides = array<i32>} : memref<200x64xf32, #tpu.memory_space<vmem>>, vector<1x16xf32>,
        %swap3A_778 = vector.shape_cast %swap3A_777 : vector<1x16xf32> to vector<16xf32>
        %swap3A_779 = vector.shape_cast %mul3A_772 : vector<16xf32> to vector<1x16xf32>
        tpu.vector_store %arg13[%swap3A_775, %swap3A_776], %swap3A_779 {strides = array<i32>} : memref<200x64xf32, #tpu.memory_space<vmem>>, vector<1x16xf32>,
        %add3A_780 = arith.constant 3 : i32
        %add3A_781 = arith.addi %add3A_589, %add3A_780 : i32
        %get3A_782 = arith.index_cast %add3A_781 : i32 to index
        %get3A_783 = arith.constant 0 : index
        %get3A_784 = tpu.vector_load %arg13[%get3A_782, %get3A_783] {strides = array<i32>} : memref<200x64xf32, #tpu.memory_space<vmem>>, vector<1x16xf32>,
        %get3A_785 = vector.shape_cast %get3A_784 : vector<1x16xf32> to vector<16xf32>
        %mul3A_786 = arith.constant 8.000000e+00 : f32
        %mul3A_787 = vector.broadcast %mul3A_786 : f32 to vector<16xf32>
        %mul3A_788 = arith.mulf %get3A_785, %mul3A_787 : vector<16xf32>
        %add3A_789 = arith.constant 3 : i32
        %add3A_790 = arith.addi %add3A_589, %add3A_789 : i32
        %swap3A_791 = arith.index_cast %add3A_790 : i32 to index
        %swap3A_792 = arith.constant 0 : index
        %swap3A_793 = tpu.vector_load %arg13[%swap3A_791, %swap3A_792] {strides = array<i32>} : memref<200x64xf32, #tpu.memory_space<vmem>>, vector<1x16xf32>,
        %swap3A_794 = vector.shape_cast %swap3A_793 : vector<1x16xf32> to vector<16xf32>
        %swap3A_795 = vector.shape_cast %mul3A_788 : vector<16xf32> to vector<1x16xf32>
        tpu.vector_store %arg13[%swap3A_791, %swap3A_792], %swap3A_795 {strides = array<i32>} : memref<200x64xf32, #tpu.memory_space<vmem>>, vector<1x16xf32>,
        %add3A_796 = arith.constant 3 : i32
        %add3A_797 = arith.addi %add3A_589, %add3A_796 : i32
        %get3A_798 = arith.index_cast %add3A_797 : i32 to index
        %get3A_799 = arith.constant 16 : index
        %get3A_800 = tpu.vector_load %arg13[%get3A_798, %get3A_799] {strides = array<i32>} : memref<200x64xf32, #tpu.memory_space<vmem>>, vector<1x16xf32>,
        %get3A_801 = vector.shape_cast %get3A_800 : vector<1x16xf32> to vector<16xf32>
        %mul3A_802 = arith.constant 8.000000e+00 : f32
        %mul3A_803 = vector.broadcast %mul3A_802 : f32 to vector<16xf32>
        %mul3A_804 = arith.mulf %get3A_801, %mul3A_803 : vector<16xf32>
        %add3A_805 = arith.constant 3 : i32
        %add3A_806 = arith.addi %add3A_589, %add3A_805 : i32
        %swap3A_807 = arith.index_cast %add3A_806 : i32 to index
        %swap3A_808 = arith.constant 16 : index
        %swap3A_809 = tpu.vector_load %arg13[%swap3A_807, %swap3A_808] {strides = array<i32>} : memref<200x64xf32, #tpu.memory_space<vmem>>, vector<1x16xf32>,
        %swap3A_810 = vector.shape_cast %swap3A_809 : vector<1x16xf32> to vector<16xf32>
        %swap3A_811 = vector.shape_cast %mul3A_804 : vector<16xf32> to vector<1x16xf32>
        tpu.vector_store %arg13[%swap3A_807, %swap3A_808], %swap3A_811 {strides = array<i32>} : memref<200x64xf32, #tpu.memory_space<vmem>>, vector<1x16xf32>,
        %add3A_812 = arith.constant 3 : i32
        %add3A_813 = arith.addi %add3A_589, %add3A_812 : i32
        %get3A_814 = arith.index_cast %add3A_813 : i32 to index
        %get3A_815 = arith.constant 32 : index
        %get3A_816 = tpu.vector_load %arg13[%get3A_814, %get3A_815] {strides = array<i32>} : memref<200x64xf32, #tpu.memory_space<vmem>>, vector<1x16xf32>,
        %get3A_817 = vector.shape_cast %get3A_816 : vector<1x16xf32> to vector<16xf32>
        %mul3A_818 = arith.constant 8.000000e+00 : f32
        %mul3A_819 = vector.broadcast %mul3A_818 : f32 to vector<16xf32>
        %mul3A_820 = arith.mulf %get3A_817, %mul3A_819 : vector<16xf32>
        %add3A_821 = arith.constant 3 : i32
        %add3A_822 = arith.addi %add3A_589, %add3A_821 : i32
        %swap3A_823 = arith.index_cast %add3A_822 : i32 to index
        %swap3A_824 = arith.constant 32 : index
        %swap3A_825 = tpu.vector_load %arg13[%swap3A_823, %swap3A_824] {strides = array<i32>} : memref<200x64xf32, #tpu.memory_space<vmem>>, vector<1x16xf32>,
        %swap3A_826 = vector.shape_cast %swap3A_825 : vector<1x16xf32> to vector<16xf32>
        %swap3A_827 = vector.shape_cast %mul3A_820 : vector<16xf32> to vector<1x16xf32>
        tpu.vector_store %arg13[%swap3A_823, %swap3A_824], %swap3A_827 {strides = array<i32>} : memref<200x64xf32, #tpu.memory_space<vmem>>, vector<1x16xf32>,
        %add3A_828 = arith.constant 3 : i32
        %add3A_829 = arith.addi %add3A_589, %add3A_828 : i32
        %get3A_830 = arith.index_cast %add3A_829 : i32 to index
        %get3A_831 = arith.constant 48 : index
        %get3A_832 = tpu.vector_load %arg13[%get3A_830, %get3A_831] {strides = array<i32>} : memref<200x64xf32, #tpu.memory_space<vmem>>, vector<1x16xf32>,
        %get3A_833 = vector.shape_cast %get3A_832 : vector<1x16xf32> to vector<16xf32>
        %mul3A_834 = arith.constant 8.000000e+00 : f32
        %mul3A_835 = vector.broadcast %mul3A_834 : f32 to vector<16xf32>
        %mul3A_836 = arith.mulf %get3A_833, %mul3A_835 : vector<16xf32>
        %add3A_837 = arith.constant 3 : i32
        %add3A_838 = arith.addi %add3A_589, %add3A_837 : i32
        %swap3A_839 = arith.index_cast %add3A_838 : i32 to index
        %swap3A_840 = arith.constant 48 : index
        %swap3A_841 = tpu.vector_load %arg13[%swap3A_839, %swap3A_840] {strides = array<i32>} : memref<200x64xf32, #tpu.memory_space<vmem>>, vector<1x16xf32>,
        %swap3A_842 = vector.shape_cast %swap3A_841 : vector<1x16xf32> to vector<16xf32>
        %swap3A_843 = vector.shape_cast %mul3A_836 : vector<16xf32> to vector<1x16xf32>
        tpu.vector_store %arg13[%swap3A_839, %swap3A_840], %swap3A_843 {strides = array<i32>} : memref<200x64xf32, #tpu.memory_space<vmem>>, vector<1x16xf32>,
      }
      %scan3A_412 = arith.constant 50 : i32
      %add3A_413 = arith.addi %mul3A_2, %add3A_401 : i32
      %mul3A_414 = arith.constant 200 : i32
      %mul3A_415 = arith.muli %add3A_413, %mul3A_414 : i32
      %dma_start3A_416 = arith.constant 0 : i32
      %dma_start3A_417 = tpu.memref_slice %arg4[%mul3A_415, %dma_start3A_416] : memref<819200x64xf32, #tpu.memory_space<hbm>> -> memref<200x64xf32, #tpu.memory_space<hbm>>
      %dma_start3A_418 = arith.constant 0 : i32
      %dma_start3A_419 = tpu.memref_slice %arg4[%mul3A_415, %dma_start3A_418] : memref<819200x64xf32, #tpu.memory_space<hbm>> -> memref<200x64xf32, #tpu.memory_space<hbm>>
      tpu.enqueue_dma source(%arg13 : memref<200x64xf32, #tpu.memory_space<vmem>>) target(%dma_start3A_419 : memref<200x64xf32, #tpu.memory_space<hbm>>) target_semaphore(%arg29 : memref<!tpu.dma_semaphore, #tpu.memory_space<semaphore_mem>>)
      %sub3A_420 = arith.constant 4 : i32
      %sub3A_421 = arith.subi %add3A_401, %sub3A_420 : i32
      %add3A_422 = arith.addi %mul3A_2, %sub3A_421 : i32
      %mul3A_423 = arith.constant 200 : i32
      %mul3A_424 = arith.muli %add3A_422, %mul3A_423 : i32
      %dma_wait3A_425 = arith.constant 0 : i32
      %dma_wait3A_426 = tpu.memref_slice %arg4[%mul3A_424, %dma_wait3A_425] : memref<819200x64xf32, #tpu.memory_space<hbm>> -> memref<200x64xf32, #tpu.memory_space<hbm>>
      %dma_wait3A_427 = arith.constant 0 : i32
      %dma_wait3A_428 = tpu.memref_slice %arg4[%mul3A_424, %dma_wait3A_427] : memref<819200x64xf32, #tpu.memory_space<hbm>> -> memref<200x64xf32, #tpu.memory_space<hbm>>
      tpu.wait_dma2 semaphore(%arg25 : memref<!tpu.dma_semaphore, #tpu.memory_space<semaphore_mem>>) src(%arg9 : memref<200x64xf32, #tpu.memory_space<vmem>>) dst(%dma_wait3A_428 : memref<200x64xf32, #tpu.memory_space<hbm>>)
      %add3A_429 = arith.constant 4 : i32
      %add3A_430 = arith.addi %add3A_401, %add3A_429 : i32
      %dma_start3A_431 = arith.constant 0 : i32
      %dma_start3A_432 = tpu.memref_slice %arg5[%add3A_430, %dma_start3A_431] : memref<128x200xi32, #tpu.memory_space<vmem>> -> memref<1x200xi32, #tpu.memory_space<vmem>>
      %dma_start3A_433 = tpu.memref_squeeze %dma_start3A_432 : memref<1x200xi32, #tpu.memory_space<vmem>> -> memref<200xi32, #tpu.memory_space<vmem>>
      %dma_start3A_434 = arith.constant 0 : i32
      %dma_start3A_435 = arith.constant 0 : i32
      %dma_start3A_436 = tpu.memref_slice %arg2[%dma_start3A_434, %dma_start3A_435] : memref<1000000x64xf32, #tpu.memory_space<hbm>> -> memref<1000000x64xf32, #tpu.memory_space<hbm>>
      tpu.enqueue_indirect_dma source(%dma_start3A_436 : memref<1000000x64xf32, #tpu.memory_space<hbm>>) target(%arg9 : memref<200x64xf32, #tpu.memory_space<vmem>>) offsets(%dma_start3A_433 : memref<200xi32, #tpu.memory_space<vmem>>) semaphore(%arg17 : memref<!tpu.dma_semaphore, #tpu.memory_space<semaphore_mem>>)
      %add3A_437 = arith.constant 4 : i32
      %add3A_438 = arith.addi %add3A_289, %add3A_437 : i32
      %dma_wait3A_439 = arith.constant 0 : i32
      %dma_wait3A_440 = tpu.memref_slice %arg5[%add3A_438, %dma_wait3A_439] : memref<128x200xi32, #tpu.memory_space<vmem>> -> memref<1x200xi32, #tpu.memory_space<vmem>>
      %dma_wait3A_441 = tpu.memref_squeeze %dma_wait3A_440 : memref<1x200xi32, #tpu.memory_space<vmem>> -> memref<200xi32, #tpu.memory_space<vmem>>
      %dma_wait3A_442 = arith.constant 0 : i32
      %dma_wait3A_443 = arith.constant 0 : i32
      %dma_wait3A_444 = tpu.memref_slice %arg2[%dma_wait3A_442, %dma_wait3A_443] : memref<1000000x64xf32, #tpu.memory_space<hbm>> -> memref<1000000x64xf32, #tpu.memory_space<hbm>>
      tpu.wait_indirect_dma semaphore(%arg14 : memref<!tpu.dma_semaphore, #tpu.memory_space<semaphore_mem>>) src(%dma_wait3A_444 : memref<1000000x64xf32, #tpu.memory_space<hbm>>) dst(%arg6 : memref<200x64xf32, #tpu.memory_space<vmem>>)
      %scan3A_445 = arith.constant 0 : i32
      %scan3A_446 = arith.constant 50 : i32
      %scan3A_447 = arith.addi %scan3A_445, %scan3A_446 : i32
      %scan3A_448 = arith.constant 1 : i32
      scf.for %scan3A_585 = %scan3A_445 to %scan3A_447 step %scan3A_448  : i32 {
        %mul3A_586 = arith.constant 4 : i32
        %mul3A_587 = arith.muli %scan3A_585, %mul3A_586 : i32
        %add3A_588 = arith.constant 0 : i32
        %add3A_589 = arith.addi %add3A_588, %mul3A_587 : i32
        %add3A_590 = arith.constant 0 : i32
        %add3A_591 = arith.addi %add3A_589, %add3A_590 : i32
        %get3A = arith.index_cast %add3A_591 : i32 to index
        %get3A_592 = arith.constant 0 : index
        %get3A_593 = tpu.vector_load %arg6[%get3A, %get3A_592] {strides = array<i32>} : memref<200x64xf32, #tpu.memory_space<vmem>>, vector<1x16xf32>,
        %get3A_594 = vector.shape_cast %get3A_593 : vector<1x16xf32> to vector<16xf32>
        %mul3A_595 = arith.constant 8.000000e+00 : f32
        %mul3A_596 = vector.broadcast %mul3A_595 : f32 to vector<16xf32>
        %mul3A_597 = arith.mulf %get3A_594, %mul3A_596 : vector<16xf32>
        %add3A_598 = arith.constant 0 : i32
        %add3A_599 = arith.addi %add3A_589, %add3A_598 : i32
        %swap3A = arith.index_cast %add3A_599 : i32 to index
        %swap3A_600 = arith.constant 0 : index
        %swap3A_601 = tpu.vector_load %arg6[%swap3A, %swap3A_600] {strides = array<i32>} : memref<200x64xf32, #tpu.memory_space<vmem>>, vector<1x16xf32>,
        %swap3A_602 = vector.shape_cast %swap3A_601 : vector<1x16xf32> to vector<16xf32>
        %swap3A_603 = vector.shape_cast %mul3A_597 : vector<16xf32> to vector<1x16xf32>
        tpu.vector_store %arg6[%swap3A, %swap3A_600], %swap3A_603 {strides = array<i32>} : memref<200x64xf32, #tpu.memory_space<vmem>>, vector<1x16xf32>,
        %add3A_604 = arith.constant 0 : i32
        %add3A_605 = arith.addi %add3A_589, %add3A_604 : i32
        %get3A_606 = arith.index_cast %add3A_605 : i32 to index
        %get3A_607 = arith.constant 16 : index
        %get3A_608 = tpu.vector_load %arg6[%get3A_606, %get3A_607] {strides = array<i32>} : memref<200x64xf32, #tpu.memory_space<vmem>>, vector<1x16xf32>,
        %get3A_609 = vector.shape_cast %get3A_608 : vector<1x16xf32> to vector<16xf32>
        %mul3A_610 = arith.constant 8.000000e+00 : f32
        %mul3A_611 = vector.broadcast %mul3A_610 : f32 to vector<16xf32>
        %mul3A_612 = arith.mulf %get3A_609, %mul3A_611 : vector<16xf32>
        %add3A_613 = arith.constant 0 : i32
        %add3A_614 = arith.addi %add3A_589, %add3A_613 : i32
        %swap3A_615 = arith.index_cast %add3A_614 : i32 to index
        %swap3A_616 = arith.constant 16 : index
        %swap3A_617 = tpu.vector_load %arg6[%swap3A_615, %swap3A_616] {strides = array<i32>} : memref<200x64xf32, #tpu.memory_space<vmem>>, vector<1x16xf32>,
        %swap3A_618 = vector.shape_cast %swap3A_617 : vector<1x16xf32> to vector<16xf32>
        %swap3A_619 = vector.shape_cast %mul3A_612 : vector<16xf32> to vector<1x16xf32>
        tpu.vector_store %arg6[%swap3A_615, %swap3A_616], %swap3A_619 {strides = array<i32>} : memref<200x64xf32, #tpu.memory_space<vmem>>, vector<1x16xf32>,
        %add3A_620 = arith.constant 0 : i32
        %add3A_621 = arith.addi %add3A_589, %add3A_620 : i32
        %get3A_622 = arith.index_cast %add3A_621 : i32 to index
        %get3A_623 = arith.constant 32 : index
        %get3A_624 = tpu.vector_load %arg6[%get3A_622, %get3A_623] {strides = array<i32>} : memref<200x64xf32, #tpu.memory_space<vmem>>, vector<1x16xf32>,
        %get3A_625 = vector.shape_cast %get3A_624 : vector<1x16xf32> to vector<16xf32>
        %mul3A_626 = arith.constant 8.000000e+00 : f32
        %mul3A_627 = vector.broadcast %mul3A_626 : f32 to vector<16xf32>
        %mul3A_628 = arith.mulf %get3A_625, %mul3A_627 : vector<16xf32>
        %add3A_629 = arith.constant 0 : i32
        %add3A_630 = arith.addi %add3A_589, %add3A_629 : i32
        %swap3A_631 = arith.index_cast %add3A_630 : i32 to index
        %swap3A_632 = arith.constant 32 : index
        %swap3A_633 = tpu.vector_load %arg6[%swap3A_631, %swap3A_632] {strides = array<i32>} : memref<200x64xf32, #tpu.memory_space<vmem>>, vector<1x16xf32>,
        %swap3A_634 = vector.shape_cast %swap3A_633 : vector<1x16xf32> to vector<16xf32>
        %swap3A_635 = vector.shape_cast %mul3A_628 : vector<16xf32> to vector<1x16xf32>
        tpu.vector_store %arg6[%swap3A_631, %swap3A_632], %swap3A_635 {strides = array<i32>} : memref<200x64xf32, #tpu.memory_space<vmem>>, vector<1x16xf32>,
        %add3A_636 = arith.constant 0 : i32
        %add3A_637 = arith.addi %add3A_589, %add3A_636 : i32
        %get3A_638 = arith.index_cast %add3A_637 : i32 to index
        %get3A_639 = arith.constant 48 : index
        %get3A_640 = tpu.vector_load %arg6[%get3A_638, %get3A_639] {strides = array<i32>} : memref<200x64xf32, #tpu.memory_space<vmem>>, vector<1x16xf32>,
        %get3A_641 = vector.shape_cast %get3A_640 : vector<1x16xf32> to vector<16xf32>
        %mul3A_642 = arith.constant 8.000000e+00 : f32
        %mul3A_643 = vector.broadcast %mul3A_642 : f32 to vector<16xf32>
        %mul3A_644 = arith.mulf %get3A_641, %mul3A_643 : vector<16xf32>
        %add3A_645 = arith.constant 0 : i32
        %add3A_646 = arith.addi %add3A_589, %add3A_645 : i32
        %swap3A_647 = arith.index_cast %add3A_646 : i32 to index
        %swap3A_648 = arith.constant 48 : index
        %swap3A_649 = tpu.vector_load %arg6[%swap3A_647, %swap3A_648] {strides = array<i32>} : memref<200x64xf32, #tpu.memory_space<vmem>>, vector<1x16xf32>,
        %swap3A_650 = vector.shape_cast %swap3A_649 : vector<1x16xf32> to vector<16xf32>
        %swap3A_651 = vector.shape_cast %mul3A_644 : vector<16xf32> to vector<1x16xf32>
        tpu.vector_store %arg6[%swap3A_647, %swap3A_648], %swap3A_651 {strides = array<i32>} : memref<200x64xf32, #tpu.memory_space<vmem>>, vector<1x16xf32>,
        %add3A_652 = arith.constant 1 : i32
        %add3A_653 = arith.addi %add3A_589, %add3A_652 : i32
        %get3A_654 = arith.index_cast %add3A_653 : i32 to index
        %get3A_655 = arith.constant 0 : index
        %get3A_656 = tpu.vector_load %arg6[%get3A_654, %get3A_655] {strides = array<i32>} : memref<200x64xf32, #tpu.memory_space<vmem>>, vector<1x16xf32>,
        %get3A_657 = vector.shape_cast %get3A_656 : vector<1x16xf32> to vector<16xf32>
        %mul3A_658 = arith.constant 8.000000e+00 : f32
        %mul3A_659 = vector.broadcast %mul3A_658 : f32 to vector<16xf32>
        %mul3A_660 = arith.mulf %get3A_657, %mul3A_659 : vector<16xf32>
        %add3A_661 = arith.constant 1 : i32
        %add3A_662 = arith.addi %add3A_589, %add3A_661 : i32
        %swap3A_663 = arith.index_cast %add3A_662 : i32 to index
        %swap3A_664 = arith.constant 0 : index
        %swap3A_665 = tpu.vector_load %arg6[%swap3A_663, %swap3A_664] {strides = array<i32>} : memref<200x64xf32, #tpu.memory_space<vmem>>, vector<1x16xf32>,
        %swap3A_666 = vector.shape_cast %swap3A_665 : vector<1x16xf32> to vector<16xf32>
        %swap3A_667 = vector.shape_cast %mul3A_660 : vector<16xf32> to vector<1x16xf32>
        tpu.vector_store %arg6[%swap3A_663, %swap3A_664], %swap3A_667 {strides = array<i32>} : memref<200x64xf32, #tpu.memory_space<vmem>>, vector<1x16xf32>,
        %add3A_668 = arith.constant 1 : i32
        %add3A_669 = arith.addi %add3A_589, %add3A_668 : i32
        %get3A_670 = arith.index_cast %add3A_669 : i32 to index
        %get3A_671 = arith.constant 16 : index
        %get3A_672 = tpu.vector_load %arg6[%get3A_670, %get3A_671] {strides = array<i32>} : memref<200x64xf32, #tpu.memory_space<vmem>>, vector<1x16xf32>,
        %get3A_673 = vector.shape_cast %get3A_672 : vector<1x16xf32> to vector<16xf32>
        %mul3A_674 = arith.constant 8.000000e+00 : f32
        %mul3A_675 = vector.broadcast %mul3A_674 : f32 to vector<16xf32>
        %mul3A_676 = arith.mulf %get3A_673, %mul3A_675 : vector<16xf32>
        %add3A_677 = arith.constant 1 : i32
        %add3A_678 = arith.addi %add3A_589, %add3A_677 : i32
        %swap3A_679 = arith.index_cast %add3A_678 : i32 to index
        %swap3A_680 = arith.constant 16 : index
        %swap3A_681 = tpu.vector_load %arg6[%swap3A_679, %swap3A_680] {strides = array<i32>} : memref<200x64xf32, #tpu.memory_space<vmem>>, vector<1x16xf32>,
        %swap3A_682 = vector.shape_cast %swap3A_681 : vector<1x16xf32> to vector<16xf32>
        %swap3A_683 = vector.shape_cast %mul3A_676 : vector<16xf32> to vector<1x16xf32>
        tpu.vector_store %arg6[%swap3A_679, %swap3A_680], %swap3A_683 {strides = array<i32>} : memref<200x64xf32, #tpu.memory_space<vmem>>, vector<1x16xf32>,
        %add3A_684 = arith.constant 1 : i32
        %add3A_685 = arith.addi %add3A_589, %add3A_684 : i32
        %get3A_686 = arith.index_cast %add3A_685 : i32 to index
        %get3A_687 = arith.constant 32 : index
        %get3A_688 = tpu.vector_load %arg6[%get3A_686, %get3A_687] {strides = array<i32>} : memref<200x64xf32, #tpu.memory_space<vmem>>, vector<1x16xf32>,
        %get3A_689 = vector.shape_cast %get3A_688 : vector<1x16xf32> to vector<16xf32>
        %mul3A_690 = arith.constant 8.000000e+00 : f32
        %mul3A_691 = vector.broadcast %mul3A_690 : f32 to vector<16xf32>
        %mul3A_692 = arith.mulf %get3A_689, %mul3A_691 : vector<16xf32>
        %add3A_693 = arith.constant 1 : i32
        %add3A_694 = arith.addi %add3A_589, %add3A_693 : i32
        %swap3A_695 = arith.index_cast %add3A_694 : i32 to index
        %swap3A_696 = arith.constant 32 : index
        %swap3A_697 = tpu.vector_load %arg6[%swap3A_695, %swap3A_696] {strides = array<i32>} : memref<200x64xf32, #tpu.memory_space<vmem>>, vector<1x16xf32>,
        %swap3A_698 = vector.shape_cast %swap3A_697 : vector<1x16xf32> to vector<16xf32>
        %swap3A_699 = vector.shape_cast %mul3A_692 : vector<16xf32> to vector<1x16xf32>
        tpu.vector_store %arg6[%swap3A_695, %swap3A_696], %swap3A_699 {strides = array<i32>} : memref<200x64xf32, #tpu.memory_space<vmem>>, vector<1x16xf32>,
        %add3A_700 = arith.constant 1 : i32
        %add3A_701 = arith.addi %add3A_589, %add3A_700 : i32
        %get3A_702 = arith.index_cast %add3A_701 : i32 to index
        %get3A_703 = arith.constant 48 : index
        %get3A_704 = tpu.vector_load %arg6[%get3A_702, %get3A_703] {strides = array<i32>} : memref<200x64xf32, #tpu.memory_space<vmem>>, vector<1x16xf32>,
        %get3A_705 = vector.shape_cast %get3A_704 : vector<1x16xf32> to vector<16xf32>
        %mul3A_706 = arith.constant 8.000000e+00 : f32
        %mul3A_707 = vector.broadcast %mul3A_706 : f32 to vector<16xf32>
        %mul3A_708 = arith.mulf %get3A_705, %mul3A_707 : vector<16xf32>
        %add3A_709 = arith.constant 1 : i32
        %add3A_710 = arith.addi %add3A_589, %add3A_709 : i32
        %swap3A_711 = arith.index_cast %add3A_710 : i32 to index
        %swap3A_712 = arith.constant 48 : index
        %swap3A_713 = tpu.vector_load %arg6[%swap3A_711, %swap3A_712] {strides = array<i32>} : memref<200x64xf32, #tpu.memory_space<vmem>>, vector<1x16xf32>,
        %swap3A_714 = vector.shape_cast %swap3A_713 : vector<1x16xf32> to vector<16xf32>
        %swap3A_715 = vector.shape_cast %mul3A_708 : vector<16xf32> to vector<1x16xf32>
        tpu.vector_store %arg6[%swap3A_711, %swap3A_712], %swap3A_715 {strides = array<i32>} : memref<200x64xf32, #tpu.memory_space<vmem>>, vector<1x16xf32>,
        %add3A_716 = arith.constant 2 : i32
        %add3A_717 = arith.addi %add3A_589, %add3A_716 : i32
        %get3A_718 = arith.index_cast %add3A_717 : i32 to index
        %get3A_719 = arith.constant 0 : index
        %get3A_720 = tpu.vector_load %arg6[%get3A_718, %get3A_719] {strides = array<i32>} : memref<200x64xf32, #tpu.memory_space<vmem>>, vector<1x16xf32>,
        %get3A_721 = vector.shape_cast %get3A_720 : vector<1x16xf32> to vector<16xf32>
        %mul3A_722 = arith.constant 8.000000e+00 : f32
        %mul3A_723 = vector.broadcast %mul3A_722 : f32 to vector<16xf32>
        %mul3A_724 = arith.mulf %get3A_721, %mul3A_723 : vector<16xf32>
        %add3A_725 = arith.constant 2 : i32
        %add3A_726 = arith.addi %add3A_589, %add3A_725 : i32
        %swap3A_727 = arith.index_cast %add3A_726 : i32 to index
        %swap3A_728 = arith.constant 0 : index
        %swap3A_729 = tpu.vector_load %arg6[%swap3A_727, %swap3A_728] {strides = array<i32>} : memref<200x64xf32, #tpu.memory_space<vmem>>, vector<1x16xf32>,
        %swap3A_730 = vector.shape_cast %swap3A_729 : vector<1x16xf32> to vector<16xf32>
        %swap3A_731 = vector.shape_cast %mul3A_724 : vector<16xf32> to vector<1x16xf32>
        tpu.vector_store %arg6[%swap3A_727, %swap3A_728], %swap3A_731 {strides = array<i32>} : memref<200x64xf32, #tpu.memory_space<vmem>>, vector<1x16xf32>,
        %add3A_732 = arith.constant 2 : i32
        %add3A_733 = arith.addi %add3A_589, %add3A_732 : i32
        %get3A_734 = arith.index_cast %add3A_733 : i32 to index
        %get3A_735 = arith.constant 16 : index
        %get3A_736 = tpu.vector_load %arg6[%get3A_734, %get3A_735] {strides = array<i32>} : memref<200x64xf32, #tpu.memory_space<vmem>>, vector<1x16xf32>,
        %get3A_737 = vector.shape_cast %get3A_736 : vector<1x16xf32> to vector<16xf32>
        %mul3A_738 = arith.constant 8.000000e+00 : f32
        %mul3A_739 = vector.broadcast %mul3A_738 : f32 to vector<16xf32>
        %mul3A_740 = arith.mulf %get3A_737, %mul3A_739 : vector<16xf32>
        %add3A_741 = arith.constant 2 : i32
        %add3A_742 = arith.addi %add3A_589, %add3A_741 : i32
        %swap3A_743 = arith.index_cast %add3A_742 : i32 to index
        %swap3A_744 = arith.constant 16 : index
        %swap3A_745 = tpu.vector_load %arg6[%swap3A_743, %swap3A_744] {strides = array<i32>} : memref<200x64xf32, #tpu.memory_space<vmem>>, vector<1x16xf32>,
        %swap3A_746 = vector.shape_cast %swap3A_745 : vector<1x16xf32> to vector<16xf32>
        %swap3A_747 = vector.shape_cast %mul3A_740 : vector<16xf32> to vector<1x16xf32>
        tpu.vector_store %arg6[%swap3A_743, %swap3A_744], %swap3A_747 {strides = array<i32>} : memref<200x64xf32, #tpu.memory_space<vmem>>, vector<1x16xf32>,
        %add3A_748 = arith.constant 2 : i32
        %add3A_749 = arith.addi %add3A_589, %add3A_748 : i32
        %get3A_750 = arith.index_cast %add3A_749 : i32 to index
        %get3A_751 = arith.constant 32 : index
        %get3A_752 = tpu.vector_load %arg6[%get3A_750, %get3A_751] {strides = array<i32>} : memref<200x64xf32, #tpu.memory_space<vmem>>, vector<1x16xf32>,
        %get3A_753 = vector.shape_cast %get3A_752 : vector<1x16xf32> to vector<16xf32>
        %mul3A_754 = arith.constant 8.000000e+00 : f32
        %mul3A_755 = vector.broadcast %mul3A_754 : f32 to vector<16xf32>
        %mul3A_756 = arith.mulf %get3A_753, %mul3A_755 : vector<16xf32>
        %add3A_757 = arith.constant 2 : i32
        %add3A_758 = arith.addi %add3A_589, %add3A_757 : i32
        %swap3A_759 = arith.index_cast %add3A_758 : i32 to index
        %swap3A_760 = arith.constant 32 : index
        %swap3A_761 = tpu.vector_load %arg6[%swap3A_759, %swap3A_760] {strides = array<i32>} : memref<200x64xf32, #tpu.memory_space<vmem>>, vector<1x16xf32>,
        %swap3A_762 = vector.shape_cast %swap3A_761 : vector<1x16xf32> to vector<16xf32>
        %swap3A_763 = vector.shape_cast %mul3A_756 : vector<16xf32> to vector<1x16xf32>
        tpu.vector_store %arg6[%swap3A_759, %swap3A_760], %swap3A_763 {strides = array<i32>} : memref<200x64xf32, #tpu.memory_space<vmem>>, vector<1x16xf32>,
        %add3A_764 = arith.constant 2 : i32
        %add3A_765 = arith.addi %add3A_589, %add3A_764 : i32
        %get3A_766 = arith.index_cast %add3A_765 : i32 to index
        %get3A_767 = arith.constant 48 : index
        %get3A_768 = tpu.vector_load %arg6[%get3A_766, %get3A_767] {strides = array<i32>} : memref<200x64xf32, #tpu.memory_space<vmem>>, vector<1x16xf32>,
        %get3A_769 = vector.shape_cast %get3A_768 : vector<1x16xf32> to vector<16xf32>
        %mul3A_770 = arith.constant 8.000000e+00 : f32
        %mul3A_771 = vector.broadcast %mul3A_770 : f32 to vector<16xf32>
        %mul3A_772 = arith.mulf %get3A_769, %mul3A_771 : vector<16xf32>
        %add3A_773 = arith.constant 2 : i32
        %add3A_774 = arith.addi %add3A_589, %add3A_773 : i32
        %swap3A_775 = arith.index_cast %add3A_774 : i32 to index
        %swap3A_776 = arith.constant 48 : index
        %swap3A_777 = tpu.vector_load %arg6[%swap3A_775, %swap3A_776] {strides = array<i32>} : memref<200x64xf32, #tpu.memory_space<vmem>>, vector<1x16xf32>,
        %swap3A_778 = vector.shape_cast %swap3A_777 : vector<1x16xf32> to vector<16xf32>
        %swap3A_779 = vector.shape_cast %mul3A_772 : vector<16xf32> to vector<1x16xf32>
        tpu.vector_store %arg6[%swap3A_775, %swap3A_776], %swap3A_779 {strides = array<i32>} : memref<200x64xf32, #tpu.memory_space<vmem>>, vector<1x16xf32>,
        %add3A_780 = arith.constant 3 : i32
        %add3A_781 = arith.addi %add3A_589, %add3A_780 : i32
        %get3A_782 = arith.index_cast %add3A_781 : i32 to index
        %get3A_783 = arith.constant 0 : index
        %get3A_784 = tpu.vector_load %arg6[%get3A_782, %get3A_783] {strides = array<i32>} : memref<200x64xf32, #tpu.memory_space<vmem>>, vector<1x16xf32>,
        %get3A_785 = vector.shape_cast %get3A_784 : vector<1x16xf32> to vector<16xf32>
        %mul3A_786 = arith.constant 8.000000e+00 : f32
        %mul3A_787 = vector.broadcast %mul3A_786 : f32 to vector<16xf32>
        %mul3A_788 = arith.mulf %get3A_785, %mul3A_787 : vector<16xf32>
        %add3A_789 = arith.constant 3 : i32
        %add3A_790 = arith.addi %add3A_589, %add3A_789 : i32
        %swap3A_791 = arith.index_cast %add3A_790 : i32 to index
        %swap3A_792 = arith.constant 0 : index
        %swap3A_793 = tpu.vector_load %arg6[%swap3A_791, %swap3A_792] {strides = array<i32>} : memref<200x64xf32, #tpu.memory_space<vmem>>, vector<1x16xf32>,
        %swap3A_794 = vector.shape_cast %swap3A_793 : vector<1x16xf32> to vector<16xf32>
        %swap3A_795 = vector.shape_cast %mul3A_788 : vector<16xf32> to vector<1x16xf32>
        tpu.vector_store %arg6[%swap3A_791, %swap3A_792], %swap3A_795 {strides = array<i32>} : memref<200x64xf32, #tpu.memory_space<vmem>>, vector<1x16xf32>,
        %add3A_796 = arith.constant 3 : i32
        %add3A_797 = arith.addi %add3A_589, %add3A_796 : i32
        %get3A_798 = arith.index_cast %add3A_797 : i32 to index
        %get3A_799 = arith.constant 16 : index
        %get3A_800 = tpu.vector_load %arg6[%get3A_798, %get3A_799] {strides = array<i32>} : memref<200x64xf32, #tpu.memory_space<vmem>>, vector<1x16xf32>,
        %get3A_801 = vector.shape_cast %get3A_800 : vector<1x16xf32> to vector<16xf32>
        %mul3A_802 = arith.constant 8.000000e+00 : f32
        %mul3A_803 = vector.broadcast %mul3A_802 : f32 to vector<16xf32>
        %mul3A_804 = arith.mulf %get3A_801, %mul3A_803 : vector<16xf32>
        %add3A_805 = arith.constant 3 : i32
        %add3A_806 = arith.addi %add3A_589, %add3A_805 : i32
        %swap3A_807 = arith.index_cast %add3A_806 : i32 to index
        %swap3A_808 = arith.constant 16 : index
        %swap3A_809 = tpu.vector_load %arg6[%swap3A_807, %swap3A_808] {strides = array<i32>} : memref<200x64xf32, #tpu.memory_space<vmem>>, vector<1x16xf32>,
        %swap3A_810 = vector.shape_cast %swap3A_809 : vector<1x16xf32> to vector<16xf32>
        %swap3A_811 = vector.shape_cast %mul3A_804 : vector<16xf32> to vector<1x16xf32>
        tpu.vector_store %arg6[%swap3A_807, %swap3A_808], %swap3A_811 {strides = array<i32>} : memref<200x64xf32, #tpu.memory_space<vmem>>, vector<1x16xf32>,
        %add3A_812 = arith.constant 3 : i32
        %add3A_813 = arith.addi %add3A_589, %add3A_812 : i32
        %get3A_814 = arith.index_cast %add3A_813 : i32 to index
        %get3A_815 = arith.constant 32 : index
        %get3A_816 = tpu.vector_load %arg6[%get3A_814, %get3A_815] {strides = array<i32>} : memref<200x64xf32, #tpu.memory_space<vmem>>, vector<1x16xf32>,
        %get3A_817 = vector.shape_cast %get3A_816 : vector<1x16xf32> to vector<16xf32>
        %mul3A_818 = arith.constant 8.000000e+00 : f32
        %mul3A_819 = vector.broadcast %mul3A_818 : f32 to vector<16xf32>
        %mul3A_820 = arith.mulf %get3A_817, %mul3A_819 : vector<16xf32>
        %add3A_821 = arith.constant 3 : i32
        %add3A_822 = arith.addi %add3A_589, %add3A_821 : i32
        %swap3A_823 = arith.index_cast %add3A_822 : i32 to index
        %swap3A_824 = arith.constant 32 : index
        %swap3A_825 = tpu.vector_load %arg6[%swap3A_823, %swap3A_824] {strides = array<i32>} : memref<200x64xf32, #tpu.memory_space<vmem>>, vector<1x16xf32>,
        %swap3A_826 = vector.shape_cast %swap3A_825 : vector<1x16xf32> to vector<16xf32>
        %swap3A_827 = vector.shape_cast %mul3A_820 : vector<16xf32> to vector<1x16xf32>
        tpu.vector_store %arg6[%swap3A_823, %swap3A_824], %swap3A_827 {strides = array<i32>} : memref<200x64xf32, #tpu.memory_space<vmem>>, vector<1x16xf32>,
        %add3A_828 = arith.constant 3 : i32
        %add3A_829 = arith.addi %add3A_589, %add3A_828 : i32
        %get3A_830 = arith.index_cast %add3A_829 : i32 to index
        %get3A_831 = arith.constant 48 : index
        %get3A_832 = tpu.vector_load %arg6[%get3A_830, %get3A_831] {strides = array<i32>} : memref<200x64xf32, #tpu.memory_space<vmem>>, vector<1x16xf32>,
        %get3A_833 = vector.shape_cast %get3A_832 : vector<1x16xf32> to vector<16xf32>
        %mul3A_834 = arith.constant 8.000000e+00 : f32
        %mul3A_835 = vector.broadcast %mul3A_834 : f32 to vector<16xf32>
        %mul3A_836 = arith.mulf %get3A_833, %mul3A_835 : vector<16xf32>
        %add3A_837 = arith.constant 3 : i32
        %add3A_838 = arith.addi %add3A_589, %add3A_837 : i32
        %swap3A_839 = arith.index_cast %add3A_838 : i32 to index
        %swap3A_840 = arith.constant 48 : index
        %swap3A_841 = tpu.vector_load %arg6[%swap3A_839, %swap3A_840] {strides = array<i32>} : memref<200x64xf32, #tpu.memory_space<vmem>>, vector<1x16xf32>,
        %swap3A_842 = vector.shape_cast %swap3A_841 : vector<1x16xf32> to vector<16xf32>
        %swap3A_843 = vector.shape_cast %mul3A_836 : vector<16xf32> to vector<1x16xf32>
        tpu.vector_store %arg6[%swap3A_839, %swap3A_840], %swap3A_843 {strides = array<i32>} : memref<200x64xf32, #tpu.memory_space<vmem>>, vector<1x16xf32>,
      }
      %scan3A_449 = arith.constant 50 : i32
      %add3A_450 = arith.addi %mul3A_2, %add3A_438 : i32
      %mul3A_451 = arith.constant 200 : i32
      %mul3A_452 = arith.muli %add3A_450, %mul3A_451 : i32
      %dma_start3A_453 = arith.constant 0 : i32
      %dma_start3A_454 = tpu.memref_slice %arg4[%mul3A_452, %dma_start3A_453] : memref<819200x64xf32, #tpu.memory_space<hbm>> -> memref<200x64xf32, #tpu.memory_space<hbm>>
      %dma_start3A_455 = arith.constant 0 : i32
      %dma_start3A_456 = tpu.memref_slice %arg4[%mul3A_452, %dma_start3A_455] : memref<819200x64xf32, #tpu.memory_space<hbm>> -> memref<200x64xf32, #tpu.memory_space<hbm>>
      tpu.enqueue_dma source(%arg6 : memref<200x64xf32, #tpu.memory_space<vmem>>) target(%dma_start3A_456 : memref<200x64xf32, #tpu.memory_space<hbm>>) target_semaphore(%arg22 : memref<!tpu.dma_semaphore, #tpu.memory_space<semaphore_mem>>)
      %sub3A_457 = arith.constant 4 : i32
      %sub3A_458 = arith.subi %add3A_438, %sub3A_457 : i32
      %add3A_459 = arith.addi %mul3A_2, %sub3A_458 : i32
      %mul3A_460 = arith.constant 200 : i32
      %mul3A_461 = arith.muli %add3A_459, %mul3A_460 : i32
      %dma_wait3A_462 = arith.constant 0 : i32
      %dma_wait3A_463 = tpu.memref_slice %arg4[%mul3A_461, %dma_wait3A_462] : memref<819200x64xf32, #tpu.memory_space<hbm>> -> memref<200x64xf32, #tpu.memory_space<hbm>>
      %dma_wait3A_464 = arith.constant 0 : i32
      %dma_wait3A_465 = tpu.memref_slice %arg4[%mul3A_461, %dma_wait3A_464] : memref<819200x64xf32, #tpu.memory_space<hbm>> -> memref<200x64xf32, #tpu.memory_space<hbm>>
      tpu.wait_dma2 semaphore(%arg26 : memref<!tpu.dma_semaphore, #tpu.memory_space<semaphore_mem>>) src(%arg10 : memref<200x64xf32, #tpu.memory_space<vmem>>) dst(%dma_wait3A_465 : memref<200x64xf32, #tpu.memory_space<hbm>>)
      %add3A_466 = arith.constant 4 : i32
      %add3A_467 = arith.addi %add3A_438, %add3A_466 : i32
      %dma_start3A_468 = arith.constant 0 : i32
      %dma_start3A_469 = tpu.memref_slice %arg5[%add3A_467, %dma_start3A_468] : memref<128x200xi32, #tpu.memory_space<vmem>> -> memref<1x200xi32, #tpu.memory_space<vmem>>
      %dma_start3A_470 = tpu.memref_squeeze %dma_start3A_469 : memref<1x200xi32, #tpu.memory_space<vmem>> -> memref<200xi32, #tpu.memory_space<vmem>>
      %dma_start3A_471 = arith.constant 0 : i32
      %dma_start3A_472 = arith.constant 0 : i32
      %dma_start3A_473 = tpu.memref_slice %arg2[%dma_start3A_471, %dma_start3A_472] : memref<1000000x64xf32, #tpu.memory_space<hbm>> -> memref<1000000x64xf32, #tpu.memory_space<hbm>>
      tpu.enqueue_indirect_dma source(%dma_start3A_473 : memref<1000000x64xf32, #tpu.memory_space<hbm>>) target(%arg10 : memref<200x64xf32, #tpu.memory_space<vmem>>) offsets(%dma_start3A_470 : memref<200xi32, #tpu.memory_space<vmem>>) semaphore(%arg18 : memref<!tpu.dma_semaphore, #tpu.memory_space<semaphore_mem>>)
      %add3A_474 = arith.constant 5 : i32
      %add3A_475 = arith.addi %add3A_289, %add3A_474 : i32
      %dma_wait3A_476 = arith.constant 0 : i32
      %dma_wait3A_477 = tpu.memref_slice %arg5[%add3A_475, %dma_wait3A_476] : memref<128x200xi32, #tpu.memory_space<vmem>> -> memref<1x200xi32, #tpu.memory_space<vmem>>
      %dma_wait3A_478 = tpu.memref_squeeze %dma_wait3A_477 : memref<1x200xi32, #tpu.memory_space<vmem>> -> memref<200xi32, #tpu.memory_space<vmem>>
      %dma_wait3A_479 = arith.constant 0 : i32
      %dma_wait3A_480 = arith.constant 0 : i32
      %dma_wait3A_481 = tpu.memref_slice %arg2[%dma_wait3A_479, %dma_wait3A_480] : memref<1000000x64xf32, #tpu.memory_space<hbm>> -> memref<1000000x64xf32, #tpu.memory_space<hbm>>
      tpu.wait_indirect_dma semaphore(%arg15 : memref<!tpu.dma_semaphore, #tpu.memory_space<semaphore_mem>>) src(%dma_wait3A_481 : memref<1000000x64xf32, #tpu.memory_space<hbm>>) dst(%arg7 : memref<200x64xf32, #tpu.memory_space<vmem>>)
      %scan3A_482 = arith.constant 0 : i32
      %scan3A_483 = arith.constant 50 : i32
      %scan3A_484 = arith.addi %scan3A_482, %scan3A_483 : i32
      %scan3A_485 = arith.constant 1 : i32
      scf.for %scan3A_585 = %scan3A_482 to %scan3A_484 step %scan3A_485  : i32 {
        %mul3A_586 = arith.constant 4 : i32
        %mul3A_587 = arith.muli %scan3A_585, %mul3A_586 : i32
        %add3A_588 = arith.constant 0 : i32
        %add3A_589 = arith.addi %add3A_588, %mul3A_587 : i32
        %add3A_590 = arith.constant 0 : i32
        %add3A_591 = arith.addi %add3A_589, %add3A_590 : i32
        %get3A = arith.index_cast %add3A_591 : i32 to index
        %get3A_592 = arith.constant 0 : index
        %get3A_593 = tpu.vector_load %arg7[%get3A, %get3A_592] {strides = array<i32>} : memref<200x64xf32, #tpu.memory_space<vmem>>, vector<1x16xf32>,
        %get3A_594 = vector.shape_cast %get3A_593 : vector<1x16xf32> to vector<16xf32>
        %mul3A_595 = arith.constant 8.000000e+00 : f32
        %mul3A_596 = vector.broadcast %mul3A_595 : f32 to vector<16xf32>
        %mul3A_597 = arith.mulf %get3A_594, %mul3A_596 : vector<16xf32>
        %add3A_598 = arith.constant 0 : i32
        %add3A_599 = arith.addi %add3A_589, %add3A_598 : i32
        %swap3A = arith.index_cast %add3A_599 : i32 to index
        %swap3A_600 = arith.constant 0 : index
        %swap3A_601 = tpu.vector_load %arg7[%swap3A, %swap3A_600] {strides = array<i32>} : memref<200x64xf32, #tpu.memory_space<vmem>>, vector<1x16xf32>,
        %swap3A_602 = vector.shape_cast %swap3A_601 : vector<1x16xf32> to vector<16xf32>
        %swap3A_603 = vector.shape_cast %mul3A_597 : vector<16xf32> to vector<1x16xf32>
        tpu.vector_store %arg7[%swap3A, %swap3A_600], %swap3A_603 {strides = array<i32>} : memref<200x64xf32, #tpu.memory_space<vmem>>, vector<1x16xf32>,
        %add3A_604 = arith.constant 0 : i32
        %add3A_605 = arith.addi %add3A_589, %add3A_604 : i32
        %get3A_606 = arith.index_cast %add3A_605 : i32 to index
        %get3A_607 = arith.constant 16 : index
        %get3A_608 = tpu.vector_load %arg7[%get3A_606, %get3A_607] {strides = array<i32>} : memref<200x64xf32, #tpu.memory_space<vmem>>, vector<1x16xf32>,
        %get3A_609 = vector.shape_cast %get3A_608 : vector<1x16xf32> to vector<16xf32>
        %mul3A_610 = arith.constant 8.000000e+00 : f32
        %mul3A_611 = vector.broadcast %mul3A_610 : f32 to vector<16xf32>
        %mul3A_612 = arith.mulf %get3A_609, %mul3A_611 : vector<16xf32>
        %add3A_613 = arith.constant 0 : i32
        %add3A_614 = arith.addi %add3A_589, %add3A_613 : i32
        %swap3A_615 = arith.index_cast %add3A_614 : i32 to index
        %swap3A_616 = arith.constant 16 : index
        %swap3A_617 = tpu.vector_load %arg7[%swap3A_615, %swap3A_616] {strides = array<i32>} : memref<200x64xf32, #tpu.memory_space<vmem>>, vector<1x16xf32>,
        %swap3A_618 = vector.shape_cast %swap3A_617 : vector<1x16xf32> to vector<16xf32>
        %swap3A_619 = vector.shape_cast %mul3A_612 : vector<16xf32> to vector<1x16xf32>
        tpu.vector_store %arg7[%swap3A_615, %swap3A_616], %swap3A_619 {strides = array<i32>} : memref<200x64xf32, #tpu.memory_space<vmem>>, vector<1x16xf32>,
        %add3A_620 = arith.constant 0 : i32
        %add3A_621 = arith.addi %add3A_589, %add3A_620 : i32
        %get3A_622 = arith.index_cast %add3A_621 : i32 to index
        %get3A_623 = arith.constant 32 : index
        %get3A_624 = tpu.vector_load %arg7[%get3A_622, %get3A_623] {strides = array<i32>} : memref<200x64xf32, #tpu.memory_space<vmem>>, vector<1x16xf32>,
        %get3A_625 = vector.shape_cast %get3A_624 : vector<1x16xf32> to vector<16xf32>
        %mul3A_626 = arith.constant 8.000000e+00 : f32
        %mul3A_627 = vector.broadcast %mul3A_626 : f32 to vector<16xf32>
        %mul3A_628 = arith.mulf %get3A_625, %mul3A_627 : vector<16xf32>
        %add3A_629 = arith.constant 0 : i32
        %add3A_630 = arith.addi %add3A_589, %add3A_629 : i32
        %swap3A_631 = arith.index_cast %add3A_630 : i32 to index
        %swap3A_632 = arith.constant 32 : index
        %swap3A_633 = tpu.vector_load %arg7[%swap3A_631, %swap3A_632] {strides = array<i32>} : memref<200x64xf32, #tpu.memory_space<vmem>>, vector<1x16xf32>,
        %swap3A_634 = vector.shape_cast %swap3A_633 : vector<1x16xf32> to vector<16xf32>
        %swap3A_635 = vector.shape_cast %mul3A_628 : vector<16xf32> to vector<1x16xf32>
        tpu.vector_store %arg7[%swap3A_631, %swap3A_632], %swap3A_635 {strides = array<i32>} : memref<200x64xf32, #tpu.memory_space<vmem>>, vector<1x16xf32>,
        %add3A_636 = arith.constant 0 : i32
        %add3A_637 = arith.addi %add3A_589, %add3A_636 : i32
        %get3A_638 = arith.index_cast %add3A_637 : i32 to index
        %get3A_639 = arith.constant 48 : index
        %get3A_640 = tpu.vector_load %arg7[%get3A_638, %get3A_639] {strides = array<i32>} : memref<200x64xf32, #tpu.memory_space<vmem>>, vector<1x16xf32>,
        %get3A_641 = vector.shape_cast %get3A_640 : vector<1x16xf32> to vector<16xf32>
        %mul3A_642 = arith.constant 8.000000e+00 : f32
        %mul3A_643 = vector.broadcast %mul3A_642 : f32 to vector<16xf32>
        %mul3A_644 = arith.mulf %get3A_641, %mul3A_643 : vector<16xf32>
        %add3A_645 = arith.constant 0 : i32
        %add3A_646 = arith.addi %add3A_589, %add3A_645 : i32
        %swap3A_647 = arith.index_cast %add3A_646 : i32 to index
        %swap3A_648 = arith.constant 48 : index
        %swap3A_649 = tpu.vector_load %arg7[%swap3A_647, %swap3A_648] {strides = array<i32>} : memref<200x64xf32, #tpu.memory_space<vmem>>, vector<1x16xf32>,
        %swap3A_650 = vector.shape_cast %swap3A_649 : vector<1x16xf32> to vector<16xf32>
        %swap3A_651 = vector.shape_cast %mul3A_644 : vector<16xf32> to vector<1x16xf32>
        tpu.vector_store %arg7[%swap3A_647, %swap3A_648], %swap3A_651 {strides = array<i32>} : memref<200x64xf32, #tpu.memory_space<vmem>>, vector<1x16xf32>,
        %add3A_652 = arith.constant 1 : i32
        %add3A_653 = arith.addi %add3A_589, %add3A_652 : i32
        %get3A_654 = arith.index_cast %add3A_653 : i32 to index
        %get3A_655 = arith.constant 0 : index
        %get3A_656 = tpu.vector_load %arg7[%get3A_654, %get3A_655] {strides = array<i32>} : memref<200x64xf32, #tpu.memory_space<vmem>>, vector<1x16xf32>,
        %get3A_657 = vector.shape_cast %get3A_656 : vector<1x16xf32> to vector<16xf32>
        %mul3A_658 = arith.constant 8.000000e+00 : f32
        %mul3A_659 = vector.broadcast %mul3A_658 : f32 to vector<16xf32>
        %mul3A_660 = arith.mulf %get3A_657, %mul3A_659 : vector<16xf32>
        %add3A_661 = arith.constant 1 : i32
        %add3A_662 = arith.addi %add3A_589, %add3A_661 : i32
        %swap3A_663 = arith.index_cast %add3A_662 : i32 to index
        %swap3A_664 = arith.constant 0 : index
        %swap3A_665 = tpu.vector_load %arg7[%swap3A_663, %swap3A_664] {strides = array<i32>} : memref<200x64xf32, #tpu.memory_space<vmem>>, vector<1x16xf32>,
        %swap3A_666 = vector.shape_cast %swap3A_665 : vector<1x16xf32> to vector<16xf32>
        %swap3A_667 = vector.shape_cast %mul3A_660 : vector<16xf32> to vector<1x16xf32>
        tpu.vector_store %arg7[%swap3A_663, %swap3A_664], %swap3A_667 {strides = array<i32>} : memref<200x64xf32, #tpu.memory_space<vmem>>, vector<1x16xf32>,
        %add3A_668 = arith.constant 1 : i32
        %add3A_669 = arith.addi %add3A_589, %add3A_668 : i32
        %get3A_670 = arith.index_cast %add3A_669 : i32 to index
        %get3A_671 = arith.constant 16 : index
        %get3A_672 = tpu.vector_load %arg7[%get3A_670, %get3A_671] {strides = array<i32>} : memref<200x64xf32, #tpu.memory_space<vmem>>, vector<1x16xf32>,
        %get3A_673 = vector.shape_cast %get3A_672 : vector<1x16xf32> to vector<16xf32>
        %mul3A_674 = arith.constant 8.000000e+00 : f32
        %mul3A_675 = vector.broadcast %mul3A_674 : f32 to vector<16xf32>
        %mul3A_676 = arith.mulf %get3A_673, %mul3A_675 : vector<16xf32>
        %add3A_677 = arith.constant 1 : i32
        %add3A_678 = arith.addi %add3A_589, %add3A_677 : i32
        %swap3A_679 = arith.index_cast %add3A_678 : i32 to index
        %swap3A_680 = arith.constant 16 : index
        %swap3A_681 = tpu.vector_load %arg7[%swap3A_679, %swap3A_680] {strides = array<i32>} : memref<200x64xf32, #tpu.memory_space<vmem>>, vector<1x16xf32>,
        %swap3A_682 = vector.shape_cast %swap3A_681 : vector<1x16xf32> to vector<16xf32>
        %swap3A_683 = vector.shape_cast %mul3A_676 : vector<16xf32> to vector<1x16xf32>
        tpu.vector_store %arg7[%swap3A_679, %swap3A_680], %swap3A_683 {strides = array<i32>} : memref<200x64xf32, #tpu.memory_space<vmem>>, vector<1x16xf32>,
        %add3A_684 = arith.constant 1 : i32
        %add3A_685 = arith.addi %add3A_589, %add3A_684 : i32
        %get3A_686 = arith.index_cast %add3A_685 : i32 to index
        %get3A_687 = arith.constant 32 : index
        %get3A_688 = tpu.vector_load %arg7[%get3A_686, %get3A_687] {strides = array<i32>} : memref<200x64xf32, #tpu.memory_space<vmem>>, vector<1x16xf32>,
        %get3A_689 = vector.shape_cast %get3A_688 : vector<1x16xf32> to vector<16xf32>
        %mul3A_690 = arith.constant 8.000000e+00 : f32
        %mul3A_691 = vector.broadcast %mul3A_690 : f32 to vector<16xf32>
        %mul3A_692 = arith.mulf %get3A_689, %mul3A_691 : vector<16xf32>
        %add3A_693 = arith.constant 1 : i32
        %add3A_694 = arith.addi %add3A_589, %add3A_693 : i32
        %swap3A_695 = arith.index_cast %add3A_694 : i32 to index
        %swap3A_696 = arith.constant 32 : index
        %swap3A_697 = tpu.vector_load %arg7[%swap3A_695, %swap3A_696] {strides = array<i32>} : memref<200x64xf32, #tpu.memory_space<vmem>>, vector<1x16xf32>,
        %swap3A_698 = vector.shape_cast %swap3A_697 : vector<1x16xf32> to vector<16xf32>
        %swap3A_699 = vector.shape_cast %mul3A_692 : vector<16xf32> to vector<1x16xf32>
        tpu.vector_store %arg7[%swap3A_695, %swap3A_696], %swap3A_699 {strides = array<i32>} : memref<200x64xf32, #tpu.memory_space<vmem>>, vector<1x16xf32>,
        %add3A_700 = arith.constant 1 : i32
        %add3A_701 = arith.addi %add3A_589, %add3A_700 : i32
        %get3A_702 = arith.index_cast %add3A_701 : i32 to index
        %get3A_703 = arith.constant 48 : index
        %get3A_704 = tpu.vector_load %arg7[%get3A_702, %get3A_703] {strides = array<i32>} : memref<200x64xf32, #tpu.memory_space<vmem>>, vector<1x16xf32>,
        %get3A_705 = vector.shape_cast %get3A_704 : vector<1x16xf32> to vector<16xf32>
        %mul3A_706 = arith.constant 8.000000e+00 : f32
        %mul3A_707 = vector.broadcast %mul3A_706 : f32 to vector<16xf32>
        %mul3A_708 = arith.mulf %get3A_705, %mul3A_707 : vector<16xf32>
        %add3A_709 = arith.constant 1 : i32
        %add3A_710 = arith.addi %add3A_589, %add3A_709 : i32
        %swap3A_711 = arith.index_cast %add3A_710 : i32 to index
        %swap3A_712 = arith.constant 48 : index
        %swap3A_713 = tpu.vector_load %arg7[%swap3A_711, %swap3A_712] {strides = array<i32>} : memref<200x64xf32, #tpu.memory_space<vmem>>, vector<1x16xf32>,
        %swap3A_714 = vector.shape_cast %swap3A_713 : vector<1x16xf32> to vector<16xf32>
        %swap3A_715 = vector.shape_cast %mul3A_708 : vector<16xf32> to vector<1x16xf32>
        tpu.vector_store %arg7[%swap3A_711, %swap3A_712], %swap3A_715 {strides = array<i32>} : memref<200x64xf32, #tpu.memory_space<vmem>>, vector<1x16xf32>,
        %add3A_716 = arith.constant 2 : i32
        %add3A_717 = arith.addi %add3A_589, %add3A_716 : i32
        %get3A_718 = arith.index_cast %add3A_717 : i32 to index
        %get3A_719 = arith.constant 0 : index
        %get3A_720 = tpu.vector_load %arg7[%get3A_718, %get3A_719] {strides = array<i32>} : memref<200x64xf32, #tpu.memory_space<vmem>>, vector<1x16xf32>,
        %get3A_721 = vector.shape_cast %get3A_720 : vector<1x16xf32> to vector<16xf32>
        %mul3A_722 = arith.constant 8.000000e+00 : f32
        %mul3A_723 = vector.broadcast %mul3A_722 : f32 to vector<16xf32>
        %mul3A_724 = arith.mulf %get3A_721, %mul3A_723 : vector<16xf32>
        %add3A_725 = arith.constant 2 : i32
        %add3A_726 = arith.addi %add3A_589, %add3A_725 : i32
        %swap3A_727 = arith.index_cast %add3A_726 : i32 to index
        %swap3A_728 = arith.constant 0 : index
        %swap3A_729 = tpu.vector_load %arg7[%swap3A_727, %swap3A_728] {strides = array<i32>} : memref<200x64xf32, #tpu.memory_space<vmem>>, vector<1x16xf32>,
        %swap3A_730 = vector.shape_cast %swap3A_729 : vector<1x16xf32> to vector<16xf32>
        %swap3A_731 = vector.shape_cast %mul3A_724 : vector<16xf32> to vector<1x16xf32>
        tpu.vector_store %arg7[%swap3A_727, %swap3A_728], %swap3A_731 {strides = array<i32>} : memref<200x64xf32, #tpu.memory_space<vmem>>, vector<1x16xf32>,
        %add3A_732 = arith.constant 2 : i32
        %add3A_733 = arith.addi %add3A_589, %add3A_732 : i32
        %get3A_734 = arith.index_cast %add3A_733 : i32 to index
        %get3A_735 = arith.constant 16 : index
        %get3A_736 = tpu.vector_load %arg7[%get3A_734, %get3A_735] {strides = array<i32>} : memref<200x64xf32, #tpu.memory_space<vmem>>, vector<1x16xf32>,
        %get3A_737 = vector.shape_cast %get3A_736 : vector<1x16xf32> to vector<16xf32>
        %mul3A_738 = arith.constant 8.000000e+00 : f32
        %mul3A_739 = vector.broadcast %mul3A_738 : f32 to vector<16xf32>
        %mul3A_740 = arith.mulf %get3A_737, %mul3A_739 : vector<16xf32>
        %add3A_741 = arith.constant 2 : i32
        %add3A_742 = arith.addi %add3A_589, %add3A_741 : i32
        %swap3A_743 = arith.index_cast %add3A_742 : i32 to index
        %swap3A_744 = arith.constant 16 : index
        %swap3A_745 = tpu.vector_load %arg7[%swap3A_743, %swap3A_744] {strides = array<i32>} : memref<200x64xf32, #tpu.memory_space<vmem>>, vector<1x16xf32>,
        %swap3A_746 = vector.shape_cast %swap3A_745 : vector<1x16xf32> to vector<16xf32>
        %swap3A_747 = vector.shape_cast %mul3A_740 : vector<16xf32> to vector<1x16xf32>
        tpu.vector_store %arg7[%swap3A_743, %swap3A_744], %swap3A_747 {strides = array<i32>} : memref<200x64xf32, #tpu.memory_space<vmem>>, vector<1x16xf32>,
        %add3A_748 = arith.constant 2 : i32
        %add3A_749 = arith.addi %add3A_589, %add3A_748 : i32
        %get3A_750 = arith.index_cast %add3A_749 : i32 to index
        %get3A_751 = arith.constant 32 : index
        %get3A_752 = tpu.vector_load %arg7[%get3A_750, %get3A_751] {strides = array<i32>} : memref<200x64xf32, #tpu.memory_space<vmem>>, vector<1x16xf32>,
        %get3A_753 = vector.shape_cast %get3A_752 : vector<1x16xf32> to vector<16xf32>
        %mul3A_754 = arith.constant 8.000000e+00 : f32
        %mul3A_755 = vector.broadcast %mul3A_754 : f32 to vector<16xf32>
        %mul3A_756 = arith.mulf %get3A_753, %mul3A_755 : vector<16xf32>
        %add3A_757 = arith.constant 2 : i32
        %add3A_758 = arith.addi %add3A_589, %add3A_757 : i32
        %swap3A_759 = arith.index_cast %add3A_758 : i32 to index
        %swap3A_760 = arith.constant 32 : index
        %swap3A_761 = tpu.vector_load %arg7[%swap3A_759, %swap3A_760] {strides = array<i32>} : memref<200x64xf32, #tpu.memory_space<vmem>>, vector<1x16xf32>,
        %swap3A_762 = vector.shape_cast %swap3A_761 : vector<1x16xf32> to vector<16xf32>
        %swap3A_763 = vector.shape_cast %mul3A_756 : vector<16xf32> to vector<1x16xf32>
        tpu.vector_store %arg7[%swap3A_759, %swap3A_760], %swap3A_763 {strides = array<i32>} : memref<200x64xf32, #tpu.memory_space<vmem>>, vector<1x16xf32>,
        %add3A_764 = arith.constant 2 : i32
        %add3A_765 = arith.addi %add3A_589, %add3A_764 : i32
        %get3A_766 = arith.index_cast %add3A_765 : i32 to index
        %get3A_767 = arith.constant 48 : index
        %get3A_768 = tpu.vector_load %arg7[%get3A_766, %get3A_767] {strides = array<i32>} : memref<200x64xf32, #tpu.memory_space<vmem>>, vector<1x16xf32>,
        %get3A_769 = vector.shape_cast %get3A_768 : vector<1x16xf32> to vector<16xf32>
        %mul3A_770 = arith.constant 8.000000e+00 : f32
        %mul3A_771 = vector.broadcast %mul3A_770 : f32 to vector<16xf32>
        %mul3A_772 = arith.mulf %get3A_769, %mul3A_771 : vector<16xf32>
        %add3A_773 = arith.constant 2 : i32
        %add3A_774 = arith.addi %add3A_589, %add3A_773 : i32
        %swap3A_775 = arith.index_cast %add3A_774 : i32 to index
        %swap3A_776 = arith.constant 48 : index
        %swap3A_777 = tpu.vector_load %arg7[%swap3A_775, %swap3A_776] {strides = array<i32>} : memref<200x64xf32, #tpu.memory_space<vmem>>, vector<1x16xf32>,
        %swap3A_778 = vector.shape_cast %swap3A_777 : vector<1x16xf32> to vector<16xf32>
        %swap3A_779 = vector.shape_cast %mul3A_772 : vector<16xf32> to vector<1x16xf32>
        tpu.vector_store %arg7[%swap3A_775, %swap3A_776], %swap3A_779 {strides = array<i32>} : memref<200x64xf32, #tpu.memory_space<vmem>>, vector<1x16xf32>,
        %add3A_780 = arith.constant 3 : i32
        %add3A_781 = arith.addi %add3A_589, %add3A_780 : i32
        %get3A_782 = arith.index_cast %add3A_781 : i32 to index
        %get3A_783 = arith.constant 0 : index
        %get3A_784 = tpu.vector_load %arg7[%get3A_782, %get3A_783] {strides = array<i32>} : memref<200x64xf32, #tpu.memory_space<vmem>>, vector<1x16xf32>,
        %get3A_785 = vector.shape_cast %get3A_784 : vector<1x16xf32> to vector<16xf32>
        %mul3A_786 = arith.constant 8.000000e+00 : f32
        %mul3A_787 = vector.broadcast %mul3A_786 : f32 to vector<16xf32>
        %mul3A_788 = arith.mulf %get3A_785, %mul3A_787 : vector<16xf32>
        %add3A_789 = arith.constant 3 : i32
        %add3A_790 = arith.addi %add3A_589, %add3A_789 : i32
        %swap3A_791 = arith.index_cast %add3A_790 : i32 to index
        %swap3A_792 = arith.constant 0 : index
        %swap3A_793 = tpu.vector_load %arg7[%swap3A_791, %swap3A_792] {strides = array<i32>} : memref<200x64xf32, #tpu.memory_space<vmem>>, vector<1x16xf32>,
        %swap3A_794 = vector.shape_cast %swap3A_793 : vector<1x16xf32> to vector<16xf32>
        %swap3A_795 = vector.shape_cast %mul3A_788 : vector<16xf32> to vector<1x16xf32>
        tpu.vector_store %arg7[%swap3A_791, %swap3A_792], %swap3A_795 {strides = array<i32>} : memref<200x64xf32, #tpu.memory_space<vmem>>, vector<1x16xf32>,
        %add3A_796 = arith.constant 3 : i32
        %add3A_797 = arith.addi %add3A_589, %add3A_796 : i32
        %get3A_798 = arith.index_cast %add3A_797 : i32 to index
        %get3A_799 = arith.constant 16 : index
        %get3A_800 = tpu.vector_load %arg7[%get3A_798, %get3A_799] {strides = array<i32>} : memref<200x64xf32, #tpu.memory_space<vmem>>, vector<1x16xf32>,
        %get3A_801 = vector.shape_cast %get3A_800 : vector<1x16xf32> to vector<16xf32>
        %mul3A_802 = arith.constant 8.000000e+00 : f32
        %mul3A_803 = vector.broadcast %mul3A_802 : f32 to vector<16xf32>
        %mul3A_804 = arith.mulf %get3A_801, %mul3A_803 : vector<16xf32>
        %add3A_805 = arith.constant 3 : i32
        %add3A_806 = arith.addi %add3A_589, %add3A_805 : i32
        %swap3A_807 = arith.index_cast %add3A_806 : i32 to index
        %swap3A_808 = arith.constant 16 : index
        %swap3A_809 = tpu.vector_load %arg7[%swap3A_807, %swap3A_808] {strides = array<i32>} : memref<200x64xf32, #tpu.memory_space<vmem>>, vector<1x16xf32>,
        %swap3A_810 = vector.shape_cast %swap3A_809 : vector<1x16xf32> to vector<16xf32>
        %swap3A_811 = vector.shape_cast %mul3A_804 : vector<16xf32> to vector<1x16xf32>
        tpu.vector_store %arg7[%swap3A_807, %swap3A_808], %swap3A_811 {strides = array<i32>} : memref<200x64xf32, #tpu.memory_space<vmem>>, vector<1x16xf32>,
        %add3A_812 = arith.constant 3 : i32
        %add3A_813 = arith.addi %add3A_589, %add3A_812 : i32
        %get3A_814 = arith.index_cast %add3A_813 : i32 to index
        %get3A_815 = arith.constant 32 : index
        %get3A_816 = tpu.vector_load %arg7[%get3A_814, %get3A_815] {strides = array<i32>} : memref<200x64xf32, #tpu.memory_space<vmem>>, vector<1x16xf32>,
        %get3A_817 = vector.shape_cast %get3A_816 : vector<1x16xf32> to vector<16xf32>
        %mul3A_818 = arith.constant 8.000000e+00 : f32
        %mul3A_819 = vector.broadcast %mul3A_818 : f32 to vector<16xf32>
        %mul3A_820 = arith.mulf %get3A_817, %mul3A_819 : vector<16xf32>
        %add3A_821 = arith.constant 3 : i32
        %add3A_822 = arith.addi %add3A_589, %add3A_821 : i32
        %swap3A_823 = arith.index_cast %add3A_822 : i32 to index
        %swap3A_824 = arith.constant 32 : index
        %swap3A_825 = tpu.vector_load %arg7[%swap3A_823, %swap3A_824] {strides = array<i32>} : memref<200x64xf32, #tpu.memory_space<vmem>>, vector<1x16xf32>,
        %swap3A_826 = vector.shape_cast %swap3A_825 : vector<1x16xf32> to vector<16xf32>
        %swap3A_827 = vector.shape_cast %mul3A_820 : vector<16xf32> to vector<1x16xf32>
        tpu.vector_store %arg7[%swap3A_823, %swap3A_824], %swap3A_827 {strides = array<i32>} : memref<200x64xf32, #tpu.memory_space<vmem>>, vector<1x16xf32>,
        %add3A_828 = arith.constant 3 : i32
        %add3A_829 = arith.addi %add3A_589, %add3A_828 : i32
        %get3A_830 = arith.index_cast %add3A_829 : i32 to index
        %get3A_831 = arith.constant 48 : index
        %get3A_832 = tpu.vector_load %arg7[%get3A_830, %get3A_831] {strides = array<i32>} : memref<200x64xf32, #tpu.memory_space<vmem>>, vector<1x16xf32>,
        %get3A_833 = vector.shape_cast %get3A_832 : vector<1x16xf32> to vector<16xf32>
        %mul3A_834 = arith.constant 8.000000e+00 : f32
        %mul3A_835 = vector.broadcast %mul3A_834 : f32 to vector<16xf32>
        %mul3A_836 = arith.mulf %get3A_833, %mul3A_835 : vector<16xf32>
        %add3A_837 = arith.constant 3 : i32
        %add3A_838 = arith.addi %add3A_589, %add3A_837 : i32
        %swap3A_839 = arith.index_cast %add3A_838 : i32 to index
        %swap3A_840 = arith.constant 48 : index
        %swap3A_841 = tpu.vector_load %arg7[%swap3A_839, %swap3A_840] {strides = array<i32>} : memref<200x64xf32, #tpu.memory_space<vmem>>, vector<1x16xf32>,
        %swap3A_842 = vector.shape_cast %swap3A_841 : vector<1x16xf32> to vector<16xf32>
        %swap3A_843 = vector.shape_cast %mul3A_836 : vector<16xf32> to vector<1x16xf32>
        tpu.vector_store %arg7[%swap3A_839, %swap3A_840], %swap3A_843 {strides = array<i32>} : memref<200x64xf32, #tpu.memory_space<vmem>>, vector<1x16xf32>,
      }
      %scan3A_486 = arith.constant 50 : i32
      %add3A_487 = arith.addi %mul3A_2, %add3A_475 : i32
      %mul3A_488 = arith.constant 200 : i32
      %mul3A_489 = arith.muli %add3A_487, %mul3A_488 : i32
      %dma_start3A_490 = arith.constant 0 : i32
      %dma_start3A_491 = tpu.memref_slice %arg4[%mul3A_489, %dma_start3A_490] : memref<819200x64xf32, #tpu.memory_space<hbm>> -> memref<200x64xf32, #tpu.memory_space<hbm>>
      %dma_start3A_492 = arith.constant 0 : i32
      %dma_start3A_493 = tpu.memref_slice %arg4[%mul3A_489, %dma_start3A_492] : memref<819200x64xf32, #tpu.memory_space<hbm>> -> memref<200x64xf32, #tpu.memory_space<hbm>>
      tpu.enqueue_dma source(%arg7 : memref<200x64xf32, #tpu.memory_space<vmem>>) target(%dma_start3A_493 : memref<200x64xf32, #tpu.memory_space<hbm>>) target_semaphore(%arg23 : memref<!tpu.dma_semaphore, #tpu.memory_space<semaphore_mem>>)
      %sub3A_494 = arith.constant 4 : i32
      %sub3A_495 = arith.subi %add3A_475, %sub3A_494 : i32
      %add3A_496 = arith.addi %mul3A_2, %sub3A_495 : i32
      %mul3A_497 = arith.constant 200 : i32
      %mul3A_498 = arith.muli %add3A_496, %mul3A_497 : i32
      %dma_wait3A_499 = arith.constant 0 : i32
      %dma_wait3A_500 = tpu.memref_slice %arg4[%mul3A_498, %dma_wait3A_499] : memref<819200x64xf32, #tpu.memory_space<hbm>> -> memref<200x64xf32, #tpu.memory_space<hbm>>
      %dma_wait3A_501 = arith.constant 0 : i32
      %dma_wait3A_502 = tpu.memref_slice %arg4[%mul3A_498, %dma_wait3A_501] : memref<819200x64xf32, #tpu.memory_space<hbm>> -> memref<200x64xf32, #tpu.memory_space<hbm>>
      tpu.wait_dma2 semaphore(%arg27 : memref<!tpu.dma_semaphore, #tpu.memory_space<semaphore_mem>>) src(%arg11 : memref<200x64xf32, #tpu.memory_space<vmem>>) dst(%dma_wait3A_502 : memref<200x64xf32, #tpu.memory_space<hbm>>)
      %add3A_503 = arith.constant 4 : i32
      %add3A_504 = arith.addi %add3A_475, %add3A_503 : i32
      %dma_start3A_505 = arith.constant 0 : i32
      %dma_start3A_506 = tpu.memref_slice %arg5[%add3A_504, %dma_start3A_505] : memref<128x200xi32, #tpu.memory_space<vmem>> -> memref<1x200xi32, #tpu.memory_space<vmem>>
      %dma_start3A_507 = tpu.memref_squeeze %dma_start3A_506 : memref<1x200xi32, #tpu.memory_space<vmem>> -> memref<200xi32, #tpu.memory_space<vmem>>
      %dma_start3A_508 = arith.constant 0 : i32
      %dma_start3A_509 = arith.constant 0 : i32
      %dma_start3A_510 = tpu.memref_slice %arg2[%dma_start3A_508, %dma_start3A_509] : memref<1000000x64xf32, #tpu.memory_space<hbm>> -> memref<1000000x64xf32, #tpu.memory_space<hbm>>
      tpu.enqueue_indirect_dma source(%dma_start3A_510 : memref<1000000x64xf32, #tpu.memory_space<hbm>>) target(%arg11 : memref<200x64xf32, #tpu.memory_space<vmem>>) offsets(%dma_start3A_507 : memref<200xi32, #tpu.memory_space<vmem>>) semaphore(%arg19 : memref<!tpu.dma_semaphore, #tpu.memory_space<semaphore_mem>>)
      %add3A_511 = arith.constant 6 : i32
      %add3A_512 = arith.addi %add3A_289, %add3A_511 : i32
      %dma_wait3A_513 = arith.constant 0 : i32
      %dma_wait3A_514 = tpu.memref_slice %arg5[%add3A_512, %dma_wait3A_513] : memref<128x200xi32, #tpu.memory_space<vmem>> -> memref<1x200xi32, #tpu.memory_space<vmem>>
      %dma_wait3A_515 = tpu.memref_squeeze %dma_wait3A_514 : memref<1x200xi32, #tpu.memory_space<vmem>> -> memref<200xi32, #tpu.memory_space<vmem>>
      %dma_wait3A_516 = arith.constant 0 : i32
      %dma_wait3A_517 = arith.constant 0 : i32
      %dma_wait3A_518 = tpu.memref_slice %arg2[%dma_wait3A_516, %dma_wait3A_517] : memref<1000000x64xf32, #tpu.memory_space<hbm>> -> memref<1000000x64xf32, #tpu.memory_space<hbm>>
      tpu.wait_indirect_dma semaphore(%arg16 : memref<!tpu.dma_semaphore, #tpu.memory_space<semaphore_mem>>) src(%dma_wait3A_518 : memref<1000000x64xf32, #tpu.memory_space<hbm>>) dst(%arg8 : memref<200x64xf32, #tpu.memory_space<vmem>>)
      %scan3A_519 = arith.constant 0 : i32
      %scan3A_520 = arith.constant 50 : i32
      %scan3A_521 = arith.addi %scan3A_519, %scan3A_520 : i32
      %scan3A_522 = arith.constant 1 : i32
      scf.for %scan3A_585 = %scan3A_519 to %scan3A_521 step %scan3A_522  : i32 {
        %mul3A_586 = arith.constant 4 : i32
        %mul3A_587 = arith.muli %scan3A_585, %mul3A_586 : i32
        %add3A_588 = arith.constant 0 : i32
        %add3A_589 = arith.addi %add3A_588, %mul3A_587 : i32
        %add3A_590 = arith.constant 0 : i32
        %add3A_591 = arith.addi %add3A_589, %add3A_590 : i32
        %get3A = arith.index_cast %add3A_591 : i32 to index
        %get3A_592 = arith.constant 0 : index
        %get3A_593 = tpu.vector_load %arg8[%get3A, %get3A_592] {strides = array<i32>} : memref<200x64xf32, #tpu.memory_space<vmem>>, vector<1x16xf32>,
        %get3A_594 = vector.shape_cast %get3A_593 : vector<1x16xf32> to vector<16xf32>
        %mul3A_595 = arith.constant 8.000000e+00 : f32
        %mul3A_596 = vector.broadcast %mul3A_595 : f32 to vector<16xf32>
        %mul3A_597 = arith.mulf %get3A_594, %mul3A_596 : vector<16xf32>
        %add3A_598 = arith.constant 0 : i32
        %add3A_599 = arith.addi %add3A_589, %add3A_598 : i32
        %swap3A = arith.index_cast %add3A_599 : i32 to index
        %swap3A_600 = arith.constant 0 : index
        %swap3A_601 = tpu.vector_load %arg8[%swap3A, %swap3A_600] {strides = array<i32>} : memref<200x64xf32, #tpu.memory_space<vmem>>, vector<1x16xf32>,
        %swap3A_602 = vector.shape_cast %swap3A_601 : vector<1x16xf32> to vector<16xf32>
        %swap3A_603 = vector.shape_cast %mul3A_597 : vector<16xf32> to vector<1x16xf32>
        tpu.vector_store %arg8[%swap3A, %swap3A_600], %swap3A_603 {strides = array<i32>} : memref<200x64xf32, #tpu.memory_space<vmem>>, vector<1x16xf32>,
        %add3A_604 = arith.constant 0 : i32
        %add3A_605 = arith.addi %add3A_589, %add3A_604 : i32
        %get3A_606 = arith.index_cast %add3A_605 : i32 to index
        %get3A_607 = arith.constant 16 : index
        %get3A_608 = tpu.vector_load %arg8[%get3A_606, %get3A_607] {strides = array<i32>} : memref<200x64xf32, #tpu.memory_space<vmem>>, vector<1x16xf32>,
        %get3A_609 = vector.shape_cast %get3A_608 : vector<1x16xf32> to vector<16xf32>
        %mul3A_610 = arith.constant 8.000000e+00 : f32
        %mul3A_611 = vector.broadcast %mul3A_610 : f32 to vector<16xf32>
        %mul3A_612 = arith.mulf %get3A_609, %mul3A_611 : vector<16xf32>
        %add3A_613 = arith.constant 0 : i32
        %add3A_614 = arith.addi %add3A_589, %add3A_613 : i32
        %swap3A_615 = arith.index_cast %add3A_614 : i32 to index
        %swap3A_616 = arith.constant 16 : index
        %swap3A_617 = tpu.vector_load %arg8[%swap3A_615, %swap3A_616] {strides = array<i32>} : memref<200x64xf32, #tpu.memory_space<vmem>>, vector<1x16xf32>,
        %swap3A_618 = vector.shape_cast %swap3A_617 : vector<1x16xf32> to vector<16xf32>
        %swap3A_619 = vector.shape_cast %mul3A_612 : vector<16xf32> to vector<1x16xf32>
        tpu.vector_store %arg8[%swap3A_615, %swap3A_616], %swap3A_619 {strides = array<i32>} : memref<200x64xf32, #tpu.memory_space<vmem>>, vector<1x16xf32>,
        %add3A_620 = arith.constant 0 : i32
        %add3A_621 = arith.addi %add3A_589, %add3A_620 : i32
        %get3A_622 = arith.index_cast %add3A_621 : i32 to index
        %get3A_623 = arith.constant 32 : index
        %get3A_624 = tpu.vector_load %arg8[%get3A_622, %get3A_623] {strides = array<i32>} : memref<200x64xf32, #tpu.memory_space<vmem>>, vector<1x16xf32>,
        %get3A_625 = vector.shape_cast %get3A_624 : vector<1x16xf32> to vector<16xf32>
        %mul3A_626 = arith.constant 8.000000e+00 : f32
        %mul3A_627 = vector.broadcast %mul3A_626 : f32 to vector<16xf32>
        %mul3A_628 = arith.mulf %get3A_625, %mul3A_627 : vector<16xf32>
        %add3A_629 = arith.constant 0 : i32
        %add3A_630 = arith.addi %add3A_589, %add3A_629 : i32
        %swap3A_631 = arith.index_cast %add3A_630 : i32 to index
        %swap3A_632 = arith.constant 32 : index
        %swap3A_633 = tpu.vector_load %arg8[%swap3A_631, %swap3A_632] {strides = array<i32>} : memref<200x64xf32, #tpu.memory_space<vmem>>, vector<1x16xf32>,
        %swap3A_634 = vector.shape_cast %swap3A_633 : vector<1x16xf32> to vector<16xf32>
        %swap3A_635 = vector.shape_cast %mul3A_628 : vector<16xf32> to vector<1x16xf32>
        tpu.vector_store %arg8[%swap3A_631, %swap3A_632], %swap3A_635 {strides = array<i32>} : memref<200x64xf32, #tpu.memory_space<vmem>>, vector<1x16xf32>,
        %add3A_636 = arith.constant 0 : i32
        %add3A_637 = arith.addi %add3A_589, %add3A_636 : i32
        %get3A_638 = arith.index_cast %add3A_637 : i32 to index
        %get3A_639 = arith.constant 48 : index
        %get3A_640 = tpu.vector_load %arg8[%get3A_638, %get3A_639] {strides = array<i32>} : memref<200x64xf32, #tpu.memory_space<vmem>>, vector<1x16xf32>,
        %get3A_641 = vector.shape_cast %get3A_640 : vector<1x16xf32> to vector<16xf32>
        %mul3A_642 = arith.constant 8.000000e+00 : f32
        %mul3A_643 = vector.broadcast %mul3A_642 : f32 to vector<16xf32>
        %mul3A_644 = arith.mulf %get3A_641, %mul3A_643 : vector<16xf32>
        %add3A_645 = arith.constant 0 : i32
        %add3A_646 = arith.addi %add3A_589, %add3A_645 : i32
        %swap3A_647 = arith.index_cast %add3A_646 : i32 to index
        %swap3A_648 = arith.constant 48 : index
        %swap3A_649 = tpu.vector_load %arg8[%swap3A_647, %swap3A_648] {strides = array<i32>} : memref<200x64xf32, #tpu.memory_space<vmem>>, vector<1x16xf32>,
        %swap3A_650 = vector.shape_cast %swap3A_649 : vector<1x16xf32> to vector<16xf32>
        %swap3A_651 = vector.shape_cast %mul3A_644 : vector<16xf32> to vector<1x16xf32>
        tpu.vector_store %arg8[%swap3A_647, %swap3A_648], %swap3A_651 {strides = array<i32>} : memref<200x64xf32, #tpu.memory_space<vmem>>, vector<1x16xf32>,
        %add3A_652 = arith.constant 1 : i32
        %add3A_653 = arith.addi %add3A_589, %add3A_652 : i32
        %get3A_654 = arith.index_cast %add3A_653 : i32 to index
        %get3A_655 = arith.constant 0 : index
        %get3A_656 = tpu.vector_load %arg8[%get3A_654, %get3A_655] {strides = array<i32>} : memref<200x64xf32, #tpu.memory_space<vmem>>, vector<1x16xf32>,
        %get3A_657 = vector.shape_cast %get3A_656 : vector<1x16xf32> to vector<16xf32>
        %mul3A_658 = arith.constant 8.000000e+00 : f32
        %mul3A_659 = vector.broadcast %mul3A_658 : f32 to vector<16xf32>
        %mul3A_660 = arith.mulf %get3A_657, %mul3A_659 : vector<16xf32>
        %add3A_661 = arith.constant 1 : i32
        %add3A_662 = arith.addi %add3A_589, %add3A_661 : i32
        %swap3A_663 = arith.index_cast %add3A_662 : i32 to index
        %swap3A_664 = arith.constant 0 : index
        %swap3A_665 = tpu.vector_load %arg8[%swap3A_663, %swap3A_664] {strides = array<i32>} : memref<200x64xf32, #tpu.memory_space<vmem>>, vector<1x16xf32>,
        %swap3A_666 = vector.shape_cast %swap3A_665 : vector<1x16xf32> to vector<16xf32>
        %swap3A_667 = vector.shape_cast %mul3A_660 : vector<16xf32> to vector<1x16xf32>
        tpu.vector_store %arg8[%swap3A_663, %swap3A_664], %swap3A_667 {strides = array<i32>} : memref<200x64xf32, #tpu.memory_space<vmem>>, vector<1x16xf32>,
        %add3A_668 = arith.constant 1 : i32
        %add3A_669 = arith.addi %add3A_589, %add3A_668 : i32
        %get3A_670 = arith.index_cast %add3A_669 : i32 to index
        %get3A_671 = arith.constant 16 : index
        %get3A_672 = tpu.vector_load %arg8[%get3A_670, %get3A_671] {strides = array<i32>} : memref<200x64xf32, #tpu.memory_space<vmem>>, vector<1x16xf32>,
        %get3A_673 = vector.shape_cast %get3A_672 : vector<1x16xf32> to vector<16xf32>
        %mul3A_674 = arith.constant 8.000000e+00 : f32
        %mul3A_675 = vector.broadcast %mul3A_674 : f32 to vector<16xf32>
        %mul3A_676 = arith.mulf %get3A_673, %mul3A_675 : vector<16xf32>
        %add3A_677 = arith.constant 1 : i32
        %add3A_678 = arith.addi %add3A_589, %add3A_677 : i32
        %swap3A_679 = arith.index_cast %add3A_678 : i32 to index
        %swap3A_680 = arith.constant 16 : index
        %swap3A_681 = tpu.vector_load %arg8[%swap3A_679, %swap3A_680] {strides = array<i32>} : memref<200x64xf32, #tpu.memory_space<vmem>>, vector<1x16xf32>,
        %swap3A_682 = vector.shape_cast %swap3A_681 : vector<1x16xf32> to vector<16xf32>
        %swap3A_683 = vector.shape_cast %mul3A_676 : vector<16xf32> to vector<1x16xf32>
        tpu.vector_store %arg8[%swap3A_679, %swap3A_680], %swap3A_683 {strides = array<i32>} : memref<200x64xf32, #tpu.memory_space<vmem>>, vector<1x16xf32>,
        %add3A_684 = arith.constant 1 : i32
        %add3A_685 = arith.addi %add3A_589, %add3A_684 : i32
        %get3A_686 = arith.index_cast %add3A_685 : i32 to index
        %get3A_687 = arith.constant 32 : index
        %get3A_688 = tpu.vector_load %arg8[%get3A_686, %get3A_687] {strides = array<i32>} : memref<200x64xf32, #tpu.memory_space<vmem>>, vector<1x16xf32>,
        %get3A_689 = vector.shape_cast %get3A_688 : vector<1x16xf32> to vector<16xf32>
        %mul3A_690 = arith.constant 8.000000e+00 : f32
        %mul3A_691 = vector.broadcast %mul3A_690 : f32 to vector<16xf32>
        %mul3A_692 = arith.mulf %get3A_689, %mul3A_691 : vector<16xf32>
        %add3A_693 = arith.constant 1 : i32
        %add3A_694 = arith.addi %add3A_589, %add3A_693 : i32
        %swap3A_695 = arith.index_cast %add3A_694 : i32 to index
        %swap3A_696 = arith.constant 32 : index
        %swap3A_697 = tpu.vector_load %arg8[%swap3A_695, %swap3A_696] {strides = array<i32>} : memref<200x64xf32, #tpu.memory_space<vmem>>, vector<1x16xf32>,
        %swap3A_698 = vector.shape_cast %swap3A_697 : vector<1x16xf32> to vector<16xf32>
        %swap3A_699 = vector.shape_cast %mul3A_692 : vector<16xf32> to vector<1x16xf32>
        tpu.vector_store %arg8[%swap3A_695, %swap3A_696], %swap3A_699 {strides = array<i32>} : memref<200x64xf32, #tpu.memory_space<vmem>>, vector<1x16xf32>,
        %add3A_700 = arith.constant 1 : i32
        %add3A_701 = arith.addi %add3A_589, %add3A_700 : i32
        %get3A_702 = arith.index_cast %add3A_701 : i32 to index
        %get3A_703 = arith.constant 48 : index
        %get3A_704 = tpu.vector_load %arg8[%get3A_702, %get3A_703] {strides = array<i32>} : memref<200x64xf32, #tpu.memory_space<vmem>>, vector<1x16xf32>,
        %get3A_705 = vector.shape_cast %get3A_704 : vector<1x16xf32> to vector<16xf32>
        %mul3A_706 = arith.constant 8.000000e+00 : f32
        %mul3A_707 = vector.broadcast %mul3A_706 : f32 to vector<16xf32>
        %mul3A_708 = arith.mulf %get3A_705, %mul3A_707 : vector<16xf32>
        %add3A_709 = arith.constant 1 : i32
        %add3A_710 = arith.addi %add3A_589, %add3A_709 : i32
        %swap3A_711 = arith.index_cast %add3A_710 : i32 to index
        %swap3A_712 = arith.constant 48 : index
        %swap3A_713 = tpu.vector_load %arg8[%swap3A_711, %swap3A_712] {strides = array<i32>} : memref<200x64xf32, #tpu.memory_space<vmem>>, vector<1x16xf32>,
        %swap3A_714 = vector.shape_cast %swap3A_713 : vector<1x16xf32> to vector<16xf32>
        %swap3A_715 = vector.shape_cast %mul3A_708 : vector<16xf32> to vector<1x16xf32>
        tpu.vector_store %arg8[%swap3A_711, %swap3A_712], %swap3A_715 {strides = array<i32>} : memref<200x64xf32, #tpu.memory_space<vmem>>, vector<1x16xf32>,
        %add3A_716 = arith.constant 2 : i32
        %add3A_717 = arith.addi %add3A_589, %add3A_716 : i32
        %get3A_718 = arith.index_cast %add3A_717 : i32 to index
        %get3A_719 = arith.constant 0 : index
        %get3A_720 = tpu.vector_load %arg8[%get3A_718, %get3A_719] {strides = array<i32>} : memref<200x64xf32, #tpu.memory_space<vmem>>, vector<1x16xf32>,
        %get3A_721 = vector.shape_cast %get3A_720 : vector<1x16xf32> to vector<16xf32>
        %mul3A_722 = arith.constant 8.000000e+00 : f32
        %mul3A_723 = vector.broadcast %mul3A_722 : f32 to vector<16xf32>
        %mul3A_724 = arith.mulf %get3A_721, %mul3A_723 : vector<16xf32>
        %add3A_725 = arith.constant 2 : i32
        %add3A_726 = arith.addi %add3A_589, %add3A_725 : i32
        %swap3A_727 = arith.index_cast %add3A_726 : i32 to index
        %swap3A_728 = arith.constant 0 : index
        %swap3A_729 = tpu.vector_load %arg8[%swap3A_727, %swap3A_728] {strides = array<i32>} : memref<200x64xf32, #tpu.memory_space<vmem>>, vector<1x16xf32>,
        %swap3A_730 = vector.shape_cast %swap3A_729 : vector<1x16xf32> to vector<16xf32>
        %swap3A_731 = vector.shape_cast %mul3A_724 : vector<16xf32> to vector<1x16xf32>
        tpu.vector_store %arg8[%swap3A_727, %swap3A_728], %swap3A_731 {strides = array<i32>} : memref<200x64xf32, #tpu.memory_space<vmem>>, vector<1x16xf32>,
        %add3A_732 = arith.constant 2 : i32
        %add3A_733 = arith.addi %add3A_589, %add3A_732 : i32
        %get3A_734 = arith.index_cast %add3A_733 : i32 to index
        %get3A_735 = arith.constant 16 : index
        %get3A_736 = tpu.vector_load %arg8[%get3A_734, %get3A_735] {strides = array<i32>} : memref<200x64xf32, #tpu.memory_space<vmem>>, vector<1x16xf32>,
        %get3A_737 = vector.shape_cast %get3A_736 : vector<1x16xf32> to vector<16xf32>
        %mul3A_738 = arith.constant 8.000000e+00 : f32
        %mul3A_739 = vector.broadcast %mul3A_738 : f32 to vector<16xf32>
        %mul3A_740 = arith.mulf %get3A_737, %mul3A_739 : vector<16xf32>
        %add3A_741 = arith.constant 2 : i32
        %add3A_742 = arith.addi %add3A_589, %add3A_741 : i32
        %swap3A_743 = arith.index_cast %add3A_742 : i32 to index
        %swap3A_744 = arith.constant 16 : index
        %swap3A_745 = tpu.vector_load %arg8[%swap3A_743, %swap3A_744] {strides = array<i32>} : memref<200x64xf32, #tpu.memory_space<vmem>>, vector<1x16xf32>,
        %swap3A_746 = vector.shape_cast %swap3A_745 : vector<1x16xf32> to vector<16xf32>
        %swap3A_747 = vector.shape_cast %mul3A_740 : vector<16xf32> to vector<1x16xf32>
        tpu.vector_store %arg8[%swap3A_743, %swap3A_744], %swap3A_747 {strides = array<i32>} : memref<200x64xf32, #tpu.memory_space<vmem>>, vector<1x16xf32>,
        %add3A_748 = arith.constant 2 : i32
        %add3A_749 = arith.addi %add3A_589, %add3A_748 : i32
        %get3A_750 = arith.index_cast %add3A_749 : i32 to index
        %get3A_751 = arith.constant 32 : index
        %get3A_752 = tpu.vector_load %arg8[%get3A_750, %get3A_751] {strides = array<i32>} : memref<200x64xf32, #tpu.memory_space<vmem>>, vector<1x16xf32>,
        %get3A_753 = vector.shape_cast %get3A_752 : vector<1x16xf32> to vector<16xf32>
        %mul3A_754 = arith.constant 8.000000e+00 : f32
        %mul3A_755 = vector.broadcast %mul3A_754 : f32 to vector<16xf32>
        %mul3A_756 = arith.mulf %get3A_753, %mul3A_755 : vector<16xf32>
        %add3A_757 = arith.constant 2 : i32
        %add3A_758 = arith.addi %add3A_589, %add3A_757 : i32
        %swap3A_759 = arith.index_cast %add3A_758 : i32 to index
        %swap3A_760 = arith.constant 32 : index
        %swap3A_761 = tpu.vector_load %arg8[%swap3A_759, %swap3A_760] {strides = array<i32>} : memref<200x64xf32, #tpu.memory_space<vmem>>, vector<1x16xf32>,
        %swap3A_762 = vector.shape_cast %swap3A_761 : vector<1x16xf32> to vector<16xf32>
        %swap3A_763 = vector.shape_cast %mul3A_756 : vector<16xf32> to vector<1x16xf32>
        tpu.vector_store %arg8[%swap3A_759, %swap3A_760], %swap3A_763 {strides = array<i32>} : memref<200x64xf32, #tpu.memory_space<vmem>>, vector<1x16xf32>,
        %add3A_764 = arith.constant 2 : i32
        %add3A_765 = arith.addi %add3A_589, %add3A_764 : i32
        %get3A_766 = arith.index_cast %add3A_765 : i32 to index
        %get3A_767 = arith.constant 48 : index
        %get3A_768 = tpu.vector_load %arg8[%get3A_766, %get3A_767] {strides = array<i32>} : memref<200x64xf32, #tpu.memory_space<vmem>>, vector<1x16xf32>,
        %get3A_769 = vector.shape_cast %get3A_768 : vector<1x16xf32> to vector<16xf32>
        %mul3A_770 = arith.constant 8.000000e+00 : f32
        %mul3A_771 = vector.broadcast %mul3A_770 : f32 to vector<16xf32>
        %mul3A_772 = arith.mulf %get3A_769, %mul3A_771 : vector<16xf32>
        %add3A_773 = arith.constant 2 : i32
        %add3A_774 = arith.addi %add3A_589, %add3A_773 : i32
        %swap3A_775 = arith.index_cast %add3A_774 : i32 to index
        %swap3A_776 = arith.constant 48 : index
        %swap3A_777 = tpu.vector_load %arg8[%swap3A_775, %swap3A_776] {strides = array<i32>} : memref<200x64xf32, #tpu.memory_space<vmem>>, vector<1x16xf32>,
        %swap3A_778 = vector.shape_cast %swap3A_777 : vector<1x16xf32> to vector<16xf32>
        %swap3A_779 = vector.shape_cast %mul3A_772 : vector<16xf32> to vector<1x16xf32>
        tpu.vector_store %arg8[%swap3A_775, %swap3A_776], %swap3A_779 {strides = array<i32>} : memref<200x64xf32, #tpu.memory_space<vmem>>, vector<1x16xf32>,
        %add3A_780 = arith.constant 3 : i32
        %add3A_781 = arith.addi %add3A_589, %add3A_780 : i32
        %get3A_782 = arith.index_cast %add3A_781 : i32 to index
        %get3A_783 = arith.constant 0 : index
        %get3A_784 = tpu.vector_load %arg8[%get3A_782, %get3A_783] {strides = array<i32>} : memref<200x64xf32, #tpu.memory_space<vmem>>, vector<1x16xf32>,
        %get3A_785 = vector.shape_cast %get3A_784 : vector<1x16xf32> to vector<16xf32>
        %mul3A_786 = arith.constant 8.000000e+00 : f32
        %mul3A_787 = vector.broadcast %mul3A_786 : f32 to vector<16xf32>
        %mul3A_788 = arith.mulf %get3A_785, %mul3A_787 : vector<16xf32>
        %add3A_789 = arith.constant 3 : i32
        %add3A_790 = arith.addi %add3A_589, %add3A_789 : i32
        %swap3A_791 = arith.index_cast %add3A_790 : i32 to index
        %swap3A_792 = arith.constant 0 : index
        %swap3A_793 = tpu.vector_load %arg8[%swap3A_791, %swap3A_792] {strides = array<i32>} : memref<200x64xf32, #tpu.memory_space<vmem>>, vector<1x16xf32>,
        %swap3A_794 = vector.shape_cast %swap3A_793 : vector<1x16xf32> to vector<16xf32>
        %swap3A_795 = vector.shape_cast %mul3A_788 : vector<16xf32> to vector<1x16xf32>
        tpu.vector_store %arg8[%swap3A_791, %swap3A_792], %swap3A_795 {strides = array<i32>} : memref<200x64xf32, #tpu.memory_space<vmem>>, vector<1x16xf32>,
        %add3A_796 = arith.constant 3 : i32
        %add3A_797 = arith.addi %add3A_589, %add3A_796 : i32
        %get3A_798 = arith.index_cast %add3A_797 : i32 to index
        %get3A_799 = arith.constant 16 : index
        %get3A_800 = tpu.vector_load %arg8[%get3A_798, %get3A_799] {strides = array<i32>} : memref<200x64xf32, #tpu.memory_space<vmem>>, vector<1x16xf32>,
        %get3A_801 = vector.shape_cast %get3A_800 : vector<1x16xf32> to vector<16xf32>
        %mul3A_802 = arith.constant 8.000000e+00 : f32
        %mul3A_803 = vector.broadcast %mul3A_802 : f32 to vector<16xf32>
        %mul3A_804 = arith.mulf %get3A_801, %mul3A_803 : vector<16xf32>
        %add3A_805 = arith.constant 3 : i32
        %add3A_806 = arith.addi %add3A_589, %add3A_805 : i32
        %swap3A_807 = arith.index_cast %add3A_806 : i32 to index
        %swap3A_808 = arith.constant 16 : index
        %swap3A_809 = tpu.vector_load %arg8[%swap3A_807, %swap3A_808] {strides = array<i32>} : memref<200x64xf32, #tpu.memory_space<vmem>>, vector<1x16xf32>,
        %swap3A_810 = vector.shape_cast %swap3A_809 : vector<1x16xf32> to vector<16xf32>
        %swap3A_811 = vector.shape_cast %mul3A_804 : vector<16xf32> to vector<1x16xf32>
        tpu.vector_store %arg8[%swap3A_807, %swap3A_808], %swap3A_811 {strides = array<i32>} : memref<200x64xf32, #tpu.memory_space<vmem>>, vector<1x16xf32>,
        %add3A_812 = arith.constant 3 : i32
        %add3A_813 = arith.addi %add3A_589, %add3A_812 : i32
        %get3A_814 = arith.index_cast %add3A_813 : i32 to index
        %get3A_815 = arith.constant 32 : index
        %get3A_816 = tpu.vector_load %arg8[%get3A_814, %get3A_815] {strides = array<i32>} : memref<200x64xf32, #tpu.memory_space<vmem>>, vector<1x16xf32>,
        %get3A_817 = vector.shape_cast %get3A_816 : vector<1x16xf32> to vector<16xf32>
        %mul3A_818 = arith.constant 8.000000e+00 : f32
        %mul3A_819 = vector.broadcast %mul3A_818 : f32 to vector<16xf32>
        %mul3A_820 = arith.mulf %get3A_817, %mul3A_819 : vector<16xf32>
        %add3A_821 = arith.constant 3 : i32
        %add3A_822 = arith.addi %add3A_589, %add3A_821 : i32
        %swap3A_823 = arith.index_cast %add3A_822 : i32 to index
        %swap3A_824 = arith.constant 32 : index
        %swap3A_825 = tpu.vector_load %arg8[%swap3A_823, %swap3A_824] {strides = array<i32>} : memref<200x64xf32, #tpu.memory_space<vmem>>, vector<1x16xf32>,
        %swap3A_826 = vector.shape_cast %swap3A_825 : vector<1x16xf32> to vector<16xf32>
        %swap3A_827 = vector.shape_cast %mul3A_820 : vector<16xf32> to vector<1x16xf32>
        tpu.vector_store %arg8[%swap3A_823, %swap3A_824], %swap3A_827 {strides = array<i32>} : memref<200x64xf32, #tpu.memory_space<vmem>>, vector<1x16xf32>,
        %add3A_828 = arith.constant 3 : i32
        %add3A_829 = arith.addi %add3A_589, %add3A_828 : i32
        %get3A_830 = arith.index_cast %add3A_829 : i32 to index
        %get3A_831 = arith.constant 48 : index
        %get3A_832 = tpu.vector_load %arg8[%get3A_830, %get3A_831] {strides = array<i32>} : memref<200x64xf32, #tpu.memory_space<vmem>>, vector<1x16xf32>,
        %get3A_833 = vector.shape_cast %get3A_832 : vector<1x16xf32> to vector<16xf32>
        %mul3A_834 = arith.constant 8.000000e+00 : f32
        %mul3A_835 = vector.broadcast %mul3A_834 : f32 to vector<16xf32>
        %mul3A_836 = arith.mulf %get3A_833, %mul3A_835 : vector<16xf32>
        %add3A_837 = arith.constant 3 : i32
        %add3A_838 = arith.addi %add3A_589, %add3A_837 : i32
        %swap3A_839 = arith.index_cast %add3A_838 : i32 to index
        %swap3A_840 = arith.constant 48 : index
        %swap3A_841 = tpu.vector_load %arg8[%swap3A_839, %swap3A_840] {strides = array<i32>} : memref<200x64xf32, #tpu.memory_space<vmem>>, vector<1x16xf32>,
        %swap3A_842 = vector.shape_cast %swap3A_841 : vector<1x16xf32> to vector<16xf32>
        %swap3A_843 = vector.shape_cast %mul3A_836 : vector<16xf32> to vector<1x16xf32>
        tpu.vector_store %arg8[%swap3A_839, %swap3A_840], %swap3A_843 {strides = array<i32>} : memref<200x64xf32, #tpu.memory_space<vmem>>, vector<1x16xf32>,
      }
      %scan3A_523 = arith.constant 50 : i32
      %add3A_524 = arith.addi %mul3A_2, %add3A_512 : i32
      %mul3A_525 = arith.constant 200 : i32
      %mul3A_526 = arith.muli %add3A_524, %mul3A_525 : i32
      %dma_start3A_527 = arith.constant 0 : i32
      %dma_start3A_528 = tpu.memref_slice %arg4[%mul3A_526, %dma_start3A_527] : memref<819200x64xf32, #tpu.memory_space<hbm>> -> memref<200x64xf32, #tpu.memory_space<hbm>>
      %dma_start3A_529 = arith.constant 0 : i32
      %dma_start3A_530 = tpu.memref_slice %arg4[%mul3A_526, %dma_start3A_529] : memref<819200x64xf32, #tpu.memory_space<hbm>> -> memref<200x64xf32, #tpu.memory_space<hbm>>
      tpu.enqueue_dma source(%arg8 : memref<200x64xf32, #tpu.memory_space<vmem>>) target(%dma_start3A_530 : memref<200x64xf32, #tpu.memory_space<hbm>>) target_semaphore(%arg24 : memref<!tpu.dma_semaphore, #tpu.memory_space<semaphore_mem>>)
      %sub3A_531 = arith.constant 4 : i32
      %sub3A_532 = arith.subi %add3A_512, %sub3A_531 : i32
      %add3A_533 = arith.addi %mul3A_2, %sub3A_532 : i32
      %mul3A_534 = arith.constant 200 : i32
      %mul3A_535 = arith.muli %add3A_533, %mul3A_534 : i32
      %dma_wait3A_536 = arith.constant 0 : i32
      %dma_wait3A_537 = tpu.memref_slice %arg4[%mul3A_535, %dma_wait3A_536] : memref<819200x64xf32, #tpu.memory_space<hbm>> -> memref<200x64xf32, #tpu.memory_space<hbm>>
      %dma_wait3A_538 = arith.constant 0 : i32
      %dma_wait3A_539 = tpu.memref_slice %arg4[%mul3A_535, %dma_wait3A_538] : memref<819200x64xf32, #tpu.memory_space<hbm>> -> memref<200x64xf32, #tpu.memory_space<hbm>>
      tpu.wait_dma2 semaphore(%arg28 : memref<!tpu.dma_semaphore, #tpu.memory_space<semaphore_mem>>) src(%arg12 : memref<200x64xf32, #tpu.memory_space<vmem>>) dst(%dma_wait3A_539 : memref<200x64xf32, #tpu.memory_space<hbm>>)
      %add3A_540 = arith.constant 4 : i32
      %add3A_541 = arith.addi %add3A_512, %add3A_540 : i32
      %dma_start3A_542 = arith.constant 0 : i32
      %dma_start3A_543 = tpu.memref_slice %arg5[%add3A_541, %dma_start3A_542] : memref<128x200xi32, #tpu.memory_space<vmem>> -> memref<1x200xi32, #tpu.memory_space<vmem>>
      %dma_start3A_544 = tpu.memref_squeeze %dma_start3A_543 : memref<1x200xi32, #tpu.memory_space<vmem>> -> memref<200xi32, #tpu.memory_space<vmem>>
      %dma_start3A_545 = arith.constant 0 : i32
      %dma_start3A_546 = arith.constant 0 : i32
      %dma_start3A_547 = tpu.memref_slice %arg2[%dma_start3A_545, %dma_start3A_546] : memref<1000000x64xf32, #tpu.memory_space<hbm>> -> memref<1000000x64xf32, #tpu.memory_space<hbm>>
      tpu.enqueue_indirect_dma source(%dma_start3A_547 : memref<1000000x64xf32, #tpu.memory_space<hbm>>) target(%arg12 : memref<200x64xf32, #tpu.memory_space<vmem>>) offsets(%dma_start3A_544 : memref<200xi32, #tpu.memory_space<vmem>>) semaphore(%arg20 : memref<!tpu.dma_semaphore, #tpu.memory_space<semaphore_mem>>)
      %add3A_548 = arith.constant 7 : i32
      %add3A_549 = arith.addi %add3A_289, %add3A_548 : i32
      %dma_wait3A_550 = arith.constant 0 : i32
      %dma_wait3A_551 = tpu.memref_slice %arg5[%add3A_549, %dma_wait3A_550] : memref<128x200xi32, #tpu.memory_space<vmem>> -> memref<1x200xi32, #tpu.memory_space<vmem>>
      %dma_wait3A_552 = tpu.memref_squeeze %dma_wait3A_551 : memref<1x200xi32, #tpu.memory_space<vmem>> -> memref<200xi32, #tpu.memory_space<vmem>>
      %dma_wait3A_553 = arith.constant 0 : i32
      %dma_wait3A_554 = arith.constant 0 : i32
      %dma_wait3A_555 = tpu.memref_slice %arg2[%dma_wait3A_553, %dma_wait3A_554] : memref<1000000x64xf32, #tpu.memory_space<hbm>> -> memref<1000000x64xf32, #tpu.memory_space<hbm>>
      tpu.wait_indirect_dma semaphore(%arg17 : memref<!tpu.dma_semaphore, #tpu.memory_space<semaphore_mem>>) src(%dma_wait3A_555 : memref<1000000x64xf32, #tpu.memory_space<hbm>>) dst(%arg9 : memref<200x64xf32, #tpu.memory_space<vmem>>)
      %scan3A_556 = arith.constant 0 : i32
      %scan3A_557 = arith.constant 50 : i32
      %scan3A_558 = arith.addi %scan3A_556, %scan3A_557 : i32
      %scan3A_559 = arith.constant 1 : i32
      scf.for %scan3A_585 = %scan3A_556 to %scan3A_558 step %scan3A_559  : i32 {
        %mul3A_586 = arith.constant 4 : i32
        %mul3A_587 = arith.muli %scan3A_585, %mul3A_586 : i32
        %add3A_588 = arith.constant 0 : i32
        %add3A_589 = arith.addi %add3A_588, %mul3A_587 : i32
        %add3A_590 = arith.constant 0 : i32
        %add3A_591 = arith.addi %add3A_589, %add3A_590 : i32
        %get3A = arith.index_cast %add3A_591 : i32 to index
        %get3A_592 = arith.constant 0 : index
        %get3A_593 = tpu.vector_load %arg9[%get3A, %get3A_592] {strides = array<i32>} : memref<200x64xf32, #tpu.memory_space<vmem>>, vector<1x16xf32>,
        %get3A_594 = vector.shape_cast %get3A_593 : vector<1x16xf32> to vector<16xf32>
        %mul3A_595 = arith.constant 8.000000e+00 : f32
        %mul3A_596 = vector.broadcast %mul3A_595 : f32 to vector<16xf32>
        %mul3A_597 = arith.mulf %get3A_594, %mul3A_596 : vector<16xf32>
        %add3A_598 = arith.constant 0 : i32
        %add3A_599 = arith.addi %add3A_589, %add3A_598 : i32
        %swap3A = arith.index_cast %add3A_599 : i32 to index
        %swap3A_600 = arith.constant 0 : index
        %swap3A_601 = tpu.vector_load %arg9[%swap3A, %swap3A_600] {strides = array<i32>} : memref<200x64xf32, #tpu.memory_space<vmem>>, vector<1x16xf32>,
        %swap3A_602 = vector.shape_cast %swap3A_601 : vector<1x16xf32> to vector<16xf32>
        %swap3A_603 = vector.shape_cast %mul3A_597 : vector<16xf32> to vector<1x16xf32>
        tpu.vector_store %arg9[%swap3A, %swap3A_600], %swap3A_603 {strides = array<i32>} : memref<200x64xf32, #tpu.memory_space<vmem>>, vector<1x16xf32>,
        %add3A_604 = arith.constant 0 : i32
        %add3A_605 = arith.addi %add3A_589, %add3A_604 : i32
        %get3A_606 = arith.index_cast %add3A_605 : i32 to index
        %get3A_607 = arith.constant 16 : index
        %get3A_608 = tpu.vector_load %arg9[%get3A_606, %get3A_607] {strides = array<i32>} : memref<200x64xf32, #tpu.memory_space<vmem>>, vector<1x16xf32>,
        %get3A_609 = vector.shape_cast %get3A_608 : vector<1x16xf32> to vector<16xf32>
        %mul3A_610 = arith.constant 8.000000e+00 : f32
        %mul3A_611 = vector.broadcast %mul3A_610 : f32 to vector<16xf32>
        %mul3A_612 = arith.mulf %get3A_609, %mul3A_611 : vector<16xf32>
        %add3A_613 = arith.constant 0 : i32
        %add3A_614 = arith.addi %add3A_589, %add3A_613 : i32
        %swap3A_615 = arith.index_cast %add3A_614 : i32 to index
        %swap3A_616 = arith.constant 16 : index
        %swap3A_617 = tpu.vector_load %arg9[%swap3A_615, %swap3A_616] {strides = array<i32>} : memref<200x64xf32, #tpu.memory_space<vmem>>, vector<1x16xf32>,
        %swap3A_618 = vector.shape_cast %swap3A_617 : vector<1x16xf32> to vector<16xf32>
        %swap3A_619 = vector.shape_cast %mul3A_612 : vector<16xf32> to vector<1x16xf32>
        tpu.vector_store %arg9[%swap3A_615, %swap3A_616], %swap3A_619 {strides = array<i32>} : memref<200x64xf32, #tpu.memory_space<vmem>>, vector<1x16xf32>,
        %add3A_620 = arith.constant 0 : i32
        %add3A_621 = arith.addi %add3A_589, %add3A_620 : i32
        %get3A_622 = arith.index_cast %add3A_621 : i32 to index
        %get3A_623 = arith.constant 32 : index
        %get3A_624 = tpu.vector_load %arg9[%get3A_622, %get3A_623] {strides = array<i32>} : memref<200x64xf32, #tpu.memory_space<vmem>>, vector<1x16xf32>,
        %get3A_625 = vector.shape_cast %get3A_624 : vector<1x16xf32> to vector<16xf32>
        %mul3A_626 = arith.constant 8.000000e+00 : f32
        %mul3A_627 = vector.broadcast %mul3A_626 : f32 to vector<16xf32>
        %mul3A_628 = arith.mulf %get3A_625, %mul3A_627 : vector<16xf32>
        %add3A_629 = arith.constant 0 : i32
        %add3A_630 = arith.addi %add3A_589, %add3A_629 : i32
        %swap3A_631 = arith.index_cast %add3A_630 : i32 to index
        %swap3A_632 = arith.constant 32 : index
        %swap3A_633 = tpu.vector_load %arg9[%swap3A_631, %swap3A_632] {strides = array<i32>} : memref<200x64xf32, #tpu.memory_space<vmem>>, vector<1x16xf32>,
        %swap3A_634 = vector.shape_cast %swap3A_633 : vector<1x16xf32> to vector<16xf32>
        %swap3A_635 = vector.shape_cast %mul3A_628 : vector<16xf32> to vector<1x16xf32>
        tpu.vector_store %arg9[%swap3A_631, %swap3A_632], %swap3A_635 {strides = array<i32>} : memref<200x64xf32, #tpu.memory_space<vmem>>, vector<1x16xf32>,
        %add3A_636 = arith.constant 0 : i32
        %add3A_637 = arith.addi %add3A_589, %add3A_636 : i32
        %get3A_638 = arith.index_cast %add3A_637 : i32 to index
        %get3A_639 = arith.constant 48 : index
        %get3A_640 = tpu.vector_load %arg9[%get3A_638, %get3A_639] {strides = array<i32>} : memref<200x64xf32, #tpu.memory_space<vmem>>, vector<1x16xf32>,
        %get3A_641 = vector.shape_cast %get3A_640 : vector<1x16xf32> to vector<16xf32>
        %mul3A_642 = arith.constant 8.000000e+00 : f32
        %mul3A_643 = vector.broadcast %mul3A_642 : f32 to vector<16xf32>
        %mul3A_644 = arith.mulf %get3A_641, %mul3A_643 : vector<16xf32>
        %add3A_645 = arith.constant 0 : i32
        %add3A_646 = arith.addi %add3A_589, %add3A_645 : i32
        %swap3A_647 = arith.index_cast %add3A_646 : i32 to index
        %swap3A_648 = arith.constant 48 : index
        %swap3A_649 = tpu.vector_load %arg9[%swap3A_647, %swap3A_648] {strides = array<i32>} : memref<200x64xf32, #tpu.memory_space<vmem>>, vector<1x16xf32>,
        %swap3A_650 = vector.shape_cast %swap3A_649 : vector<1x16xf32> to vector<16xf32>
        %swap3A_651 = vector.shape_cast %mul3A_644 : vector<16xf32> to vector<1x16xf32>
        tpu.vector_store %arg9[%swap3A_647, %swap3A_648], %swap3A_651 {strides = array<i32>} : memref<200x64xf32, #tpu.memory_space<vmem>>, vector<1x16xf32>,
        %add3A_652 = arith.constant 1 : i32
        %add3A_653 = arith.addi %add3A_589, %add3A_652 : i32
        %get3A_654 = arith.index_cast %add3A_653 : i32 to index
        %get3A_655 = arith.constant 0 : index
        %get3A_656 = tpu.vector_load %arg9[%get3A_654, %get3A_655] {strides = array<i32>} : memref<200x64xf32, #tpu.memory_space<vmem>>, vector<1x16xf32>,
        %get3A_657 = vector.shape_cast %get3A_656 : vector<1x16xf32> to vector<16xf32>
        %mul3A_658 = arith.constant 8.000000e+00 : f32
        %mul3A_659 = vector.broadcast %mul3A_658 : f32 to vector<16xf32>
        %mul3A_660 = arith.mulf %get3A_657, %mul3A_659 : vector<16xf32>
        %add3A_661 = arith.constant 1 : i32
        %add3A_662 = arith.addi %add3A_589, %add3A_661 : i32
        %swap3A_663 = arith.index_cast %add3A_662 : i32 to index
        %swap3A_664 = arith.constant 0 : index
        %swap3A_665 = tpu.vector_load %arg9[%swap3A_663, %swap3A_664] {strides = array<i32>} : memref<200x64xf32, #tpu.memory_space<vmem>>, vector<1x16xf32>,
        %swap3A_666 = vector.shape_cast %swap3A_665 : vector<1x16xf32> to vector<16xf32>
        %swap3A_667 = vector.shape_cast %mul3A_660 : vector<16xf32> to vector<1x16xf32>
        tpu.vector_store %arg9[%swap3A_663, %swap3A_664], %swap3A_667 {strides = array<i32>} : memref<200x64xf32, #tpu.memory_space<vmem>>, vector<1x16xf32>,
        %add3A_668 = arith.constant 1 : i32
        %add3A_669 = arith.addi %add3A_589, %add3A_668 : i32
        %get3A_670 = arith.index_cast %add3A_669 : i32 to index
        %get3A_671 = arith.constant 16 : index
        %get3A_672 = tpu.vector_load %arg9[%get3A_670, %get3A_671] {strides = array<i32>} : memref<200x64xf32, #tpu.memory_space<vmem>>, vector<1x16xf32>,
        %get3A_673 = vector.shape_cast %get3A_672 : vector<1x16xf32> to vector<16xf32>
        %mul3A_674 = arith.constant 8.000000e+00 : f32
        %mul3A_675 = vector.broadcast %mul3A_674 : f32 to vector<16xf32>
        %mul3A_676 = arith.mulf %get3A_673, %mul3A_675 : vector<16xf32>
        %add3A_677 = arith.constant 1 : i32
        %add3A_678 = arith.addi %add3A_589, %add3A_677 : i32
        %swap3A_679 = arith.index_cast %add3A_678 : i32 to index
        %swap3A_680 = arith.constant 16 : index
        %swap3A_681 = tpu.vector_load %arg9[%swap3A_679, %swap3A_680] {strides = array<i32>} : memref<200x64xf32, #tpu.memory_space<vmem>>, vector<1x16xf32>,
        %swap3A_682 = vector.shape_cast %swap3A_681 : vector<1x16xf32> to vector<16xf32>
        %swap3A_683 = vector.shape_cast %mul3A_676 : vector<16xf32> to vector<1x16xf32>
        tpu.vector_store %arg9[%swap3A_679, %swap3A_680], %swap3A_683 {strides = array<i32>} : memref<200x64xf32, #tpu.memory_space<vmem>>, vector<1x16xf32>,
        %add3A_684 = arith.constant 1 : i32
        %add3A_685 = arith.addi %add3A_589, %add3A_684 : i32
        %get3A_686 = arith.index_cast %add3A_685 : i32 to index
        %get3A_687 = arith.constant 32 : index
        %get3A_688 = tpu.vector_load %arg9[%get3A_686, %get3A_687] {strides = array<i32>} : memref<200x64xf32, #tpu.memory_space<vmem>>, vector<1x16xf32>,
        %get3A_689 = vector.shape_cast %get3A_688 : vector<1x16xf32> to vector<16xf32>
        %mul3A_690 = arith.constant 8.000000e+00 : f32
        %mul3A_691 = vector.broadcast %mul3A_690 : f32 to vector<16xf32>
        %mul3A_692 = arith.mulf %get3A_689, %mul3A_691 : vector<16xf32>
        %add3A_693 = arith.constant 1 : i32
        %add3A_694 = arith.addi %add3A_589, %add3A_693 : i32
        %swap3A_695 = arith.index_cast %add3A_694 : i32 to index
        %swap3A_696 = arith.constant 32 : index
        %swap3A_697 = tpu.vector_load %arg9[%swap3A_695, %swap3A_696] {strides = array<i32>} : memref<200x64xf32, #tpu.memory_space<vmem>>, vector<1x16xf32>,
        %swap3A_698 = vector.shape_cast %swap3A_697 : vector<1x16xf32> to vector<16xf32>
        %swap3A_699 = vector.shape_cast %mul3A_692 : vector<16xf32> to vector<1x16xf32>
        tpu.vector_store %arg9[%swap3A_695, %swap3A_696], %swap3A_699 {strides = array<i32>} : memref<200x64xf32, #tpu.memory_space<vmem>>, vector<1x16xf32>,
        %add3A_700 = arith.constant 1 : i32
        %add3A_701 = arith.addi %add3A_589, %add3A_700 : i32
        %get3A_702 = arith.index_cast %add3A_701 : i32 to index
        %get3A_703 = arith.constant 48 : index
        %get3A_704 = tpu.vector_load %arg9[%get3A_702, %get3A_703] {strides = array<i32>} : memref<200x64xf32, #tpu.memory_space<vmem>>, vector<1x16xf32>,
        %get3A_705 = vector.shape_cast %get3A_704 : vector<1x16xf32> to vector<16xf32>
        %mul3A_706 = arith.constant 8.000000e+00 : f32
        %mul3A_707 = vector.broadcast %mul3A_706 : f32 to vector<16xf32>
        %mul3A_708 = arith.mulf %get3A_705, %mul3A_707 : vector<16xf32>
        %add3A_709 = arith.constant 1 : i32
        %add3A_710 = arith.addi %add3A_589, %add3A_709 : i32
        %swap3A_711 = arith.index_cast %add3A_710 : i32 to index
        %swap3A_712 = arith.constant 48 : index
        %swap3A_713 = tpu.vector_load %arg9[%swap3A_711, %swap3A_712] {strides = array<i32>} : memref<200x64xf32, #tpu.memory_space<vmem>>, vector<1x16xf32>,
        %swap3A_714 = vector.shape_cast %swap3A_713 : vector<1x16xf32> to vector<16xf32>
        %swap3A_715 = vector.shape_cast %mul3A_708 : vector<16xf32> to vector<1x16xf32>
        tpu.vector_store %arg9[%swap3A_711, %swap3A_712], %swap3A_715 {strides = array<i32>} : memref<200x64xf32, #tpu.memory_space<vmem>>, vector<1x16xf32>,
        %add3A_716 = arith.constant 2 : i32
        %add3A_717 = arith.addi %add3A_589, %add3A_716 : i32
        %get3A_718 = arith.index_cast %add3A_717 : i32 to index
        %get3A_719 = arith.constant 0 : index
        %get3A_720 = tpu.vector_load %arg9[%get3A_718, %get3A_719] {strides = array<i32>} : memref<200x64xf32, #tpu.memory_space<vmem>>, vector<1x16xf32>,
        %get3A_721 = vector.shape_cast %get3A_720 : vector<1x16xf32> to vector<16xf32>
        %mul3A_722 = arith.constant 8.000000e+00 : f32
        %mul3A_723 = vector.broadcast %mul3A_722 : f32 to vector<16xf32>
        %mul3A_724 = arith.mulf %get3A_721, %mul3A_723 : vector<16xf32>
        %add3A_725 = arith.constant 2 : i32
        %add3A_726 = arith.addi %add3A_589, %add3A_725 : i32
        %swap3A_727 = arith.index_cast %add3A_726 : i32 to index
        %swap3A_728 = arith.constant 0 : index
        %swap3A_729 = tpu.vector_load %arg9[%swap3A_727, %swap3A_728] {strides = array<i32>} : memref<200x64xf32, #tpu.memory_space<vmem>>, vector<1x16xf32>,
        %swap3A_730 = vector.shape_cast %swap3A_729 : vector<1x16xf32> to vector<16xf32>
        %swap3A_731 = vector.shape_cast %mul3A_724 : vector<16xf32> to vector<1x16xf32>
        tpu.vector_store %arg9[%swap3A_727, %swap3A_728], %swap3A_731 {strides = array<i32>} : memref<200x64xf32, #tpu.memory_space<vmem>>, vector<1x16xf32>,
        %add3A_732 = arith.constant 2 : i32
        %add3A_733 = arith.addi %add3A_589, %add3A_732 : i32
        %get3A_734 = arith.index_cast %add3A_733 : i32 to index
        %get3A_735 = arith.constant 16 : index
        %get3A_736 = tpu.vector_load %arg9[%get3A_734, %get3A_735] {strides = array<i32>} : memref<200x64xf32, #tpu.memory_space<vmem>>, vector<1x16xf32>,
        %get3A_737 = vector.shape_cast %get3A_736 : vector<1x16xf32> to vector<16xf32>
        %mul3A_738 = arith.constant 8.000000e+00 : f32
        %mul3A_739 = vector.broadcast %mul3A_738 : f32 to vector<16xf32>
        %mul3A_740 = arith.mulf %get3A_737, %mul3A_739 : vector<16xf32>
        %add3A_741 = arith.constant 2 : i32
        %add3A_742 = arith.addi %add3A_589, %add3A_741 : i32
        %swap3A_743 = arith.index_cast %add3A_742 : i32 to index
        %swap3A_744 = arith.constant 16 : index
        %swap3A_745 = tpu.vector_load %arg9[%swap3A_743, %swap3A_744] {strides = array<i32>} : memref<200x64xf32, #tpu.memory_space<vmem>>, vector<1x16xf32>,
        %swap3A_746 = vector.shape_cast %swap3A_745 : vector<1x16xf32> to vector<16xf32>
        %swap3A_747 = vector.shape_cast %mul3A_740 : vector<16xf32> to vector<1x16xf32>
        tpu.vector_store %arg9[%swap3A_743, %swap3A_744], %swap3A_747 {strides = array<i32>} : memref<200x64xf32, #tpu.memory_space<vmem>>, vector<1x16xf32>,
        %add3A_748 = arith.constant 2 : i32
        %add3A_749 = arith.addi %add3A_589, %add3A_748 : i32
        %get3A_750 = arith.index_cast %add3A_749 : i32 to index
        %get3A_751 = arith.constant 32 : index
        %get3A_752 = tpu.vector_load %arg9[%get3A_750, %get3A_751] {strides = array<i32>} : memref<200x64xf32, #tpu.memory_space<vmem>>, vector<1x16xf32>,
        %get3A_753 = vector.shape_cast %get3A_752 : vector<1x16xf32> to vector<16xf32>
        %mul3A_754 = arith.constant 8.000000e+00 : f32
        %mul3A_755 = vector.broadcast %mul3A_754 : f32 to vector<16xf32>
        %mul3A_756 = arith.mulf %get3A_753, %mul3A_755 : vector<16xf32>
        %add3A_757 = arith.constant 2 : i32
        %add3A_758 = arith.addi %add3A_589, %add3A_757 : i32
        %swap3A_759 = arith.index_cast %add3A_758 : i32 to index
        %swap3A_760 = arith.constant 32 : index
        %swap3A_761 = tpu.vector_load %arg9[%swap3A_759, %swap3A_760] {strides = array<i32>} : memref<200x64xf32, #tpu.memory_space<vmem>>, vector<1x16xf32>,
        %swap3A_762 = vector.shape_cast %swap3A_761 : vector<1x16xf32> to vector<16xf32>
        %swap3A_763 = vector.shape_cast %mul3A_756 : vector<16xf32> to vector<1x16xf32>
        tpu.vector_store %arg9[%swap3A_759, %swap3A_760], %swap3A_763 {strides = array<i32>} : memref<200x64xf32, #tpu.memory_space<vmem>>, vector<1x16xf32>,
        %add3A_764 = arith.constant 2 : i32
        %add3A_765 = arith.addi %add3A_589, %add3A_764 : i32
        %get3A_766 = arith.index_cast %add3A_765 : i32 to index
        %get3A_767 = arith.constant 48 : index
        %get3A_768 = tpu.vector_load %arg9[%get3A_766, %get3A_767] {strides = array<i32>} : memref<200x64xf32, #tpu.memory_space<vmem>>, vector<1x16xf32>,
        %get3A_769 = vector.shape_cast %get3A_768 : vector<1x16xf32> to vector<16xf32>
        %mul3A_770 = arith.constant 8.000000e+00 : f32
        %mul3A_771 = vector.broadcast %mul3A_770 : f32 to vector<16xf32>
        %mul3A_772 = arith.mulf %get3A_769, %mul3A_771 : vector<16xf32>
        %add3A_773 = arith.constant 2 : i32
        %add3A_774 = arith.addi %add3A_589, %add3A_773 : i32
        %swap3A_775 = arith.index_cast %add3A_774 : i32 to index
        %swap3A_776 = arith.constant 48 : index
        %swap3A_777 = tpu.vector_load %arg9[%swap3A_775, %swap3A_776] {strides = array<i32>} : memref<200x64xf32, #tpu.memory_space<vmem>>, vector<1x16xf32>,
        %swap3A_778 = vector.shape_cast %swap3A_777 : vector<1x16xf32> to vector<16xf32>
        %swap3A_779 = vector.shape_cast %mul3A_772 : vector<16xf32> to vector<1x16xf32>
        tpu.vector_store %arg9[%swap3A_775, %swap3A_776], %swap3A_779 {strides = array<i32>} : memref<200x64xf32, #tpu.memory_space<vmem>>, vector<1x16xf32>,
        %add3A_780 = arith.constant 3 : i32
        %add3A_781 = arith.addi %add3A_589, %add3A_780 : i32
        %get3A_782 = arith.index_cast %add3A_781 : i32 to index
        %get3A_783 = arith.constant 0 : index
        %get3A_784 = tpu.vector_load %arg9[%get3A_782, %get3A_783] {strides = array<i32>} : memref<200x64xf32, #tpu.memory_space<vmem>>, vector<1x16xf32>,
        %get3A_785 = vector.shape_cast %get3A_784 : vector<1x16xf32> to vector<16xf32>
        %mul3A_786 = arith.constant 8.000000e+00 : f32
        %mul3A_787 = vector.broadcast %mul3A_786 : f32 to vector<16xf32>
        %mul3A_788 = arith.mulf %get3A_785, %mul3A_787 : vector<16xf32>
        %add3A_789 = arith.constant 3 : i32
        %add3A_790 = arith.addi %add3A_589, %add3A_789 : i32
        %swap3A_791 = arith.index_cast %add3A_790 : i32 to index
        %swap3A_792 = arith.constant 0 : index
        %swap3A_793 = tpu.vector_load %arg9[%swap3A_791, %swap3A_792] {strides = array<i32>} : memref<200x64xf32, #tpu.memory_space<vmem>>, vector<1x16xf32>,
        %swap3A_794 = vector.shape_cast %swap3A_793 : vector<1x16xf32> to vector<16xf32>
        %swap3A_795 = vector.shape_cast %mul3A_788 : vector<16xf32> to vector<1x16xf32>
        tpu.vector_store %arg9[%swap3A_791, %swap3A_792], %swap3A_795 {strides = array<i32>} : memref<200x64xf32, #tpu.memory_space<vmem>>, vector<1x16xf32>,
        %add3A_796 = arith.constant 3 : i32
        %add3A_797 = arith.addi %add3A_589, %add3A_796 : i32
        %get3A_798 = arith.index_cast %add3A_797 : i32 to index
        %get3A_799 = arith.constant 16 : index
        %get3A_800 = tpu.vector_load %arg9[%get3A_798, %get3A_799] {strides = array<i32>} : memref<200x64xf32, #tpu.memory_space<vmem>>, vector<1x16xf32>,
        %get3A_801 = vector.shape_cast %get3A_800 : vector<1x16xf32> to vector<16xf32>
        %mul3A_802 = arith.constant 8.000000e+00 : f32
        %mul3A_803 = vector.broadcast %mul3A_802 : f32 to vector<16xf32>
        %mul3A_804 = arith.mulf %get3A_801, %mul3A_803 : vector<16xf32>
        %add3A_805 = arith.constant 3 : i32
        %add3A_806 = arith.addi %add3A_589, %add3A_805 : i32
        %swap3A_807 = arith.index_cast %add3A_806 : i32 to index
        %swap3A_808 = arith.constant 16 : index
        %swap3A_809 = tpu.vector_load %arg9[%swap3A_807, %swap3A_808] {strides = array<i32>} : memref<200x64xf32, #tpu.memory_space<vmem>>, vector<1x16xf32>,
        %swap3A_810 = vector.shape_cast %swap3A_809 : vector<1x16xf32> to vector<16xf32>
        %swap3A_811 = vector.shape_cast %mul3A_804 : vector<16xf32> to vector<1x16xf32>
        tpu.vector_store %arg9[%swap3A_807, %swap3A_808], %swap3A_811 {strides = array<i32>} : memref<200x64xf32, #tpu.memory_space<vmem>>, vector<1x16xf32>,
        %add3A_812 = arith.constant 3 : i32
        %add3A_813 = arith.addi %add3A_589, %add3A_812 : i32
        %get3A_814 = arith.index_cast %add3A_813 : i32 to index
        %get3A_815 = arith.constant 32 : index
        %get3A_816 = tpu.vector_load %arg9[%get3A_814, %get3A_815] {strides = array<i32>} : memref<200x64xf32, #tpu.memory_space<vmem>>, vector<1x16xf32>,
        %get3A_817 = vector.shape_cast %get3A_816 : vector<1x16xf32> to vector<16xf32>
        %mul3A_818 = arith.constant 8.000000e+00 : f32
        %mul3A_819 = vector.broadcast %mul3A_818 : f32 to vector<16xf32>
        %mul3A_820 = arith.mulf %get3A_817, %mul3A_819 : vector<16xf32>
        %add3A_821 = arith.constant 3 : i32
        %add3A_822 = arith.addi %add3A_589, %add3A_821 : i32
        %swap3A_823 = arith.index_cast %add3A_822 : i32 to index
        %swap3A_824 = arith.constant 32 : index
        %swap3A_825 = tpu.vector_load %arg9[%swap3A_823, %swap3A_824] {strides = array<i32>} : memref<200x64xf32, #tpu.memory_space<vmem>>, vector<1x16xf32>,
        %swap3A_826 = vector.shape_cast %swap3A_825 : vector<1x16xf32> to vector<16xf32>
        %swap3A_827 = vector.shape_cast %mul3A_820 : vector<16xf32> to vector<1x16xf32>
        tpu.vector_store %arg9[%swap3A_823, %swap3A_824], %swap3A_827 {strides = array<i32>} : memref<200x64xf32, #tpu.memory_space<vmem>>, vector<1x16xf32>,
        %add3A_828 = arith.constant 3 : i32
        %add3A_829 = arith.addi %add3A_589, %add3A_828 : i32
        %get3A_830 = arith.index_cast %add3A_829 : i32 to index
        %get3A_831 = arith.constant 48 : index
        %get3A_832 = tpu.vector_load %arg9[%get3A_830, %get3A_831] {strides = array<i32>} : memref<200x64xf32, #tpu.memory_space<vmem>>, vector<1x16xf32>,
        %get3A_833 = vector.shape_cast %get3A_832 : vector<1x16xf32> to vector<16xf32>
        %mul3A_834 = arith.constant 8.000000e+00 : f32
        %mul3A_835 = vector.broadcast %mul3A_834 : f32 to vector<16xf32>
        %mul3A_836 = arith.mulf %get3A_833, %mul3A_835 : vector<16xf32>
        %add3A_837 = arith.constant 3 : i32
        %add3A_838 = arith.addi %add3A_589, %add3A_837 : i32
        %swap3A_839 = arith.index_cast %add3A_838 : i32 to index
        %swap3A_840 = arith.constant 48 : index
        %swap3A_841 = tpu.vector_load %arg9[%swap3A_839, %swap3A_840] {strides = array<i32>} : memref<200x64xf32, #tpu.memory_space<vmem>>, vector<1x16xf32>,
        %swap3A_842 = vector.shape_cast %swap3A_841 : vector<1x16xf32> to vector<16xf32>
        %swap3A_843 = vector.shape_cast %mul3A_836 : vector<16xf32> to vector<1x16xf32>
        tpu.vector_store %arg9[%swap3A_839, %swap3A_840], %swap3A_843 {strides = array<i32>} : memref<200x64xf32, #tpu.memory_space<vmem>>, vector<1x16xf32>,
      }
      %scan3A_560 = arith.constant 50 : i32
      %add3A_561 = arith.addi %mul3A_2, %add3A_549 : i32
      %mul3A_562 = arith.constant 200 : i32
      %mul3A_563 = arith.muli %add3A_561, %mul3A_562 : i32
      %dma_start3A_564 = arith.constant 0 : i32
      %dma_start3A_565 = tpu.memref_slice %arg4[%mul3A_563, %dma_start3A_564] : memref<819200x64xf32, #tpu.memory_space<hbm>> -> memref<200x64xf32, #tpu.memory_space<hbm>>
      %dma_start3A_566 = arith.constant 0 : i32
      %dma_start3A_567 = tpu.memref_slice %arg4[%mul3A_563, %dma_start3A_566] : memref<819200x64xf32, #tpu.memory_space<hbm>> -> memref<200x64xf32, #tpu.memory_space<hbm>>
      tpu.enqueue_dma source(%arg9 : memref<200x64xf32, #tpu.memory_space<vmem>>) target(%dma_start3A_567 : memref<200x64xf32, #tpu.memory_space<hbm>>) target_semaphore(%arg25 : memref<!tpu.dma_semaphore, #tpu.memory_space<semaphore_mem>>)
      %sub3A_568 = arith.constant 4 : i32
      %sub3A_569 = arith.subi %add3A_549, %sub3A_568 : i32
      %add3A_570 = arith.addi %mul3A_2, %sub3A_569 : i32
      %mul3A_571 = arith.constant 200 : i32
      %mul3A_572 = arith.muli %add3A_570, %mul3A_571 : i32
      %dma_wait3A_573 = arith.constant 0 : i32
      %dma_wait3A_574 = tpu.memref_slice %arg4[%mul3A_572, %dma_wait3A_573] : memref<819200x64xf32, #tpu.memory_space<hbm>> -> memref<200x64xf32, #tpu.memory_space<hbm>>
      %dma_wait3A_575 = arith.constant 0 : i32
      %dma_wait3A_576 = tpu.memref_slice %arg4[%mul3A_572, %dma_wait3A_575] : memref<819200x64xf32, #tpu.memory_space<hbm>> -> memref<200x64xf32, #tpu.memory_space<hbm>>
      tpu.wait_dma2 semaphore(%arg29 : memref<!tpu.dma_semaphore, #tpu.memory_space<semaphore_mem>>) src(%arg13 : memref<200x64xf32, #tpu.memory_space<vmem>>) dst(%dma_wait3A_576 : memref<200x64xf32, #tpu.memory_space<hbm>>)
      %add3A_577 = arith.constant 4 : i32
      %add3A_578 = arith.addi %add3A_549, %add3A_577 : i32
      %dma_start3A_579 = arith.constant 0 : i32
      %dma_start3A_580 = tpu.memref_slice %arg5[%add3A_578, %dma_start3A_579] : memref<128x200xi32, #tpu.memory_space<vmem>> -> memref<1x200xi32, #tpu.memory_space<vmem>>
      %dma_start3A_581 = tpu.memref_squeeze %dma_start3A_580 : memref<1x200xi32, #tpu.memory_space<vmem>> -> memref<200xi32, #tpu.memory_space<vmem>>
      %dma_start3A_582 = arith.constant 0 : i32
      %dma_start3A_583 = arith.constant 0 : i32
      %dma_start3A_584 = tpu.memref_slice %arg2[%dma_start3A_582, %dma_start3A_583] : memref<1000000x64xf32, #tpu.memory_space<hbm>> -> memref<1000000x64xf32, #tpu.memory_space<hbm>>
      tpu.enqueue_indirect_dma source(%dma_start3A_584 : memref<1000000x64xf32, #tpu.memory_space<hbm>>) target(%arg13 : memref<200x64xf32, #tpu.memory_space<vmem>>) offsets(%dma_start3A_581 : memref<200xi32, #tpu.memory_space<vmem>>) semaphore(%arg21 : memref<!tpu.dma_semaphore, #tpu.memory_space<semaphore_mem>>)
    }
    %scan3A_140 = arith.constant 15 : i32
    %dma_wait3A_141 = arith.constant 124 : i32
    %dma_wait3A_142 = arith.constant 0 : i32
    %dma_wait3A_143 = tpu.memref_slice %arg5[%dma_wait3A_141, %dma_wait3A_142] : memref<128x200xi32, #tpu.memory_space<vmem>> -> memref<1x200xi32, #tpu.memory_space<vmem>>
    %dma_wait3A_144 = tpu.memref_squeeze %dma_wait3A_143 : memref<1x200xi32, #tpu.memory_space<vmem>> -> memref<200xi32, #tpu.memory_space<vmem>>
    %dma_wait3A_145 = arith.constant 0 : i32
    %dma_wait3A_146 = arith.constant 0 : i32
    %dma_wait3A_147 = tpu.memref_slice %arg2[%dma_wait3A_145, %dma_wait3A_146] : memref<1000000x64xf32, #tpu.memory_space<hbm>> -> memref<1000000x64xf32, #tpu.memory_space<hbm>>
    tpu.wait_indirect_dma semaphore(%arg18 : memref<!tpu.dma_semaphore, #tpu.memory_space<semaphore_mem>>) src(%dma_wait3A_147 : memref<1000000x64xf32, #tpu.memory_space<hbm>>) dst(%arg10 : memref<200x64xf32, #tpu.memory_space<vmem>>)
    %scan3A_148 = arith.constant 0 : i32
    %scan3A_149 = arith.constant 50 : i32
    %scan3A_150 = arith.addi %scan3A_148, %scan3A_149 : i32
    %scan3A_151 = arith.constant 1 : i32
    scf.for %scan3A_285 = %scan3A_148 to %scan3A_150 step %scan3A_151  : i32 {
      %mul3A_286 = arith.constant 4 : i32
      %mul3A_287 = arith.muli %scan3A_285, %mul3A_286 : i32
      %add3A_288 = arith.constant 0 : i32
      %add3A_289 = arith.addi %add3A_288, %mul3A_287 : i32
      %add3A_290 = arith.constant 0 : i32
      %add3A_291 = arith.addi %add3A_289, %add3A_290 : i32
      %get3A = arith.index_cast %add3A_291 : i32 to index
      %get3A_292 = arith.constant 0 : index
      %get3A_293 = tpu.vector_load %arg10[%get3A, %get3A_292] {strides = array<i32>} : memref<200x64xf32, #tpu.memory_space<vmem>>, vector<1x16xf32>,
      %get3A_294 = vector.shape_cast %get3A_293 : vector<1x16xf32> to vector<16xf32>
      %mul3A_295 = arith.constant 8.000000e+00 : f32
      %mul3A_296 = vector.broadcast %mul3A_295 : f32 to vector<16xf32>
      %mul3A_297 = arith.mulf %get3A_294, %mul3A_296 : vector<16xf32>
      %add3A_298 = arith.constant 0 : i32
      %add3A_299 = arith.addi %add3A_289, %add3A_298 : i32
      %swap3A = arith.index_cast %add3A_299 : i32 to index
      %swap3A_300 = arith.constant 0 : index
      %swap3A_301 = tpu.vector_load %arg10[%swap3A, %swap3A_300] {strides = array<i32>} : memref<200x64xf32, #tpu.memory_space<vmem>>, vector<1x16xf32>,
      %swap3A_302 = vector.shape_cast %swap3A_301 : vector<1x16xf32> to vector<16xf32>
      %swap3A_303 = vector.shape_cast %mul3A_297 : vector<16xf32> to vector<1x16xf32>
      tpu.vector_store %arg10[%swap3A, %swap3A_300], %swap3A_303 {strides = array<i32>} : memref<200x64xf32, #tpu.memory_space<vmem>>, vector<1x16xf32>,
      %add3A_304 = arith.constant 0 : i32
      %add3A_305 = arith.addi %add3A_289, %add3A_304 : i32
      %get3A_306 = arith.index_cast %add3A_305 : i32 to index
      %get3A_307 = arith.constant 16 : index
      %get3A_308 = tpu.vector_load %arg10[%get3A_306, %get3A_307] {strides = array<i32>} : memref<200x64xf32, #tpu.memory_space<vmem>>, vector<1x16xf32>,
      %get3A_309 = vector.shape_cast %get3A_308 : vector<1x16xf32> to vector<16xf32>
      %mul3A_310 = arith.constant 8.000000e+00 : f32
      %mul3A_311 = vector.broadcast %mul3A_310 : f32 to vector<16xf32>
      %mul3A_312 = arith.mulf %get3A_309, %mul3A_311 : vector<16xf32>
      %add3A_313 = arith.constant 0 : i32
      %add3A_314 = arith.addi %add3A_289, %add3A_313 : i32
      %swap3A_315 = arith.index_cast %add3A_314 : i32 to index
      %swap3A_316 = arith.constant 16 : index
      %swap3A_317 = tpu.vector_load %arg10[%swap3A_315, %swap3A_316] {strides = array<i32>} : memref<200x64xf32, #tpu.memory_space<vmem>>, vector<1x16xf32>,
      %swap3A_318 = vector.shape_cast %swap3A_317 : vector<1x16xf32> to vector<16xf32>
      %swap3A_319 = vector.shape_cast %mul3A_312 : vector<16xf32> to vector<1x16xf32>
      tpu.vector_store %arg10[%swap3A_315, %swap3A_316], %swap3A_319 {strides = array<i32>} : memref<200x64xf32, #tpu.memory_space<vmem>>, vector<1x16xf32>,
      %add3A_320 = arith.constant 0 : i32
      %add3A_321 = arith.addi %add3A_289, %add3A_320 : i32
      %get3A_322 = arith.index_cast %add3A_321 : i32 to index
      %get3A_323 = arith.constant 32 : index
      %get3A_324 = tpu.vector_load %arg10[%get3A_322, %get3A_323] {strides = array<i32>} : memref<200x64xf32, #tpu.memory_space<vmem>>, vector<1x16xf32>,
      %get3A_325 = vector.shape_cast %get3A_324 : vector<1x16xf32> to vector<16xf32>
      %mul3A_326 = arith.constant 8.000000e+00 : f32
      %mul3A_327 = vector.broadcast %mul3A_326 : f32 to vector<16xf32>
      %mul3A_328 = arith.mulf %get3A_325, %mul3A_327 : vector<16xf32>
      %add3A_329 = arith.constant 0 : i32
      %add3A_330 = arith.addi %add3A_289, %add3A_329 : i32
      %swap3A_331 = arith.index_cast %add3A_330 : i32 to index
      %swap3A_332 = arith.constant 32 : index
      %swap3A_333 = tpu.vector_load %arg10[%swap3A_331, %swap3A_332] {strides = array<i32>} : memref<200x64xf32, #tpu.memory_space<vmem>>, vector<1x16xf32>,
      %swap3A_334 = vector.shape_cast %swap3A_333 : vector<1x16xf32> to vector<16xf32>
      %swap3A_335 = vector.shape_cast %mul3A_328 : vector<16xf32> to vector<1x16xf32>
      tpu.vector_store %arg10[%swap3A_331, %swap3A_332], %swap3A_335 {strides = array<i32>} : memref<200x64xf32, #tpu.memory_space<vmem>>, vector<1x16xf32>,
      %add3A_336 = arith.constant 0 : i32
      %add3A_337 = arith.addi %add3A_289, %add3A_336 : i32
      %get3A_338 = arith.index_cast %add3A_337 : i32 to index
      %get3A_339 = arith.constant 48 : index
      %get3A_340 = tpu.vector_load %arg10[%get3A_338, %get3A_339] {strides = array<i32>} : memref<200x64xf32, #tpu.memory_space<vmem>>, vector<1x16xf32>,
      %get3A_341 = vector.shape_cast %get3A_340 : vector<1x16xf32> to vector<16xf32>
      %mul3A_342 = arith.constant 8.000000e+00 : f32
      %mul3A_343 = vector.broadcast %mul3A_342 : f32 to vector<16xf32>
      %mul3A_344 = arith.mulf %get3A_341, %mul3A_343 : vector<16xf32>
      %add3A_345 = arith.constant 0 : i32
      %add3A_346 = arith.addi %add3A_289, %add3A_345 : i32
      %swap3A_347 = arith.index_cast %add3A_346 : i32 to index
      %swap3A_348 = arith.constant 48 : index
      %swap3A_349 = tpu.vector_load %arg10[%swap3A_347, %swap3A_348] {strides = array<i32>} : memref<200x64xf32, #tpu.memory_space<vmem>>, vector<1x16xf32>,
      %swap3A_350 = vector.shape_cast %swap3A_349 : vector<1x16xf32> to vector<16xf32>
      %swap3A_351 = vector.shape_cast %mul3A_344 : vector<16xf32> to vector<1x16xf32>
      tpu.vector_store %arg10[%swap3A_347, %swap3A_348], %swap3A_351 {strides = array<i32>} : memref<200x64xf32, #tpu.memory_space<vmem>>, vector<1x16xf32>,
      %add3A_352 = arith.constant 1 : i32
      %add3A_353 = arith.addi %add3A_289, %add3A_352 : i32
      %get3A_354 = arith.index_cast %add3A_353 : i32 to index
      %get3A_355 = arith.constant 0 : index
      %get3A_356 = tpu.vector_load %arg10[%get3A_354, %get3A_355] {strides = array<i32>} : memref<200x64xf32, #tpu.memory_space<vmem>>, vector<1x16xf32>,
      %get3A_357 = vector.shape_cast %get3A_356 : vector<1x16xf32> to vector<16xf32>
      %mul3A_358 = arith.constant 8.000000e+00 : f32
      %mul3A_359 = vector.broadcast %mul3A_358 : f32 to vector<16xf32>
      %mul3A_360 = arith.mulf %get3A_357, %mul3A_359 : vector<16xf32>
      %add3A_361 = arith.constant 1 : i32
      %add3A_362 = arith.addi %add3A_289, %add3A_361 : i32
      %swap3A_363 = arith.index_cast %add3A_362 : i32 to index
      %swap3A_364 = arith.constant 0 : index
      %swap3A_365 = tpu.vector_load %arg10[%swap3A_363, %swap3A_364] {strides = array<i32>} : memref<200x64xf32, #tpu.memory_space<vmem>>, vector<1x16xf32>,
      %swap3A_366 = vector.shape_cast %swap3A_365 : vector<1x16xf32> to vector<16xf32>
      %swap3A_367 = vector.shape_cast %mul3A_360 : vector<16xf32> to vector<1x16xf32>
      tpu.vector_store %arg10[%swap3A_363, %swap3A_364], %swap3A_367 {strides = array<i32>} : memref<200x64xf32, #tpu.memory_space<vmem>>, vector<1x16xf32>,
      %add3A_368 = arith.constant 1 : i32
      %add3A_369 = arith.addi %add3A_289, %add3A_368 : i32
      %get3A_370 = arith.index_cast %add3A_369 : i32 to index
      %get3A_371 = arith.constant 16 : index
      %get3A_372 = tpu.vector_load %arg10[%get3A_370, %get3A_371] {strides = array<i32>} : memref<200x64xf32, #tpu.memory_space<vmem>>, vector<1x16xf32>,
      %get3A_373 = vector.shape_cast %get3A_372 : vector<1x16xf32> to vector<16xf32>
      %mul3A_374 = arith.constant 8.000000e+00 : f32
      %mul3A_375 = vector.broadcast %mul3A_374 : f32 to vector<16xf32>
      %mul3A_376 = arith.mulf %get3A_373, %mul3A_375 : vector<16xf32>
      %add3A_377 = arith.constant 1 : i32
      %add3A_378 = arith.addi %add3A_289, %add3A_377 : i32
      %swap3A_379 = arith.index_cast %add3A_378 : i32 to index
      %swap3A_380 = arith.constant 16 : index
      %swap3A_381 = tpu.vector_load %arg10[%swap3A_379, %swap3A_380] {strides = array<i32>} : memref<200x64xf32, #tpu.memory_space<vmem>>, vector<1x16xf32>,
      %swap3A_382 = vector.shape_cast %swap3A_381 : vector<1x16xf32> to vector<16xf32>
      %swap3A_383 = vector.shape_cast %mul3A_376 : vector<16xf32> to vector<1x16xf32>
      tpu.vector_store %arg10[%swap3A_379, %swap3A_380], %swap3A_383 {strides = array<i32>} : memref<200x64xf32, #tpu.memory_space<vmem>>, vector<1x16xf32>,
      %add3A_384 = arith.constant 1 : i32
      %add3A_385 = arith.addi %add3A_289, %add3A_384 : i32
      %get3A_386 = arith.index_cast %add3A_385 : i32 to index
      %get3A_387 = arith.constant 32 : index
      %get3A_388 = tpu.vector_load %arg10[%get3A_386, %get3A_387] {strides = array<i32>} : memref<200x64xf32, #tpu.memory_space<vmem>>, vector<1x16xf32>,
      %get3A_389 = vector.shape_cast %get3A_388 : vector<1x16xf32> to vector<16xf32>
      %mul3A_390 = arith.constant 8.000000e+00 : f32
      %mul3A_391 = vector.broadcast %mul3A_390 : f32 to vector<16xf32>
      %mul3A_392 = arith.mulf %get3A_389, %mul3A_391 : vector<16xf32>
      %add3A_393 = arith.constant 1 : i32
      %add3A_394 = arith.addi %add3A_289, %add3A_393 : i32
      %swap3A_395 = arith.index_cast %add3A_394 : i32 to index
      %swap3A_396 = arith.constant 32 : index
      %swap3A_397 = tpu.vector_load %arg10[%swap3A_395, %swap3A_396] {strides = array<i32>} : memref<200x64xf32, #tpu.memory_space<vmem>>, vector<1x16xf32>,
      %swap3A_398 = vector.shape_cast %swap3A_397 : vector<1x16xf32> to vector<16xf32>
      %swap3A_399 = vector.shape_cast %mul3A_392 : vector<16xf32> to vector<1x16xf32>
      tpu.vector_store %arg10[%swap3A_395, %swap3A_396], %swap3A_399 {strides = array<i32>} : memref<200x64xf32, #tpu.memory_space<vmem>>, vector<1x16xf32>,
      %add3A_400 = arith.constant 1 : i32
      %add3A_401 = arith.addi %add3A_289, %add3A_400 : i32
      %get3A_402 = arith.index_cast %add3A_401 : i32 to index
      %get3A_403 = arith.constant 48 : index
      %get3A_404 = tpu.vector_load %arg10[%get3A_402, %get3A_403] {strides = array<i32>} : memref<200x64xf32, #tpu.memory_space<vmem>>, vector<1x16xf32>,
      %get3A_405 = vector.shape_cast %get3A_404 : vector<1x16xf32> to vector<16xf32>
      %mul3A_406 = arith.constant 8.000000e+00 : f32
      %mul3A_407 = vector.broadcast %mul3A_406 : f32 to vector<16xf32>
      %mul3A_408 = arith.mulf %get3A_405, %mul3A_407 : vector<16xf32>
      %add3A_409 = arith.constant 1 : i32
      %add3A_410 = arith.addi %add3A_289, %add3A_409 : i32
      %swap3A_411 = arith.index_cast %add3A_410 : i32 to index
      %swap3A_412 = arith.constant 48 : index
      %swap3A_413 = tpu.vector_load %arg10[%swap3A_411, %swap3A_412] {strides = array<i32>} : memref<200x64xf32, #tpu.memory_space<vmem>>, vector<1x16xf32>,
      %swap3A_414 = vector.shape_cast %swap3A_413 : vector<1x16xf32> to vector<16xf32>
      %swap3A_415 = vector.shape_cast %mul3A_408 : vector<16xf32> to vector<1x16xf32>
      tpu.vector_store %arg10[%swap3A_411, %swap3A_412], %swap3A_415 {strides = array<i32>} : memref<200x64xf32, #tpu.memory_space<vmem>>, vector<1x16xf32>,
      %add3A_416 = arith.constant 2 : i32
      %add3A_417 = arith.addi %add3A_289, %add3A_416 : i32
      %get3A_418 = arith.index_cast %add3A_417 : i32 to index
      %get3A_419 = arith.constant 0 : index
      %get3A_420 = tpu.vector_load %arg10[%get3A_418, %get3A_419] {strides = array<i32>} : memref<200x64xf32, #tpu.memory_space<vmem>>, vector<1x16xf32>,
      %get3A_421 = vector.shape_cast %get3A_420 : vector<1x16xf32> to vector<16xf32>
      %mul3A_422 = arith.constant 8.000000e+00 : f32
      %mul3A_423 = vector.broadcast %mul3A_422 : f32 to vector<16xf32>
      %mul3A_424 = arith.mulf %get3A_421, %mul3A_423 : vector<16xf32>
      %add3A_425 = arith.constant 2 : i32
      %add3A_426 = arith.addi %add3A_289, %add3A_425 : i32
      %swap3A_427 = arith.index_cast %add3A_426 : i32 to index
      %swap3A_428 = arith.constant 0 : index
      %swap3A_429 = tpu.vector_load %arg10[%swap3A_427, %swap3A_428] {strides = array<i32>} : memref<200x64xf32, #tpu.memory_space<vmem>>, vector<1x16xf32>,
      %swap3A_430 = vector.shape_cast %swap3A_429 : vector<1x16xf32> to vector<16xf32>
      %swap3A_431 = vector.shape_cast %mul3A_424 : vector<16xf32> to vector<1x16xf32>
      tpu.vector_store %arg10[%swap3A_427, %swap3A_428], %swap3A_431 {strides = array<i32>} : memref<200x64xf32, #tpu.memory_space<vmem>>, vector<1x16xf32>,
      %add3A_432 = arith.constant 2 : i32
      %add3A_433 = arith.addi %add3A_289, %add3A_432 : i32
      %get3A_434 = arith.index_cast %add3A_433 : i32 to index
      %get3A_435 = arith.constant 16 : index
      %get3A_436 = tpu.vector_load %arg10[%get3A_434, %get3A_435] {strides = array<i32>} : memref<200x64xf32, #tpu.memory_space<vmem>>, vector<1x16xf32>,
      %get3A_437 = vector.shape_cast %get3A_436 : vector<1x16xf32> to vector<16xf32>
      %mul3A_438 = arith.constant 8.000000e+00 : f32
      %mul3A_439 = vector.broadcast %mul3A_438 : f32 to vector<16xf32>
      %mul3A_440 = arith.mulf %get3A_437, %mul3A_439 : vector<16xf32>
      %add3A_441 = arith.constant 2 : i32
      %add3A_442 = arith.addi %add3A_289, %add3A_441 : i32
      %swap3A_443 = arith.index_cast %add3A_442 : i32 to index
      %swap3A_444 = arith.constant 16 : index
      %swap3A_445 = tpu.vector_load %arg10[%swap3A_443, %swap3A_444] {strides = array<i32>} : memref<200x64xf32, #tpu.memory_space<vmem>>, vector<1x16xf32>,
      %swap3A_446 = vector.shape_cast %swap3A_445 : vector<1x16xf32> to vector<16xf32>
      %swap3A_447 = vector.shape_cast %mul3A_440 : vector<16xf32> to vector<1x16xf32>
      tpu.vector_store %arg10[%swap3A_443, %swap3A_444], %swap3A_447 {strides = array<i32>} : memref<200x64xf32, #tpu.memory_space<vmem>>, vector<1x16xf32>,
      %add3A_448 = arith.constant 2 : i32
      %add3A_449 = arith.addi %add3A_289, %add3A_448 : i32
      %get3A_450 = arith.index_cast %add3A_449 : i32 to index
      %get3A_451 = arith.constant 32 : index
      %get3A_452 = tpu.vector_load %arg10[%get3A_450, %get3A_451] {strides = array<i32>} : memref<200x64xf32, #tpu.memory_space<vmem>>, vector<1x16xf32>,
      %get3A_453 = vector.shape_cast %get3A_452 : vector<1x16xf32> to vector<16xf32>
      %mul3A_454 = arith.constant 8.000000e+00 : f32
      %mul3A_455 = vector.broadcast %mul3A_454 : f32 to vector<16xf32>
      %mul3A_456 = arith.mulf %get3A_453, %mul3A_455 : vector<16xf32>
      %add3A_457 = arith.constant 2 : i32
      %add3A_458 = arith.addi %add3A_289, %add3A_457 : i32
      %swap3A_459 = arith.index_cast %add3A_458 : i32 to index
      %swap3A_460 = arith.constant 32 : index
      %swap3A_461 = tpu.vector_load %arg10[%swap3A_459, %swap3A_460] {strides = array<i32>} : memref<200x64xf32, #tpu.memory_space<vmem>>, vector<1x16xf32>,
      %swap3A_462 = vector.shape_cast %swap3A_461 : vector<1x16xf32> to vector<16xf32>
      %swap3A_463 = vector.shape_cast %mul3A_456 : vector<16xf32> to vector<1x16xf32>
      tpu.vector_store %arg10[%swap3A_459, %swap3A_460], %swap3A_463 {strides = array<i32>} : memref<200x64xf32, #tpu.memory_space<vmem>>, vector<1x16xf32>,
      %add3A_464 = arith.constant 2 : i32
      %add3A_465 = arith.addi %add3A_289, %add3A_464 : i32
      %get3A_466 = arith.index_cast %add3A_465 : i32 to index
      %get3A_467 = arith.constant 48 : index
      %get3A_468 = tpu.vector_load %arg10[%get3A_466, %get3A_467] {strides = array<i32>} : memref<200x64xf32, #tpu.memory_space<vmem>>, vector<1x16xf32>,
      %get3A_469 = vector.shape_cast %get3A_468 : vector<1x16xf32> to vector<16xf32>
      %mul3A_470 = arith.constant 8.000000e+00 : f32
      %mul3A_471 = vector.broadcast %mul3A_470 : f32 to vector<16xf32>
      %mul3A_472 = arith.mulf %get3A_469, %mul3A_471 : vector<16xf32>
      %add3A_473 = arith.constant 2 : i32
      %add3A_474 = arith.addi %add3A_289, %add3A_473 : i32
      %swap3A_475 = arith.index_cast %add3A_474 : i32 to index
      %swap3A_476 = arith.constant 48 : index
      %swap3A_477 = tpu.vector_load %arg10[%swap3A_475, %swap3A_476] {strides = array<i32>} : memref<200x64xf32, #tpu.memory_space<vmem>>, vector<1x16xf32>,
      %swap3A_478 = vector.shape_cast %swap3A_477 : vector<1x16xf32> to vector<16xf32>
      %swap3A_479 = vector.shape_cast %mul3A_472 : vector<16xf32> to vector<1x16xf32>
      tpu.vector_store %arg10[%swap3A_475, %swap3A_476], %swap3A_479 {strides = array<i32>} : memref<200x64xf32, #tpu.memory_space<vmem>>, vector<1x16xf32>,
      %add3A_480 = arith.constant 3 : i32
      %add3A_481 = arith.addi %add3A_289, %add3A_480 : i32
      %get3A_482 = arith.index_cast %add3A_481 : i32 to index
      %get3A_483 = arith.constant 0 : index
      %get3A_484 = tpu.vector_load %arg10[%get3A_482, %get3A_483] {strides = array<i32>} : memref<200x64xf32, #tpu.memory_space<vmem>>, vector<1x16xf32>,
      %get3A_485 = vector.shape_cast %get3A_484 : vector<1x16xf32> to vector<16xf32>
      %mul3A_486 = arith.constant 8.000000e+00 : f32
      %mul3A_487 = vector.broadcast %mul3A_486 : f32 to vector<16xf32>
      %mul3A_488 = arith.mulf %get3A_485, %mul3A_487 : vector<16xf32>
      %add3A_489 = arith.constant 3 : i32
      %add3A_490 = arith.addi %add3A_289, %add3A_489 : i32
      %swap3A_491 = arith.index_cast %add3A_490 : i32 to index
      %swap3A_492 = arith.constant 0 : index
      %swap3A_493 = tpu.vector_load %arg10[%swap3A_491, %swap3A_492] {strides = array<i32>} : memref<200x64xf32, #tpu.memory_space<vmem>>, vector<1x16xf32>,
      %swap3A_494 = vector.shape_cast %swap3A_493 : vector<1x16xf32> to vector<16xf32>
      %swap3A_495 = vector.shape_cast %mul3A_488 : vector<16xf32> to vector<1x16xf32>
      tpu.vector_store %arg10[%swap3A_491, %swap3A_492], %swap3A_495 {strides = array<i32>} : memref<200x64xf32, #tpu.memory_space<vmem>>, vector<1x16xf32>,
      %add3A_496 = arith.constant 3 : i32
      %add3A_497 = arith.addi %add3A_289, %add3A_496 : i32
      %get3A_498 = arith.index_cast %add3A_497 : i32 to index
      %get3A_499 = arith.constant 16 : index
      %get3A_500 = tpu.vector_load %arg10[%get3A_498, %get3A_499] {strides = array<i32>} : memref<200x64xf32, #tpu.memory_space<vmem>>, vector<1x16xf32>,
      %get3A_501 = vector.shape_cast %get3A_500 : vector<1x16xf32> to vector<16xf32>
      %mul3A_502 = arith.constant 8.000000e+00 : f32
      %mul3A_503 = vector.broadcast %mul3A_502 : f32 to vector<16xf32>
      %mul3A_504 = arith.mulf %get3A_501, %mul3A_503 : vector<16xf32>
      %add3A_505 = arith.constant 3 : i32
      %add3A_506 = arith.addi %add3A_289, %add3A_505 : i32
      %swap3A_507 = arith.index_cast %add3A_506 : i32 to index
      %swap3A_508 = arith.constant 16 : index
      %swap3A_509 = tpu.vector_load %arg10[%swap3A_507, %swap3A_508] {strides = array<i32>} : memref<200x64xf32, #tpu.memory_space<vmem>>, vector<1x16xf32>,
      %swap3A_510 = vector.shape_cast %swap3A_509 : vector<1x16xf32> to vector<16xf32>
      %swap3A_511 = vector.shape_cast %mul3A_504 : vector<16xf32> to vector<1x16xf32>
      tpu.vector_store %arg10[%swap3A_507, %swap3A_508], %swap3A_511 {strides = array<i32>} : memref<200x64xf32, #tpu.memory_space<vmem>>, vector<1x16xf32>,
      %add3A_512 = arith.constant 3 : i32
      %add3A_513 = arith.addi %add3A_289, %add3A_512 : i32
      %get3A_514 = arith.index_cast %add3A_513 : i32 to index
      %get3A_515 = arith.constant 32 : index
      %get3A_516 = tpu.vector_load %arg10[%get3A_514, %get3A_515] {strides = array<i32>} : memref<200x64xf32, #tpu.memory_space<vmem>>, vector<1x16xf32>,
      %get3A_517 = vector.shape_cast %get3A_516 : vector<1x16xf32> to vector<16xf32>
      %mul3A_518 = arith.constant 8.000000e+00 : f32
      %mul3A_519 = vector.broadcast %mul3A_518 : f32 to vector<16xf32>
      %mul3A_520 = arith.mulf %get3A_517, %mul3A_519 : vector<16xf32>
      %add3A_521 = arith.constant 3 : i32
      %add3A_522 = arith.addi %add3A_289, %add3A_521 : i32
      %swap3A_523 = arith.index_cast %add3A_522 : i32 to index
      %swap3A_524 = arith.constant 32 : index
      %swap3A_525 = tpu.vector_load %arg10[%swap3A_523, %swap3A_524] {strides = array<i32>} : memref<200x64xf32, #tpu.memory_space<vmem>>, vector<1x16xf32>,
      %swap3A_526 = vector.shape_cast %swap3A_525 : vector<1x16xf32> to vector<16xf32>
      %swap3A_527 = vector.shape_cast %mul3A_520 : vector<16xf32> to vector<1x16xf32>
      tpu.vector_store %arg10[%swap3A_523, %swap3A_524], %swap3A_527 {strides = array<i32>} : memref<200x64xf32, #tpu.memory_space<vmem>>, vector<1x16xf32>,
      %add3A_528 = arith.constant 3 : i32
      %add3A_529 = arith.addi %add3A_289, %add3A_528 : i32
      %get3A_530 = arith.index_cast %add3A_529 : i32 to index
      %get3A_531 = arith.constant 48 : index
      %get3A_532 = tpu.vector_load %arg10[%get3A_530, %get3A_531] {strides = array<i32>} : memref<200x64xf32, #tpu.memory_space<vmem>>, vector<1x16xf32>,
      %get3A_533 = vector.shape_cast %get3A_532 : vector<1x16xf32> to vector<16xf32>
      %mul3A_534 = arith.constant 8.000000e+00 : f32
      %mul3A_535 = vector.broadcast %mul3A_534 : f32 to vector<16xf32>
      %mul3A_536 = arith.mulf %get3A_533, %mul3A_535 : vector<16xf32>
      %add3A_537 = arith.constant 3 : i32
      %add3A_538 = arith.addi %add3A_289, %add3A_537 : i32
      %swap3A_539 = arith.index_cast %add3A_538 : i32 to index
      %swap3A_540 = arith.constant 48 : index
      %swap3A_541 = tpu.vector_load %arg10[%swap3A_539, %swap3A_540] {strides = array<i32>} : memref<200x64xf32, #tpu.memory_space<vmem>>, vector<1x16xf32>,
      %swap3A_542 = vector.shape_cast %swap3A_541 : vector<1x16xf32> to vector<16xf32>
      %swap3A_543 = vector.shape_cast %mul3A_536 : vector<16xf32> to vector<1x16xf32>
      tpu.vector_store %arg10[%swap3A_539, %swap3A_540], %swap3A_543 {strides = array<i32>} : memref<200x64xf32, #tpu.memory_space<vmem>>, vector<1x16xf32>,
    }
    %scan3A_152 = arith.constant 50 : i32
    %add3A_153 = arith.constant 124 : i32
    %add3A_154 = arith.addi %mul3A_2, %add3A_153 : i32
    %mul3A_155 = arith.constant 200 : i32
    %mul3A_156 = arith.muli %add3A_154, %mul3A_155 : i32
    %dma_start3A_157 = arith.constant 0 : i32
    %dma_start3A_158 = tpu.memref_slice %arg4[%mul3A_156, %dma_start3A_157] : memref<819200x64xf32, #tpu.memory_space<hbm>> -> memref<200x64xf32, #tpu.memory_space<hbm>>
    %dma_start3A_159 = arith.constant 0 : i32
    %dma_start3A_160 = tpu.memref_slice %arg4[%mul3A_156, %dma_start3A_159] : memref<819200x64xf32, #tpu.memory_space<hbm>> -> memref<200x64xf32, #tpu.memory_space<hbm>>
    tpu.enqueue_dma source(%arg10 : memref<200x64xf32, #tpu.memory_space<vmem>>) target(%dma_start3A_160 : memref<200x64xf32, #tpu.memory_space<hbm>>) target_semaphore(%arg26 : memref<!tpu.dma_semaphore, #tpu.memory_space<semaphore_mem>>)
    %dma_wait3A_161 = arith.constant 125 : i32
    %dma_wait3A_162 = arith.constant 0 : i32
    %dma_wait3A_163 = tpu.memref_slice %arg5[%dma_wait3A_161, %dma_wait3A_162] : memref<128x200xi32, #tpu.memory_space<vmem>> -> memref<1x200xi32, #tpu.memory_space<vmem>>
    %dma_wait3A_164 = tpu.memref_squeeze %dma_wait3A_163 : memref<1x200xi32, #tpu.memory_space<vmem>> -> memref<200xi32, #tpu.memory_space<vmem>>
    %dma_wait3A_165 = arith.constant 0 : i32
    %dma_wait3A_166 = arith.constant 0 : i32
    %dma_wait3A_167 = tpu.memref_slice %arg2[%dma_wait3A_165, %dma_wait3A_166] : memref<1000000x64xf32, #tpu.memory_space<hbm>> -> memref<1000000x64xf32, #tpu.memory_space<hbm>>
    tpu.wait_indirect_dma semaphore(%arg19 : memref<!tpu.dma_semaphore, #tpu.memory_space<semaphore_mem>>) src(%dma_wait3A_167 : memref<1000000x64xf32, #tpu.memory_space<hbm>>) dst(%arg11 : memref<200x64xf32, #tpu.memory_space<vmem>>)
    %scan3A_168 = arith.constant 0 : i32
    %scan3A_169 = arith.constant 50 : i32
    %scan3A_170 = arith.addi %scan3A_168, %scan3A_169 : i32
    %scan3A_171 = arith.constant 1 : i32
    scf.for %scan3A_285 = %scan3A_168 to %scan3A_170 step %scan3A_171  : i32 {
      %mul3A_286 = arith.constant 4 : i32
      %mul3A_287 = arith.muli %scan3A_285, %mul3A_286 : i32
      %add3A_288 = arith.constant 0 : i32
      %add3A_289 = arith.addi %add3A_288, %mul3A_287 : i32
      %add3A_290 = arith.constant 0 : i32
      %add3A_291 = arith.addi %add3A_289, %add3A_290 : i32
      %get3A = arith.index_cast %add3A_291 : i32 to index
      %get3A_292 = arith.constant 0 : index
      %get3A_293 = tpu.vector_load %arg11[%get3A, %get3A_292] {strides = array<i32>} : memref<200x64xf32, #tpu.memory_space<vmem>>, vector<1x16xf32>,
      %get3A_294 = vector.shape_cast %get3A_293 : vector<1x16xf32> to vector<16xf32>
      %mul3A_295 = arith.constant 8.000000e+00 : f32
      %mul3A_296 = vector.broadcast %mul3A_295 : f32 to vector<16xf32>
      %mul3A_297 = arith.mulf %get3A_294, %mul3A_296 : vector<16xf32>
      %add3A_298 = arith.constant 0 : i32
      %add3A_299 = arith.addi %add3A_289, %add3A_298 : i32
      %swap3A = arith.index_cast %add3A_299 : i32 to index
      %swap3A_300 = arith.constant 0 : index
      %swap3A_301 = tpu.vector_load %arg11[%swap3A, %swap3A_300] {strides = array<i32>} : memref<200x64xf32, #tpu.memory_space<vmem>>, vector<1x16xf32>,
      %swap3A_302 = vector.shape_cast %swap3A_301 : vector<1x16xf32> to vector<16xf32>
      %swap3A_303 = vector.shape_cast %mul3A_297 : vector<16xf32> to vector<1x16xf32>
      tpu.vector_store %arg11[%swap3A, %swap3A_300], %swap3A_303 {strides = array<i32>} : memref<200x64xf32, #tpu.memory_space<vmem>>, vector<1x16xf32>,
      %add3A_304 = arith.constant 0 : i32
      %add3A_305 = arith.addi %add3A_289, %add3A_304 : i32
      %get3A_306 = arith.index_cast %add3A_305 : i32 to index
      %get3A_307 = arith.constant 16 : index
      %get3A_308 = tpu.vector_load %arg11[%get3A_306, %get3A_307] {strides = array<i32>} : memref<200x64xf32, #tpu.memory_space<vmem>>, vector<1x16xf32>,
      %get3A_309 = vector.shape_cast %get3A_308 : vector<1x16xf32> to vector<16xf32>
      %mul3A_310 = arith.constant 8.000000e+00 : f32
      %mul3A_311 = vector.broadcast %mul3A_310 : f32 to vector<16xf32>
      %mul3A_312 = arith.mulf %get3A_309, %mul3A_311 : vector<16xf32>
      %add3A_313 = arith.constant 0 : i32
      %add3A_314 = arith.addi %add3A_289, %add3A_313 : i32
      %swap3A_315 = arith.index_cast %add3A_314 : i32 to index
      %swap3A_316 = arith.constant 16 : index
      %swap3A_317 = tpu.vector_load %arg11[%swap3A_315, %swap3A_316] {strides = array<i32>} : memref<200x64xf32, #tpu.memory_space<vmem>>, vector<1x16xf32>,
      %swap3A_318 = vector.shape_cast %swap3A_317 : vector<1x16xf32> to vector<16xf32>
      %swap3A_319 = vector.shape_cast %mul3A_312 : vector<16xf32> to vector<1x16xf32>
      tpu.vector_store %arg11[%swap3A_315, %swap3A_316], %swap3A_319 {strides = array<i32>} : memref<200x64xf32, #tpu.memory_space<vmem>>, vector<1x16xf32>,
      %add3A_320 = arith.constant 0 : i32
      %add3A_321 = arith.addi %add3A_289, %add3A_320 : i32
      %get3A_322 = arith.index_cast %add3A_321 : i32 to index
      %get3A_323 = arith.constant 32 : index
      %get3A_324 = tpu.vector_load %arg11[%get3A_322, %get3A_323] {strides = array<i32>} : memref<200x64xf32, #tpu.memory_space<vmem>>, vector<1x16xf32>,
      %get3A_325 = vector.shape_cast %get3A_324 : vector<1x16xf32> to vector<16xf32>
      %mul3A_326 = arith.constant 8.000000e+00 : f32
      %mul3A_327 = vector.broadcast %mul3A_326 : f32 to vector<16xf32>
      %mul3A_328 = arith.mulf %get3A_325, %mul3A_327 : vector<16xf32>
      %add3A_329 = arith.constant 0 : i32
      %add3A_330 = arith.addi %add3A_289, %add3A_329 : i32
      %swap3A_331 = arith.index_cast %add3A_330 : i32 to index
      %swap3A_332 = arith.constant 32 : index
      %swap3A_333 = tpu.vector_load %arg11[%swap3A_331, %swap3A_332] {strides = array<i32>} : memref<200x64xf32, #tpu.memory_space<vmem>>, vector<1x16xf32>,
      %swap3A_334 = vector.shape_cast %swap3A_333 : vector<1x16xf32> to vector<16xf32>
      %swap3A_335 = vector.shape_cast %mul3A_328 : vector<16xf32> to vector<1x16xf32>
      tpu.vector_store %arg11[%swap3A_331, %swap3A_332], %swap3A_335 {strides = array<i32>} : memref<200x64xf32, #tpu.memory_space<vmem>>, vector<1x16xf32>,
      %add3A_336 = arith.constant 0 : i32
      %add3A_337 = arith.addi %add3A_289, %add3A_336 : i32
      %get3A_338 = arith.index_cast %add3A_337 : i32 to index
      %get3A_339 = arith.constant 48 : index
      %get3A_340 = tpu.vector_load %arg11[%get3A_338, %get3A_339] {strides = array<i32>} : memref<200x64xf32, #tpu.memory_space<vmem>>, vector<1x16xf32>,
      %get3A_341 = vector.shape_cast %get3A_340 : vector<1x16xf32> to vector<16xf32>
      %mul3A_342 = arith.constant 8.000000e+00 : f32
      %mul3A_343 = vector.broadcast %mul3A_342 : f32 to vector<16xf32>
      %mul3A_344 = arith.mulf %get3A_341, %mul3A_343 : vector<16xf32>
      %add3A_345 = arith.constant 0 : i32
      %add3A_346 = arith.addi %add3A_289, %add3A_345 : i32
      %swap3A_347 = arith.index_cast %add3A_346 : i32 to index
      %swap3A_348 = arith.constant 48 : index
      %swap3A_349 = tpu.vector_load %arg11[%swap3A_347, %swap3A_348] {strides = array<i32>} : memref<200x64xf32, #tpu.memory_space<vmem>>, vector<1x16xf32>,
      %swap3A_350 = vector.shape_cast %swap3A_349 : vector<1x16xf32> to vector<16xf32>
      %swap3A_351 = vector.shape_cast %mul3A_344 : vector<16xf32> to vector<1x16xf32>
      tpu.vector_store %arg11[%swap3A_347, %swap3A_348], %swap3A_351 {strides = array<i32>} : memref<200x64xf32, #tpu.memory_space<vmem>>, vector<1x16xf32>,
      %add3A_352 = arith.constant 1 : i32
      %add3A_353 = arith.addi %add3A_289, %add3A_352 : i32
      %get3A_354 = arith.index_cast %add3A_353 : i32 to index
      %get3A_355 = arith.constant 0 : index
      %get3A_356 = tpu.vector_load %arg11[%get3A_354, %get3A_355] {strides = array<i32>} : memref<200x64xf32, #tpu.memory_space<vmem>>, vector<1x16xf32>,
      %get3A_357 = vector.shape_cast %get3A_356 : vector<1x16xf32> to vector<16xf32>
      %mul3A_358 = arith.constant 8.000000e+00 : f32
      %mul3A_359 = vector.broadcast %mul3A_358 : f32 to vector<16xf32>
      %mul3A_360 = arith.mulf %get3A_357, %mul3A_359 : vector<16xf32>
      %add3A_361 = arith.constant 1 : i32
      %add3A_362 = arith.addi %add3A_289, %add3A_361 : i32
      %swap3A_363 = arith.index_cast %add3A_362 : i32 to index
      %swap3A_364 = arith.constant 0 : index
      %swap3A_365 = tpu.vector_load %arg11[%swap3A_363, %swap3A_364] {strides = array<i32>} : memref<200x64xf32, #tpu.memory_space<vmem>>, vector<1x16xf32>,
      %swap3A_366 = vector.shape_cast %swap3A_365 : vector<1x16xf32> to vector<16xf32>
      %swap3A_367 = vector.shape_cast %mul3A_360 : vector<16xf32> to vector<1x16xf32>
      tpu.vector_store %arg11[%swap3A_363, %swap3A_364], %swap3A_367 {strides = array<i32>} : memref<200x64xf32, #tpu.memory_space<vmem>>, vector<1x16xf32>,
      %add3A_368 = arith.constant 1 : i32
      %add3A_369 = arith.addi %add3A_289, %add3A_368 : i32
      %get3A_370 = arith.index_cast %add3A_369 : i32 to index
      %get3A_371 = arith.constant 16 : index
      %get3A_372 = tpu.vector_load %arg11[%get3A_370, %get3A_371] {strides = array<i32>} : memref<200x64xf32, #tpu.memory_space<vmem>>, vector<1x16xf32>,
      %get3A_373 = vector.shape_cast %get3A_372 : vector<1x16xf32> to vector<16xf32>
      %mul3A_374 = arith.constant 8.000000e+00 : f32
      %mul3A_375 = vector.broadcast %mul3A_374 : f32 to vector<16xf32>
      %mul3A_376 = arith.mulf %get3A_373, %mul3A_375 : vector<16xf32>
      %add3A_377 = arith.constant 1 : i32
      %add3A_378 = arith.addi %add3A_289, %add3A_377 : i32
      %swap3A_379 = arith.index_cast %add3A_378 : i32 to index
      %swap3A_380 = arith.constant 16 : index
      %swap3A_381 = tpu.vector_load %arg11[%swap3A_379, %swap3A_380] {strides = array<i32>} : memref<200x64xf32, #tpu.memory_space<vmem>>, vector<1x16xf32>,
      %swap3A_382 = vector.shape_cast %swap3A_381 : vector<1x16xf32> to vector<16xf32>
      %swap3A_383 = vector.shape_cast %mul3A_376 : vector<16xf32> to vector<1x16xf32>
      tpu.vector_store %arg11[%swap3A_379, %swap3A_380], %swap3A_383 {strides = array<i32>} : memref<200x64xf32, #tpu.memory_space<vmem>>, vector<1x16xf32>,
      %add3A_384 = arith.constant 1 : i32
      %add3A_385 = arith.addi %add3A_289, %add3A_384 : i32
      %get3A_386 = arith.index_cast %add3A_385 : i32 to index
      %get3A_387 = arith.constant 32 : index
      %get3A_388 = tpu.vector_load %arg11[%get3A_386, %get3A_387] {strides = array<i32>} : memref<200x64xf32, #tpu.memory_space<vmem>>, vector<1x16xf32>,
      %get3A_389 = vector.shape_cast %get3A_388 : vector<1x16xf32> to vector<16xf32>
      %mul3A_390 = arith.constant 8.000000e+00 : f32
      %mul3A_391 = vector.broadcast %mul3A_390 : f32 to vector<16xf32>
      %mul3A_392 = arith.mulf %get3A_389, %mul3A_391 : vector<16xf32>
      %add3A_393 = arith.constant 1 : i32
      %add3A_394 = arith.addi %add3A_289, %add3A_393 : i32
      %swap3A_395 = arith.index_cast %add3A_394 : i32 to index
      %swap3A_396 = arith.constant 32 : index
      %swap3A_397 = tpu.vector_load %arg11[%swap3A_395, %swap3A_396] {strides = array<i32>} : memref<200x64xf32, #tpu.memory_space<vmem>>, vector<1x16xf32>,
      %swap3A_398 = vector.shape_cast %swap3A_397 : vector<1x16xf32> to vector<16xf32>
      %swap3A_399 = vector.shape_cast %mul3A_392 : vector<16xf32> to vector<1x16xf32>
      tpu.vector_store %arg11[%swap3A_395, %swap3A_396], %swap3A_399 {strides = array<i32>} : memref<200x64xf32, #tpu.memory_space<vmem>>, vector<1x16xf32>,
      %add3A_400 = arith.constant 1 : i32
      %add3A_401 = arith.addi %add3A_289, %add3A_400 : i32
      %get3A_402 = arith.index_cast %add3A_401 : i32 to index
      %get3A_403 = arith.constant 48 : index
      %get3A_404 = tpu.vector_load %arg11[%get3A_402, %get3A_403] {strides = array<i32>} : memref<200x64xf32, #tpu.memory_space<vmem>>, vector<1x16xf32>,
      %get3A_405 = vector.shape_cast %get3A_404 : vector<1x16xf32> to vector<16xf32>
      %mul3A_406 = arith.constant 8.000000e+00 : f32
      %mul3A_407 = vector.broadcast %mul3A_406 : f32 to vector<16xf32>
      %mul3A_408 = arith.mulf %get3A_405, %mul3A_407 : vector<16xf32>
      %add3A_409 = arith.constant 1 : i32
      %add3A_410 = arith.addi %add3A_289, %add3A_409 : i32
      %swap3A_411 = arith.index_cast %add3A_410 : i32 to index
      %swap3A_412 = arith.constant 48 : index
      %swap3A_413 = tpu.vector_load %arg11[%swap3A_411, %swap3A_412] {strides = array<i32>} : memref<200x64xf32, #tpu.memory_space<vmem>>, vector<1x16xf32>,
      %swap3A_414 = vector.shape_cast %swap3A_413 : vector<1x16xf32> to vector<16xf32>
      %swap3A_415 = vector.shape_cast %mul3A_408 : vector<16xf32> to vector<1x16xf32>
      tpu.vector_store %arg11[%swap3A_411, %swap3A_412], %swap3A_415 {strides = array<i32>} : memref<200x64xf32, #tpu.memory_space<vmem>>, vector<1x16xf32>,
      %add3A_416 = arith.constant 2 : i32
      %add3A_417 = arith.addi %add3A_289, %add3A_416 : i32
      %get3A_418 = arith.index_cast %add3A_417 : i32 to index
      %get3A_419 = arith.constant 0 : index
      %get3A_420 = tpu.vector_load %arg11[%get3A_418, %get3A_419] {strides = array<i32>} : memref<200x64xf32, #tpu.memory_space<vmem>>, vector<1x16xf32>,
      %get3A_421 = vector.shape_cast %get3A_420 : vector<1x16xf32> to vector<16xf32>
      %mul3A_422 = arith.constant 8.000000e+00 : f32
      %mul3A_423 = vector.broadcast %mul3A_422 : f32 to vector<16xf32>
      %mul3A_424 = arith.mulf %get3A_421, %mul3A_423 : vector<16xf32>
      %add3A_425 = arith.constant 2 : i32
      %add3A_426 = arith.addi %add3A_289, %add3A_425 : i32
      %swap3A_427 = arith.index_cast %add3A_426 : i32 to index
      %swap3A_428 = arith.constant 0 : index
      %swap3A_429 = tpu.vector_load %arg11[%swap3A_427, %swap3A_428] {strides = array<i32>} : memref<200x64xf32, #tpu.memory_space<vmem>>, vector<1x16xf32>,
      %swap3A_430 = vector.shape_cast %swap3A_429 : vector<1x16xf32> to vector<16xf32>
      %swap3A_431 = vector.shape_cast %mul3A_424 : vector<16xf32> to vector<1x16xf32>
      tpu.vector_store %arg11[%swap3A_427, %swap3A_428], %swap3A_431 {strides = array<i32>} : memref<200x64xf32, #tpu.memory_space<vmem>>, vector<1x16xf32>,
      %add3A_432 = arith.constant 2 : i32
      %add3A_433 = arith.addi %add3A_289, %add3A_432 : i32
      %get3A_434 = arith.index_cast %add3A_433 : i32 to index
      %get3A_435 = arith.constant 16 : index
      %get3A_436 = tpu.vector_load %arg11[%get3A_434, %get3A_435] {strides = array<i32>} : memref<200x64xf32, #tpu.memory_space<vmem>>, vector<1x16xf32>,
      %get3A_437 = vector.shape_cast %get3A_436 : vector<1x16xf32> to vector<16xf32>
      %mul3A_438 = arith.constant 8.000000e+00 : f32
      %mul3A_439 = vector.broadcast %mul3A_438 : f32 to vector<16xf32>
      %mul3A_440 = arith.mulf %get3A_437, %mul3A_439 : vector<16xf32>
      %add3A_441 = arith.constant 2 : i32
      %add3A_442 = arith.addi %add3A_289, %add3A_441 : i32
      %swap3A_443 = arith.index_cast %add3A_442 : i32 to index
      %swap3A_444 = arith.constant 16 : index
      %swap3A_445 = tpu.vector_load %arg11[%swap3A_443, %swap3A_444] {strides = array<i32>} : memref<200x64xf32, #tpu.memory_space<vmem>>, vector<1x16xf32>,
      %swap3A_446 = vector.shape_cast %swap3A_445 : vector<1x16xf32> to vector<16xf32>
      %swap3A_447 = vector.shape_cast %mul3A_440 : vector<16xf32> to vector<1x16xf32>
      tpu.vector_store %arg11[%swap3A_443, %swap3A_444], %swap3A_447 {strides = array<i32>} : memref<200x64xf32, #tpu.memory_space<vmem>>, vector<1x16xf32>,
      %add3A_448 = arith.constant 2 : i32
      %add3A_449 = arith.addi %add3A_289, %add3A_448 : i32
      %get3A_450 = arith.index_cast %add3A_449 : i32 to index
      %get3A_451 = arith.constant 32 : index
      %get3A_452 = tpu.vector_load %arg11[%get3A_450, %get3A_451] {strides = array<i32>} : memref<200x64xf32, #tpu.memory_space<vmem>>, vector<1x16xf32>,
      %get3A_453 = vector.shape_cast %get3A_452 : vector<1x16xf32> to vector<16xf32>
      %mul3A_454 = arith.constant 8.000000e+00 : f32
      %mul3A_455 = vector.broadcast %mul3A_454 : f32 to vector<16xf32>
      %mul3A_456 = arith.mulf %get3A_453, %mul3A_455 : vector<16xf32>
      %add3A_457 = arith.constant 2 : i32
      %add3A_458 = arith.addi %add3A_289, %add3A_457 : i32
      %swap3A_459 = arith.index_cast %add3A_458 : i32 to index
      %swap3A_460 = arith.constant 32 : index
      %swap3A_461 = tpu.vector_load %arg11[%swap3A_459, %swap3A_460] {strides = array<i32>} : memref<200x64xf32, #tpu.memory_space<vmem>>, vector<1x16xf32>,
      %swap3A_462 = vector.shape_cast %swap3A_461 : vector<1x16xf32> to vector<16xf32>
      %swap3A_463 = vector.shape_cast %mul3A_456 : vector<16xf32> to vector<1x16xf32>
      tpu.vector_store %arg11[%swap3A_459, %swap3A_460], %swap3A_463 {strides = array<i32>} : memref<200x64xf32, #tpu.memory_space<vmem>>, vector<1x16xf32>,
      %add3A_464 = arith.constant 2 : i32
      %add3A_465 = arith.addi %add3A_289, %add3A_464 : i32
      %get3A_466 = arith.index_cast %add3A_465 : i32 to index
      %get3A_467 = arith.constant 48 : index
      %get3A_468 = tpu.vector_load %arg11[%get3A_466, %get3A_467] {strides = array<i32>} : memref<200x64xf32, #tpu.memory_space<vmem>>, vector<1x16xf32>,
      %get3A_469 = vector.shape_cast %get3A_468 : vector<1x16xf32> to vector<16xf32>
      %mul3A_470 = arith.constant 8.000000e+00 : f32
      %mul3A_471 = vector.broadcast %mul3A_470 : f32 to vector<16xf32>
      %mul3A_472 = arith.mulf %get3A_469, %mul3A_471 : vector<16xf32>
      %add3A_473 = arith.constant 2 : i32
      %add3A_474 = arith.addi %add3A_289, %add3A_473 : i32
      %swap3A_475 = arith.index_cast %add3A_474 : i32 to index
      %swap3A_476 = arith.constant 48 : index
      %swap3A_477 = tpu.vector_load %arg11[%swap3A_475, %swap3A_476] {strides = array<i32>} : memref<200x64xf32, #tpu.memory_space<vmem>>, vector<1x16xf32>,
      %swap3A_478 = vector.shape_cast %swap3A_477 : vector<1x16xf32> to vector<16xf32>
      %swap3A_479 = vector.shape_cast %mul3A_472 : vector<16xf32> to vector<1x16xf32>
      tpu.vector_store %arg11[%swap3A_475, %swap3A_476], %swap3A_479 {strides = array<i32>} : memref<200x64xf32, #tpu.memory_space<vmem>>, vector<1x16xf32>,
      %add3A_480 = arith.constant 3 : i32
      %add3A_481 = arith.addi %add3A_289, %add3A_480 : i32
      %get3A_482 = arith.index_cast %add3A_481 : i32 to index
      %get3A_483 = arith.constant 0 : index
      %get3A_484 = tpu.vector_load %arg11[%get3A_482, %get3A_483] {strides = array<i32>} : memref<200x64xf32, #tpu.memory_space<vmem>>, vector<1x16xf32>,
      %get3A_485 = vector.shape_cast %get3A_484 : vector<1x16xf32> to vector<16xf32>
      %mul3A_486 = arith.constant 8.000000e+00 : f32
      %mul3A_487 = vector.broadcast %mul3A_486 : f32 to vector<16xf32>
      %mul3A_488 = arith.mulf %get3A_485, %mul3A_487 : vector<16xf32>
      %add3A_489 = arith.constant 3 : i32
      %add3A_490 = arith.addi %add3A_289, %add3A_489 : i32
      %swap3A_491 = arith.index_cast %add3A_490 : i32 to index
      %swap3A_492 = arith.constant 0 : index
      %swap3A_493 = tpu.vector_load %arg11[%swap3A_491, %swap3A_492] {strides = array<i32>} : memref<200x64xf32, #tpu.memory_space<vmem>>, vector<1x16xf32>,
      %swap3A_494 = vector.shape_cast %swap3A_493 : vector<1x16xf32> to vector<16xf32>
      %swap3A_495 = vector.shape_cast %mul3A_488 : vector<16xf32> to vector<1x16xf32>
      tpu.vector_store %arg11[%swap3A_491, %swap3A_492], %swap3A_495 {strides = array<i32>} : memref<200x64xf32, #tpu.memory_space<vmem>>, vector<1x16xf32>,
      %add3A_496 = arith.constant 3 : i32
      %add3A_497 = arith.addi %add3A_289, %add3A_496 : i32
      %get3A_498 = arith.index_cast %add3A_497 : i32 to index
      %get3A_499 = arith.constant 16 : index
      %get3A_500 = tpu.vector_load %arg11[%get3A_498, %get3A_499] {strides = array<i32>} : memref<200x64xf32, #tpu.memory_space<vmem>>, vector<1x16xf32>,
      %get3A_501 = vector.shape_cast %get3A_500 : vector<1x16xf32> to vector<16xf32>
      %mul3A_502 = arith.constant 8.000000e+00 : f32
      %mul3A_503 = vector.broadcast %mul3A_502 : f32 to vector<16xf32>
      %mul3A_504 = arith.mulf %get3A_501, %mul3A_503 : vector<16xf32>
      %add3A_505 = arith.constant 3 : i32
      %add3A_506 = arith.addi %add3A_289, %add3A_505 : i32
      %swap3A_507 = arith.index_cast %add3A_506 : i32 to index
      %swap3A_508 = arith.constant 16 : index
      %swap3A_509 = tpu.vector_load %arg11[%swap3A_507, %swap3A_508] {strides = array<i32>} : memref<200x64xf32, #tpu.memory_space<vmem>>, vector<1x16xf32>,
      %swap3A_510 = vector.shape_cast %swap3A_509 : vector<1x16xf32> to vector<16xf32>
      %swap3A_511 = vector.shape_cast %mul3A_504 : vector<16xf32> to vector<1x16xf32>
      tpu.vector_store %arg11[%swap3A_507, %swap3A_508], %swap3A_511 {strides = array<i32>} : memref<200x64xf32, #tpu.memory_space<vmem>>, vector<1x16xf32>,
      %add3A_512 = arith.constant 3 : i32
      %add3A_513 = arith.addi %add3A_289, %add3A_512 : i32
      %get3A_514 = arith.index_cast %add3A_513 : i32 to index
      %get3A_515 = arith.constant 32 : index
      %get3A_516 = tpu.vector_load %arg11[%get3A_514, %get3A_515] {strides = array<i32>} : memref<200x64xf32, #tpu.memory_space<vmem>>, vector<1x16xf32>,
      %get3A_517 = vector.shape_cast %get3A_516 : vector<1x16xf32> to vector<16xf32>
      %mul3A_518 = arith.constant 8.000000e+00 : f32
      %mul3A_519 = vector.broadcast %mul3A_518 : f32 to vector<16xf32>
      %mul3A_520 = arith.mulf %get3A_517, %mul3A_519 : vector<16xf32>
      %add3A_521 = arith.constant 3 : i32
      %add3A_522 = arith.addi %add3A_289, %add3A_521 : i32
      %swap3A_523 = arith.index_cast %add3A_522 : i32 to index
      %swap3A_524 = arith.constant 32 : index
      %swap3A_525 = tpu.vector_load %arg11[%swap3A_523, %swap3A_524] {strides = array<i32>} : memref<200x64xf32, #tpu.memory_space<vmem>>, vector<1x16xf32>,
      %swap3A_526 = vector.shape_cast %swap3A_525 : vector<1x16xf32> to vector<16xf32>
      %swap3A_527 = vector.shape_cast %mul3A_520 : vector<16xf32> to vector<1x16xf32>
      tpu.vector_store %arg11[%swap3A_523, %swap3A_524], %swap3A_527 {strides = array<i32>} : memref<200x64xf32, #tpu.memory_space<vmem>>, vector<1x16xf32>,
      %add3A_528 = arith.constant 3 : i32
      %add3A_529 = arith.addi %add3A_289, %add3A_528 : i32
      %get3A_530 = arith.index_cast %add3A_529 : i32 to index
      %get3A_531 = arith.constant 48 : index
      %get3A_532 = tpu.vector_load %arg11[%get3A_530, %get3A_531] {strides = array<i32>} : memref<200x64xf32, #tpu.memory_space<vmem>>, vector<1x16xf32>,
      %get3A_533 = vector.shape_cast %get3A_532 : vector<1x16xf32> to vector<16xf32>
      %mul3A_534 = arith.constant 8.000000e+00 : f32
      %mul3A_535 = vector.broadcast %mul3A_534 : f32 to vector<16xf32>
      %mul3A_536 = arith.mulf %get3A_533, %mul3A_535 : vector<16xf32>
      %add3A_537 = arith.constant 3 : i32
      %add3A_538 = arith.addi %add3A_289, %add3A_537 : i32
      %swap3A_539 = arith.index_cast %add3A_538 : i32 to index
      %swap3A_540 = arith.constant 48 : index
      %swap3A_541 = tpu.vector_load %arg11[%swap3A_539, %swap3A_540] {strides = array<i32>} : memref<200x64xf32, #tpu.memory_space<vmem>>, vector<1x16xf32>,
      %swap3A_542 = vector.shape_cast %swap3A_541 : vector<1x16xf32> to vector<16xf32>
      %swap3A_543 = vector.shape_cast %mul3A_536 : vector<16xf32> to vector<1x16xf32>
      tpu.vector_store %arg11[%swap3A_539, %swap3A_540], %swap3A_543 {strides = array<i32>} : memref<200x64xf32, #tpu.memory_space<vmem>>, vector<1x16xf32>,
    }
    %scan3A_172 = arith.constant 50 : i32
    %add3A_173 = arith.constant 125 : i32
    %add3A_174 = arith.addi %mul3A_2, %add3A_173 : i32
    %mul3A_175 = arith.constant 200 : i32
    %mul3A_176 = arith.muli %add3A_174, %mul3A_175 : i32
    %dma_start3A_177 = arith.constant 0 : i32
    %dma_start3A_178 = tpu.memref_slice %arg4[%mul3A_176, %dma_start3A_177] : memref<819200x64xf32, #tpu.memory_space<hbm>> -> memref<200x64xf32, #tpu.memory_space<hbm>>
    %dma_start3A_179 = arith.constant 0 : i32
    %dma_start3A_180 = tpu.memref_slice %arg4[%mul3A_176, %dma_start3A_179] : memref<819200x64xf32, #tpu.memory_space<hbm>> -> memref<200x64xf32, #tpu.memory_space<hbm>>
    tpu.enqueue_dma source(%arg11 : memref<200x64xf32, #tpu.memory_space<vmem>>) target(%dma_start3A_180 : memref<200x64xf32, #tpu.memory_space<hbm>>) target_semaphore(%arg27 : memref<!tpu.dma_semaphore, #tpu.memory_space<semaphore_mem>>)
    %dma_wait3A_181 = arith.constant 126 : i32
    %dma_wait3A_182 = arith.constant 0 : i32
    %dma_wait3A_183 = tpu.memref_slice %arg5[%dma_wait3A_181, %dma_wait3A_182] : memref<128x200xi32, #tpu.memory_space<vmem>> -> memref<1x200xi32, #tpu.memory_space<vmem>>
    %dma_wait3A_184 = tpu.memref_squeeze %dma_wait3A_183 : memref<1x200xi32, #tpu.memory_space<vmem>> -> memref<200xi32, #tpu.memory_space<vmem>>
    %dma_wait3A_185 = arith.constant 0 : i32
    %dma_wait3A_186 = arith.constant 0 : i32
    %dma_wait3A_187 = tpu.memref_slice %arg2[%dma_wait3A_185, %dma_wait3A_186] : memref<1000000x64xf32, #tpu.memory_space<hbm>> -> memref<1000000x64xf32, #tpu.memory_space<hbm>>
    tpu.wait_indirect_dma semaphore(%arg20 : memref<!tpu.dma_semaphore, #tpu.memory_space<semaphore_mem>>) src(%dma_wait3A_187 : memref<1000000x64xf32, #tpu.memory_space<hbm>>) dst(%arg12 : memref<200x64xf32, #tpu.memory_space<vmem>>)
    %scan3A_188 = arith.constant 0 : i32
    %scan3A_189 = arith.constant 50 : i32
    %scan3A_190 = arith.addi %scan3A_188, %scan3A_189 : i32
    %scan3A_191 = arith.constant 1 : i32
    scf.for %scan3A_285 = %scan3A_188 to %scan3A_190 step %scan3A_191  : i32 {
      %mul3A_286 = arith.constant 4 : i32
      %mul3A_287 = arith.muli %scan3A_285, %mul3A_286 : i32
      %add3A_288 = arith.constant 0 : i32
      %add3A_289 = arith.addi %add3A_288, %mul3A_287 : i32
      %add3A_290 = arith.constant 0 : i32
      %add3A_291 = arith.addi %add3A_289, %add3A_290 : i32
      %get3A = arith.index_cast %add3A_291 : i32 to index
      %get3A_292 = arith.constant 0 : index
      %get3A_293 = tpu.vector_load %arg12[%get3A, %get3A_292] {strides = array<i32>} : memref<200x64xf32, #tpu.memory_space<vmem>>, vector<1x16xf32>,
      %get3A_294 = vector.shape_cast %get3A_293 : vector<1x16xf32> to vector<16xf32>
      %mul3A_295 = arith.constant 8.000000e+00 : f32
      %mul3A_296 = vector.broadcast %mul3A_295 : f32 to vector<16xf32>
      %mul3A_297 = arith.mulf %get3A_294, %mul3A_296 : vector<16xf32>
      %add3A_298 = arith.constant 0 : i32
      %add3A_299 = arith.addi %add3A_289, %add3A_298 : i32
      %swap3A = arith.index_cast %add3A_299 : i32 to index
      %swap3A_300 = arith.constant 0 : index
      %swap3A_301 = tpu.vector_load %arg12[%swap3A, %swap3A_300] {strides = array<i32>} : memref<200x64xf32, #tpu.memory_space<vmem>>, vector<1x16xf32>,
      %swap3A_302 = vector.shape_cast %swap3A_301 : vector<1x16xf32> to vector<16xf32>
      %swap3A_303 = vector.shape_cast %mul3A_297 : vector<16xf32> to vector<1x16xf32>
      tpu.vector_store %arg12[%swap3A, %swap3A_300], %swap3A_303 {strides = array<i32>} : memref<200x64xf32, #tpu.memory_space<vmem>>, vector<1x16xf32>,
      %add3A_304 = arith.constant 0 : i32
      %add3A_305 = arith.addi %add3A_289, %add3A_304 : i32
      %get3A_306 = arith.index_cast %add3A_305 : i32 to index
      %get3A_307 = arith.constant 16 : index
      %get3A_308 = tpu.vector_load %arg12[%get3A_306, %get3A_307] {strides = array<i32>} : memref<200x64xf32, #tpu.memory_space<vmem>>, vector<1x16xf32>,
      %get3A_309 = vector.shape_cast %get3A_308 : vector<1x16xf32> to vector<16xf32>
      %mul3A_310 = arith.constant 8.000000e+00 : f32
      %mul3A_311 = vector.broadcast %mul3A_310 : f32 to vector<16xf32>
      %mul3A_312 = arith.mulf %get3A_309, %mul3A_311 : vector<16xf32>
      %add3A_313 = arith.constant 0 : i32
      %add3A_314 = arith.addi %add3A_289, %add3A_313 : i32
      %swap3A_315 = arith.index_cast %add3A_314 : i32 to index
      %swap3A_316 = arith.constant 16 : index
      %swap3A_317 = tpu.vector_load %arg12[%swap3A_315, %swap3A_316] {strides = array<i32>} : memref<200x64xf32, #tpu.memory_space<vmem>>, vector<1x16xf32>,
      %swap3A_318 = vector.shape_cast %swap3A_317 : vector<1x16xf32> to vector<16xf32>
      %swap3A_319 = vector.shape_cast %mul3A_312 : vector<16xf32> to vector<1x16xf32>
      tpu.vector_store %arg12[%swap3A_315, %swap3A_316], %swap3A_319 {strides = array<i32>} : memref<200x64xf32, #tpu.memory_space<vmem>>, vector<1x16xf32>,
      %add3A_320 = arith.constant 0 : i32
      %add3A_321 = arith.addi %add3A_289, %add3A_320 : i32
      %get3A_322 = arith.index_cast %add3A_321 : i32 to index
      %get3A_323 = arith.constant 32 : index
      %get3A_324 = tpu.vector_load %arg12[%get3A_322, %get3A_323] {strides = array<i32>} : memref<200x64xf32, #tpu.memory_space<vmem>>, vector<1x16xf32>,
      %get3A_325 = vector.shape_cast %get3A_324 : vector<1x16xf32> to vector<16xf32>
      %mul3A_326 = arith.constant 8.000000e+00 : f32
      %mul3A_327 = vector.broadcast %mul3A_326 : f32 to vector<16xf32>
      %mul3A_328 = arith.mulf %get3A_325, %mul3A_327 : vector<16xf32>
      %add3A_329 = arith.constant 0 : i32
      %add3A_330 = arith.addi %add3A_289, %add3A_329 : i32
      %swap3A_331 = arith.index_cast %add3A_330 : i32 to index
      %swap3A_332 = arith.constant 32 : index
      %swap3A_333 = tpu.vector_load %arg12[%swap3A_331, %swap3A_332] {strides = array<i32>} : memref<200x64xf32, #tpu.memory_space<vmem>>, vector<1x16xf32>,
      %swap3A_334 = vector.shape_cast %swap3A_333 : vector<1x16xf32> to vector<16xf32>
      %swap3A_335 = vector.shape_cast %mul3A_328 : vector<16xf32> to vector<1x16xf32>
      tpu.vector_store %arg12[%swap3A_331, %swap3A_332], %swap3A_335 {strides = array<i32>} : memref<200x64xf32, #tpu.memory_space<vmem>>, vector<1x16xf32>,
      %add3A_336 = arith.constant 0 : i32
      %add3A_337 = arith.addi %add3A_289, %add3A_336 : i32
      %get3A_338 = arith.index_cast %add3A_337 : i32 to index
      %get3A_339 = arith.constant 48 : index
      %get3A_340 = tpu.vector_load %arg12[%get3A_338, %get3A_339] {strides = array<i32>} : memref<200x64xf32, #tpu.memory_space<vmem>>, vector<1x16xf32>,
      %get3A_341 = vector.shape_cast %get3A_340 : vector<1x16xf32> to vector<16xf32>
      %mul3A_342 = arith.constant 8.000000e+00 : f32
      %mul3A_343 = vector.broadcast %mul3A_342 : f32 to vector<16xf32>
      %mul3A_344 = arith.mulf %get3A_341, %mul3A_343 : vector<16xf32>
      %add3A_345 = arith.constant 0 : i32
      %add3A_346 = arith.addi %add3A_289, %add3A_345 : i32
      %swap3A_347 = arith.index_cast %add3A_346 : i32 to index
      %swap3A_348 = arith.constant 48 : index
      %swap3A_349 = tpu.vector_load %arg12[%swap3A_347, %swap3A_348] {strides = array<i32>} : memref<200x64xf32, #tpu.memory_space<vmem>>, vector<1x16xf32>,
      %swap3A_350 = vector.shape_cast %swap3A_349 : vector<1x16xf32> to vector<16xf32>
      %swap3A_351 = vector.shape_cast %mul3A_344 : vector<16xf32> to vector<1x16xf32>
      tpu.vector_store %arg12[%swap3A_347, %swap3A_348], %swap3A_351 {strides = array<i32>} : memref<200x64xf32, #tpu.memory_space<vmem>>, vector<1x16xf32>,
      %add3A_352 = arith.constant 1 : i32
      %add3A_353 = arith.addi %add3A_289, %add3A_352 : i32
      %get3A_354 = arith.index_cast %add3A_353 : i32 to index
      %get3A_355 = arith.constant 0 : index
      %get3A_356 = tpu.vector_load %arg12[%get3A_354, %get3A_355] {strides = array<i32>} : memref<200x64xf32, #tpu.memory_space<vmem>>, vector<1x16xf32>,
      %get3A_357 = vector.shape_cast %get3A_356 : vector<1x16xf32> to vector<16xf32>
      %mul3A_358 = arith.constant 8.000000e+00 : f32
      %mul3A_359 = vector.broadcast %mul3A_358 : f32 to vector<16xf32>
      %mul3A_360 = arith.mulf %get3A_357, %mul3A_359 : vector<16xf32>
      %add3A_361 = arith.constant 1 : i32
      %add3A_362 = arith.addi %add3A_289, %add3A_361 : i32
      %swap3A_363 = arith.index_cast %add3A_362 : i32 to index
      %swap3A_364 = arith.constant 0 : index
      %swap3A_365 = tpu.vector_load %arg12[%swap3A_363, %swap3A_364] {strides = array<i32>} : memref<200x64xf32, #tpu.memory_space<vmem>>, vector<1x16xf32>,
      %swap3A_366 = vector.shape_cast %swap3A_365 : vector<1x16xf32> to vector<16xf32>
      %swap3A_367 = vector.shape_cast %mul3A_360 : vector<16xf32> to vector<1x16xf32>
      tpu.vector_store %arg12[%swap3A_363, %swap3A_364], %swap3A_367 {strides = array<i32>} : memref<200x64xf32, #tpu.memory_space<vmem>>, vector<1x16xf32>,
      %add3A_368 = arith.constant 1 : i32
      %add3A_369 = arith.addi %add3A_289, %add3A_368 : i32
      %get3A_370 = arith.index_cast %add3A_369 : i32 to index
      %get3A_371 = arith.constant 16 : index
      %get3A_372 = tpu.vector_load %arg12[%get3A_370, %get3A_371] {strides = array<i32>} : memref<200x64xf32, #tpu.memory_space<vmem>>, vector<1x16xf32>,
      %get3A_373 = vector.shape_cast %get3A_372 : vector<1x16xf32> to vector<16xf32>
      %mul3A_374 = arith.constant 8.000000e+00 : f32
      %mul3A_375 = vector.broadcast %mul3A_374 : f32 to vector<16xf32>
      %mul3A_376 = arith.mulf %get3A_373, %mul3A_375 : vector<16xf32>
      %add3A_377 = arith.constant 1 : i32
      %add3A_378 = arith.addi %add3A_289, %add3A_377 : i32
      %swap3A_379 = arith.index_cast %add3A_378 : i32 to index
      %swap3A_380 = arith.constant 16 : index
      %swap3A_381 = tpu.vector_load %arg12[%swap3A_379, %swap3A_380] {strides = array<i32>} : memref<200x64xf32, #tpu.memory_space<vmem>>, vector<1x16xf32>,
      %swap3A_382 = vector.shape_cast %swap3A_381 : vector<1x16xf32> to vector<16xf32>
      %swap3A_383 = vector.shape_cast %mul3A_376 : vector<16xf32> to vector<1x16xf32>
      tpu.vector_store %arg12[%swap3A_379, %swap3A_380], %swap3A_383 {strides = array<i32>} : memref<200x64xf32, #tpu.memory_space<vmem>>, vector<1x16xf32>,
      %add3A_384 = arith.constant 1 : i32
      %add3A_385 = arith.addi %add3A_289, %add3A_384 : i32
      %get3A_386 = arith.index_cast %add3A_385 : i32 to index
      %get3A_387 = arith.constant 32 : index
      %get3A_388 = tpu.vector_load %arg12[%get3A_386, %get3A_387] {strides = array<i32>} : memref<200x64xf32, #tpu.memory_space<vmem>>, vector<1x16xf32>,
      %get3A_389 = vector.shape_cast %get3A_388 : vector<1x16xf32> to vector<16xf32>
      %mul3A_390 = arith.constant 8.000000e+00 : f32
      %mul3A_391 = vector.broadcast %mul3A_390 : f32 to vector<16xf32>
      %mul3A_392 = arith.mulf %get3A_389, %mul3A_391 : vector<16xf32>
      %add3A_393 = arith.constant 1 : i32
      %add3A_394 = arith.addi %add3A_289, %add3A_393 : i32
      %swap3A_395 = arith.index_cast %add3A_394 : i32 to index
      %swap3A_396 = arith.constant 32 : index
      %swap3A_397 = tpu.vector_load %arg12[%swap3A_395, %swap3A_396] {strides = array<i32>} : memref<200x64xf32, #tpu.memory_space<vmem>>, vector<1x16xf32>,
      %swap3A_398 = vector.shape_cast %swap3A_397 : vector<1x16xf32> to vector<16xf32>
      %swap3A_399 = vector.shape_cast %mul3A_392 : vector<16xf32> to vector<1x16xf32>
      tpu.vector_store %arg12[%swap3A_395, %swap3A_396], %swap3A_399 {strides = array<i32>} : memref<200x64xf32, #tpu.memory_space<vmem>>, vector<1x16xf32>,
      %add3A_400 = arith.constant 1 : i32
      %add3A_401 = arith.addi %add3A_289, %add3A_400 : i32
      %get3A_402 = arith.index_cast %add3A_401 : i32 to index
      %get3A_403 = arith.constant 48 : index
      %get3A_404 = tpu.vector_load %arg12[%get3A_402, %get3A_403] {strides = array<i32>} : memref<200x64xf32, #tpu.memory_space<vmem>>, vector<1x16xf32>,
      %get3A_405 = vector.shape_cast %get3A_404 : vector<1x16xf32> to vector<16xf32>
      %mul3A_406 = arith.constant 8.000000e+00 : f32
      %mul3A_407 = vector.broadcast %mul3A_406 : f32 to vector<16xf32>
      %mul3A_408 = arith.mulf %get3A_405, %mul3A_407 : vector<16xf32>
      %add3A_409 = arith.constant 1 : i32
      %add3A_410 = arith.addi %add3A_289, %add3A_409 : i32
      %swap3A_411 = arith.index_cast %add3A_410 : i32 to index
      %swap3A_412 = arith.constant 48 : index
      %swap3A_413 = tpu.vector_load %arg12[%swap3A_411, %swap3A_412] {strides = array<i32>} : memref<200x64xf32, #tpu.memory_space<vmem>>, vector<1x16xf32>,
      %swap3A_414 = vector.shape_cast %swap3A_413 : vector<1x16xf32> to vector<16xf32>
      %swap3A_415 = vector.shape_cast %mul3A_408 : vector<16xf32> to vector<1x16xf32>
      tpu.vector_store %arg12[%swap3A_411, %swap3A_412], %swap3A_415 {strides = array<i32>} : memref<200x64xf32, #tpu.memory_space<vmem>>, vector<1x16xf32>,
      %add3A_416 = arith.constant 2 : i32
      %add3A_417 = arith.addi %add3A_289, %add3A_416 : i32
      %get3A_418 = arith.index_cast %add3A_417 : i32 to index
      %get3A_419 = arith.constant 0 : index
      %get3A_420 = tpu.vector_load %arg12[%get3A_418, %get3A_419] {strides = array<i32>} : memref<200x64xf32, #tpu.memory_space<vmem>>, vector<1x16xf32>,
      %get3A_421 = vector.shape_cast %get3A_420 : vector<1x16xf32> to vector<16xf32>
      %mul3A_422 = arith.constant 8.000000e+00 : f32
      %mul3A_423 = vector.broadcast %mul3A_422 : f32 to vector<16xf32>
      %mul3A_424 = arith.mulf %get3A_421, %mul3A_423 : vector<16xf32>
      %add3A_425 = arith.constant 2 : i32
      %add3A_426 = arith.addi %add3A_289, %add3A_425 : i32
      %swap3A_427 = arith.index_cast %add3A_426 : i32 to index
      %swap3A_428 = arith.constant 0 : index
      %swap3A_429 = tpu.vector_load %arg12[%swap3A_427, %swap3A_428] {strides = array<i32>} : memref<200x64xf32, #tpu.memory_space<vmem>>, vector<1x16xf32>,
      %swap3A_430 = vector.shape_cast %swap3A_429 : vector<1x16xf32> to vector<16xf32>
      %swap3A_431 = vector.shape_cast %mul3A_424 : vector<16xf32> to vector<1x16xf32>
      tpu.vector_store %arg12[%swap3A_427, %swap3A_428], %swap3A_431 {strides = array<i32>} : memref<200x64xf32, #tpu.memory_space<vmem>>, vector<1x16xf32>,
      %add3A_432 = arith.constant 2 : i32
      %add3A_433 = arith.addi %add3A_289, %add3A_432 : i32
      %get3A_434 = arith.index_cast %add3A_433 : i32 to index
      %get3A_435 = arith.constant 16 : index
      %get3A_436 = tpu.vector_load %arg12[%get3A_434, %get3A_435] {strides = array<i32>} : memref<200x64xf32, #tpu.memory_space<vmem>>, vector<1x16xf32>,
      %get3A_437 = vector.shape_cast %get3A_436 : vector<1x16xf32> to vector<16xf32>
      %mul3A_438 = arith.constant 8.000000e+00 : f32
      %mul3A_439 = vector.broadcast %mul3A_438 : f32 to vector<16xf32>
      %mul3A_440 = arith.mulf %get3A_437, %mul3A_439 : vector<16xf32>
      %add3A_441 = arith.constant 2 : i32
      %add3A_442 = arith.addi %add3A_289, %add3A_441 : i32
      %swap3A_443 = arith.index_cast %add3A_442 : i32 to index
      %swap3A_444 = arith.constant 16 : index
      %swap3A_445 = tpu.vector_load %arg12[%swap3A_443, %swap3A_444] {strides = array<i32>} : memref<200x64xf32, #tpu.memory_space<vmem>>, vector<1x16xf32>,
      %swap3A_446 = vector.shape_cast %swap3A_445 : vector<1x16xf32> to vector<16xf32>
      %swap3A_447 = vector.shape_cast %mul3A_440 : vector<16xf32> to vector<1x16xf32>
      tpu.vector_store %arg12[%swap3A_443, %swap3A_444], %swap3A_447 {strides = array<i32>} : memref<200x64xf32, #tpu.memory_space<vmem>>, vector<1x16xf32>,
      %add3A_448 = arith.constant 2 : i32
      %add3A_449 = arith.addi %add3A_289, %add3A_448 : i32
      %get3A_450 = arith.index_cast %add3A_449 : i32 to index
      %get3A_451 = arith.constant 32 : index
      %get3A_452 = tpu.vector_load %arg12[%get3A_450, %get3A_451] {strides = array<i32>} : memref<200x64xf32, #tpu.memory_space<vmem>>, vector<1x16xf32>,
      %get3A_453 = vector.shape_cast %get3A_452 : vector<1x16xf32> to vector<16xf32>
      %mul3A_454 = arith.constant 8.000000e+00 : f32
      %mul3A_455 = vector.broadcast %mul3A_454 : f32 to vector<16xf32>
      %mul3A_456 = arith.mulf %get3A_453, %mul3A_455 : vector<16xf32>
      %add3A_457 = arith.constant 2 : i32
      %add3A_458 = arith.addi %add3A_289, %add3A_457 : i32
      %swap3A_459 = arith.index_cast %add3A_458 : i32 to index
      %swap3A_460 = arith.constant 32 : index
      %swap3A_461 = tpu.vector_load %arg12[%swap3A_459, %swap3A_460] {strides = array<i32>} : memref<200x64xf32, #tpu.memory_space<vmem>>, vector<1x16xf32>,
      %swap3A_462 = vector.shape_cast %swap3A_461 : vector<1x16xf32> to vector<16xf32>
      %swap3A_463 = vector.shape_cast %mul3A_456 : vector<16xf32> to vector<1x16xf32>
      tpu.vector_store %arg12[%swap3A_459, %swap3A_460], %swap3A_463 {strides = array<i32>} : memref<200x64xf32, #tpu.memory_space<vmem>>, vector<1x16xf32>,
      %add3A_464 = arith.constant 2 : i32
      %add3A_465 = arith.addi %add3A_289, %add3A_464 : i32
      %get3A_466 = arith.index_cast %add3A_465 : i32 to index
      %get3A_467 = arith.constant 48 : index
      %get3A_468 = tpu.vector_load %arg12[%get3A_466, %get3A_467] {strides = array<i32>} : memref<200x64xf32, #tpu.memory_space<vmem>>, vector<1x16xf32>,
      %get3A_469 = vector.shape_cast %get3A_468 : vector<1x16xf32> to vector<16xf32>
      %mul3A_470 = arith.constant 8.000000e+00 : f32
      %mul3A_471 = vector.broadcast %mul3A_470 : f32 to vector<16xf32>
      %mul3A_472 = arith.mulf %get3A_469, %mul3A_471 : vector<16xf32>
      %add3A_473 = arith.constant 2 : i32
      %add3A_474 = arith.addi %add3A_289, %add3A_473 : i32
      %swap3A_475 = arith.index_cast %add3A_474 : i32 to index
      %swap3A_476 = arith.constant 48 : index
      %swap3A_477 = tpu.vector_load %arg12[%swap3A_475, %swap3A_476] {strides = array<i32>} : memref<200x64xf32, #tpu.memory_space<vmem>>, vector<1x16xf32>,
      %swap3A_478 = vector.shape_cast %swap3A_477 : vector<1x16xf32> to vector<16xf32>
      %swap3A_479 = vector.shape_cast %mul3A_472 : vector<16xf32> to vector<1x16xf32>
      tpu.vector_store %arg12[%swap3A_475, %swap3A_476], %swap3A_479 {strides = array<i32>} : memref<200x64xf32, #tpu.memory_space<vmem>>, vector<1x16xf32>,
      %add3A_480 = arith.constant 3 : i32
      %add3A_481 = arith.addi %add3A_289, %add3A_480 : i32
      %get3A_482 = arith.index_cast %add3A_481 : i32 to index
      %get3A_483 = arith.constant 0 : index
      %get3A_484 = tpu.vector_load %arg12[%get3A_482, %get3A_483] {strides = array<i32>} : memref<200x64xf32, #tpu.memory_space<vmem>>, vector<1x16xf32>,
      %get3A_485 = vector.shape_cast %get3A_484 : vector<1x16xf32> to vector<16xf32>
      %mul3A_486 = arith.constant 8.000000e+00 : f32
      %mul3A_487 = vector.broadcast %mul3A_486 : f32 to vector<16xf32>
      %mul3A_488 = arith.mulf %get3A_485, %mul3A_487 : vector<16xf32>
      %add3A_489 = arith.constant 3 : i32
      %add3A_490 = arith.addi %add3A_289, %add3A_489 : i32
      %swap3A_491 = arith.index_cast %add3A_490 : i32 to index
      %swap3A_492 = arith.constant 0 : index
      %swap3A_493 = tpu.vector_load %arg12[%swap3A_491, %swap3A_492] {strides = array<i32>} : memref<200x64xf32, #tpu.memory_space<vmem>>, vector<1x16xf32>,
      %swap3A_494 = vector.shape_cast %swap3A_493 : vector<1x16xf32> to vector<16xf32>
      %swap3A_495 = vector.shape_cast %mul3A_488 : vector<16xf32> to vector<1x16xf32>
      tpu.vector_store %arg12[%swap3A_491, %swap3A_492], %swap3A_495 {strides = array<i32>} : memref<200x64xf32, #tpu.memory_space<vmem>>, vector<1x16xf32>,
      %add3A_496 = arith.constant 3 : i32
      %add3A_497 = arith.addi %add3A_289, %add3A_496 : i32
      %get3A_498 = arith.index_cast %add3A_497 : i32 to index
      %get3A_499 = arith.constant 16 : index
      %get3A_500 = tpu.vector_load %arg12[%get3A_498, %get3A_499] {strides = array<i32>} : memref<200x64xf32, #tpu.memory_space<vmem>>, vector<1x16xf32>,
      %get3A_501 = vector.shape_cast %get3A_500 : vector<1x16xf32> to vector<16xf32>
      %mul3A_502 = arith.constant 8.000000e+00 : f32
      %mul3A_503 = vector.broadcast %mul3A_502 : f32 to vector<16xf32>
      %mul3A_504 = arith.mulf %get3A_501, %mul3A_503 : vector<16xf32>
      %add3A_505 = arith.constant 3 : i32
      %add3A_506 = arith.addi %add3A_289, %add3A_505 : i32
      %swap3A_507 = arith.index_cast %add3A_506 : i32 to index
      %swap3A_508 = arith.constant 16 : index
      %swap3A_509 = tpu.vector_load %arg12[%swap3A_507, %swap3A_508] {strides = array<i32>} : memref<200x64xf32, #tpu.memory_space<vmem>>, vector<1x16xf32>,
      %swap3A_510 = vector.shape_cast %swap3A_509 : vector<1x16xf32> to vector<16xf32>
      %swap3A_511 = vector.shape_cast %mul3A_504 : vector<16xf32> to vector<1x16xf32>
      tpu.vector_store %arg12[%swap3A_507, %swap3A_508], %swap3A_511 {strides = array<i32>} : memref<200x64xf32, #tpu.memory_space<vmem>>, vector<1x16xf32>,
      %add3A_512 = arith.constant 3 : i32
      %add3A_513 = arith.addi %add3A_289, %add3A_512 : i32
      %get3A_514 = arith.index_cast %add3A_513 : i32 to index
      %get3A_515 = arith.constant 32 : index
      %get3A_516 = tpu.vector_load %arg12[%get3A_514, %get3A_515] {strides = array<i32>} : memref<200x64xf32, #tpu.memory_space<vmem>>, vector<1x16xf32>,
      %get3A_517 = vector.shape_cast %get3A_516 : vector<1x16xf32> to vector<16xf32>
      %mul3A_518 = arith.constant 8.000000e+00 : f32
      %mul3A_519 = vector.broadcast %mul3A_518 : f32 to vector<16xf32>
      %mul3A_520 = arith.mulf %get3A_517, %mul3A_519 : vector<16xf32>
      %add3A_521 = arith.constant 3 : i32
      %add3A_522 = arith.addi %add3A_289, %add3A_521 : i32
      %swap3A_523 = arith.index_cast %add3A_522 : i32 to index
      %swap3A_524 = arith.constant 32 : index
      %swap3A_525 = tpu.vector_load %arg12[%swap3A_523, %swap3A_524] {strides = array<i32>} : memref<200x64xf32, #tpu.memory_space<vmem>>, vector<1x16xf32>,
      %swap3A_526 = vector.shape_cast %swap3A_525 : vector<1x16xf32> to vector<16xf32>
      %swap3A_527 = vector.shape_cast %mul3A_520 : vector<16xf32> to vector<1x16xf32>
      tpu.vector_store %arg12[%swap3A_523, %swap3A_524], %swap3A_527 {strides = array<i32>} : memref<200x64xf32, #tpu.memory_space<vmem>>, vector<1x16xf32>,
      %add3A_528 = arith.constant 3 : i32
      %add3A_529 = arith.addi %add3A_289, %add3A_528 : i32
      %get3A_530 = arith.index_cast %add3A_529 : i32 to index
      %get3A_531 = arith.constant 48 : index
      %get3A_532 = tpu.vector_load %arg12[%get3A_530, %get3A_531] {strides = array<i32>} : memref<200x64xf32, #tpu.memory_space<vmem>>, vector<1x16xf32>,
      %get3A_533 = vector.shape_cast %get3A_532 : vector<1x16xf32> to vector<16xf32>
      %mul3A_534 = arith.constant 8.000000e+00 : f32
      %mul3A_535 = vector.broadcast %mul3A_534 : f32 to vector<16xf32>
      %mul3A_536 = arith.mulf %get3A_533, %mul3A_535 : vector<16xf32>
      %add3A_537 = arith.constant 3 : i32
      %add3A_538 = arith.addi %add3A_289, %add3A_537 : i32
      %swap3A_539 = arith.index_cast %add3A_538 : i32 to index
      %swap3A_540 = arith.constant 48 : index
      %swap3A_541 = tpu.vector_load %arg12[%swap3A_539, %swap3A_540] {strides = array<i32>} : memref<200x64xf32, #tpu.memory_space<vmem>>, vector<1x16xf32>,
      %swap3A_542 = vector.shape_cast %swap3A_541 : vector<1x16xf32> to vector<16xf32>
      %swap3A_543 = vector.shape_cast %mul3A_536 : vector<16xf32> to vector<1x16xf32>
      tpu.vector_store %arg12[%swap3A_539, %swap3A_540], %swap3A_543 {strides = array<i32>} : memref<200x64xf32, #tpu.memory_space<vmem>>, vector<1x16xf32>,
    }
    %scan3A_192 = arith.constant 50 : i32
    %add3A_193 = arith.constant 126 : i32
    %add3A_194 = arith.addi %mul3A_2, %add3A_193 : i32
    %mul3A_195 = arith.constant 200 : i32
    %mul3A_196 = arith.muli %add3A_194, %mul3A_195 : i32
    %dma_start3A_197 = arith.constant 0 : i32
    %dma_start3A_198 = tpu.memref_slice %arg4[%mul3A_196, %dma_start3A_197] : memref<819200x64xf32, #tpu.memory_space<hbm>> -> memref<200x64xf32, #tpu.memory_space<hbm>>
    %dma_start3A_199 = arith.constant 0 : i32
    %dma_start3A_200 = tpu.memref_slice %arg4[%mul3A_196, %dma_start3A_199] : memref<819200x64xf32, #tpu.memory_space<hbm>> -> memref<200x64xf32, #tpu.memory_space<hbm>>
    tpu.enqueue_dma source(%arg12 : memref<200x64xf32, #tpu.memory_space<vmem>>) target(%dma_start3A_200 : memref<200x64xf32, #tpu.memory_space<hbm>>) target_semaphore(%arg28 : memref<!tpu.dma_semaphore, #tpu.memory_space<semaphore_mem>>)
    %dma_wait3A_201 = arith.constant 127 : i32
    %dma_wait3A_202 = arith.constant 0 : i32
    %dma_wait3A_203 = tpu.memref_slice %arg5[%dma_wait3A_201, %dma_wait3A_202] : memref<128x200xi32, #tpu.memory_space<vmem>> -> memref<1x200xi32, #tpu.memory_space<vmem>>
    %dma_wait3A_204 = tpu.memref_squeeze %dma_wait3A_203 : memref<1x200xi32, #tpu.memory_space<vmem>> -> memref<200xi32, #tpu.memory_space<vmem>>
    %dma_wait3A_205 = arith.constant 0 : i32
    %dma_wait3A_206 = arith.constant 0 : i32
    %dma_wait3A_207 = tpu.memref_slice %arg2[%dma_wait3A_205, %dma_wait3A_206] : memref<1000000x64xf32, #tpu.memory_space<hbm>> -> memref<1000000x64xf32, #tpu.memory_space<hbm>>
    tpu.wait_indirect_dma semaphore(%arg21 : memref<!tpu.dma_semaphore, #tpu.memory_space<semaphore_mem>>) src(%dma_wait3A_207 : memref<1000000x64xf32, #tpu.memory_space<hbm>>) dst(%arg13 : memref<200x64xf32, #tpu.memory_space<vmem>>)
    %scan3A_208 = arith.constant 0 : i32
    %scan3A_209 = arith.constant 50 : i32
    %scan3A_210 = arith.addi %scan3A_208, %scan3A_209 : i32
    %scan3A_211 = arith.constant 1 : i32
    scf.for %scan3A_285 = %scan3A_208 to %scan3A_210 step %scan3A_211  : i32 {
      %mul3A_286 = arith.constant 4 : i32
      %mul3A_287 = arith.muli %scan3A_285, %mul3A_286 : i32
      %add3A_288 = arith.constant 0 : i32
      %add3A_289 = arith.addi %add3A_288, %mul3A_287 : i32
      %add3A_290 = arith.constant 0 : i32
      %add3A_291 = arith.addi %add3A_289, %add3A_290 : i32
      %get3A = arith.index_cast %add3A_291 : i32 to index
      %get3A_292 = arith.constant 0 : index
      %get3A_293 = tpu.vector_load %arg13[%get3A, %get3A_292] {strides = array<i32>} : memref<200x64xf32, #tpu.memory_space<vmem>>, vector<1x16xf32>,
      %get3A_294 = vector.shape_cast %get3A_293 : vector<1x16xf32> to vector<16xf32>
      %mul3A_295 = arith.constant 8.000000e+00 : f32
      %mul3A_296 = vector.broadcast %mul3A_295 : f32 to vector<16xf32>
      %mul3A_297 = arith.mulf %get3A_294, %mul3A_296 : vector<16xf32>
      %add3A_298 = arith.constant 0 : i32
      %add3A_299 = arith.addi %add3A_289, %add3A_298 : i32
      %swap3A = arith.index_cast %add3A_299 : i32 to index
      %swap3A_300 = arith.constant 0 : index
      %swap3A_301 = tpu.vector_load %arg13[%swap3A, %swap3A_300] {strides = array<i32>} : memref<200x64xf32, #tpu.memory_space<vmem>>, vector<1x16xf32>,
      %swap3A_302 = vector.shape_cast %swap3A_301 : vector<1x16xf32> to vector<16xf32>
      %swap3A_303 = vector.shape_cast %mul3A_297 : vector<16xf32> to vector<1x16xf32>
      tpu.vector_store %arg13[%swap3A, %swap3A_300], %swap3A_303 {strides = array<i32>} : memref<200x64xf32, #tpu.memory_space<vmem>>, vector<1x16xf32>,
      %add3A_304 = arith.constant 0 : i32
      %add3A_305 = arith.addi %add3A_289, %add3A_304 : i32
      %get3A_306 = arith.index_cast %add3A_305 : i32 to index
      %get3A_307 = arith.constant 16 : index
      %get3A_308 = tpu.vector_load %arg13[%get3A_306, %get3A_307] {strides = array<i32>} : memref<200x64xf32, #tpu.memory_space<vmem>>, vector<1x16xf32>,
      %get3A_309 = vector.shape_cast %get3A_308 : vector<1x16xf32> to vector<16xf32>
      %mul3A_310 = arith.constant 8.000000e+00 : f32
      %mul3A_311 = vector.broadcast %mul3A_310 : f32 to vector<16xf32>
      %mul3A_312 = arith.mulf %get3A_309, %mul3A_311 : vector<16xf32>
      %add3A_313 = arith.constant 0 : i32
      %add3A_314 = arith.addi %add3A_289, %add3A_313 : i32
      %swap3A_315 = arith.index_cast %add3A_314 : i32 to index
      %swap3A_316 = arith.constant 16 : index
      %swap3A_317 = tpu.vector_load %arg13[%swap3A_315, %swap3A_316] {strides = array<i32>} : memref<200x64xf32, #tpu.memory_space<vmem>>, vector<1x16xf32>,
      %swap3A_318 = vector.shape_cast %swap3A_317 : vector<1x16xf32> to vector<16xf32>
      %swap3A_319 = vector.shape_cast %mul3A_312 : vector<16xf32> to vector<1x16xf32>
      tpu.vector_store %arg13[%swap3A_315, %swap3A_316], %swap3A_319 {strides = array<i32>} : memref<200x64xf32, #tpu.memory_space<vmem>>, vector<1x16xf32>,
      %add3A_320 = arith.constant 0 : i32
      %add3A_321 = arith.addi %add3A_289, %add3A_320 : i32
      %get3A_322 = arith.index_cast %add3A_321 : i32 to index
      %get3A_323 = arith.constant 32 : index
      %get3A_324 = tpu.vector_load %arg13[%get3A_322, %get3A_323] {strides = array<i32>} : memref<200x64xf32, #tpu.memory_space<vmem>>, vector<1x16xf32>,
      %get3A_325 = vector.shape_cast %get3A_324 : vector<1x16xf32> to vector<16xf32>
      %mul3A_326 = arith.constant 8.000000e+00 : f32
      %mul3A_327 = vector.broadcast %mul3A_326 : f32 to vector<16xf32>
      %mul3A_328 = arith.mulf %get3A_325, %mul3A_327 : vector<16xf32>
      %add3A_329 = arith.constant 0 : i32
      %add3A_330 = arith.addi %add3A_289, %add3A_329 : i32
      %swap3A_331 = arith.index_cast %add3A_330 : i32 to index
      %swap3A_332 = arith.constant 32 : index
      %swap3A_333 = tpu.vector_load %arg13[%swap3A_331, %swap3A_332] {strides = array<i32>} : memref<200x64xf32, #tpu.memory_space<vmem>>, vector<1x16xf32>,
      %swap3A_334 = vector.shape_cast %swap3A_333 : vector<1x16xf32> to vector<16xf32>
      %swap3A_335 = vector.shape_cast %mul3A_328 : vector<16xf32> to vector<1x16xf32>
      tpu.vector_store %arg13[%swap3A_331, %swap3A_332], %swap3A_335 {strides = array<i32>} : memref<200x64xf32, #tpu.memory_space<vmem>>, vector<1x16xf32>,
      %add3A_336 = arith.constant 0 : i32
      %add3A_337 = arith.addi %add3A_289, %add3A_336 : i32
      %get3A_338 = arith.index_cast %add3A_337 : i32 to index
      %get3A_339 = arith.constant 48 : index
      %get3A_340 = tpu.vector_load %arg13[%get3A_338, %get3A_339] {strides = array<i32>} : memref<200x64xf32, #tpu.memory_space<vmem>>, vector<1x16xf32>,
      %get3A_341 = vector.shape_cast %get3A_340 : vector<1x16xf32> to vector<16xf32>
      %mul3A_342 = arith.constant 8.000000e+00 : f32
      %mul3A_343 = vector.broadcast %mul3A_342 : f32 to vector<16xf32>
      %mul3A_344 = arith.mulf %get3A_341, %mul3A_343 : vector<16xf32>
      %add3A_345 = arith.constant 0 : i32
      %add3A_346 = arith.addi %add3A_289, %add3A_345 : i32
      %swap3A_347 = arith.index_cast %add3A_346 : i32 to index
      %swap3A_348 = arith.constant 48 : index
      %swap3A_349 = tpu.vector_load %arg13[%swap3A_347, %swap3A_348] {strides = array<i32>} : memref<200x64xf32, #tpu.memory_space<vmem>>, vector<1x16xf32>,
      %swap3A_350 = vector.shape_cast %swap3A_349 : vector<1x16xf32> to vector<16xf32>
      %swap3A_351 = vector.shape_cast %mul3A_344 : vector<16xf32> to vector<1x16xf32>
      tpu.vector_store %arg13[%swap3A_347, %swap3A_348], %swap3A_351 {strides = array<i32>} : memref<200x64xf32, #tpu.memory_space<vmem>>, vector<1x16xf32>,
      %add3A_352 = arith.constant 1 : i32
      %add3A_353 = arith.addi %add3A_289, %add3A_352 : i32
      %get3A_354 = arith.index_cast %add3A_353 : i32 to index
      %get3A_355 = arith.constant 0 : index
      %get3A_356 = tpu.vector_load %arg13[%get3A_354, %get3A_355] {strides = array<i32>} : memref<200x64xf32, #tpu.memory_space<vmem>>, vector<1x16xf32>,
      %get3A_357 = vector.shape_cast %get3A_356 : vector<1x16xf32> to vector<16xf32>
      %mul3A_358 = arith.constant 8.000000e+00 : f32
      %mul3A_359 = vector.broadcast %mul3A_358 : f32 to vector<16xf32>
      %mul3A_360 = arith.mulf %get3A_357, %mul3A_359 : vector<16xf32>
      %add3A_361 = arith.constant 1 : i32
      %add3A_362 = arith.addi %add3A_289, %add3A_361 : i32
      %swap3A_363 = arith.index_cast %add3A_362 : i32 to index
      %swap3A_364 = arith.constant 0 : index
      %swap3A_365 = tpu.vector_load %arg13[%swap3A_363, %swap3A_364] {strides = array<i32>} : memref<200x64xf32, #tpu.memory_space<vmem>>, vector<1x16xf32>,
      %swap3A_366 = vector.shape_cast %swap3A_365 : vector<1x16xf32> to vector<16xf32>
      %swap3A_367 = vector.shape_cast %mul3A_360 : vector<16xf32> to vector<1x16xf32>
      tpu.vector_store %arg13[%swap3A_363, %swap3A_364], %swap3A_367 {strides = array<i32>} : memref<200x64xf32, #tpu.memory_space<vmem>>, vector<1x16xf32>,
      %add3A_368 = arith.constant 1 : i32
      %add3A_369 = arith.addi %add3A_289, %add3A_368 : i32
      %get3A_370 = arith.index_cast %add3A_369 : i32 to index
      %get3A_371 = arith.constant 16 : index
      %get3A_372 = tpu.vector_load %arg13[%get3A_370, %get3A_371] {strides = array<i32>} : memref<200x64xf32, #tpu.memory_space<vmem>>, vector<1x16xf32>,
      %get3A_373 = vector.shape_cast %get3A_372 : vector<1x16xf32> to vector<16xf32>
      %mul3A_374 = arith.constant 8.000000e+00 : f32
      %mul3A_375 = vector.broadcast %mul3A_374 : f32 to vector<16xf32>
      %mul3A_376 = arith.mulf %get3A_373, %mul3A_375 : vector<16xf32>
      %add3A_377 = arith.constant 1 : i32
      %add3A_378 = arith.addi %add3A_289, %add3A_377 : i32
      %swap3A_379 = arith.index_cast %add3A_378 : i32 to index
      %swap3A_380 = arith.constant 16 : index
      %swap3A_381 = tpu.vector_load %arg13[%swap3A_379, %swap3A_380] {strides = array<i32>} : memref<200x64xf32, #tpu.memory_space<vmem>>, vector<1x16xf32>,
      %swap3A_382 = vector.shape_cast %swap3A_381 : vector<1x16xf32> to vector<16xf32>
      %swap3A_383 = vector.shape_cast %mul3A_376 : vector<16xf32> to vector<1x16xf32>
      tpu.vector_store %arg13[%swap3A_379, %swap3A_380], %swap3A_383 {strides = array<i32>} : memref<200x64xf32, #tpu.memory_space<vmem>>, vector<1x16xf32>,
      %add3A_384 = arith.constant 1 : i32
      %add3A_385 = arith.addi %add3A_289, %add3A_384 : i32
      %get3A_386 = arith.index_cast %add3A_385 : i32 to index
      %get3A_387 = arith.constant 32 : index
      %get3A_388 = tpu.vector_load %arg13[%get3A_386, %get3A_387] {strides = array<i32>} : memref<200x64xf32, #tpu.memory_space<vmem>>, vector<1x16xf32>,
      %get3A_389 = vector.shape_cast %get3A_388 : vector<1x16xf32> to vector<16xf32>
      %mul3A_390 = arith.constant 8.000000e+00 : f32
      %mul3A_391 = vector.broadcast %mul3A_390 : f32 to vector<16xf32>
      %mul3A_392 = arith.mulf %get3A_389, %mul3A_391 : vector<16xf32>
      %add3A_393 = arith.constant 1 : i32
      %add3A_394 = arith.addi %add3A_289, %add3A_393 : i32
      %swap3A_395 = arith.index_cast %add3A_394 : i32 to index
      %swap3A_396 = arith.constant 32 : index
      %swap3A_397 = tpu.vector_load %arg13[%swap3A_395, %swap3A_396] {strides = array<i32>} : memref<200x64xf32, #tpu.memory_space<vmem>>, vector<1x16xf32>,
      %swap3A_398 = vector.shape_cast %swap3A_397 : vector<1x16xf32> to vector<16xf32>
      %swap3A_399 = vector.shape_cast %mul3A_392 : vector<16xf32> to vector<1x16xf32>
      tpu.vector_store %arg13[%swap3A_395, %swap3A_396], %swap3A_399 {strides = array<i32>} : memref<200x64xf32, #tpu.memory_space<vmem>>, vector<1x16xf32>,
      %add3A_400 = arith.constant 1 : i32
      %add3A_401 = arith.addi %add3A_289, %add3A_400 : i32
      %get3A_402 = arith.index_cast %add3A_401 : i32 to index
      %get3A_403 = arith.constant 48 : index
      %get3A_404 = tpu.vector_load %arg13[%get3A_402, %get3A_403] {strides = array<i32>} : memref<200x64xf32, #tpu.memory_space<vmem>>, vector<1x16xf32>,
      %get3A_405 = vector.shape_cast %get3A_404 : vector<1x16xf32> to vector<16xf32>
      %mul3A_406 = arith.constant 8.000000e+00 : f32
      %mul3A_407 = vector.broadcast %mul3A_406 : f32 to vector<16xf32>
      %mul3A_408 = arith.mulf %get3A_405, %mul3A_407 : vector<16xf32>
      %add3A_409 = arith.constant 1 : i32
      %add3A_410 = arith.addi %add3A_289, %add3A_409 : i32
      %swap3A_411 = arith.index_cast %add3A_410 : i32 to index
      %swap3A_412 = arith.constant 48 : index
      %swap3A_413 = tpu.vector_load %arg13[%swap3A_411, %swap3A_412] {strides = array<i32>} : memref<200x64xf32, #tpu.memory_space<vmem>>, vector<1x16xf32>,
      %swap3A_414 = vector.shape_cast %swap3A_413 : vector<1x16xf32> to vector<16xf32>
      %swap3A_415 = vector.shape_cast %mul3A_408 : vector<16xf32> to vector<1x16xf32>
      tpu.vector_store %arg13[%swap3A_411, %swap3A_412], %swap3A_415 {strides = array<i32>} : memref<200x64xf32, #tpu.memory_space<vmem>>, vector<1x16xf32>,
      %add3A_416 = arith.constant 2 : i32
      %add3A_417 = arith.addi %add3A_289, %add3A_416 : i32
      %get3A_418 = arith.index_cast %add3A_417 : i32 to index
      %get3A_419 = arith.constant 0 : index
      %get3A_420 = tpu.vector_load %arg13[%get3A_418, %get3A_419] {strides = array<i32>} : memref<200x64xf32, #tpu.memory_space<vmem>>, vector<1x16xf32>,
      %get3A_421 = vector.shape_cast %get3A_420 : vector<1x16xf32> to vector<16xf32>
      %mul3A_422 = arith.constant 8.000000e+00 : f32
      %mul3A_423 = vector.broadcast %mul3A_422 : f32 to vector<16xf32>
      %mul3A_424 = arith.mulf %get3A_421, %mul3A_423 : vector<16xf32>
      %add3A_425 = arith.constant 2 : i32
      %add3A_426 = arith.addi %add3A_289, %add3A_425 : i32
      %swap3A_427 = arith.index_cast %add3A_426 : i32 to index
      %swap3A_428 = arith.constant 0 : index
      %swap3A_429 = tpu.vector_load %arg13[%swap3A_427, %swap3A_428] {strides = array<i32>} : memref<200x64xf32, #tpu.memory_space<vmem>>, vector<1x16xf32>,
      %swap3A_430 = vector.shape_cast %swap3A_429 : vector<1x16xf32> to vector<16xf32>
      %swap3A_431 = vector.shape_cast %mul3A_424 : vector<16xf32> to vector<1x16xf32>
      tpu.vector_store %arg13[%swap3A_427, %swap3A_428], %swap3A_431 {strides = array<i32>} : memref<200x64xf32, #tpu.memory_space<vmem>>, vector<1x16xf32>,
      %add3A_432 = arith.constant 2 : i32
      %add3A_433 = arith.addi %add3A_289, %add3A_432 : i32
      %get3A_434 = arith.index_cast %add3A_433 : i32 to index
      %get3A_435 = arith.constant 16 : index
      %get3A_436 = tpu.vector_load %arg13[%get3A_434, %get3A_435] {strides = array<i32>} : memref<200x64xf32, #tpu.memory_space<vmem>>, vector<1x16xf32>,
      %get3A_437 = vector.shape_cast %get3A_436 : vector<1x16xf32> to vector<16xf32>
      %mul3A_438 = arith.constant 8.000000e+00 : f32
      %mul3A_439 = vector.broadcast %mul3A_438 : f32 to vector<16xf32>
      %mul3A_440 = arith.mulf %get3A_437, %mul3A_439 : vector<16xf32>
      %add3A_441 = arith.constant 2 : i32
      %add3A_442 = arith.addi %add3A_289, %add3A_441 : i32
      %swap3A_443 = arith.index_cast %add3A_442 : i32 to index
      %swap3A_444 = arith.constant 16 : index
      %swap3A_445 = tpu.vector_load %arg13[%swap3A_443, %swap3A_444] {strides = array<i32>} : memref<200x64xf32, #tpu.memory_space<vmem>>, vector<1x16xf32>,
      %swap3A_446 = vector.shape_cast %swap3A_445 : vector<1x16xf32> to vector<16xf32>
      %swap3A_447 = vector.shape_cast %mul3A_440 : vector<16xf32> to vector<1x16xf32>
      tpu.vector_store %arg13[%swap3A_443, %swap3A_444], %swap3A_447 {strides = array<i32>} : memref<200x64xf32, #tpu.memory_space<vmem>>, vector<1x16xf32>,
      %add3A_448 = arith.constant 2 : i32
      %add3A_449 = arith.addi %add3A_289, %add3A_448 : i32
      %get3A_450 = arith.index_cast %add3A_449 : i32 to index
      %get3A_451 = arith.constant 32 : index
      %get3A_452 = tpu.vector_load %arg13[%get3A_450, %get3A_451] {strides = array<i32>} : memref<200x64xf32, #tpu.memory_space<vmem>>, vector<1x16xf32>,
      %get3A_453 = vector.shape_cast %get3A_452 : vector<1x16xf32> to vector<16xf32>
      %mul3A_454 = arith.constant 8.000000e+00 : f32
      %mul3A_455 = vector.broadcast %mul3A_454 : f32 to vector<16xf32>
      %mul3A_456 = arith.mulf %get3A_453, %mul3A_455 : vector<16xf32>
      %add3A_457 = arith.constant 2 : i32
      %add3A_458 = arith.addi %add3A_289, %add3A_457 : i32
      %swap3A_459 = arith.index_cast %add3A_458 : i32 to index
      %swap3A_460 = arith.constant 32 : index
      %swap3A_461 = tpu.vector_load %arg13[%swap3A_459, %swap3A_460] {strides = array<i32>} : memref<200x64xf32, #tpu.memory_space<vmem>>, vector<1x16xf32>,
      %swap3A_462 = vector.shape_cast %swap3A_461 : vector<1x16xf32> to vector<16xf32>
      %swap3A_463 = vector.shape_cast %mul3A_456 : vector<16xf32> to vector<1x16xf32>
      tpu.vector_store %arg13[%swap3A_459, %swap3A_460], %swap3A_463 {strides = array<i32>} : memref<200x64xf32, #tpu.memory_space<vmem>>, vector<1x16xf32>,
      %add3A_464 = arith.constant 2 : i32
      %add3A_465 = arith.addi %add3A_289, %add3A_464 : i32
      %get3A_466 = arith.index_cast %add3A_465 : i32 to index
      %get3A_467 = arith.constant 48 : index
      %get3A_468 = tpu.vector_load %arg13[%get3A_466, %get3A_467] {strides = array<i32>} : memref<200x64xf32, #tpu.memory_space<vmem>>, vector<1x16xf32>,
      %get3A_469 = vector.shape_cast %get3A_468 : vector<1x16xf32> to vector<16xf32>
      %mul3A_470 = arith.constant 8.000000e+00 : f32
      %mul3A_471 = vector.broadcast %mul3A_470 : f32 to vector<16xf32>
      %mul3A_472 = arith.mulf %get3A_469, %mul3A_471 : vector<16xf32>
      %add3A_473 = arith.constant 2 : i32
      %add3A_474 = arith.addi %add3A_289, %add3A_473 : i32
      %swap3A_475 = arith.index_cast %add3A_474 : i32 to index
      %swap3A_476 = arith.constant 48 : index
      %swap3A_477 = tpu.vector_load %arg13[%swap3A_475, %swap3A_476] {strides = array<i32>} : memref<200x64xf32, #tpu.memory_space<vmem>>, vector<1x16xf32>,
      %swap3A_478 = vector.shape_cast %swap3A_477 : vector<1x16xf32> to vector<16xf32>
      %swap3A_479 = vector.shape_cast %mul3A_472 : vector<16xf32> to vector<1x16xf32>
      tpu.vector_store %arg13[%swap3A_475, %swap3A_476], %swap3A_479 {strides = array<i32>} : memref<200x64xf32, #tpu.memory_space<vmem>>, vector<1x16xf32>,
      %add3A_480 = arith.constant 3 : i32
      %add3A_481 = arith.addi %add3A_289, %add3A_480 : i32
      %get3A_482 = arith.index_cast %add3A_481 : i32 to index
      %get3A_483 = arith.constant 0 : index
      %get3A_484 = tpu.vector_load %arg13[%get3A_482, %get3A_483] {strides = array<i32>} : memref<200x64xf32, #tpu.memory_space<vmem>>, vector<1x16xf32>,
      %get3A_485 = vector.shape_cast %get3A_484 : vector<1x16xf32> to vector<16xf32>
      %mul3A_486 = arith.constant 8.000000e+00 : f32
      %mul3A_487 = vector.broadcast %mul3A_486 : f32 to vector<16xf32>
      %mul3A_488 = arith.mulf %get3A_485, %mul3A_487 : vector<16xf32>
      %add3A_489 = arith.constant 3 : i32
      %add3A_490 = arith.addi %add3A_289, %add3A_489 : i32
      %swap3A_491 = arith.index_cast %add3A_490 : i32 to index
      %swap3A_492 = arith.constant 0 : index
      %swap3A_493 = tpu.vector_load %arg13[%swap3A_491, %swap3A_492] {strides = array<i32>} : memref<200x64xf32, #tpu.memory_space<vmem>>, vector<1x16xf32>,
      %swap3A_494 = vector.shape_cast %swap3A_493 : vector<1x16xf32> to vector<16xf32>
      %swap3A_495 = vector.shape_cast %mul3A_488 : vector<16xf32> to vector<1x16xf32>
      tpu.vector_store %arg13[%swap3A_491, %swap3A_492], %swap3A_495 {strides = array<i32>} : memref<200x64xf32, #tpu.memory_space<vmem>>, vector<1x16xf32>,
      %add3A_496 = arith.constant 3 : i32
      %add3A_497 = arith.addi %add3A_289, %add3A_496 : i32
      %get3A_498 = arith.index_cast %add3A_497 : i32 to index
      %get3A_499 = arith.constant 16 : index
      %get3A_500 = tpu.vector_load %arg13[%get3A_498, %get3A_499] {strides = array<i32>} : memref<200x64xf32, #tpu.memory_space<vmem>>, vector<1x16xf32>,
      %get3A_501 = vector.shape_cast %get3A_500 : vector<1x16xf32> to vector<16xf32>
      %mul3A_502 = arith.constant 8.000000e+00 : f32
      %mul3A_503 = vector.broadcast %mul3A_502 : f32 to vector<16xf32>
      %mul3A_504 = arith.mulf %get3A_501, %mul3A_503 : vector<16xf32>
      %add3A_505 = arith.constant 3 : i32
      %add3A_506 = arith.addi %add3A_289, %add3A_505 : i32
      %swap3A_507 = arith.index_cast %add3A_506 : i32 to index
      %swap3A_508 = arith.constant 16 : index
      %swap3A_509 = tpu.vector_load %arg13[%swap3A_507, %swap3A_508] {strides = array<i32>} : memref<200x64xf32, #tpu.memory_space<vmem>>, vector<1x16xf32>,
      %swap3A_510 = vector.shape_cast %swap3A_509 : vector<1x16xf32> to vector<16xf32>
      %swap3A_511 = vector.shape_cast %mul3A_504 : vector<16xf32> to vector<1x16xf32>
      tpu.vector_store %arg13[%swap3A_507, %swap3A_508], %swap3A_511 {strides = array<i32>} : memref<200x64xf32, #tpu.memory_space<vmem>>, vector<1x16xf32>,
      %add3A_512 = arith.constant 3 : i32
      %add3A_513 = arith.addi %add3A_289, %add3A_512 : i32
      %get3A_514 = arith.index_cast %add3A_513 : i32 to index
      %get3A_515 = arith.constant 32 : index
      %get3A_516 = tpu.vector_load %arg13[%get3A_514, %get3A_515] {strides = array<i32>} : memref<200x64xf32, #tpu.memory_space<vmem>>, vector<1x16xf32>,
      %get3A_517 = vector.shape_cast %get3A_516 : vector<1x16xf32> to vector<16xf32>
      %mul3A_518 = arith.constant 8.000000e+00 : f32
      %mul3A_519 = vector.broadcast %mul3A_518 : f32 to vector<16xf32>
      %mul3A_520 = arith.mulf %get3A_517, %mul3A_519 : vector<16xf32>
      %add3A_521 = arith.constant 3 : i32
      %add3A_522 = arith.addi %add3A_289, %add3A_521 : i32
      %swap3A_523 = arith.index_cast %add3A_522 : i32 to index
      %swap3A_524 = arith.constant 32 : index
      %swap3A_525 = tpu.vector_load %arg13[%swap3A_523, %swap3A_524] {strides = array<i32>} : memref<200x64xf32, #tpu.memory_space<vmem>>, vector<1x16xf32>,
      %swap3A_526 = vector.shape_cast %swap3A_525 : vector<1x16xf32> to vector<16xf32>
      %swap3A_527 = vector.shape_cast %mul3A_520 : vector<16xf32> to vector<1x16xf32>
      tpu.vector_store %arg13[%swap3A_523, %swap3A_524], %swap3A_527 {strides = array<i32>} : memref<200x64xf32, #tpu.memory_space<vmem>>, vector<1x16xf32>,
      %add3A_528 = arith.constant 3 : i32
      %add3A_529 = arith.addi %add3A_289, %add3A_528 : i32
      %get3A_530 = arith.index_cast %add3A_529 : i32 to index
      %get3A_531 = arith.constant 48 : index
      %get3A_532 = tpu.vector_load %arg13[%get3A_530, %get3A_531] {strides = array<i32>} : memref<200x64xf32, #tpu.memory_space<vmem>>, vector<1x16xf32>,
      %get3A_533 = vector.shape_cast %get3A_532 : vector<1x16xf32> to vector<16xf32>
      %mul3A_534 = arith.constant 8.000000e+00 : f32
      %mul3A_535 = vector.broadcast %mul3A_534 : f32 to vector<16xf32>
      %mul3A_536 = arith.mulf %get3A_533, %mul3A_535 : vector<16xf32>
      %add3A_537 = arith.constant 3 : i32
      %add3A_538 = arith.addi %add3A_289, %add3A_537 : i32
      %swap3A_539 = arith.index_cast %add3A_538 : i32 to index
      %swap3A_540 = arith.constant 48 : index
      %swap3A_541 = tpu.vector_load %arg13[%swap3A_539, %swap3A_540] {strides = array<i32>} : memref<200x64xf32, #tpu.memory_space<vmem>>, vector<1x16xf32>,
      %swap3A_542 = vector.shape_cast %swap3A_541 : vector<1x16xf32> to vector<16xf32>
      %swap3A_543 = vector.shape_cast %mul3A_536 : vector<16xf32> to vector<1x16xf32>
      tpu.vector_store %arg13[%swap3A_539, %swap3A_540], %swap3A_543 {strides = array<i32>} : memref<200x64xf32, #tpu.memory_space<vmem>>, vector<1x16xf32>,
    }
    %scan3A_212 = arith.constant 50 : i32
    %add3A_213 = arith.constant 127 : i32
    %add3A_214 = arith.addi %mul3A_2, %add3A_213 : i32
    %mul3A_215 = arith.constant 200 : i32
    %mul3A_216 = arith.muli %add3A_214, %mul3A_215 : i32
    %dma_start3A_217 = arith.constant 0 : i32
    %dma_start3A_218 = tpu.memref_slice %arg4[%mul3A_216, %dma_start3A_217] : memref<819200x64xf32, #tpu.memory_space<hbm>> -> memref<200x64xf32, #tpu.memory_space<hbm>>
    %dma_start3A_219 = arith.constant 0 : i32
    %dma_start3A_220 = tpu.memref_slice %arg4[%mul3A_216, %dma_start3A_219] : memref<819200x64xf32, #tpu.memory_space<hbm>> -> memref<200x64xf32, #tpu.memory_space<hbm>>
    tpu.enqueue_dma source(%arg13 : memref<200x64xf32, #tpu.memory_space<vmem>>) target(%dma_start3A_220 : memref<200x64xf32, #tpu.memory_space<hbm>>) target_semaphore(%arg29 : memref<!tpu.dma_semaphore, #tpu.memory_space<semaphore_mem>>)
    %add3A_221 = arith.constant 120 : i32
    %add3A_222 = arith.addi %mul3A_2, %add3A_221 : i32
    %mul3A_223 = arith.constant 200 : i32
    %mul3A_224 = arith.muli %add3A_222, %mul3A_223 : i32
    %dma_wait3A_225 = arith.constant 0 : i32
    %dma_wait3A_226 = tpu.memref_slice %arg4[%mul3A_224, %dma_wait3A_225] : memref<819200x64xf32, #tpu.memory_space<hbm>> -> memref<200x64xf32, #tpu.memory_space<hbm>>
    %dma_wait3A_227 = arith.constant 0 : i32
    %dma_wait3A_228 = tpu.memref_slice %arg4[%mul3A_224, %dma_wait3A_227] : memref<819200x64xf32, #tpu.memory_space<hbm>> -> memref<200x64xf32, #tpu.memory_space<hbm>>
    tpu.wait_dma2 semaphore(%arg22 : memref<!tpu.dma_semaphore, #tpu.memory_space<semaphore_mem>>) src(%arg6 : memref<200x64xf32, #tpu.memory_space<vmem>>) dst(%dma_wait3A_228 : memref<200x64xf32, #tpu.memory_space<hbm>>)
    %add3A_229 = arith.constant 121 : i32
    %add3A_230 = arith.addi %mul3A_2, %add3A_229 : i32
    %mul3A_231 = arith.constant 200 : i32
    %mul3A_232 = arith.muli %add3A_230, %mul3A_231 : i32
    %dma_wait3A_233 = arith.constant 0 : i32
    %dma_wait3A_234 = tpu.memref_slice %arg4[%mul3A_232, %dma_wait3A_233] : memref<819200x64xf32, #tpu.memory_space<hbm>> -> memref<200x64xf32, #tpu.memory_space<hbm>>
    %dma_wait3A_235 = arith.constant 0 : i32
    %dma_wait3A_236 = tpu.memref_slice %arg4[%mul3A_232, %dma_wait3A_235] : memref<819200x64xf32, #tpu.memory_space<hbm>> -> memref<200x64xf32, #tpu.memory_space<hbm>>
    tpu.wait_dma2 semaphore(%arg23 : memref<!tpu.dma_semaphore, #tpu.memory_space<semaphore_mem>>) src(%arg7 : memref<200x64xf32, #tpu.memory_space<vmem>>) dst(%dma_wait3A_236 : memref<200x64xf32, #tpu.memory_space<hbm>>)
    %add3A_237 = arith.constant 122 : i32
    %add3A_238 = arith.addi %mul3A_2, %add3A_237 : i32
    %mul3A_239 = arith.constant 200 : i32
    %mul3A_240 = arith.muli %add3A_238, %mul3A_239 : i32
    %dma_wait3A_241 = arith.constant 0 : i32
    %dma_wait3A_242 = tpu.memref_slice %arg4[%mul3A_240, %dma_wait3A_241] : memref<819200x64xf32, #tpu.memory_space<hbm>> -> memref<200x64xf32, #tpu.memory_space<hbm>>
    %dma_wait3A_243 = arith.constant 0 : i32
    %dma_wait3A_244 = tpu.memref_slice %arg4[%mul3A_240, %dma_wait3A_243] : memref<819200x64xf32, #tpu.memory_space<hbm>> -> memref<200x64xf32, #tpu.memory_space<hbm>>
    tpu.wait_dma2 semaphore(%arg24 : memref<!tpu.dma_semaphore, #tpu.memory_space<semaphore_mem>>) src(%arg8 : memref<200x64xf32, #tpu.memory_space<vmem>>) dst(%dma_wait3A_244 : memref<200x64xf32, #tpu.memory_space<hbm>>)
    %add3A_245 = arith.constant 123 : i32
    %add3A_246 = arith.addi %mul3A_2, %add3A_245 : i32
    %mul3A_247 = arith.constant 200 : i32
    %mul3A_248 = arith.muli %add3A_246, %mul3A_247 : i32
    %dma_wait3A_249 = arith.constant 0 : i32
    %dma_wait3A_250 = tpu.memref_slice %arg4[%mul3A_248, %dma_wait3A_249] : memref<819200x64xf32, #tpu.memory_space<hbm>> -> memref<200x64xf32, #tpu.memory_space<hbm>>
    %dma_wait3A_251 = arith.constant 0 : i32
    %dma_wait3A_252 = tpu.memref_slice %arg4[%mul3A_248, %dma_wait3A_251] : memref<819200x64xf32, #tpu.memory_space<hbm>> -> memref<200x64xf32, #tpu.memory_space<hbm>>
    tpu.wait_dma2 semaphore(%arg25 : memref<!tpu.dma_semaphore, #tpu.memory_space<semaphore_mem>>) src(%arg9 : memref<200x64xf32, #tpu.memory_space<vmem>>) dst(%dma_wait3A_252 : memref<200x64xf32, #tpu.memory_space<hbm>>)
    %add3A_253 = arith.constant 124 : i32
    %add3A_254 = arith.addi %mul3A_2, %add3A_253 : i32
    %mul3A_255 = arith.constant 200 : i32
    %mul3A_256 = arith.muli %add3A_254, %mul3A_255 : i32
    %dma_wait3A_257 = arith.constant 0 : i32
    %dma_wait3A_258 = tpu.memref_slice %arg4[%mul3A_256, %dma_wait3A_257] : memref<819200x64xf32, #tpu.memory_space<hbm>> -> memref<200x64xf32, #tpu.memory_space<hbm>>
    %dma_wait3A_259 = arith.constant 0 : i32
    %dma_wait3A_260 = tpu.memref_slice %arg4[%mul3A_256, %dma_wait3A_259] : memref<819200x64xf32, #tpu.memory_space<hbm>> -> memref<200x64xf32, #tpu.memory_space<hbm>>
    tpu.wait_dma2 semaphore(%arg26 : memref<!tpu.dma_semaphore, #tpu.memory_space<semaphore_mem>>) src(%arg10 : memref<200x64xf32, #tpu.memory_space<vmem>>) dst(%dma_wait3A_260 : memref<200x64xf32, #tpu.memory_space<hbm>>)
    %add3A_261 = arith.constant 125 : i32
    %add3A_262 = arith.addi %mul3A_2, %add3A_261 : i32
    %mul3A_263 = arith.constant 200 : i32
    %mul3A_264 = arith.muli %add3A_262, %mul3A_263 : i32
    %dma_wait3A_265 = arith.constant 0 : i32
    %dma_wait3A_266 = tpu.memref_slice %arg4[%mul3A_264, %dma_wait3A_265] : memref<819200x64xf32, #tpu.memory_space<hbm>> -> memref<200x64xf32, #tpu.memory_space<hbm>>
    %dma_wait3A_267 = arith.constant 0 : i32
    %dma_wait3A_268 = tpu.memref_slice %arg4[%mul3A_264, %dma_wait3A_267] : memref<819200x64xf32, #tpu.memory_space<hbm>> -> memref<200x64xf32, #tpu.memory_space<hbm>>
    tpu.wait_dma2 semaphore(%arg27 : memref<!tpu.dma_semaphore, #tpu.memory_space<semaphore_mem>>) src(%arg11 : memref<200x64xf32, #tpu.memory_space<vmem>>) dst(%dma_wait3A_268 : memref<200x64xf32, #tpu.memory_space<hbm>>)
    %add3A_269 = arith.constant 126 : i32
    %add3A_270 = arith.addi %mul3A_2, %add3A_269 : i32
    %mul3A_271 = arith.constant 200 : i32
    %mul3A_272 = arith.muli %add3A_270, %mul3A_271 : i32
    %dma_wait3A_273 = arith.constant 0 : i32
    %dma_wait3A_274 = tpu.memref_slice %arg4[%mul3A_272, %dma_wait3A_273] : memref<819200x64xf32, #tpu.memory_space<hbm>> -> memref<200x64xf32, #tpu.memory_space<hbm>>
    %dma_wait3A_275 = arith.constant 0 : i32
    %dma_wait3A_276 = tpu.memref_slice %arg4[%mul3A_272, %dma_wait3A_275] : memref<819200x64xf32, #tpu.memory_space<hbm>> -> memref<200x64xf32, #tpu.memory_space<hbm>>
    tpu.wait_dma2 semaphore(%arg28 : memref<!tpu.dma_semaphore, #tpu.memory_space<semaphore_mem>>) src(%arg12 : memref<200x64xf32, #tpu.memory_space<vmem>>) dst(%dma_wait3A_276 : memref<200x64xf32, #tpu.memory_space<hbm>>)
    %add3A_277 = arith.constant 127 : i32
    %add3A_278 = arith.addi %mul3A_2, %add3A_277 : i32
    %mul3A_279 = arith.constant 200 : i32
    %mul3A_280 = arith.muli %add3A_278, %mul3A_279 : i32
    %dma_wait3A_281 = arith.constant 0 : i32
    %dma_wait3A_282 = tpu.memref_slice %arg4[%mul3A_280, %dma_wait3A_281] : memref<819200x64xf32, #tpu.memory_space<hbm>> -> memref<200x64xf32, #tpu.memory_space<hbm>>
    %dma_wait3A_283 = arith.constant 0 : i32
    %dma_wait3A_284 = tpu.memref_slice %arg4[%mul3A_280, %dma_wait3A_283] : memref<819200x64xf32, #tpu.memory_space<hbm>> -> memref<200x64xf32, #tpu.memory_space<hbm>>
    tpu.wait_dma2 semaphore(%arg29 : memref<!tpu.dma_semaphore, #tpu.memory_space<semaphore_mem>>) src(%arg13 : memref<200x64xf32, #tpu.memory_space<vmem>>) dst(%dma_wait3A_284 : memref<200x64xf32, #tpu.memory_space<hbm>>)
    return
  }
}

</mosaic_0001>

<sc_bundles>
// kernel: kernel.3.cloned.1.call-start
scs
__scs_entry_jumppad:
0x0: {  	(pc) =	sbr.rel $0x88, $3  }
0x1: {  	(tag) =	ssettag $0x0;
	lr =	simm.s32 $0x1  }
0x2: {  	[smem:$0x3F9F] =	sst lr;
	_ =	strace $0xD0000000  }
0x3: {  	_ = 	snop  }
0x4: {  	_ = 	snop  }
0x5: {  	_ = 	snop  }
0x6: {  	_ = 	snop  }
0x7: {  	_ = 	snop  }
__scs_overlays_trampoline_lowered:
0x8: {  	[smem:$0x3FAE] =	sst s0  }
0x9: {  	[smem:$0x3FAF] =	sst s1  }
0xa: {  	[smem:$0x3FB0] =	sst s2  }
0xb: {  	[smem:$0x3FB1] =	sst s3  }
0xc: {  	[smem:$0x3FB2] =	sst s4  }
0xd: {  	[smem:$0x3FB3] =	sst s5  }
0xe: {  	[smem:$0x3FB4] =	sst s6  }
0xf: {  	[smem:$0x3FB5] =	sst s7  }
0x10: {  	[smem:$0x3FB6] =	sst s8  }
0x11: {  	[smem:$0x3FB7] =	sst s9;
	s0 =	simm.s32 @!p0 $0x0  }
0x12: {  	s1 =	sld [smem:$0x3F9D];
	s0 =	simm.s32 @p0 $0x1  }
0x13: {  	[smem:$0x3FB8] =	sst s0;
	s0 =	simm.s32 @!p1 $0x0  }
0x14: {  	s2 =	sld [smem:$0x3F9C];
	s0 =	simm.s32 @p1 $0x1  }
0x15: {  	[smem:$0x3FB9] =	sst s0;
	s0 =	simm.s32 @!p2 $0x0  }
0x16: {  	s3 =	sld [smem:$0x3FDB];
	s0 =	simm.s32 @p2 $0x1  }
0x17: {  	s4 =	simm.s32 $0x1BF5;
	[smem:$0x3FBB] =	sst s0  }
0x18: {  	s0 =	sld [smem:$0x3F9E];
	_ =	swait.ge [sflag:s4], $0x0  }
0x19: {  	s7 =	sld [smem:$0x3F9F]  }
0x1a: {  	s8 =	sadd.s32 $0xFFFFE003, lr  }
0x1b: {  	s9 =	sadd.s32 $0xFFFFFEF7, lr;
	s5 =	simm.s32 $0xFFFFFFFF;
	p2 =	slt.u32 s8, $0xFFFFF086  }
0x1c: {  	p1 =	slt.u32 s9, $0xF7A;
	s5 =	simm.s32 @!p2 $0x0  }
0x1d: {  	s5 =	simm.s32 @p1 $0x1;
	p0 =	seq.s32 s7, s2  }
0x1e: {  	s7 =	smul.u32 @!p0 $0xF7A, s2;
	p2 =	seq.s32 @!p0 s5, $0x0  }
0x1f: {  	s9 =	smul.u32 $0xF7A, s1;
	s8 =	simm.s32 @!p0 $0x1BF5;
	p2 =	por !p2, p0  }
0x20: {  	[sflag:s8] =	ssyncset.s32 @!p0 $0xFFFFF086;
	s6 =	sadd.s32 @!p0 s3, s7;
	s7 =	simm.s32 @!p0 $0x108  }
0x21: {  	s3 =	sadd.s32 s3, s9;
	s6 =	sadd.s32 @!p0 $0x88, s6;
	s7 =	simm.s32 @p2 $0x1082  }
0x22: {  	[simem:s7], [sflag:s8] =	dma.local @!p0 [hbm:s6], $0xF7A  }
0x23: {  	s9 =	sor.u32 $0xD0000000, s2;
	s6 =	simm.s32 $0x108;
	_ =	swait.ge @!p0 [sflag:s8], $0x0  }
0x24: {  	s3 =	sadd.s32 $0x88, s3;
	s6 =	simm.s32 @!p1 $0x1082;
	[sflag:s4] =	ssyncset.s32 $0xFFFFF086  }
0x25: {  	[simem:s6], [sflag:s4] =	dma.local [hbm:s3], $0xF7A  }
0x26: {  	[smem:$0x3F9F] =	sst s1;
	(tag) =	ssettag s2;
	_ =	strace s9  }
0x27: {  	s1 =	sld [smem:$0x3FAF]  }
0x28: {  	s2 =	sld [smem:$0x3FB0]  }
0x29: {  	s4 =	sld [smem:$0x3FB2]  }
0x2a: {  	p0 =	seq.s32 s5, $0x0;
	s5 =	sld [smem:$0x3FB3]  }
0x2b: {  	s6 =	sld [smem:$0x3FB4]  }
0x2c: {  	s7 =	sld [smem:$0x3FB5]  }
0x2d: {  	s3 =	simm.s32 $0x108;
	s8 =	sld [smem:$0x3FB6]  }
0x2e: {  	s3 =	simm.s32 @!p0 $0x1082;
	s9 =	sld [smem:$0x3FB7]  }
0x2f: {  	lr =	sadd.s32 s0, s3;
	s0 =	sld [smem:$0x3FAE]  }
0x30: {  	s3 =	sld [smem:$0x3FB1]  }
0x31: {  	[smem:$0x3FBA] =	sst s10  }
0x32: {  	s10 =	sld [smem:$0x3FB8];
	_ =	sdelay $0x3  }
0x33: {  	p0 =	seq.s32 s10, $0x1;
	s10 =	sld [smem:$0x3FBA];
	_ =	sdelay $0x3  }
0x34: {  	[smem:$0x3FBA] =	sst s10  }
0x35: {  	s10 =	sld [smem:$0x3FB9];
	_ =	sdelay $0x3  }
0x36: {  	p1 =	seq.s32 s10, $0x1;
	s10 =	sld [smem:$0x3FBA];
	_ =	sdelay $0x3  }
0x37: {  	[smem:$0x3FBA] =	sst s10  }
0x38: {  	s10 =	sld [smem:$0x3FBB]  }
0x39: {  	_ = 	snop;
	(pc) =	sbr.ind lr, $3  }
0x3a: {  	_ = 	snop  }
0x3b: {  	_ = 	snop  }
0x3c: {  	p2 =	seq.s32 s10, $0x1;
	s10 =	sld [smem:$0x3FBA]  }
0x3d: {  	_ =	shalt  }
0x3e: {  	_ =	shalt  }
0x3f: {  	_ =	shalt  }
0x40: {  	_ =	shalt  }
0x41: {  	_ =	shalt  }
0x42: {  	_ =	shalt  }
0x43: {  	_ =	shalt  }
0x44: {  	_ =	shalt  }
0x45: {  	_ =	shalt  }
0x46: {  	_ =	shalt  }
0x47: {  	_ =	shalt  }
0x48: {  	_ =	shalt  }
0x49: {  	_ =	shalt  }
0x4a: {  	_ =	shalt  }
0x4b: {  	_ =	shalt  }
0x4c: {  	_ =	shalt  }
0x4d: {  	_ =	shalt  }
0x4e: {  	_ =	shalt  }
0x4f: {  	_ =	shalt  }
0x50: {  	_ =	shalt  }
0x51: {  	_ =	shalt  }
0x52: {  	_ =	shalt  }
0x53: {  	_ =	shalt  }
0x54: {  	_ =	shalt  }
0x55: {  	_ =	shalt  }
0x56: {  	_ =	shalt  }
0x57: {  	_ =	shalt  }
0x58: {  	_ =	shalt  }
0x59: {  	_ =	shalt  }
0x5a: {  	_ =	shalt  }
0x5b: {  	_ =	shalt  }
0x5c: {  	_ =	shalt  }
0x5d: {  	_ =	shalt  }
0x5e: {  	_ =	shalt  }
0x5f: {  	_ =	shalt  }
0x60: {  	_ =	shalt  }
0x61: {  	_ =	shalt  }
0x62: {  	_ =	shalt  }
0x63: {  	_ =	shalt  }
0x64: {  	_ =	shalt  }
0x65: {  	_ =	shalt  }
0x66: {  	_ =	shalt  }
0x67: {  	_ =	shalt  }
0x68: {  	_ =	shalt  }
0x69: {  	_ =	shalt  }
0x6a: {  	_ =	shalt  }
0x6b: {  	_ =	shalt  }
0x6c: {  	_ =	shalt  }
0x6d: {  	_ =	shalt  }
0x6e: {  	_ =	shalt  }
0x6f: {  	_ =	shalt  }
0x70: {  	_ =	shalt  }
0x71: {  	_ =	shalt  }
0x72: {  	_ =	shalt  }
0x73: {  	_ =	shalt  }
0x74: {  	_ =	shalt  }
0x75: {  	_ =	shalt  }
0x76: {  	_ =	shalt  }
0x77: {  	_ =	shalt  }
0x78: {  	_ =	shalt  }
0x79: {  	_ =	shalt  }
0x7a: {  	_ =	shalt  }
0x7b: {  	_ =	shalt  }
0x7c: {  	_ =	shalt  }
0x7d: {  	_ =	shalt  }
0x7e: {  	_ =	shalt  }
0x7f: {  	_ =	shalt  }
0x80: {  	_ =	shalt  }
0x81: {  	_ =	shalt  }
0x82: {  	_ =	shalt  }
0x83: {  	_ =	shalt  }
0x84: {  	_ =	shalt  }
0x85: {  	_ =	shalt  }
0x86: {  	_ =	shalt  }
0x87: {  	_ =	shalt  }
.Lfunc_end0:
.L_simem_size_0:
called_computation.1_lowered:
.L_overlay_start_0:
0x88: {  	s2 =	sld [smem:$0x3FD9]  }
0x89: {  	s3 =	sld [smem:$0x3FFE];
	_ =	sdelay $0x1  }
0x8a: {  	s1 =	srdreg.scid  }
0x8b: {  	s0 =	sand.u32 $0x1, s1  }
0x8c: {  	s17 =	sshll.u32 s0, $0xA;
	s2 =	sadd.s32 s3, s2  }
0x8d: {  	s2 =	sadd.s32 s2, s17  }
0x8e: {  	[smem:$0x3FC6] =	sst s2  }
0x8f: {  	_ = 	snop  }
0x90: {  	s2 =	sld [smem:$0x3FD0];
	(tm) =	ssettm $0x1  }
0x91: {  	s18 =	sld [smem:$0x3FFB];
	_ =	sdelay $0x3  }
0x92: {  	_ =	strace s18  }
0x93: {  	s3 =	sld [smem:$0x3FFC];
	_ =	sdelay $0x3  }
0x94: {  	_ =	strace s3  }
0x95: {  	s3 =	sld [smem:$0x3FFD];
	_ =	sdelay $0x3  }
0x96: {  	_ =	strace s3  }
0x97: {  	_ =	strace $0x8FFFFFFF  }
0x98: {  	s19 =	sld [smem:$0x3FDB];
	_ =	sdelay $0x1  }
0x99: {  	s4 =	simm.s32 $_scs_section_size  }
0x9a: {  	s5 =	simm.s32 $_size__tile_overlayer_lowered;
	s6 =	simm.s32 $_tile_overlayer_lowered  }
0x9b: {  	s22 =	simm.s32 $0x1BFF;
	s21 =	sshll.u32 s6, $0x1;
	s3 =	sadd.s32 s4, s19  }
0x9c: {  	s7 =	simm.s32 $0x0;
	s20 =	sshll.u32 s5, $0x1;
	s5 =	sadd.s32 s21, s3  }
0x9d: {  	[timem:s7], [sflag:s22] =	dma.local [hbm:s5], s20  }
0x9e: {  	_ =	swait.ge [sflag:s22], s20  }
0x9f: {  	s4 =	ssub.s32 $0x0, s20;
	[sflag:s22] =	ssyncset.done $0x0  }
0xa0: {  	[sflag:s22] =	ssyncadd.s32 s4;
	_ =	sdelay $0x1  }
0xa1: {  	s23 =	simm.s32 $0x1B8B  }
0xa2: {  	_ =	swait.ge [sflag:s23], $0x1  }
0xa3: {  	[sflag:s23] =	ssyncset.done $0x0  }
0xa4: {  	s25 =	simm.s32 $0x1B8E;
	s24 =	sld [smem:$0x3FFE];
	[sflag:s23] =	ssyncadd.s32 $0xFFFFFFFF  }
0xa5: {  	s26 =	simm.s32 $execute0_lowered;
	[smem:$0x3FD2] =	sst s25  }
0xa6: {  	s5 =	sshll.u32 s26, $0x1;
	_ =	strace $0x80000046;
	[dreg:$0x1] =	wrdreg $0xFFFFFFFF  }
0xa7: {  	s28 =	simm.s32 $_size_execute0_lowered;
	s3 =	sadd.s32 s3, s5;
	[dreg:$0x0] =	wrdreg $0x0  }
0xa8: {  	s5 =	sshll.u32 s28, $0x1;
	[dreg:$0x2] =	wrdreg s3  }
0xa9: {  	[dreg:$0x3] =	wrdreg s5  }
0xaa: {  	[dreg:$0x4] =	wrdreg $0xC0  }
0xab: {  	_ =	task [dreg:s7], $0x5FFFF  }
0xac: {  	[dreg:$0x1] =	wrdreg $0xFFFFFFFF  }
0xad: {  	[dreg:$0x0] =	wrdreg $0x60  }
0xae: {  	[dreg:$0x2] =	wrdreg s24  }
0xaf: {  	[dreg:$0x3] =	wrdreg s2  }
0xb0: {  	[dreg:$0x4] =	wrdreg $0x9  }
0xb1: {  	_ =	task.clear_ibuf [dreg:s7], $0x5FFFF;
	_ =	strace $0x90000046  }
0xb2: {  	s29 =	simm.s32 $0x9;
	_ =	strace $0x80000048  }
0xb3: {  	_ =	swait.ge [sflag:s29], $0x1  }
0xb4: {  	[sflag:s29] =	ssyncadd.s32 $0xFFFFFFFF  }
0xb5: {  	_ =	strace $0x90000048  }
0xb6: {  	_ =	sfence  }
0xb7: {  	s30 =	sld [smem:$0x0];
	_ =	sdelay $0x2  }
0xb8: {  	s31 =	sshll.u32 s1, $0xD;
	s1 =	sshrl.u32 s1, $0x2  }
0xb9: {  	s3 =	sand.u32 $0x4000, s31;
	s1 =	sadd.s32 s1, s30  }
0xba: {  	s0 =	sor.u32 s3, s0;
	s1 =	sshll.u32 s1, $0x11  }
0xbb: {  	s0 =	sor.u32 s1, s0  }
0xbc: {  	s0 =	sadd.s32 $0x8F2B, s0  }
0xbd: {  	[sflag:s0] =	ssyncadd.remote.s32 $0x1  }
0xbe: {  	_ =	sfence.sel $0xFFFF  }
0xbf: {  	[dreg:$0x0] =	wrdreg $0xFFFFFFFF;
	(pc) =	sbr.abs _section_cstart, $3  }
0xc0: {  	[dreg:$0x1] =	wrdreg $0xFFFFFFFF  }
0xc1: {  	_ =	task.clear_ibuf [dreg:s7], $0x2FFFF;
	_ =	strace $0x9FFFFFFF  }
0xc2: {  	(tm) =	ssettm $0x7FFFFFFF  }
0xc3: {  	_ =	shalt  }
tec
execute0_lowered:
.L_overlay_start_1:
0x0: {  	(tag) =	ssettag $0x1  }
0x1: {  	s1 =	rddreg [dreg:$0x0]  }
0x2: {  	s0 =	srdreg.scid;
	s2 =	rddreg [dreg:$0x1]  }
0x3: {  	s4 =	stileid.u32;
	s18 =	simm.s32 $0x0;
	s17 =	simm.s32 $0xC8  }
0x4: {  	s30 =	simm.s32 $0x6400;
	s28 =	simm.s32 $0x2;
	s31 =	simm.s32 $0x3  }
0x5: {  	s20 =	simm.s32 $0x4;
	s29 =	simm.s32 $0x5;
	s9 =	simm.s32 $0xB  }
0x6: {  	s10 =	simm.s32 $0x8;
	s11 =	simm.s32 $0xC;
	s0 =	sand.u32 $0x1, s0  }
0x7: {  	s12 =	simm.s32 $0xD;
	s13 =	simm.s32 $0xE;
	s3 =	sshll.u32 s0, $0x4  }
0x8: {  	s14 =	simm.s32 $0xF;
	s0 =	ssub.s32 $0x2, s0;
	s3 =	sor.u32 s4, s3  }
0x9: {  	s15 =	simm.s32 $0x10;
	s7 =	sshrl.u32 s0, $0x1;
	s5 =	smul.u32 $0xC80, s3  }
0xa: {  	[smem:$0x7FF] =	sst s18;
	s6 =	smul.u32 $0x32000, s3;
	s0 =	ssub.s32 s0, s7  }
0xb: {  	_ =	strace $0x80000047;
	s4 =	sadd.s32 $0xF42E00, s1;
	s0 =	smax.u32 s0, $0x1  }
0xc: {  	s1 =	sadd.s32 s5, s1;
	s21 =	sadd.s32 s2, s6;
	[dreg:$0xc] =	wrdreg s0  }
0xd: {  	s8 =	smul.u32 $0x190000, s3;
	s1 =	sadd.s32 $0xA00, s1;
	[dreg:$0x4] =	wrdreg s21  }
0xe: {  	s5 =	sshll.u32 s3, $0x7;
	s6 =	sadd.s32 $0x640, s21;
	[dreg:$0x3] =	wrdreg s1  }
0xf: {  	s22 =	sshrl.u32 s8, $0x3;
	s23 =	sadd.s32 $0xC80, s21;
	[dreg:$0x5] =	wrdreg s6  }
0x10: {  	s3 =	sadd.s32 $0x12C0, s21;
	[dreg:$0x6] =	wrdreg s23;
	s1 =	sadd.s32 s2, s22  }
0x11: {  	s7 =	simm.s32 $0x0;
	[dreg:$0x7] =	wrdreg s3;
	s24 =	sadd.s32 $0x30700, s1  }
0x12: {  	s0 =	simm.s32 $0x9;
	s25 =	sadd.s32 $0x30D40, s1;
	[dreg:$0x8] =	wrdreg s24  }
0x13: {  	s8 =	simm.s32 $0x7;
	s26 =	sadd.s32 $0x31380, s1;
	[dreg:$0x9] =	wrdreg s25  }
0x14: {  	s22 =	simm.s32 $0x6;
	s1 =	sadd.s32 $0x319C0, s1;
	[dreg:$0xa] =	wrdreg s26  }
0x15: {  	s6 =	simm.s32 $0xA;
	[dreg:$0xb] =	wrdreg s1;
	s26 =	simm.s32 $0x9600  }
0x16: {  	s24 =	simm.s32 $0x1;
	s1 =	simm.s32 $0x19000;
	s25 =	simm.s32 $0x1C200  }
.LBB2_1:
0x17: {  	[dreg:$0xd] =	wrdreg s7  }
0x18: {  	s3 =	rddreg [dreg:$0x3];
	s16 =	simm.s32 $0x11  }
0x19: {  	[tilespmem:s18], [sflag:$0x11] =	stream.linear.gather [hbm4b:s3+s18], $0x6400, $0x38;
	[tilespmem:$0x1F400] =	vst v63  }
0x1a: {  	_ =	swait.ge [sflag:s16], $0x6400  }
0x1b: {  	[sflag:s16] =	ssyncset.done $0x0  }
0x1c: {  	[sflag:s16] =	ssyncadd.s32 $0xFFFF9C00  }
0x1d: {  	[tilespmem:s30], [sflag:$0x1] =	stream.indirect.gather [hbm4b:s4+s17], $0x40, s18, s17, $0xb8;
	[tilespmem:$0x1F400] =	vst v63  }
0x1e: {  	_ = 	snop  }
0x1f: {  	[tilespmem:s26], [sflag:$0x2] =	stream.indirect.gather [hbm4b:s4+s17], $0x40, s17, s17, $0xb8;
	[tilespmem:$0x1F400] =	vst v63  }
0x20: {  	s19 =	simm.s32 $0xC800;
	s18 =	simm.s32 $0x190  }
0x21: {  	[tilespmem:s19], [sflag:$0x3] =	stream.indirect.gather [hbm4b:s4+s17], $0x40, s18, s17, $0xb8;
	[tilespmem:$0x1F400] =	vst v63  }
0x22: {  	s21 =	simm.s32 $0x258;
	s23 =	simm.s32 $0xFA00  }
0x23: {  	[tilespmem:s23], [sflag:$0x4] =	stream.indirect.gather [hbm4b:s4+s17], $0x40, s21, s17, $0xb8;
	[tilespmem:$0x1F400] =	vst v63  }
0x24: {  	_ =	swait.ge [sflag:s24], $0x3200  }
0x25: {  	[sflag:s24] =	ssyncset.done $0x0  }
0x26: {  	s3 =	simm.s32 $0x0;
	[sflag:s24] =	ssyncadd.s32 $0xFFFFCE00  }
0x27: {  	v0 =	vld [tilespmem:s3+$0x6400]  }
0x28: {  	v1 =	vld [tilespmem:s3+$0x6410]  }
0x29: {  	v2 =	vld [tilespmem:s3+$0x6420]  }
0x2a: {  	v3 =	vld [tilespmem:s3+$0x6430]  }
0x2b: {  	v4 =	vld [tilespmem:s3+$0x6440]  }
0x2c: {  	v5 =	vld [tilespmem:s3+$0x6450];
	v0 =	vmul.f32 $8.000000000e+00, v0  }
0x2d: {  	v6 =	vld [tilespmem:s3+$0x6460];
	v1 =	vmul.f32 $8.000000000e+00, v1  }
0x2e: {  	v7 =	vld [tilespmem:s3+$0x6470];
	[tilespmem:s3+$0x6400] =	vst v0;
	v0 =	vmul.f32 $8.000000000e+00, v2  }
0x2f: {  	v8 =	vld [tilespmem:s3+$0x6480];
	[tilespmem:s3+$0x6410] =	vst v1;
	v1 =	vmul.f32 $8.000000000e+00, v3  }
0x30: {  	v9 =	vld [tilespmem:s3+$0x6490];
	[tilespmem:s3+$0x6420] =	vst v0;
	v0 =	vmul.f32 $8.000000000e+00, v4  }
0x31: {  	v2 =	vmul.f32 $8.000000000e+00, v5;
	[tilespmem:s3+$0x6430] =	vst v1;
	v1 =	vld [tilespmem:s3+$0x64A0]  }
0x32: {  	v3 =	vmul.f32 $8.000000000e+00, v6;
	[tilespmem:s3+$0x6440] =	vst v0;
	v0 =	vld [tilespmem:s3+$0x64B0]  }
0x33: {  	[tilespmem:s3+$0x6450] =	vst v2;
	v2 =	vld [tilespmem:s3+$0x64C0];
	v4 =	vmul.f32 $8.000000000e+00, v7  }
0x34: {  	v6 =	vmul.f32 $8.000000000e+00, v8;
	[tilespmem:s3+$0x6460] =	vst v3;
	v3 =	vld [tilespmem:s3+$0x64D0]  }
0x35: {  	s7 =	simm.s32 $0x400;
	v5 =	vmul.f32 $8.000000000e+00, v9;
	[tilespmem:s3+$0x6470] =	vst v4;
	v4 =	vld [tilespmem:s3+$0x64E0]  }
.LBB2_2:
0x36: {  	s16 =	sshra.s32 s7, $0x2;
	p0 =	sne.s32 s7, $0xC400;
	[tilespmem:s3+$0x6480] =	vst v6;
	v1 =	vmul.f32 $8.000000000e+00, v1;
	v6 =	vld [tilespmem:s3+$0x64F0]  }
0x37: {  	v7 =	vld [tilespmem:s16+$0x6400];
	[tilespmem:s3+$0x6490] =	vst v5;
	v0 =	vmul.f32 $8.000000000e+00, v0  }
0x38: {  	v5 =	vld [tilespmem:s16+$0x6410];
	[tilespmem:s3+$0x64A0] =	vst v1;
	v1 =	vmul.f32 $8.000000000e+00, v2  }
0x39: {  	v2 =	vld [tilespmem:s16+$0x6420];
	[tilespmem:s3+$0x64B0] =	vst v0;
	v0 =	vmul.f32 $8.000000000e+00, v3  }
0x3a: {  	v3 =	vld [tilespmem:s16+$0x6430];
	[tilespmem:s3+$0x64C0] =	vst v1;
	v1 =	vmul.f32 $8.000000000e+00, v4  }
0x3b: {  	v4 =	vld [tilespmem:s16+$0x6440];
	[tilespmem:s3+$0x64D0] =	vst v0;
	v0 =	vmul.f32 $8.000000000e+00, v6  }
0x3c: {  	v6 =	vmul.f32 $8.000000000e+00, v7;
	v7 =	vld [tilespmem:s16+$0x6450];
	[tilespmem:s3+$0x64E0] =	vst v1  }
0x3d: {  	v1 =	vmul.f32 $8.000000000e+00, v5;
	v5 =	vld [tilespmem:s16+$0x6460];
	[tilespmem:s3+$0x64F0] =	vst v0;
	s3 =	smov.u32 s16  }
0x3e: {  	[tilespmem:s3+$0x6400] =	vst v6;
	v0 =	vmul.f32 $8.000000000e+00, v2;
	v2 =	vld [tilespmem:s3+$0x6470]  }
0x3f: {  	[tilespmem:s3+$0x6410] =	vst v1;
	v1 =	vmul.f32 $8.000000000e+00, v3;
	v3 =	vld [tilespmem:s3+$0x6480]  }
0x40: {  	[tilespmem:s3+$0x6420] =	vst v0;
	v0 =	vmul.f32 $8.000000000e+00, v4;
	v4 =	vld [tilespmem:s3+$0x6490]  }
.Ltmp0:
0x41: {  	[tilespmem:s3+$0x6430] =	vst v1;
	v6 =	vmul.f32 $8.000000000e+00, v7;
	v1 =	vld [tilespmem:s3+$0x64A0];
	(pc) =	sbr.rel @p0 .LBB2_2-.Ltmp0, $4  }
0x42: {  	[tilespmem:s3+$0x6440] =	vst v0;
	v5 =	vmul.f32 $8.000000000e+00, v5;
	v0 =	vld [tilespmem:s3+$0x64B0]  }
0x43: {  	[tilespmem:s3+$0x6450] =	vst v6;
	v7 =	vmul.f32 $8.000000000e+00, v2;
	v2 =	vld [tilespmem:s3+$0x64C0]  }
0x44: {  	[tilespmem:s3+$0x6460] =	vst v5;
	v6 =	vmul.f32 $8.000000000e+00, v3;
	v3 =	vld [tilespmem:s3+$0x64D0]  }
0x45: {  	s7 =	sadd.s32 $0x400, s7;
	[tilespmem:s3+$0x6470] =	vst v7;
	v5 =	vmul.f32 $8.000000000e+00, v4;
	v4 =	vld [tilespmem:s3+$0x64E0]  }
0x46: {  	[tilespmem:s3+$0x6480] =	vst v6;
	v1 =	vmul.f32 $8.000000000e+00, v1;
	v6 =	vld [tilespmem:s3+$0x64F0]  }
0x47: {  	[tilespmem:s3+$0x6490] =	vst v5;
	v0 =	vmul.f32 $8.000000000e+00, v0  }
0x48: {  	[tilespmem:s3+$0x64A0] =	vst v1;
	v1 =	vmul.f32 $8.000000000e+00, v2  }
0x49: {  	[tilespmem:s3+$0x64B0] =	vst v0;
	v0 =	vmul.f32 $8.000000000e+00, v3  }
0x4a: {  	[tilespmem:s3+$0x64C0] =	vst v1;
	v1 =	vmul.f32 $8.000000000e+00, v4  }
0x4b: {  	[tilespmem:s3+$0x64D0] =	vst v0;
	v0 =	vmul.f32 $8.000000000e+00, v6  }
0x4c: {  	[tilespmem:s3+$0x64E0] =	vst v1  }
0x4d: {  	s19 =	simm.s32 $0x0;
	s7 =	rddreg [dreg:$0x4];
	[tilespmem:s3+$0x64F0] =	vst v0  }
0x4e: {  	[hbm4b:s7+s19] =	stream.linear.scatter [tilespmem:s30], [sflag:$0x9], $0x3200, $0x38;
	[tilespmem:$0x1F400] =	vst v63  }
0x4f: {  	s21 =	simm.s32 $0x320;
	s23 =	simm.s32 $0x12C00  }
0x50: {  	[tilespmem:s23], [sflag:$0x5] =	stream.indirect.gather [hbm4b:s4+s17], $0x40, s21, s17, $0xb8;
	[tilespmem:$0x1F400] =	vst v63  }
0x51: {  	_ =	swait.ge [sflag:s28], $0x3200  }
0x52: {  	[sflag:s28] =	ssyncset.done $0x0  }
0x53: {  	s3 =	simm.s32 $0x0;
	[sflag:s28] =	ssyncadd.s32 $0xFFFFCE00  }
0x54: {  	v0 =	vld [tilespmem:s3+$0x9600]  }
0x55: {  	v1 =	vld [tilespmem:s3+$0x9610]  }
0x56: {  	v2 =	vld [tilespmem:s3+$0x9620]  }
0x57: {  	v3 =	vld [tilespmem:s3+$0x9630]  }
0x58: {  	v4 =	vld [tilespmem:s3+$0x9640]  }
0x59: {  	v5 =	vld [tilespmem:s3+$0x9650];
	v0 =	vmul.f32 $8.000000000e+00, v0  }
0x5a: {  	v6 =	vld [tilespmem:s3+$0x9660];
	v1 =	vmul.f32 $8.000000000e+00, v1  }
0x5b: {  	v7 =	vld [tilespmem:s3+$0x9670];
	[tilespmem:s3+$0x9600] =	vst v0;
	v0 =	vmul.f32 $8.000000000e+00, v2  }
0x5c: {  	v8 =	vld [tilespmem:s3+$0x9680];
	[tilespmem:s3+$0x9610] =	vst v1;
	v1 =	vmul.f32 $8.000000000e+00, v3  }
0x5d: {  	v9 =	vld [tilespmem:s3+$0x9690];
	[tilespmem:s3+$0x9620] =	vst v0;
	v0 =	vmul.f32 $8.000000000e+00, v4  }
0x5e: {  	v2 =	vmul.f32 $8.000000000e+00, v5;
	[tilespmem:s3+$0x9630] =	vst v1;
	v1 =	vld [tilespmem:s3+$0x96A0]  }
0x5f: {  	v3 =	vmul.f32 $8.000000000e+00, v6;
	[tilespmem:s3+$0x9640] =	vst v0;
	v0 =	vld [tilespmem:s3+$0x96B0]  }
0x60: {  	[tilespmem:s3+$0x9650] =	vst v2;
	v2 =	vld [tilespmem:s3+$0x96C0];
	v4 =	vmul.f32 $8.000000000e+00, v7  }
0x61: {  	v6 =	vmul.f32 $8.000000000e+00, v8;
	[tilespmem:s3+$0x9660] =	vst v3;
	v3 =	vld [tilespmem:s3+$0x96D0]  }
0x62: {  	s7 =	simm.s32 $0x400;
	v5 =	vmul.f32 $8.000000000e+00, v9;
	[tilespmem:s3+$0x9670] =	vst v4;
	v4 =	vld [tilespmem:s3+$0x96E0]  }
.LBB2_4:
0x63: {  	s16 =	sshra.s32 s7, $0x2;
	p0 =	sne.s32 s7, $0xC400;
	[tilespmem:s3+$0x9680] =	vst v6;
	v1 =	vmul.f32 $8.000000000e+00, v1;
	v6 =	vld [tilespmem:s3+$0x96F0]  }
0x64: {  	v7 =	vld [tilespmem:s16+$0x9600];
	[tilespmem:s3+$0x9690] =	vst v5;
	v0 =	vmul.f32 $8.000000000e+00, v0  }
0x65: {  	v5 =	vld [tilespmem:s16+$0x9610];
	[tilespmem:s3+$0x96A0] =	vst v1;
	v1 =	vmul.f32 $8.000000000e+00, v2  }
0x66: {  	v2 =	vld [tilespmem:s16+$0x9620];
	[tilespmem:s3+$0x96B0] =	vst v0;
	v0 =	vmul.f32 $8.000000000e+00, v3  }
0x67: {  	v3 =	vld [tilespmem:s16+$0x9630];
	[tilespmem:s3+$0x96C0] =	vst v1;
	v1 =	vmul.f32 $8.000000000e+00, v4  }
0x68: {  	v4 =	vld [tilespmem:s16+$0x9640];
	[tilespmem:s3+$0x96D0] =	vst v0;
	v0 =	vmul.f32 $8.000000000e+00, v6  }
0x69: {  	v6 =	vmul.f32 $8.000000000e+00, v7;
	v7 =	vld [tilespmem:s16+$0x9650];
	[tilespmem:s3+$0x96E0] =	vst v1  }
0x6a: {  	v1 =	vmul.f32 $8.000000000e+00, v5;
	v5 =	vld [tilespmem:s16+$0x9660];
	[tilespmem:s3+$0x96F0] =	vst v0;
	s3 =	smov.u32 s16  }
0x6b: {  	[tilespmem:s3+$0x9600] =	vst v6;
	v0 =	vmul.f32 $8.000000000e+00, v2;
	v2 =	vld [tilespmem:s3+$0x9670]  }
0x6c: {  	[tilespmem:s3+$0x9610] =	vst v1;
	v1 =	vmul.f32 $8.000000000e+00, v3;
	v3 =	vld [tilespmem:s3+$0x9680]  }
0x6d: {  	[tilespmem:s3+$0x9620] =	vst v0;
	v0 =	vmul.f32 $8.000000000e+00, v4;
	v4 =	vld [tilespmem:s3+$0x9690]  }
.Ltmp1:
0x6e: {  	[tilespmem:s3+$0x9630] =	vst v1;
	v6 =	vmul.f32 $8.000000000e+00, v7;
	v1 =	vld [tilespmem:s3+$0x96A0];
	(pc) =	sbr.rel @p0 .LBB2_4-.Ltmp1, $4  }
0x6f: {  	[tilespmem:s3+$0x9640] =	vst v0;
	v5 =	vmul.f32 $8.000000000e+00, v5;
	v0 =	vld [tilespmem:s3+$0x96B0]  }
0x70: {  	[tilespmem:s3+$0x9650] =	vst v6;
	v7 =	vmul.f32 $8.000000000e+00, v2;
	v2 =	vld [tilespmem:s3+$0x96C0]  }
0x71: {  	[tilespmem:s3+$0x9660] =	vst v5;
	v6 =	vmul.f32 $8.000000000e+00, v3;
	v3 =	vld [tilespmem:s3+$0x96D0]  }
0x72: {  	s7 =	sadd.s32 $0x400, s7;
	[tilespmem:s3+$0x9670] =	vst v7;
	v5 =	vmul.f32 $8.000000000e+00, v4;
	v4 =	vld [tilespmem:s3+$0x96E0]  }
0x73: {  	[tilespmem:s3+$0x9680] =	vst v6;
	v1 =	vmul.f32 $8.000000000e+00, v1;
	v6 =	vld [tilespmem:s3+$0x96F0]  }
0x74: {  	[tilespmem:s3+$0x9690] =	vst v5;
	v0 =	vmul.f32 $8.000000000e+00, v0  }
0x75: {  	[tilespmem:s3+$0x96A0] =	vst v1;
	v1 =	vmul.f32 $8.000000000e+00, v2  }
0x76: {  	[tilespmem:s3+$0x96B0] =	vst v0;
	v0 =	vmul.f32 $8.000000000e+00, v3  }
0x77: {  	[tilespmem:s3+$0x96C0] =	vst v1;
	v1 =	vmul.f32 $8.000000000e+00, v4  }
0x78: {  	[tilespmem:s3+$0x96D0] =	vst v0;
	v0 =	vmul.f32 $8.000000000e+00, v6  }
0x79: {  	[tilespmem:s3+$0x96E0] =	vst v1  }
0x7a: {  	s19 =	simm.s32 $0x0;
	s7 =	rddreg [dreg:$0x5];
	[tilespmem:s3+$0x96F0] =	vst v0  }
0x7b: {  	[hbm4b:s7+s19] =	stream.linear.scatter [tilespmem:s26], [sflag:$0xA], $0x3200, $0x38;
	[tilespmem:$0x1F400] =	vst v63  }
0x7c: {  	s21 =	simm.s32 $0x3E8;
	s23 =	simm.s32 $0x15E00  }
0x7d: {  	[tilespmem:s23], [sflag:$0x6] =	stream.indirect.gather [hbm4b:s4+s17], $0x40, s21, s17, $0xb8;
	[tilespmem:$0x1F400] =	vst v63  }
0x7e: {  	_ =	swait.ge [sflag:s31], $0x3200  }
0x7f: {  	[sflag:s31] =	ssyncset.done $0x0  }
0x80: {  	s3 =	simm.s32 $0x0;
	[sflag:s31] =	ssyncadd.s32 $0xFFFFCE00  }
0x81: {  	v0 =	vld [tilespmem:s3+$0xC800]  }
0x82: {  	v1 =	vld [tilespmem:s3+$0xC810]  }
0x83: {  	v2 =	vld [tilespmem:s3+$0xC820]  }
0x84: {  	v3 =	vld [tilespmem:s3+$0xC830]  }
0x85: {  	v4 =	vld [tilespmem:s3+$0xC840]  }
0x86: {  	v5 =	vld [tilespmem:s3+$0xC850];
	v0 =	vmul.f32 $8.000000000e+00, v0  }
0x87: {  	v6 =	vld [tilespmem:s3+$0xC860];
	v1 =	vmul.f32 $8.000000000e+00, v1  }
0x88: {  	v7 =	vld [tilespmem:s3+$0xC870];
	[tilespmem:s3+$0xC800] =	vst v0;
	v0 =	vmul.f32 $8.000000000e+00, v2  }
0x89: {  	v8 =	vld [tilespmem:s3+$0xC880];
	[tilespmem:s3+$0xC810] =	vst v1;
	v1 =	vmul.f32 $8.000000000e+00, v3  }
0x8a: {  	v9 =	vld [tilespmem:s3+$0xC890];
	[tilespmem:s3+$0xC820] =	vst v0;
	v0 =	vmul.f32 $8.000000000e+00, v4  }
0x8b: {  	v2 =	vmul.f32 $8.000000000e+00, v5;
	[tilespmem:s3+$0xC830] =	vst v1;
	v1 =	vld [tilespmem:s3+$0xC8A0]  }
0x8c: {  	v3 =	vmul.f32 $8.000000000e+00, v6;
	[tilespmem:s3+$0xC840] =	vst v0;
	v0 =	vld [tilespmem:s3+$0xC8B0]  }
0x8d: {  	[tilespmem:s3+$0xC850] =	vst v2;
	v2 =	vld [tilespmem:s3+$0xC8C0];
	v4 =	vmul.f32 $8.000000000e+00, v7  }
0x8e: {  	v6 =	vmul.f32 $8.000000000e+00, v8;
	[tilespmem:s3+$0xC860] =	vst v3;
	v3 =	vld [tilespmem:s3+$0xC8D0]  }
0x8f: {  	s7 =	simm.s32 $0x400;
	v5 =	vmul.f32 $8.000000000e+00, v9;
	[tilespmem:s3+$0xC870] =	vst v4;
	v4 =	vld [tilespmem:s3+$0xC8E0]  }
.LBB2_6:
0x90: {  	s16 =	sshra.s32 s7, $0x2;
	p0 =	sne.s32 s7, $0xC400;
	[tilespmem:s3+$0xC880] =	vst v6;
	v1 =	vmul.f32 $8.000000000e+00, v1;
	v6 =	vld [tilespmem:s3+$0xC8F0]  }
0x91: {  	v7 =	vld [tilespmem:s16+$0xC800];
	[tilespmem:s3+$0xC890] =	vst v5;
	v0 =	vmul.f32 $8.000000000e+00, v0  }
0x92: {  	v5 =	vld [tilespmem:s16+$0xC810];
	[tilespmem:s3+$0xC8A0] =	vst v1;
	v1 =	vmul.f32 $8.000000000e+00, v2  }
0x93: {  	v2 =	vld [tilespmem:s16+$0xC820];
	[tilespmem:s3+$0xC8B0] =	vst v0;
	v0 =	vmul.f32 $8.000000000e+00, v3  }
0x94: {  	v3 =	vld [tilespmem:s16+$0xC830];
	[tilespmem:s3+$0xC8C0] =	vst v1;
	v1 =	vmul.f32 $8.000000000e+00, v4  }
0x95: {  	v4 =	vld [tilespmem:s16+$0xC840];
	[tilespmem:s3+$0xC8D0] =	vst v0;
	v0 =	vmul.f32 $8.000000000e+00, v6  }
0x96: {  	v6 =	vmul.f32 $8.000000000e+00, v7;
	v7 =	vld [tilespmem:s16+$0xC850];
	[tilespmem:s3+$0xC8E0] =	vst v1  }
0x97: {  	v1 =	vmul.f32 $8.000000000e+00, v5;
	v5 =	vld [tilespmem:s16+$0xC860];
	[tilespmem:s3+$0xC8F0] =	vst v0;
	s3 =	smov.u32 s16  }
0x98: {  	[tilespmem:s3+$0xC800] =	vst v6;
	v0 =	vmul.f32 $8.000000000e+00, v2;
	v2 =	vld [tilespmem:s3+$0xC870]  }
0x99: {  	[tilespmem:s3+$0xC810] =	vst v1;
	v1 =	vmul.f32 $8.000000000e+00, v3;
	v3 =	vld [tilespmem:s3+$0xC880]  }
0x9a: {  	[tilespmem:s3+$0xC820] =	vst v0;
	v0 =	vmul.f32 $8.000000000e+00, v4;
	v4 =	vld [tilespmem:s3+$0xC890]  }
.Ltmp2:
0x9b: {  	[tilespmem:s3+$0xC830] =	vst v1;
	v6 =	vmul.f32 $8.000000000e+00, v7;
	v1 =	vld [tilespmem:s3+$0xC8A0];
	(pc) =	sbr.rel @p0 .LBB2_6-.Ltmp2, $4  }
0x9c: {  	[tilespmem:s3+$0xC840] =	vst v0;
	v5 =	vmul.f32 $8.000000000e+00, v5;
	v0 =	vld [tilespmem:s3+$0xC8B0]  }
0x9d: {  	[tilespmem:s3+$0xC850] =	vst v6;
	v7 =	vmul.f32 $8.000000000e+00, v2;
	v2 =	vld [tilespmem:s3+$0xC8C0]  }
0x9e: {  	[tilespmem:s3+$0xC860] =	vst v5;
	v6 =	vmul.f32 $8.000000000e+00, v3;
	v3 =	vld [tilespmem:s3+$0xC8D0]  }
0x9f: {  	s7 =	sadd.s32 $0x400, s7;
	[tilespmem:s3+$0xC870] =	vst v7;
	v5 =	vmul.f32 $8.000000000e+00, v4;
	v4 =	vld [tilespmem:s3+$0xC8E0]  }
0xa0: {  	[tilespmem:s3+$0xC880] =	vst v6;
	v1 =	vmul.f32 $8.000000000e+00, v1;
	v6 =	vld [tilespmem:s3+$0xC8F0]  }
0xa1: {  	[tilespmem:s3+$0xC890] =	vst v5;
	v0 =	vmul.f32 $8.000000000e+00, v0  }
0xa2: {  	[tilespmem:s3+$0xC8A0] =	vst v1;
	v1 =	vmul.f32 $8.000000000e+00, v2  }
0xa3: {  	[tilespmem:s3+$0xC8B0] =	vst v0;
	v0 =	vmul.f32 $8.000000000e+00, v3  }
0xa4: {  	[tilespmem:s3+$0xC8C0] =	vst v1;
	v1 =	vmul.f32 $8.000000000e+00, v4  }
0xa5: {  	[tilespmem:s3+$0xC8D0] =	vst v0;
	v0 =	vmul.f32 $8.000000000e+00, v6  }
0xa6: {  	[tilespmem:s3+$0xC8E0] =	vst v1  }
0xa7: {  	s21 =	simm.s32 $0x0;
	s7 =	rddreg [dreg:$0x6];
	s16 =	simm.s32 $0xC800;
	[tilespmem:s3+$0xC8F0] =	vst v0  }
0xa8: {  	[hbm4b:s7+s21] =	stream.linear.scatter [tilespmem:s16], [sflag:$0xB], $0x3200, $0x38;
	[tilespmem:$0x1F400] =	vst v63  }
0xa9: {  	s23 =	simm.s32 $0x4B0  }
0xaa: {  	[tilespmem:s1], [sflag:$0x7] =	stream.indirect.gather [hbm4b:s4+s17], $0x40, s23, s17, $0xb8;
	[tilespmem:$0x1F400] =	vst v63  }
0xab: {  	_ =	swait.ge [sflag:s20], $0x3200  }
0xac: {  	[sflag:s20] =	ssyncset.done $0x0  }
0xad: {  	s3 =	simm.s32 $0x0;
	[sflag:s20] =	ssyncadd.s32 $0xFFFFCE00  }
0xae: {  	v0 =	vld [tilespmem:s3+$0xFA00]  }
0xaf: {  	v1 =	vld [tilespmem:s3+$0xFA10]  }
0xb0: {  	v2 =	vld [tilespmem:s3+$0xFA20]  }
0xb1: {  	v3 =	vld [tilespmem:s3+$0xFA30]  }
0xb2: {  	v4 =	vld [tilespmem:s3+$0xFA40]  }
0xb3: {  	v5 =	vld [tilespmem:s3+$0xFA50];
	v0 =	vmul.f32 $8.000000000e+00, v0  }
0xb4: {  	v6 =	vld [tilespmem:s3+$0xFA60];
	v1 =	vmul.f32 $8.000000000e+00, v1  }
0xb5: {  	v7 =	vld [tilespmem:s3+$0xFA70];
	[tilespmem:s3+$0xFA00] =	vst v0;
	v0 =	vmul.f32 $8.000000000e+00, v2  }
0xb6: {  	v8 =	vld [tilespmem:s3+$0xFA80];
	[tilespmem:s3+$0xFA10] =	vst v1;
	v1 =	vmul.f32 $8.000000000e+00, v3  }
0xb7: {  	v9 =	vld [tilespmem:s3+$0xFA90];
	[tilespmem:s3+$0xFA20] =	vst v0;
	v0 =	vmul.f32 $8.000000000e+00, v4  }
0xb8: {  	v2 =	vmul.f32 $8.000000000e+00, v5;
	[tilespmem:s3+$0xFA30] =	vst v1;
	v1 =	vld [tilespmem:s3+$0xFAA0]  }
0xb9: {  	v3 =	vmul.f32 $8.000000000e+00, v6;
	[tilespmem:s3+$0xFA40] =	vst v0;
	v0 =	vld [tilespmem:s3+$0xFAB0]  }
0xba: {  	[tilespmem:s3+$0xFA50] =	vst v2;
	v2 =	vld [tilespmem:s3+$0xFAC0];
	v4 =	vmul.f32 $8.000000000e+00, v7  }
0xbb: {  	v6 =	vmul.f32 $8.000000000e+00, v8;
	[tilespmem:s3+$0xFA60] =	vst v3;
	v3 =	vld [tilespmem:s3+$0xFAD0]  }
0xbc: {  	s7 =	simm.s32 $0x400;
	v5 =	vmul.f32 $8.000000000e+00, v9;
	[tilespmem:s3+$0xFA70] =	vst v4;
	v4 =	vld [tilespmem:s3+$0xFAE0]  }
.LBB2_8:
0xbd: {  	s16 =	sshra.s32 s7, $0x2;
	p0 =	sne.s32 s7, $0xC400;
	[tilespmem:s3+$0xFA80] =	vst v6;
	v1 =	vmul.f32 $8.000000000e+00, v1;
	v6 =	vld [tilespmem:s3+$0xFAF0]  }
0xbe: {  	v7 =	vld [tilespmem:s16+$0xFA00];
	[tilespmem:s3+$0xFA90] =	vst v5;
	v0 =	vmul.f32 $8.000000000e+00, v0  }
0xbf: {  	v5 =	vld [tilespmem:s16+$0xFA10];
	[tilespmem:s3+$0xFAA0] =	vst v1;
	v1 =	vmul.f32 $8.000000000e+00, v2  }
0xc0: {  	v2 =	vld [tilespmem:s16+$0xFA20];
	[tilespmem:s3+$0xFAB0] =	vst v0;
	v0 =	vmul.f32 $8.000000000e+00, v3  }
0xc1: {  	v3 =	vld [tilespmem:s16+$0xFA30];
	[tilespmem:s3+$0xFAC0] =	vst v1;
	v1 =	vmul.f32 $8.000000000e+00, v4  }
0xc2: {  	v4 =	vld [tilespmem:s16+$0xFA40];
	[tilespmem:s3+$0xFAD0] =	vst v0;
	v0 =	vmul.f32 $8.000000000e+00, v6  }
0xc3: {  	v6 =	vmul.f32 $8.000000000e+00, v7;
	v7 =	vld [tilespmem:s16+$0xFA50];
	[tilespmem:s3+$0xFAE0] =	vst v1  }
0xc4: {  	v1 =	vmul.f32 $8.000000000e+00, v5;
	v5 =	vld [tilespmem:s16+$0xFA60];
	[tilespmem:s3+$0xFAF0] =	vst v0;
	s3 =	smov.u32 s16  }
0xc5: {  	[tilespmem:s3+$0xFA00] =	vst v6;
	v0 =	vmul.f32 $8.000000000e+00, v2;
	v2 =	vld [tilespmem:s3+$0xFA70]  }
0xc6: {  	[tilespmem:s3+$0xFA10] =	vst v1;
	v1 =	vmul.f32 $8.000000000e+00, v3;
	v3 =	vld [tilespmem:s3+$0xFA80]  }
0xc7: {  	[tilespmem:s3+$0xFA20] =	vst v0;
	v0 =	vmul.f32 $8.000000000e+00, v4;
	v4 =	vld [tilespmem:s3+$0xFA90]  }
.Ltmp3:
0xc8: {  	[tilespmem:s3+$0xFA30] =	vst v1;
	v6 =	vmul.f32 $8.000000000e+00, v7;
	v1 =	vld [tilespmem:s3+$0xFAA0];
	(pc) =	sbr.rel @p0 .LBB2_8-.Ltmp3, $4  }
0xc9: {  	[tilespmem:s3+$0xFA40] =	vst v0;
	v5 =	vmul.f32 $8.000000000e+00, v5;
	v0 =	vld [tilespmem:s3+$0xFAB0]  }
0xca: {  	[tilespmem:s3+$0xFA50] =	vst v6;
	v7 =	vmul.f32 $8.000000000e+00, v2;
	v2 =	vld [tilespmem:s3+$0xFAC0]  }
0xcb: {  	[tilespmem:s3+$0xFA60] =	vst v5;
	v6 =	vmul.f32 $8.000000000e+00, v3;
	v3 =	vld [tilespmem:s3+$0xFAD0]  }
0xcc: {  	s7 =	sadd.s32 $0x400, s7;
	[tilespmem:s3+$0xFA70] =	vst v7;
	v5 =	vmul.f32 $8.000000000e+00, v4;
	v4 =	vld [tilespmem:s3+$0xFAE0]  }
0xcd: {  	[tilespmem:s3+$0xFA80] =	vst v6;
	v1 =	vmul.f32 $8.000000000e+00, v1;
	v59 =	vld [tilespmem:s3+$0xFAF0]  }
0xce: {  	[tilespmem:s3+$0xFA90] =	vst v5;
	v0 =	vmul.f32 $8.000000000e+00, v0  }
0xcf: {  	[tilespmem:s3+$0xFAA0] =	vst v1;
	v60 =	vmul.f32 $8.000000000e+00, v2  }
0xd0: {  	[tilespmem:s3+$0xFAB0] =	vst v0;
	v61 =	vmul.f32 $8.000000000e+00, v3  }
0xd1: {  	[tilespmem:s3+$0xFAC0] =	vst v60;
	v62 =	vmul.f32 $8.000000000e+00, v4  }
0xd2: {  	[tilespmem:s3+$0xFAD0] =	vst v61;
	v63 =	vmul.f32 $8.000000000e+00, v59  }
0xd3: {  	[tilespmem:s3+$0xFAE0] =	vst v62  }
0xd4: {  	s16 =	simm.s32 $0x0;
	s21 =	rddreg [dreg:$0x7];
	s7 =	simm.s32 $0xFA00;
	[tilespmem:s3+$0xFAF0] =	vst v63  }
0xd5: {  	[hbm4b:s21+s16] =	stream.linear.scatter [tilespmem:s7], [sflag:$0xC], $0x3200, $0x38;
	[tilespmem:$0x1F400] =	vst v63  }
0xd6: {  	s23 =	simm.s32 $0x578  }
0xd7: {  	[tilespmem:s25], [sflag:$0x8] =	stream.indirect.gather [hbm4b:s4+s17], $0x40, s23, s17, $0xb8;
	[tilespmem:$0x1F400] =	vst v63  }
.LBB2_10:
0xd8: {  	_ =	swait.ge [sflag:s29], $0x3200  }
0xd9: {  	[sflag:s29] =	ssyncset.done $0x0  }
0xda: {  	s3 =	simm.s32 $0x0;
	[sflag:s29] =	ssyncadd.s32 $0xFFFFCE00  }
0xdb: {  	v0 =	vld [tilespmem:s3+$0x12C00]  }
0xdc: {  	v1 =	vld [tilespmem:s3+$0x12C10]  }
0xdd: {  	v2 =	vld [tilespmem:s3+$0x12C20]  }
0xde: {  	v3 =	vld [tilespmem:s3+$0x12C30]  }
0xdf: {  	v4 =	vld [tilespmem:s3+$0x12C40]  }
0xe0: {  	v5 =	vld [tilespmem:s3+$0x12C50];
	v0 =	vmul.f32 $8.000000000e+00, v0  }
0xe1: {  	v6 =	vld [tilespmem:s3+$0x12C60];
	v1 =	vmul.f32 $8.000000000e+00, v1  }
0xe2: {  	v7 =	vld [tilespmem:s3+$0x12C70];
	[tilespmem:s3+$0x12C00] =	vst v0;
	v0 =	vmul.f32 $8.000000000e+00, v2  }
0xe3: {  	v8 =	vld [tilespmem:s3+$0x12C80];
	[tilespmem:s3+$0x12C10] =	vst v1;
	v1 =	vmul.f32 $8.000000000e+00, v3  }
0xe4: {  	v9 =	vld [tilespmem:s3+$0x12C90];
	[tilespmem:s3+$0x12C20] =	vst v0;
	v0 =	vmul.f32 $8.000000000e+00, v4  }
0xe5: {  	v2 =	vmul.f32 $8.000000000e+00, v5;
	[tilespmem:s3+$0x12C30] =	vst v1;
	v1 =	vld [tilespmem:s3+$0x12CA0]  }
0xe6: {  	v3 =	vmul.f32 $8.000000000e+00, v6;
	[tilespmem:s3+$0x12C40] =	vst v0;
	v0 =	vld [tilespmem:s3+$0x12CB0]  }
0xe7: {  	[tilespmem:s3+$0x12C50] =	vst v2;
	v2 =	vld [tilespmem:s3+$0x12CC0];
	v4 =	vmul.f32 $8.000000000e+00, v7  }
0xe8: {  	v6 =	vmul.f32 $8.000000000e+00, v8;
	[tilespmem:s3+$0x12C60] =	vst v3;
	v3 =	vld [tilespmem:s3+$0x12CD0]  }
0xe9: {  	s7 =	simm.s32 $0x400;
	v5 =	vmul.f32 $8.000000000e+00, v9;
	[tilespmem:s3+$0x12C70] =	vst v4;
	v4 =	vld [tilespmem:s3+$0x12CE0]  }
.LBB2_11:
0xea: {  	s18 =	sshra.s32 s7, $0x2;
	p0 =	sne.s32 s7, $0xC400;
	[tilespmem:s3+$0x12C80] =	vst v6;
	v1 =	vmul.f32 $8.000000000e+00, v1;
	v6 =	vld [tilespmem:s3+$0x12CF0]  }
0xeb: {  	v7 =	vld [tilespmem:s18+$0x12C00];
	[tilespmem:s3+$0x12C90] =	vst v5;
	v0 =	vmul.f32 $8.000000000e+00, v0  }
0xec: {  	v5 =	vld [tilespmem:s18+$0x12C10];
	[tilespmem:s3+$0x12CA0] =	vst v1;
	v1 =	vmul.f32 $8.000000000e+00, v2  }
0xed: {  	v2 =	vld [tilespmem:s18+$0x12C20];
	[tilespmem:s3+$0x12CB0] =	vst v0;
	v0 =	vmul.f32 $8.000000000e+00, v3  }
0xee: {  	v3 =	vld [tilespmem:s18+$0x12C30];
	[tilespmem:s3+$0x12CC0] =	vst v1;
	v1 =	vmul.f32 $8.000000000e+00, v4  }
0xef: {  	v4 =	vld [tilespmem:s18+$0x12C40];
	[tilespmem:s3+$0x12CD0] =	vst v0;
	v0 =	vmul.f32 $8.000000000e+00, v6  }
0xf0: {  	v6 =	vmul.f32 $8.000000000e+00, v7;
	v7 =	vld [tilespmem:s18+$0x12C50];
	[tilespmem:s3+$0x12CE0] =	vst v1  }
0xf1: {  	v1 =	vmul.f32 $8.000000000e+00, v5;
	v5 =	vld [tilespmem:s18+$0x12C60];
	[tilespmem:s3+$0x12CF0] =	vst v0;
	s3 =	smov.u32 s18  }
0xf2: {  	[tilespmem:s3+$0x12C00] =	vst v6;
	v0 =	vmul.f32 $8.000000000e+00, v2;
	v2 =	vld [tilespmem:s3+$0x12C70]  }
0xf3: {  	[tilespmem:s3+$0x12C10] =	vst v1;
	v1 =	vmul.f32 $8.000000000e+00, v3;
	v3 =	vld [tilespmem:s3+$0x12C80]  }
0xf4: {  	[tilespmem:s3+$0x12C20] =	vst v0;
	v0 =	vmul.f32 $8.000000000e+00, v4;
	v4 =	vld [tilespmem:s3+$0x12C90]  }
.Ltmp4:
0xf5: {  	[tilespmem:s3+$0x12C30] =	vst v1;
	v6 =	vmul.f32 $8.000000000e+00, v7;
	v1 =	vld [tilespmem:s3+$0x12CA0];
	(pc) =	sbr.rel @p0 .LBB2_11-.Ltmp4, $4  }
0xf6: {  	[tilespmem:s3+$0x12C40] =	vst v0;
	v5 =	vmul.f32 $8.000000000e+00, v5;
	v0 =	vld [tilespmem:s3+$0x12CB0]  }
0xf7: {  	[tilespmem:s3+$0x12C50] =	vst v6;
	v7 =	vmul.f32 $8.000000000e+00, v2;
	v2 =	vld [tilespmem:s3+$0x12CC0]  }
0xf8: {  	[tilespmem:s3+$0x12C60] =	vst v5;
	v6 =	vmul.f32 $8.000000000e+00, v3;
	v3 =	vld [tilespmem:s3+$0x12CD0]  }
0xf9: {  	s7 =	sadd.s32 $0x400, s7;
	[tilespmem:s3+$0x12C70] =	vst v7;
	v5 =	vmul.f32 $8.000000000e+00, v4;
	v4 =	vld [tilespmem:s3+$0x12CE0]  }
0xfa: {  	[tilespmem:s3+$0x12C80] =	vst v6;
	v1 =	vmul.f32 $8.000000000e+00, v1;
	v6 =	vld [tilespmem:s3+$0x12CF0]  }
0xfb: {  	[tilespmem:s3+$0x12C90] =	vst v5;
	v0 =	vmul.f32 $8.000000000e+00, v0  }
0xfc: {  	s18 =	sshll.u32 s16, $0x3;
	[tilespmem:s3+$0x12CA0] =	vst v1;
	v1 =	vmul.f32 $8.000000000e+00, v2  }
0xfd: {  	s7 =	sadd.s32 s18, s5;
	[tilespmem:s3+$0x12CB0] =	vst v0;
	v0 =	vmul.f32 $8.000000000e+00, v3  }
0xfe: {  	s7 =	smul.u32 $0x640, s7;
	[tilespmem:s3+$0x12CC0] =	vst v1;
	v1 =	vmul.f32 $8.000000000e+00, v4  }
0xff: {  	[tilespmem:s3+$0x12CD0] =	vst v0;
	v0 =	vmul.f32 $8.000000000e+00, v6  }
0x100: {  	s21 =	sadd.s32 s2, s7;
	[tilespmem:s3+$0x12CE0] =	vst v1  }
0x101: {  	s23 =	simm.s32 $0x0;
	s19 =	simm.s32 $0x12C00;
	s7 =	sadd.s32 $0x1900, s21;
	[tilespmem:s3+$0x12CF0] =	vst v0  }
0x102: {  	[hbm4b:s7+s23] =	stream.linear.scatter [tilespmem:s19], [sflag:$0xD], $0x3200, $0x38;
	[tilespmem:$0x1F400] =	vst v63  }
0x103: {  	s19 =	sadd.s32 $0x8, s18  }
0x104: {  	_ =	swait.ge [sflag:s0], $0x3200;
	s23 =	smul.u32 $0x320, s19  }
0x105: {  	[sflag:s0] =	ssyncset.done $0x0  }
0x106: {  	[sflag:s0] =	ssyncadd.s32 $0xFFFFCE00;
	s3 =	sshra.s32 s23, $0x2  }
0x107: {  	[tilespmem:s30], [sflag:$0x1] =	stream.indirect.gather [hbm4b:s4+s17], $0x40, s3, s17, $0xb8;
	[tilespmem:$0x1F400] =	vst v63  }
0x108: {  	_ =	swait.ge [sflag:s22], $0x3200  }
0x109: {  	[sflag:s22] =	ssyncset.done $0x0  }
0x10a: {  	s3 =	simm.s32 $0x0;
	[sflag:s22] =	ssyncadd.s32 $0xFFFFCE00  }
0x10b: {  	v0 =	vld [tilespmem:s3+$0x15E00]  }
0x10c: {  	v1 =	vld [tilespmem:s3+$0x15E10]  }
0x10d: {  	v2 =	vld [tilespmem:s3+$0x15E20]  }
0x10e: {  	v3 =	vld [tilespmem:s3+$0x15E30]  }
0x10f: {  	v4 =	vld [tilespmem:s3+$0x15E40]  }
0x110: {  	v5 =	vld [tilespmem:s3+$0x15E50];
	v0 =	vmul.f32 $8.000000000e+00, v0  }
0x111: {  	v6 =	vld [tilespmem:s3+$0x15E60];
	v1 =	vmul.f32 $8.000000000e+00, v1  }
0x112: {  	v7 =	vld [tilespmem:s3+$0x15E70];
	[tilespmem:s3+$0x15E00] =	vst v0;
	v0 =	vmul.f32 $8.000000000e+00, v2  }
0x113: {  	v8 =	vld [tilespmem:s3+$0x15E80];
	[tilespmem:s3+$0x15E10] =	vst v1;
	v1 =	vmul.f32 $8.000000000e+00, v3  }
0x114: {  	v9 =	vld [tilespmem:s3+$0x15E90];
	[tilespmem:s3+$0x15E20] =	vst v0;
	v0 =	vmul.f32 $8.000000000e+00, v4  }
0x115: {  	v2 =	vmul.f32 $8.000000000e+00, v5;
	[tilespmem:s3+$0x15E30] =	vst v1;
	v1 =	vld [tilespmem:s3+$0x15EA0]  }
0x116: {  	v3 =	vmul.f32 $8.000000000e+00, v6;
	[tilespmem:s3+$0x15E40] =	vst v0;
	v0 =	vld [tilespmem:s3+$0x15EB0]  }
0x117: {  	[tilespmem:s3+$0x15E50] =	vst v2;
	v2 =	vld [tilespmem:s3+$0x15EC0];
	v4 =	vmul.f32 $8.000000000e+00, v7  }
0x118: {  	v6 =	vmul.f32 $8.000000000e+00, v8;
	[tilespmem:s3+$0x15E60] =	vst v3;
	v3 =	vld [tilespmem:s3+$0x15ED0]  }
0x119: {  	s7 =	simm.s32 $0x400;
	v5 =	vmul.f32 $8.000000000e+00, v9;
	[tilespmem:s3+$0x15E70] =	vst v4;
	v4 =	vld [tilespmem:s3+$0x15EE0]  }
.LBB2_13:
0x11a: {  	s23 =	sshra.s32 s7, $0x2;
	p0 =	sne.s32 s7, $0xC400;
	[tilespmem:s3+$0x15E80] =	vst v6;
	v1 =	vmul.f32 $8.000000000e+00, v1;
	v6 =	vld [tilespmem:s3+$0x15EF0]  }
0x11b: {  	v7 =	vld [tilespmem:s23+$0x15E00];
	[tilespmem:s3+$0x15E90] =	vst v5;
	v0 =	vmul.f32 $8.000000000e+00, v0  }
0x11c: {  	v5 =	vld [tilespmem:s23+$0x15E10];
	[tilespmem:s3+$0x15EA0] =	vst v1;
	v1 =	vmul.f32 $8.000000000e+00, v2  }
0x11d: {  	v2 =	vld [tilespmem:s23+$0x15E20];
	[tilespmem:s3+$0x15EB0] =	vst v0;
	v0 =	vmul.f32 $8.000000000e+00, v3  }
0x11e: {  	v3 =	vld [tilespmem:s23+$0x15E30];
	[tilespmem:s3+$0x15EC0] =	vst v1;
	v1 =	vmul.f32 $8.000000000e+00, v4  }
0x11f: {  	v4 =	vld [tilespmem:s23+$0x15E40];
	[tilespmem:s3+$0x15ED0] =	vst v0;
	v0 =	vmul.f32 $8.000000000e+00, v6  }
0x120: {  	v6 =	vmul.f32 $8.000000000e+00, v7;
	v7 =	vld [tilespmem:s23+$0x15E50];
	[tilespmem:s3+$0x15EE0] =	vst v1  }
0x121: {  	v1 =	vmul.f32 $8.000000000e+00, v5;
	v5 =	vld [tilespmem:s23+$0x15E60];
	[tilespmem:s3+$0x15EF0] =	vst v0;
	s3 =	smov.u32 s23  }
0x122: {  	[tilespmem:s3+$0x15E00] =	vst v6;
	v0 =	vmul.f32 $8.000000000e+00, v2;
	v2 =	vld [tilespmem:s3+$0x15E70]  }
0x123: {  	[tilespmem:s3+$0x15E10] =	vst v1;
	v1 =	vmul.f32 $8.000000000e+00, v3;
	v3 =	vld [tilespmem:s3+$0x15E80]  }
0x124: {  	[tilespmem:s3+$0x15E20] =	vst v0;
	v0 =	vmul.f32 $8.000000000e+00, v4;
	v4 =	vld [tilespmem:s3+$0x15E90]  }
.Ltmp5:
0x125: {  	[tilespmem:s3+$0x15E30] =	vst v1;
	v6 =	vmul.f32 $8.000000000e+00, v7;
	v1 =	vld [tilespmem:s3+$0x15EA0];
	(pc) =	sbr.rel @p0 .LBB2_13-.Ltmp5, $4  }
0x126: {  	[tilespmem:s3+$0x15E40] =	vst v0;
	v5 =	vmul.f32 $8.000000000e+00, v5;
	v0 =	vld [tilespmem:s3+$0x15EB0]  }
0x127: {  	[tilespmem:s3+$0x15E50] =	vst v6;
	v7 =	vmul.f32 $8.000000000e+00, v2;
	v2 =	vld [tilespmem:s3+$0x15EC0]  }
0x128: {  	[tilespmem:s3+$0x15E60] =	vst v5;
	v6 =	vmul.f32 $8.000000000e+00, v3;
	v3 =	vld [tilespmem:s3+$0x15ED0]  }
0x129: {  	s7 =	sadd.s32 $0x400, s7;
	[tilespmem:s3+$0x15E70] =	vst v7;
	v5 =	vmul.f32 $8.000000000e+00, v4;
	v4 =	vld [tilespmem:s3+$0x15EE0]  }
0x12a: {  	[tilespmem:s3+$0x15E80] =	vst v6;
	v1 =	vmul.f32 $8.000000000e+00, v1;
	v6 =	vld [tilespmem:s3+$0x15EF0]  }
0x12b: {  	[tilespmem:s3+$0x15E90] =	vst v5;
	v0 =	vmul.f32 $8.000000000e+00, v0  }
0x12c: {  	[tilespmem:s3+$0x15EA0] =	vst v1;
	v1 =	vmul.f32 $8.000000000e+00, v2  }
0x12d: {  	[tilespmem:s3+$0x15EB0] =	vst v0;
	v0 =	vmul.f32 $8.000000000e+00, v3  }
0x12e: {  	[tilespmem:s3+$0x15EC0] =	vst v1;
	v1 =	vmul.f32 $8.000000000e+00, v4  }
0x12f: {  	[tilespmem:s3+$0x15ED0] =	vst v0;
	v0 =	vmul.f32 $8.000000000e+00, v6  }
0x130: {  	[tilespmem:s3+$0x15EE0] =	vst v1  }
0x131: {  	s30 =	sadd.s32 $0x1F40, s21;
	s7 =	simm.s32 $0x0;
	s23 =	simm.s32 $0x15E00;
	[tilespmem:s3+$0x15EF0] =	vst v0  }
0x132: {  	[hbm4b:s30+s7] =	stream.linear.scatter [tilespmem:s23], [sflag:$0xE], $0x3200, $0x38;
	[tilespmem:$0x1F400] =	vst v63  }
0x133: {  	s7 =	sadd.s32 $0x9, s18  }
0x134: {  	_ =	swait.ge [sflag:s6], $0x3200;
	s30 =	smul.u32 $0x320, s7  }
0x135: {  	[sflag:s6] =	ssyncset.done $0x0  }
0x136: {  	[sflag:s6] =	ssyncadd.s32 $0xFFFFCE00;
	s3 =	sshra.s32 s30, $0x2  }
0x137: {  	[tilespmem:s26], [sflag:$0x2] =	stream.indirect.gather [hbm4b:s4+s17], $0x40, s3, s17, $0xb8;
	[tilespmem:$0x1F400] =	vst v63  }
0x138: {  	_ =	swait.ge [sflag:s8], $0x3200  }
0x139: {  	[sflag:s8] =	ssyncset.done $0x0  }
0x13a: {  	s3 =	simm.s32 $0x0;
	[sflag:s8] =	ssyncadd.s32 $0xFFFFCE00  }
0x13b: {  	v0 =	vld [tilespmem:s3+$0x19000]  }
0x13c: {  	v1 =	vld [tilespmem:s3+$0x19010]  }
0x13d: {  	v2 =	vld [tilespmem:s3+$0x19020]  }
0x13e: {  	v3 =	vld [tilespmem:s3+$0x19030]  }
0x13f: {  	v4 =	vld [tilespmem:s3+$0x19040]  }
0x140: {  	v5 =	vld [tilespmem:s3+$0x19050];
	v0 =	vmul.f32 $8.000000000e+00, v0  }
0x141: {  	v6 =	vld [tilespmem:s3+$0x19060];
	v1 =	vmul.f32 $8.000000000e+00, v1  }
0x142: {  	v7 =	vld [tilespmem:s3+$0x19070];
	[tilespmem:s3+$0x19000] =	vst v0;
	v0 =	vmul.f32 $8.000000000e+00, v2  }
0x143: {  	v8 =	vld [tilespmem:s3+$0x19080];
	[tilespmem:s3+$0x19010] =	vst v1;
	v1 =	vmul.f32 $8.000000000e+00, v3  }
0x144: {  	v9 =	vld [tilespmem:s3+$0x19090];
	[tilespmem:s3+$0x19020] =	vst v0;
	v0 =	vmul.f32 $8.000000000e+00, v4  }
0x145: {  	v2 =	vmul.f32 $8.000000000e+00, v5;
	[tilespmem:s3+$0x19030] =	vst v1;
	v1 =	vld [tilespmem:s3+$0x190A0]  }
0x146: {  	v3 =	vmul.f32 $8.000000000e+00, v6;
	[tilespmem:s3+$0x19040] =	vst v0;
	v0 =	vld [tilespmem:s3+$0x190B0]  }
0x147: {  	[tilespmem:s3+$0x19050] =	vst v2;
	v2 =	vld [tilespmem:s3+$0x190C0];
	v4 =	vmul.f32 $8.000000000e+00, v7  }
0x148: {  	v6 =	vmul.f32 $8.000000000e+00, v8;
	[tilespmem:s3+$0x19060] =	vst v3;
	v3 =	vld [tilespmem:s3+$0x190D0]  }
0x149: {  	s23 =	simm.s32 $0x400;
	v5 =	vmul.f32 $8.000000000e+00, v9;
	[tilespmem:s3+$0x19070] =	vst v4;
	v4 =	vld [tilespmem:s3+$0x190E0]  }
.LBB2_15:
0x14a: {  	s26 =	sshra.s32 s23, $0x2;
	p0 =	sne.s32 s23, $0xC400;
	[tilespmem:s3+$0x19080] =	vst v6;
	v1 =	vmul.f32 $8.000000000e+00, v1;
	v6 =	vld [tilespmem:s3+$0x190F0]  }
0x14b: {  	v7 =	vld [tilespmem:s26+$0x19000];
	[tilespmem:s3+$0x19090] =	vst v5;
	v0 =	vmul.f32 $8.000000000e+00, v0  }
0x14c: {  	v5 =	vld [tilespmem:s26+$0x19010];
	[tilespmem:s3+$0x190A0] =	vst v1;
	v1 =	vmul.f32 $8.000000000e+00, v2  }
0x14d: {  	v2 =	vld [tilespmem:s26+$0x19020];
	[tilespmem:s3+$0x190B0] =	vst v0;
	v0 =	vmul.f32 $8.000000000e+00, v3  }
0x14e: {  	v3 =	vld [tilespmem:s26+$0x19030];
	[tilespmem:s3+$0x190C0] =	vst v1;
	v1 =	vmul.f32 $8.000000000e+00, v4  }
0x14f: {  	v4 =	vld [tilespmem:s26+$0x19040];
	[tilespmem:s3+$0x190D0] =	vst v0;
	v0 =	vmul.f32 $8.000000000e+00, v6  }
0x150: {  	v6 =	vmul.f32 $8.000000000e+00, v7;
	v7 =	vld [tilespmem:s26+$0x19050];
	[tilespmem:s3+$0x190E0] =	vst v1  }
0x151: {  	v1 =	vmul.f32 $8.000000000e+00, v5;
	v5 =	vld [tilespmem:s26+$0x19060];
	[tilespmem:s3+$0x190F0] =	vst v0;
	s3 =	smov.u32 s26  }
0x152: {  	[tilespmem:s3+$0x19000] =	vst v6;
	v0 =	vmul.f32 $8.000000000e+00, v2;
	v2 =	vld [tilespmem:s3+$0x19070]  }
0x153: {  	[tilespmem:s3+$0x19010] =	vst v1;
	v1 =	vmul.f32 $8.000000000e+00, v3;
	v3 =	vld [tilespmem:s3+$0x19080]  }
0x154: {  	[tilespmem:s3+$0x19020] =	vst v0;
	v0 =	vmul.f32 $8.000000000e+00, v4;
	v4 =	vld [tilespmem:s3+$0x19090]  }
.Ltmp6:
0x155: {  	[tilespmem:s3+$0x19030] =	vst v1;
	v6 =	vmul.f32 $8.000000000e+00, v7;
	v1 =	vld [tilespmem:s3+$0x190A0];
	(pc) =	sbr.rel @p0 .LBB2_15-.Ltmp6, $4  }
0x156: {  	[tilespmem:s3+$0x19040] =	vst v0;
	v5 =	vmul.f32 $8.000000000e+00, v5;
	v0 =	vld [tilespmem:s3+$0x190B0]  }
0x157: {  	[tilespmem:s3+$0x19050] =	vst v6;
	v7 =	vmul.f32 $8.000000000e+00, v2;
	v2 =	vld [tilespmem:s3+$0x190C0]  }
0x158: {  	[tilespmem:s3+$0x19060] =	vst v5;
	v6 =	vmul.f32 $8.000000000e+00, v3;
	v3 =	vld [tilespmem:s3+$0x190D0]  }
0x159: {  	s23 =	sadd.s32 $0x400, s23;
	[tilespmem:s3+$0x19070] =	vst v7;
	v5 =	vmul.f32 $8.000000000e+00, v4;
	v4 =	vld [tilespmem:s3+$0x190E0]  }
0x15a: {  	[tilespmem:s3+$0x19080] =	vst v6;
	v1 =	vmul.f32 $8.000000000e+00, v1;
	v6 =	vld [tilespmem:s3+$0x190F0]  }
0x15b: {  	[tilespmem:s3+$0x19090] =	vst v5;
	v0 =	vmul.f32 $8.000000000e+00, v0  }
0x15c: {  	[tilespmem:s3+$0x190A0] =	vst v1;
	v1 =	vmul.f32 $8.000000000e+00, v2  }
0x15d: {  	[tilespmem:s3+$0x190B0] =	vst v0;
	v0 =	vmul.f32 $8.000000000e+00, v3  }
0x15e: {  	[tilespmem:s3+$0x190C0] =	vst v1;
	v1 =	vmul.f32 $8.000000000e+00, v4  }
0x15f: {  	[tilespmem:s3+$0x190D0] =	vst v0;
	v0 =	vmul.f32 $8.000000000e+00, v6  }
0x160: {  	[tilespmem:s3+$0x190E0] =	vst v1  }
0x161: {  	s26 =	sadd.s32 $0x2580, s21;
	s23 =	simm.s32 $0x0;
	[tilespmem:s3+$0x190F0] =	vst v0;
	s3 =	sadd.s32 $0xA, s18  }
0x162: {  	[hbm4b:s26+s23] =	stream.linear.scatter [tilespmem:s1], [sflag:$0xF], $0x3200, $0x38;
	[tilespmem:$0x1F400] =	vst v63  }
0x163: {  	s30 =	smul.u32 $0x320, s3;
	_ =	swait.ge [sflag:s9], $0x3200  }
0x164: {  	[sflag:s9] =	ssyncset.done $0x0  }
0x165: {  	s26 =	simm.s32 $0xC800;
	s23 =	sshra.s32 s30, $0x2;
	[sflag:s9] =	ssyncadd.s32 $0xFFFFCE00  }
0x166: {  	[tilespmem:s26], [sflag:$0x3] =	stream.indirect.gather [hbm4b:s4+s17], $0x40, s23, s17, $0xb8;
	[tilespmem:$0x1F400] =	vst v63  }
0x167: {  	_ =	swait.ge [sflag:s10], $0x3200  }
0x168: {  	[sflag:s10] =	ssyncset.done $0x0  }
0x169: {  	s23 =	simm.s32 $0x0;
	[sflag:s10] =	ssyncadd.s32 $0xFFFFCE00  }
0x16a: {  	v0 =	vld [tilespmem:s23+$0x1C200]  }
0x16b: {  	v1 =	vld [tilespmem:s23+$0x1C210]  }
0x16c: {  	v2 =	vld [tilespmem:s23+$0x1C220]  }
0x16d: {  	v3 =	vld [tilespmem:s23+$0x1C230]  }
0x16e: {  	v4 =	vld [tilespmem:s23+$0x1C240]  }
0x16f: {  	v5 =	vld [tilespmem:s23+$0x1C250];
	v0 =	vmul.f32 $8.000000000e+00, v0  }
0x170: {  	v6 =	vld [tilespmem:s23+$0x1C260];
	v1 =	vmul.f32 $8.000000000e+00, v1  }
0x171: {  	v7 =	vld [tilespmem:s23+$0x1C270];
	[tilespmem:s23+$0x1C200] =	vst v0;
	v0 =	vmul.f32 $8.000000000e+00, v2  }
0x172: {  	v8 =	vld [tilespmem:s23+$0x1C280];
	[tilespmem:s23+$0x1C210] =	vst v1;
	v1 =	vmul.f32 $8.000000000e+00, v3  }
0x173: {  	v9 =	vld [tilespmem:s23+$0x1C290];
	[tilespmem:s23+$0x1C220] =	vst v0;
	v0 =	vmul.f32 $8.000000000e+00, v4  }
0x174: {  	v2 =	vmul.f32 $8.000000000e+00, v5;
	[tilespmem:s23+$0x1C230] =	vst v1;
	v1 =	vld [tilespmem:s23+$0x1C2A0]  }
0x175: {  	v3 =	vmul.f32 $8.000000000e+00, v6;
	[tilespmem:s23+$0x1C240] =	vst v0;
	v0 =	vld [tilespmem:s23+$0x1C2B0]  }
0x176: {  	[tilespmem:s23+$0x1C250] =	vst v2;
	v2 =	vld [tilespmem:s23+$0x1C2C0];
	v4 =	vmul.f32 $8.000000000e+00, v7  }
0x177: {  	v6 =	vmul.f32 $8.000000000e+00, v8;
	[tilespmem:s23+$0x1C260] =	vst v3;
	v3 =	vld [tilespmem:s23+$0x1C2D0]  }
0x178: {  	s26 =	simm.s32 $0x400;
	v5 =	vmul.f32 $8.000000000e+00, v9;
	[tilespmem:s23+$0x1C270] =	vst v4;
	v4 =	vld [tilespmem:s23+$0x1C2E0]  }
.LBB2_17:
0x179: {  	s30 =	sshra.s32 s26, $0x2;
	p0 =	sne.s32 s26, $0xC400;
	[tilespmem:s23+$0x1C280] =	vst v6;
	v1 =	vmul.f32 $8.000000000e+00, v1;
	v6 =	vld [tilespmem:s23+$0x1C2F0]  }
0x17a: {  	v7 =	vld [tilespmem:s30+$0x1C200];
	[tilespmem:s23+$0x1C290] =	vst v5;
	v0 =	vmul.f32 $8.000000000e+00, v0  }
0x17b: {  	v5 =	vld [tilespmem:s30+$0x1C210];
	[tilespmem:s23+$0x1C2A0] =	vst v1;
	v1 =	vmul.f32 $8.000000000e+00, v2  }
0x17c: {  	v2 =	vld [tilespmem:s30+$0x1C220];
	[tilespmem:s23+$0x1C2B0] =	vst v0;
	v0 =	vmul.f32 $8.000000000e+00, v3  }
0x17d: {  	v3 =	vld [tilespmem:s30+$0x1C230];
	[tilespmem:s23+$0x1C2C0] =	vst v1;
	v1 =	vmul.f32 $8.000000000e+00, v4  }
0x17e: {  	v4 =	vld [tilespmem:s30+$0x1C240];
	[tilespmem:s23+$0x1C2D0] =	vst v0;
	v0 =	vmul.f32 $8.000000000e+00, v6  }
0x17f: {  	v6 =	vmul.f32 $8.000000000e+00, v7;
	v7 =	vld [tilespmem:s30+$0x1C250];
	[tilespmem:s23+$0x1C2E0] =	vst v1  }
0x180: {  	v1 =	vmul.f32 $8.000000000e+00, v5;
	v5 =	vld [tilespmem:s30+$0x1C260];
	[tilespmem:s23+$0x1C2F0] =	vst v0;
	s23 =	smov.u32 s30  }
0x181: {  	[tilespmem:s23+$0x1C200] =	vst v6;
	v0 =	vmul.f32 $8.000000000e+00, v2;
	v2 =	vld [tilespmem:s23+$0x1C270]  }
0x182: {  	[tilespmem:s23+$0x1C210] =	vst v1;
	v1 =	vmul.f32 $8.000000000e+00, v3;
	v3 =	vld [tilespmem:s23+$0x1C280]  }
0x183: {  	[tilespmem:s23+$0x1C220] =	vst v0;
	v0 =	vmul.f32 $8.000000000e+00, v4;
	v4 =	vld [tilespmem:s23+$0x1C290]  }
.Ltmp7:
0x184: {  	[tilespmem:s23+$0x1C230] =	vst v1;
	v6 =	vmul.f32 $8.000000000e+00, v7;
	v1 =	vld [tilespmem:s23+$0x1C2A0];
	(pc) =	sbr.rel @p0 .LBB2_17-.Ltmp7, $4  }
0x185: {  	[tilespmem:s23+$0x1C240] =	vst v0;
	v5 =	vmul.f32 $8.000000000e+00, v5;
	v0 =	vld [tilespmem:s23+$0x1C2B0]  }
0x186: {  	[tilespmem:s23+$0x1C250] =	vst v6;
	v7 =	vmul.f32 $8.000000000e+00, v2;
	v2 =	vld [tilespmem:s23+$0x1C2C0]  }
0x187: {  	[tilespmem:s23+$0x1C260] =	vst v5;
	v6 =	vmul.f32 $8.000000000e+00, v3;
	v3 =	vld [tilespmem:s23+$0x1C2D0]  }
0x188: {  	s26 =	sadd.s32 $0x400, s26;
	[tilespmem:s23+$0x1C270] =	vst v7;
	v5 =	vmul.f32 $8.000000000e+00, v4;
	v4 =	vld [tilespmem:s23+$0x1C2E0]  }
0x189: {  	[tilespmem:s23+$0x1C280] =	vst v6;
	v1 =	vmul.f32 $8.000000000e+00, v1;
	v6 =	vld [tilespmem:s23+$0x1C2F0]  }
0x18a: {  	[tilespmem:s23+$0x1C290] =	vst v5;
	v0 =	vmul.f32 $8.000000000e+00, v0  }
0x18b: {  	[tilespmem:s23+$0x1C2A0] =	vst v1;
	v1 =	vmul.f32 $8.000000000e+00, v2  }
0x18c: {  	[tilespmem:s23+$0x1C2B0] =	vst v0;
	v0 =	vmul.f32 $8.000000000e+00, v3  }
0x18d: {  	[tilespmem:s23+$0x1C2C0] =	vst v1;
	v1 =	vmul.f32 $8.000000000e+00, v4  }
0x18e: {  	[tilespmem:s23+$0x1C2D0] =	vst v0;
	v0 =	vmul.f32 $8.000000000e+00, v6  }
0x18f: {  	[tilespmem:s23+$0x1C2E0] =	vst v1  }
0x190: {  	s21 =	sadd.s32 $0x2BC0, s21;
	s30 =	simm.s32 $0x0;
	s18 =	sadd.s32 $0xB, s18;
	[tilespmem:s23+$0x1C2F0] =	vst v0  }
0x191: {  	[hbm4b:s21+s30] =	stream.linear.scatter [tilespmem:s25], [sflag:$0x10], $0x3200, $0x38;
	[tilespmem:$0x1F400] =	vst v63  }
0x192: {  	s26 =	smul.u32 $0x320, s18;
	_ =	swait.ge [sflag:s11], $0x3200  }
0x193: {  	[sflag:s11] =	ssyncset.done $0x0  }
0x194: {  	s21 =	sshra.s32 s26, $0x2;
	s30 =	simm.s32 $0xFA00;
	[sflag:s11] =	ssyncadd.s32 $0xFFFFCE00  }
0x195: {  	[tilespmem:s30], [sflag:$0x4] =	stream.indirect.gather [hbm4b:s4+s17], $0x40, s21, s17, $0xb8;
	[tilespmem:$0x1F400] =	vst v63  }
0x196: {  	_ =	swait.ge [sflag:s24], $0x3200  }
0x197: {  	[sflag:s24] =	ssyncset.done $0x0  }
0x198: {  	s21 =	simm.s32 $0x0;
	[sflag:s24] =	ssyncadd.s32 $0xFFFFCE00  }
0x199: {  	v0 =	vld [tilespmem:s21+$0x6400]  }
0x19a: {  	v1 =	vld [tilespmem:s21+$0x6410]  }
0x19b: {  	v2 =	vld [tilespmem:s21+$0x6420]  }
0x19c: {  	v3 =	vld [tilespmem:s21+$0x6430]  }
0x19d: {  	v4 =	vld [tilespmem:s21+$0x6440]  }
0x19e: {  	v5 =	vld [tilespmem:s21+$0x6450];
	v0 =	vmul.f32 $8.000000000e+00, v0  }
0x19f: {  	v6 =	vld [tilespmem:s21+$0x6460];
	v1 =	vmul.f32 $8.000000000e+00, v1  }
0x1a0: {  	v7 =	vld [tilespmem:s21+$0x6470];
	[tilespmem:s21+$0x6400] =	vst v0;
	v0 =	vmul.f32 $8.000000000e+00, v2  }
0x1a1: {  	v8 =	vld [tilespmem:s21+$0x6480];
	[tilespmem:s21+$0x6410] =	vst v1;
	v1 =	vmul.f32 $8.000000000e+00, v3  }
0x1a2: {  	v9 =	vld [tilespmem:s21+$0x6490];
	[tilespmem:s21+$0x6420] =	vst v0;
	v0 =	vmul.f32 $8.000000000e+00, v4  }
0x1a3: {  	v2 =	vmul.f32 $8.000000000e+00, v5;
	[tilespmem:s21+$0x6430] =	vst v1;
	v1 =	vld [tilespmem:s21+$0x64A0]  }
0x1a4: {  	v3 =	vmul.f32 $8.000000000e+00, v6;
	[tilespmem:s21+$0x6440] =	vst v0;
	v0 =	vld [tilespmem:s21+$0x64B0]  }
0x1a5: {  	[tilespmem:s21+$0x6450] =	vst v2;
	v2 =	vld [tilespmem:s21+$0x64C0];
	v4 =	vmul.f32 $8.000000000e+00, v7  }
0x1a6: {  	v6 =	vmul.f32 $8.000000000e+00, v8;
	[tilespmem:s21+$0x6460] =	vst v3;
	v3 =	vld [tilespmem:s21+$0x64D0]  }
0x1a7: {  	s23 =	simm.s32 $0x400;
	v5 =	vmul.f32 $8.000000000e+00, v9;
	[tilespmem:s21+$0x6470] =	vst v4;
	v4 =	vld [tilespmem:s21+$0x64E0]  }
.LBB2_19:
0x1a8: {  	s26 =	sshra.s32 s23, $0x2;
	p0 =	sne.s32 s23, $0xC400;
	[tilespmem:s21+$0x6480] =	vst v6;
	v1 =	vmul.f32 $8.000000000e+00, v1;
	v6 =	vld [tilespmem:s21+$0x64F0]  }
0x1a9: {  	v7 =	vld [tilespmem:s26+$0x6400];
	[tilespmem:s21+$0x6490] =	vst v5;
	v0 =	vmul.f32 $8.000000000e+00, v0  }
0x1aa: {  	v5 =	vld [tilespmem:s26+$0x6410];
	[tilespmem:s21+$0x64A0] =	vst v1;
	v1 =	vmul.f32 $8.000000000e+00, v2  }
0x1ab: {  	v2 =	vld [tilespmem:s26+$0x6420];
	[tilespmem:s21+$0x64B0] =	vst v0;
	v0 =	vmul.f32 $8.000000000e+00, v3  }
0x1ac: {  	v3 =	vld [tilespmem:s26+$0x6430];
	[tilespmem:s21+$0x64C0] =	vst v1;
	v1 =	vmul.f32 $8.000000000e+00, v4  }
0x1ad: {  	v4 =	vld [tilespmem:s26+$0x6440];
	[tilespmem:s21+$0x64D0] =	vst v0;
	v0 =	vmul.f32 $8.000000000e+00, v6  }
0x1ae: {  	v6 =	vmul.f32 $8.000000000e+00, v7;
	v7 =	vld [tilespmem:s26+$0x6450];
	[tilespmem:s21+$0x64E0] =	vst v1  }
0x1af: {  	v1 =	vmul.f32 $8.000000000e+00, v5;
	v5 =	vld [tilespmem:s26+$0x6460];
	[tilespmem:s21+$0x64F0] =	vst v0;
	s21 =	smov.u32 s26  }
0x1b0: {  	[tilespmem:s21+$0x6400] =	vst v6;
	v0 =	vmul.f32 $8.000000000e+00, v2;
	v2 =	vld [tilespmem:s21+$0x6470]  }
0x1b1: {  	[tilespmem:s21+$0x6410] =	vst v1;
	v1 =	vmul.f32 $8.000000000e+00, v3;
	v3 =	vld [tilespmem:s21+$0x6480]  }
0x1b2: {  	[tilespmem:s21+$0x6420] =	vst v0;
	v0 =	vmul.f32 $8.000000000e+00, v4;
	v4 =	vld [tilespmem:s21+$0x6490]  }
.Ltmp8:
0x1b3: {  	[tilespmem:s21+$0x6430] =	vst v1;
	v6 =	vmul.f32 $8.000000000e+00, v7;
	v1 =	vld [tilespmem:s21+$0x64A0];
	(pc) =	sbr.rel @p0 .LBB2_19-.Ltmp8, $4  }
0x1b4: {  	[tilespmem:s21+$0x6440] =	vst v0;
	v5 =	vmul.f32 $8.000000000e+00, v5;
	v0 =	vld [tilespmem:s21+$0x64B0]  }
0x1b5: {  	[tilespmem:s21+$0x6450] =	vst v6;
	v7 =	vmul.f32 $8.000000000e+00, v2;
	v2 =	vld [tilespmem:s21+$0x64C0]  }
0x1b6: {  	[tilespmem:s21+$0x6460] =	vst v5;
	v6 =	vmul.f32 $8.000000000e+00, v3;
	v3 =	vld [tilespmem:s21+$0x64D0]  }
0x1b7: {  	s23 =	sadd.s32 $0x400, s23;
	[tilespmem:s21+$0x6470] =	vst v7;
	v5 =	vmul.f32 $8.000000000e+00, v4;
	v4 =	vld [tilespmem:s21+$0x64E0]  }
0x1b8: {  	[tilespmem:s21+$0x6480] =	vst v6;
	v1 =	vmul.f32 $8.000000000e+00, v1;
	v6 =	vld [tilespmem:s21+$0x64F0]  }
0x1b9: {  	[tilespmem:s21+$0x6490] =	vst v5;
	v0 =	vmul.f32 $8.000000000e+00, v0  }
0x1ba: {  	[tilespmem:s21+$0x64A0] =	vst v1;
	v1 =	vmul.f32 $8.000000000e+00, v2  }
0x1bb: {  	[tilespmem:s21+$0x64B0] =	vst v0;
	v0 =	vmul.f32 $8.000000000e+00, v3  }
0x1bc: {  	s19 =	sadd.s32 s5, s19;
	[tilespmem:s21+$0x64C0] =	vst v1;
	v1 =	vmul.f32 $8.000000000e+00, v4  }
0x1bd: {  	s19 =	smul.u32 $0x640, s19;
	[tilespmem:s21+$0x64D0] =	vst v0;
	v0 =	vmul.f32 $8.000000000e+00, v6  }
0x1be: {  	s26 =	simm.s32 $0x0;
	[tilespmem:s21+$0x64E0] =	vst v1  }
0x1bf: {  	s30 =	simm.s32 $0x6400;
	s23 =	smul.u32 $0x1900, s16;
	s19 =	sadd.s32 s2, s19;
	[tilespmem:s21+$0x64F0] =	vst v0  }
0x1c0: {  	[hbm4b:s19+s26] =	stream.linear.scatter [tilespmem:s30], [sflag:$0x9], $0x3200, $0x38;
	[tilespmem:$0x1F400] =	vst v63  }
0x1c1: {  	_ =	swait.ge [sflag:s12], $0x3200  }
0x1c2: {  	s19 =	sshra.s32 s23, $0x2;
	[sflag:s12] =	ssyncset.done $0x0  }
0x1c3: {  	s23 =	simm.s32 $0x12C00;
	s26 =	sadd.s32 $0x960, s19;
	[sflag:s12] =	ssyncadd.s32 $0xFFFFCE00  }
0x1c4: {  	[tilespmem:s23], [sflag:$0x5] =	stream.indirect.gather [hbm4b:s4+s17], $0x40, s26, s17, $0xb8;
	[tilespmem:$0x1F400] =	vst v63  }
0x1c5: {  	_ =	swait.ge [sflag:s28], $0x3200  }
0x1c6: {  	[sflag:s28] =	ssyncset.done $0x0  }
0x1c7: {  	s21 =	simm.s32 $0x0;
	[sflag:s28] =	ssyncadd.s32 $0xFFFFCE00  }
0x1c8: {  	v0 =	vld [tilespmem:s21+$0x9600]  }
0x1c9: {  	v1 =	vld [tilespmem:s21+$0x9610]  }
0x1ca: {  	v2 =	vld [tilespmem:s21+$0x9620]  }
0x1cb: {  	v3 =	vld [tilespmem:s21+$0x9630]  }
0x1cc: {  	v4 =	vld [tilespmem:s21+$0x9640]  }
0x1cd: {  	v5 =	vld [tilespmem:s21+$0x9650];
	v0 =	vmul.f32 $8.000000000e+00, v0  }
0x1ce: {  	v6 =	vld [tilespmem:s21+$0x9660];
	v1 =	vmul.f32 $8.000000000e+00, v1  }
0x1cf: {  	v7 =	vld [tilespmem:s21+$0x9670];
	[tilespmem:s21+$0x9600] =	vst v0;
	v0 =	vmul.f32 $8.000000000e+00, v2  }
0x1d0: {  	v8 =	vld [tilespmem:s21+$0x9680];
	[tilespmem:s21+$0x9610] =	vst v1;
	v1 =	vmul.f32 $8.000000000e+00, v3  }
0x1d1: {  	v9 =	vld [tilespmem:s21+$0x9690];
	[tilespmem:s21+$0x9620] =	vst v0;
	v0 =	vmul.f32 $8.000000000e+00, v4  }
0x1d2: {  	v2 =	vmul.f32 $8.000000000e+00, v5;
	[tilespmem:s21+$0x9630] =	vst v1;
	v1 =	vld [tilespmem:s21+$0x96A0]  }
0x1d3: {  	v3 =	vmul.f32 $8.000000000e+00, v6;
	[tilespmem:s21+$0x9640] =	vst v0;
	v0 =	vld [tilespmem:s21+$0x96B0]  }
0x1d4: {  	[tilespmem:s21+$0x9650] =	vst v2;
	v2 =	vld [tilespmem:s21+$0x96C0];
	v4 =	vmul.f32 $8.000000000e+00, v7  }
0x1d5: {  	v6 =	vmul.f32 $8.000000000e+00, v8;
	[tilespmem:s21+$0x9660] =	vst v3;
	v3 =	vld [tilespmem:s21+$0x96D0]  }
0x1d6: {  	s23 =	simm.s32 $0x400;
	v5 =	vmul.f32 $8.000000000e+00, v9;
	[tilespmem:s21+$0x9670] =	vst v4;
	v4 =	vld [tilespmem:s21+$0x96E0]  }
.LBB2_21:
0x1d7: {  	s26 =	sshra.s32 s23, $0x2;
	p0 =	sne.s32 s23, $0xC400;
	[tilespmem:s21+$0x9680] =	vst v6;
	v1 =	vmul.f32 $8.000000000e+00, v1;
	v6 =	vld [tilespmem:s21+$0x96F0]  }
0x1d8: {  	v7 =	vld [tilespmem:s26+$0x9600];
	[tilespmem:s21+$0x9690] =	vst v5;
	v0 =	vmul.f32 $8.000000000e+00, v0  }
0x1d9: {  	v5 =	vld [tilespmem:s26+$0x9610];
	[tilespmem:s21+$0x96A0] =	vst v1;
	v1 =	vmul.f32 $8.000000000e+00, v2  }
0x1da: {  	v2 =	vld [tilespmem:s26+$0x9620];
	[tilespmem:s21+$0x96B0] =	vst v0;
	v0 =	vmul.f32 $8.000000000e+00, v3  }
0x1db: {  	v3 =	vld [tilespmem:s26+$0x9630];
	[tilespmem:s21+$0x96C0] =	vst v1;
	v1 =	vmul.f32 $8.000000000e+00, v4  }
0x1dc: {  	v4 =	vld [tilespmem:s26+$0x9640];
	[tilespmem:s21+$0x96D0] =	vst v0;
	v0 =	vmul.f32 $8.000000000e+00, v6  }
0x1dd: {  	v6 =	vmul.f32 $8.000000000e+00, v7;
	v7 =	vld [tilespmem:s26+$0x9650];
	[tilespmem:s21+$0x96E0] =	vst v1  }
0x1de: {  	v1 =	vmul.f32 $8.000000000e+00, v5;
	v5 =	vld [tilespmem:s26+$0x9660];
	[tilespmem:s21+$0x96F0] =	vst v0;
	s21 =	smov.u32 s26  }
0x1df: {  	[tilespmem:s21+$0x9600] =	vst v6;
	v0 =	vmul.f32 $8.000000000e+00, v2;
	v2 =	vld [tilespmem:s21+$0x9670]  }
0x1e0: {  	[tilespmem:s21+$0x9610] =	vst v1;
	v1 =	vmul.f32 $8.000000000e+00, v3;
	v3 =	vld [tilespmem:s21+$0x9680]  }
0x1e1: {  	[tilespmem:s21+$0x9620] =	vst v0;
	v0 =	vmul.f32 $8.000000000e+00, v4;
	v4 =	vld [tilespmem:s21+$0x9690]  }
.Ltmp9:
0x1e2: {  	[tilespmem:s21+$0x9630] =	vst v1;
	v6 =	vmul.f32 $8.000000000e+00, v7;
	v1 =	vld [tilespmem:s21+$0x96A0];
	(pc) =	sbr.rel @p0 .LBB2_21-.Ltmp9, $4  }
0x1e3: {  	[tilespmem:s21+$0x9640] =	vst v0;
	v5 =	vmul.f32 $8.000000000e+00, v5;
	v0 =	vld [tilespmem:s21+$0x96B0]  }
0x1e4: {  	[tilespmem:s21+$0x9650] =	vst v6;
	v7 =	vmul.f32 $8.000000000e+00, v2;
	v2 =	vld [tilespmem:s21+$0x96C0]  }
0x1e5: {  	[tilespmem:s21+$0x9660] =	vst v5;
	v6 =	vmul.f32 $8.000000000e+00, v3;
	v3 =	vld [tilespmem:s21+$0x96D0]  }
0x1e6: {  	s23 =	sadd.s32 $0x400, s23;
	[tilespmem:s21+$0x9670] =	vst v7;
	v5 =	vmul.f32 $8.000000000e+00, v4;
	v4 =	vld [tilespmem:s21+$0x96E0]  }
0x1e7: {  	[tilespmem:s21+$0x9680] =	vst v6;
	v1 =	vmul.f32 $8.000000000e+00, v1;
	v6 =	vld [tilespmem:s21+$0x96F0]  }
0x1e8: {  	[tilespmem:s21+$0x9690] =	vst v5;
	v0 =	vmul.f32 $8.000000000e+00, v0  }
0x1e9: {  	[tilespmem:s21+$0x96A0] =	vst v1;
	v1 =	vmul.f32 $8.000000000e+00, v2  }
0x1ea: {  	[tilespmem:s21+$0x96B0] =	vst v0;
	v0 =	vmul.f32 $8.000000000e+00, v3  }
0x1eb: {  	s7 =	sadd.s32 s5, s7;
	[tilespmem:s21+$0x96C0] =	vst v1;
	v1 =	vmul.f32 $8.000000000e+00, v4  }
0x1ec: {  	s7 =	smul.u32 $0x640, s7;
	[tilespmem:s21+$0x96D0] =	vst v0;
	v0 =	vmul.f32 $8.000000000e+00, v6  }
0x1ed: {  	[tilespmem:s21+$0x96E0] =	vst v1  }
0x1ee: {  	s23 =	simm.s32 $0x0;
	s26 =	simm.s32 $0x9600;
	s7 =	sadd.s32 s2, s7;
	[tilespmem:s21+$0x96F0] =	vst v0  }
0x1ef: {  	[hbm4b:s7+s23] =	stream.linear.scatter [tilespmem:s26], [sflag:$0xA], $0x3200, $0x38;
	[tilespmem:$0x1F400] =	vst v63  }
0x1f0: {  	_ =	swait.ge [sflag:s13], $0x3200  }
0x1f1: {  	[sflag:s13] =	ssyncset.done $0x0  }
0x1f2: {  	s21 =	sadd.s32 $0xA28, s19;
	s23 =	simm.s32 $0x15E00;
	[sflag:s13] =	ssyncadd.s32 $0xFFFFCE00  }
0x1f3: {  	[tilespmem:s23], [sflag:$0x6] =	stream.indirect.gather [hbm4b:s4+s17], $0x40, s21, s17, $0xb8;
	[tilespmem:$0x1F400] =	vst v63  }
0x1f4: {  	_ =	swait.ge [sflag:s31], $0x3200  }
0x1f5: {  	[sflag:s31] =	ssyncset.done $0x0  }
0x1f6: {  	s7 =	simm.s32 $0x0;
	[sflag:s31] =	ssyncadd.s32 $0xFFFFCE00  }
0x1f7: {  	v0 =	vld [tilespmem:s7+$0xC800]  }
0x1f8: {  	v1 =	vld [tilespmem:s7+$0xC810]  }
0x1f9: {  	v2 =	vld [tilespmem:s7+$0xC820]  }
0x1fa: {  	v3 =	vld [tilespmem:s7+$0xC830]  }
0x1fb: {  	v4 =	vld [tilespmem:s7+$0xC840]  }
0x1fc: {  	v5 =	vld [tilespmem:s7+$0xC850];
	v0 =	vmul.f32 $8.000000000e+00, v0  }
0x1fd: {  	v6 =	vld [tilespmem:s7+$0xC860];
	v1 =	vmul.f32 $8.000000000e+00, v1  }
0x1fe: {  	v7 =	vld [tilespmem:s7+$0xC870];
	[tilespmem:s7+$0xC800] =	vst v0;
	v0 =	vmul.f32 $8.000000000e+00, v2  }
0x1ff: {  	v8 =	vld [tilespmem:s7+$0xC880];
	[tilespmem:s7+$0xC810] =	vst v1;
	v1 =	vmul.f32 $8.000000000e+00, v3  }
0x200: {  	v9 =	vld [tilespmem:s7+$0xC890];
	[tilespmem:s7+$0xC820] =	vst v0;
	v0 =	vmul.f32 $8.000000000e+00, v4  }
0x201: {  	v2 =	vmul.f32 $8.000000000e+00, v5;
	[tilespmem:s7+$0xC830] =	vst v1;
	v1 =	vld [tilespmem:s7+$0xC8A0]  }
0x202: {  	v3 =	vmul.f32 $8.000000000e+00, v6;
	[tilespmem:s7+$0xC840] =	vst v0;
	v0 =	vld [tilespmem:s7+$0xC8B0]  }
0x203: {  	[tilespmem:s7+$0xC850] =	vst v2;
	v2 =	vld [tilespmem:s7+$0xC8C0];
	v4 =	vmul.f32 $8.000000000e+00, v7  }
0x204: {  	v6 =	vmul.f32 $8.000000000e+00, v8;
	[tilespmem:s7+$0xC860] =	vst v3;
	v3 =	vld [tilespmem:s7+$0xC8D0]  }
0x205: {  	s21 =	simm.s32 $0x400;
	v5 =	vmul.f32 $8.000000000e+00, v9;
	[tilespmem:s7+$0xC870] =	vst v4;
	v4 =	vld [tilespmem:s7+$0xC8E0]  }
.LBB2_23:
0x206: {  	s23 =	sshra.s32 s21, $0x2;
	p0 =	sne.s32 s21, $0xC400;
	[tilespmem:s7+$0xC880] =	vst v6;
	v1 =	vmul.f32 $8.000000000e+00, v1;
	v6 =	vld [tilespmem:s7+$0xC8F0]  }
0x207: {  	v7 =	vld [tilespmem:s23+$0xC800];
	[tilespmem:s7+$0xC890] =	vst v5;
	v0 =	vmul.f32 $8.000000000e+00, v0  }
0x208: {  	v5 =	vld [tilespmem:s23+$0xC810];
	[tilespmem:s7+$0xC8A0] =	vst v1;
	v1 =	vmul.f32 $8.000000000e+00, v2  }
0x209: {  	v2 =	vld [tilespmem:s23+$0xC820];
	[tilespmem:s7+$0xC8B0] =	vst v0;
	v0 =	vmul.f32 $8.000000000e+00, v3  }
0x20a: {  	v3 =	vld [tilespmem:s23+$0xC830];
	[tilespmem:s7+$0xC8C0] =	vst v1;
	v1 =	vmul.f32 $8.000000000e+00, v4  }
0x20b: {  	v4 =	vld [tilespmem:s23+$0xC840];
	[tilespmem:s7+$0xC8D0] =	vst v0;
	v0 =	vmul.f32 $8.000000000e+00, v6  }
0x20c: {  	v6 =	vmul.f32 $8.000000000e+00, v7;
	v7 =	vld [tilespmem:s23+$0xC850];
	[tilespmem:s7+$0xC8E0] =	vst v1  }
0x20d: {  	v1 =	vmul.f32 $8.000000000e+00, v5;
	v5 =	vld [tilespmem:s23+$0xC860];
	[tilespmem:s7+$0xC8F0] =	vst v0;
	s7 =	smov.u32 s23  }
0x20e: {  	[tilespmem:s7+$0xC800] =	vst v6;
	v0 =	vmul.f32 $8.000000000e+00, v2;
	v2 =	vld [tilespmem:s7+$0xC870]  }
0x20f: {  	[tilespmem:s7+$0xC810] =	vst v1;
	v1 =	vmul.f32 $8.000000000e+00, v3;
	v3 =	vld [tilespmem:s7+$0xC880]  }
0x210: {  	[tilespmem:s7+$0xC820] =	vst v0;
	v0 =	vmul.f32 $8.000000000e+00, v4;
	v4 =	vld [tilespmem:s7+$0xC890]  }
.Ltmp10:
0x211: {  	[tilespmem:s7+$0xC830] =	vst v1;
	v6 =	vmul.f32 $8.000000000e+00, v7;
	v1 =	vld [tilespmem:s7+$0xC8A0];
	(pc) =	sbr.rel @p0 .LBB2_23-.Ltmp10, $4  }
0x212: {  	[tilespmem:s7+$0xC840] =	vst v0;
	v5 =	vmul.f32 $8.000000000e+00, v5;
	v0 =	vld [tilespmem:s7+$0xC8B0]  }
0x213: {  	[tilespmem:s7+$0xC850] =	vst v6;
	v7 =	vmul.f32 $8.000000000e+00, v2;
	v2 =	vld [tilespmem:s7+$0xC8C0]  }
0x214: {  	[tilespmem:s7+$0xC860] =	vst v5;
	v6 =	vmul.f32 $8.000000000e+00, v3;
	v3 =	vld [tilespmem:s7+$0xC8D0]  }
0x215: {  	s21 =	sadd.s32 $0x400, s21;
	[tilespmem:s7+$0xC870] =	vst v7;
	v5 =	vmul.f32 $8.000000000e+00, v4;
	v4 =	vld [tilespmem:s7+$0xC8E0]  }
0x216: {  	[tilespmem:s7+$0xC880] =	vst v6;
	v1 =	vmul.f32 $8.000000000e+00, v1;
	v6 =	vld [tilespmem:s7+$0xC8F0]  }
0x217: {  	[tilespmem:s7+$0xC890] =	vst v5;
	v0 =	vmul.f32 $8.000000000e+00, v0  }
0x218: {  	[tilespmem:s7+$0xC8A0] =	vst v1;
	v1 =	vmul.f32 $8.000000000e+00, v2  }
0x219: {  	[tilespmem:s7+$0xC8B0] =	vst v0;
	v0 =	vmul.f32 $8.000000000e+00, v3  }
0x21a: {  	s3 =	sadd.s32 s5, s3;
	[tilespmem:s7+$0xC8C0] =	vst v1;
	v1 =	vmul.f32 $8.000000000e+00, v4  }
0x21b: {  	s3 =	smul.u32 $0x640, s3;
	[tilespmem:s7+$0xC8D0] =	vst v0;
	v0 =	vmul.f32 $8.000000000e+00, v6  }
0x21c: {  	[tilespmem:s7+$0xC8E0] =	vst v1  }
0x21d: {  	s23 =	simm.s32 $0x0;
	s21 =	simm.s32 $0xC800;
	s3 =	sadd.s32 s2, s3;
	[tilespmem:s7+$0xC8F0] =	vst v0  }
0x21e: {  	[hbm4b:s3+s23] =	stream.linear.scatter [tilespmem:s21], [sflag:$0xB], $0x3200, $0x38;
	[tilespmem:$0x1F400] =	vst v63  }
0x21f: {  	_ =	swait.ge [sflag:s14], $0x3200  }
0x220: {  	[sflag:s14] =	ssyncset.done $0x0  }
0x221: {  	s23 =	sadd.s32 $0xAF0, s19;
	[sflag:s14] =	ssyncadd.s32 $0xFFFFCE00  }
0x222: {  	[tilespmem:s1], [sflag:$0x7] =	stream.indirect.gather [hbm4b:s4+s17], $0x40, s23, s17, $0xb8;
	[tilespmem:$0x1F400] =	vst v63  }
0x223: {  	_ =	swait.ge [sflag:s20], $0x3200  }
0x224: {  	[sflag:s20] =	ssyncset.done $0x0  }
0x225: {  	s3 =	simm.s32 $0x0;
	[sflag:s20] =	ssyncadd.s32 $0xFFFFCE00  }
0x226: {  	v0 =	vld [tilespmem:s3+$0xFA00]  }
0x227: {  	v1 =	vld [tilespmem:s3+$0xFA10]  }
0x228: {  	v2 =	vld [tilespmem:s3+$0xFA20]  }
0x229: {  	v3 =	vld [tilespmem:s3+$0xFA30]  }
0x22a: {  	v4 =	vld [tilespmem:s3+$0xFA40]  }
0x22b: {  	v5 =	vld [tilespmem:s3+$0xFA50];
	v0 =	vmul.f32 $8.000000000e+00, v0  }
0x22c: {  	v6 =	vld [tilespmem:s3+$0xFA60];
	v1 =	vmul.f32 $8.000000000e+00, v1  }
0x22d: {  	v7 =	vld [tilespmem:s3+$0xFA70];
	[tilespmem:s3+$0xFA00] =	vst v0;
	v0 =	vmul.f32 $8.000000000e+00, v2  }
0x22e: {  	v8 =	vld [tilespmem:s3+$0xFA80];
	[tilespmem:s3+$0xFA10] =	vst v1;
	v1 =	vmul.f32 $8.000000000e+00, v3  }
0x22f: {  	v9 =	vld [tilespmem:s3+$0xFA90];
	[tilespmem:s3+$0xFA20] =	vst v0;
	v0 =	vmul.f32 $8.000000000e+00, v4  }
0x230: {  	v2 =	vmul.f32 $8.000000000e+00, v5;
	[tilespmem:s3+$0xFA30] =	vst v1;
	v1 =	vld [tilespmem:s3+$0xFAA0]  }
0x231: {  	v3 =	vmul.f32 $8.000000000e+00, v6;
	[tilespmem:s3+$0xFA40] =	vst v0;
	v0 =	vld [tilespmem:s3+$0xFAB0]  }
0x232: {  	[tilespmem:s3+$0xFA50] =	vst v2;
	v2 =	vld [tilespmem:s3+$0xFAC0];
	v4 =	vmul.f32 $8.000000000e+00, v7  }
0x233: {  	v6 =	vmul.f32 $8.000000000e+00, v8;
	[tilespmem:s3+$0xFA60] =	vst v3;
	v3 =	vld [tilespmem:s3+$0xFAD0]  }
0x234: {  	s7 =	simm.s32 $0x400;
	v5 =	vmul.f32 $8.000000000e+00, v9;
	[tilespmem:s3+$0xFA70] =	vst v4;
	v4 =	vld [tilespmem:s3+$0xFAE0]  }
.LBB2_25:
0x235: {  	s21 =	sshra.s32 s7, $0x2;
	p0 =	sne.s32 s7, $0xC400;
	[tilespmem:s3+$0xFA80] =	vst v6;
	v1 =	vmul.f32 $8.000000000e+00, v1;
	v6 =	vld [tilespmem:s3+$0xFAF0]  }
0x236: {  	v7 =	vld [tilespmem:s21+$0xFA00];
	[tilespmem:s3+$0xFA90] =	vst v5;
	v0 =	vmul.f32 $8.000000000e+00, v0  }
0x237: {  	v5 =	vld [tilespmem:s21+$0xFA10];
	[tilespmem:s3+$0xFAA0] =	vst v1;
	v1 =	vmul.f32 $8.000000000e+00, v2  }
0x238: {  	v2 =	vld [tilespmem:s21+$0xFA20];
	[tilespmem:s3+$0xFAB0] =	vst v0;
	v0 =	vmul.f32 $8.000000000e+00, v3  }
0x239: {  	v3 =	vld [tilespmem:s21+$0xFA30];
	[tilespmem:s3+$0xFAC0] =	vst v1;
	v1 =	vmul.f32 $8.000000000e+00, v4  }
0x23a: {  	v4 =	vld [tilespmem:s21+$0xFA40];
	[tilespmem:s3+$0xFAD0] =	vst v0;
	v0 =	vmul.f32 $8.000000000e+00, v6  }
0x23b: {  	v6 =	vmul.f32 $8.000000000e+00, v7;
	v7 =	vld [tilespmem:s21+$0xFA50];
	[tilespmem:s3+$0xFAE0] =	vst v1  }
0x23c: {  	v1 =	vmul.f32 $8.000000000e+00, v5;
	v5 =	vld [tilespmem:s21+$0xFA60];
	[tilespmem:s3+$0xFAF0] =	vst v0;
	s3 =	smov.u32 s21  }
0x23d: {  	[tilespmem:s3+$0xFA00] =	vst v6;
	v0 =	vmul.f32 $8.000000000e+00, v2;
	v2 =	vld [tilespmem:s3+$0xFA70]  }
0x23e: {  	[tilespmem:s3+$0xFA10] =	vst v1;
	v1 =	vmul.f32 $8.000000000e+00, v3;
	v3 =	vld [tilespmem:s3+$0xFA80]  }
0x23f: {  	[tilespmem:s3+$0xFA20] =	vst v0;
	v0 =	vmul.f32 $8.000000000e+00, v4;
	v4 =	vld [tilespmem:s3+$0xFA90]  }
.Ltmp11:
0x240: {  	[tilespmem:s3+$0xFA30] =	vst v1;
	v6 =	vmul.f32 $8.000000000e+00, v7;
	v1 =	vld [tilespmem:s3+$0xFAA0];
	(pc) =	sbr.rel @p0 .LBB2_25-.Ltmp11, $4  }
0x241: {  	[tilespmem:s3+$0xFA40] =	vst v0;
	v5 =	vmul.f32 $8.000000000e+00, v5;
	v0 =	vld [tilespmem:s3+$0xFAB0]  }
0x242: {  	[tilespmem:s3+$0xFA50] =	vst v6;
	v7 =	vmul.f32 $8.000000000e+00, v2;
	v2 =	vld [tilespmem:s3+$0xFAC0]  }
0x243: {  	[tilespmem:s3+$0xFA60] =	vst v5;
	v6 =	vmul.f32 $8.000000000e+00, v3;
	v3 =	vld [tilespmem:s3+$0xFAD0]  }
0x244: {  	s7 =	sadd.s32 $0x400, s7;
	[tilespmem:s3+$0xFA70] =	vst v7;
	v5 =	vmul.f32 $8.000000000e+00, v4;
	v4 =	vld [tilespmem:s3+$0xFAE0]  }
0x245: {  	[tilespmem:s3+$0xFA80] =	vst v6;
	v1 =	vmul.f32 $8.000000000e+00, v1;
	v59 =	vld [tilespmem:s3+$0xFAF0]  }
0x246: {  	[tilespmem:s3+$0xFA90] =	vst v5;
	v0 =	vmul.f32 $8.000000000e+00, v0  }
0x247: {  	[tilespmem:s3+$0xFAA0] =	vst v1;
	v60 =	vmul.f32 $8.000000000e+00, v2  }
0x248: {  	[tilespmem:s3+$0xFAB0] =	vst v0;
	v61 =	vmul.f32 $8.000000000e+00, v3  }
0x249: {  	s7 =	sadd.s32 s5, s18;
	[tilespmem:s3+$0xFAC0] =	vst v60;
	v62 =	vmul.f32 $8.000000000e+00, v4  }
0x24a: {  	s7 =	smul.u32 $0x640, s7;
	[tilespmem:s3+$0xFAD0] =	vst v61;
	v63 =	vmul.f32 $8.000000000e+00, v59  }
0x24b: {  	s18 =	simm.s32 $0x0;
	s16 =	sadd.s32 $0x1, s16;
	[tilespmem:s3+$0xFAE0] =	vst v62  }
0x24c: {  	s21 =	simm.s32 $0xFA00;
	p0 =	sne.s32 s16, $0xF;
	s7 =	sadd.s32 s2, s7;
	[tilespmem:s3+$0xFAF0] =	vst v63  }
0x24d: {  	[hbm4b:s7+s18] =	stream.linear.scatter [tilespmem:s21], [sflag:$0xC], $0x3200, $0x38;
	[tilespmem:$0x1F400] =	vst v63  }
.Ltmp12:
0x24e: {  	_ = 	snop;
	(pc) =	sbr.rel @p0 .LBB2_10-.Ltmp12, $4  }
0x24f: {  	_ =	swait.ge [sflag:s15], $0x3200  }
0x250: {  	[sflag:s15] =	ssyncset.done $0x0  }
0x251: {  	s23 =	sadd.s32 $0xBB8, s19;
	[sflag:s15] =	ssyncadd.s32 $0xFFFFCE00  }
0x252: {  	[tilespmem:s25], [sflag:$0x8] =	stream.indirect.gather [hbm4b:s4+s17], $0x40, s23, s17, $0xb8;
	[tilespmem:$0x1F400] =	vst v63  }
0x253: {  	_ =	swait.ge [sflag:s29], $0x3200  }
0x254: {  	[sflag:s29] =	ssyncset.done $0x0  }
0x255: {  	s3 =	simm.s32 $0x0;
	[sflag:s29] =	ssyncadd.s32 $0xFFFFCE00  }
0x256: {  	v0 =	vld [tilespmem:s3+$0x12C00]  }
0x257: {  	v1 =	vld [tilespmem:s3+$0x12C10]  }
0x258: {  	v2 =	vld [tilespmem:s3+$0x12C20]  }
0x259: {  	v3 =	vld [tilespmem:s3+$0x12C30]  }
0x25a: {  	v4 =	vld [tilespmem:s3+$0x12C40]  }
0x25b: {  	v5 =	vld [tilespmem:s3+$0x12C50];
	v0 =	vmul.f32 $8.000000000e+00, v0  }
0x25c: {  	v6 =	vld [tilespmem:s3+$0x12C60];
	v1 =	vmul.f32 $8.000000000e+00, v1  }
0x25d: {  	v7 =	vld [tilespmem:s3+$0x12C70];
	[tilespmem:s3+$0x12C00] =	vst v0;
	v0 =	vmul.f32 $8.000000000e+00, v2  }
0x25e: {  	v8 =	vld [tilespmem:s3+$0x12C80];
	[tilespmem:s3+$0x12C10] =	vst v1;
	v1 =	vmul.f32 $8.000000000e+00, v3  }
0x25f: {  	v9 =	vld [tilespmem:s3+$0x12C90];
	[tilespmem:s3+$0x12C20] =	vst v0;
	v0 =	vmul.f32 $8.000000000e+00, v4  }
0x260: {  	v2 =	vmul.f32 $8.000000000e+00, v5;
	[tilespmem:s3+$0x12C30] =	vst v1;
	v1 =	vld [tilespmem:s3+$0x12CA0]  }
0x261: {  	v3 =	vmul.f32 $8.000000000e+00, v6;
	[tilespmem:s3+$0x12C40] =	vst v0;
	v0 =	vld [tilespmem:s3+$0x12CB0]  }
0x262: {  	[tilespmem:s3+$0x12C50] =	vst v2;
	v2 =	vld [tilespmem:s3+$0x12CC0];
	v4 =	vmul.f32 $8.000000000e+00, v7  }
0x263: {  	v6 =	vmul.f32 $8.000000000e+00, v8;
	[tilespmem:s3+$0x12C60] =	vst v3;
	v3 =	vld [tilespmem:s3+$0x12CD0]  }
0x264: {  	s7 =	simm.s32 $0x400;
	v5 =	vmul.f32 $8.000000000e+00, v9;
	[tilespmem:s3+$0x12C70] =	vst v4;
	v4 =	vld [tilespmem:s3+$0x12CE0]  }
.LBB2_28:
0x265: {  	s16 =	sshra.s32 s7, $0x2;
	p0 =	sne.s32 s7, $0xC400;
	[tilespmem:s3+$0x12C80] =	vst v6;
	v1 =	vmul.f32 $8.000000000e+00, v1;
	v6 =	vld [tilespmem:s3+$0x12CF0]  }
0x266: {  	v7 =	vld [tilespmem:s16+$0x12C00];
	[tilespmem:s3+$0x12C90] =	vst v5;
	v0 =	vmul.f32 $8.000000000e+00, v0  }
0x267: {  	v5 =	vld [tilespmem:s16+$0x12C10];
	[tilespmem:s3+$0x12CA0] =	vst v1;
	v1 =	vmul.f32 $8.000000000e+00, v2  }
0x268: {  	v2 =	vld [tilespmem:s16+$0x12C20];
	[tilespmem:s3+$0x12CB0] =	vst v0;
	v0 =	vmul.f32 $8.000000000e+00, v3  }
0x269: {  	v3 =	vld [tilespmem:s16+$0x12C30];
	[tilespmem:s3+$0x12CC0] =	vst v1;
	v1 =	vmul.f32 $8.000000000e+00, v4  }
0x26a: {  	v4 =	vld [tilespmem:s16+$0x12C40];
	[tilespmem:s3+$0x12CD0] =	vst v0;
	v0 =	vmul.f32 $8.000000000e+00, v6  }
0x26b: {  	v6 =	vmul.f32 $8.000000000e+00, v7;
	v7 =	vld [tilespmem:s16+$0x12C50];
	[tilespmem:s3+$0x12CE0] =	vst v1  }
0x26c: {  	v1 =	vmul.f32 $8.000000000e+00, v5;
	v5 =	vld [tilespmem:s16+$0x12C60];
	[tilespmem:s3+$0x12CF0] =	vst v0;
	s3 =	smov.u32 s16  }
0x26d: {  	[tilespmem:s3+$0x12C00] =	vst v6;
	v0 =	vmul.f32 $8.000000000e+00, v2;
	v2 =	vld [tilespmem:s3+$0x12C70]  }
0x26e: {  	[tilespmem:s3+$0x12C10] =	vst v1;
	v1 =	vmul.f32 $8.000000000e+00, v3;
	v3 =	vld [tilespmem:s3+$0x12C80]  }
0x26f: {  	[tilespmem:s3+$0x12C20] =	vst v0;
	v0 =	vmul.f32 $8.000000000e+00, v4;
	v4 =	vld [tilespmem:s3+$0x12C90]  }
.Ltmp13:
0x270: {  	[tilespmem:s3+$0x12C30] =	vst v1;
	v6 =	vmul.f32 $8.000000000e+00, v7;
	v1 =	vld [tilespmem:s3+$0x12CA0];
	(pc) =	sbr.rel @p0 .LBB2_28-.Ltmp13, $4  }
0x271: {  	[tilespmem:s3+$0x12C40] =	vst v0;
	v5 =	vmul.f32 $8.000000000e+00, v5;
	v0 =	vld [tilespmem:s3+$0x12CB0]  }
0x272: {  	[tilespmem:s3+$0x12C50] =	vst v6;
	v7 =	vmul.f32 $8.000000000e+00, v2;
	v2 =	vld [tilespmem:s3+$0x12CC0]  }
0x273: {  	[tilespmem:s3+$0x12C60] =	vst v5;
	v6 =	vmul.f32 $8.000000000e+00, v3;
	v3 =	vld [tilespmem:s3+$0x12CD0]  }
0x274: {  	s7 =	sadd.s32 $0x400, s7;
	[tilespmem:s3+$0x12C70] =	vst v7;
	v5 =	vmul.f32 $8.000000000e+00, v4;
	v4 =	vld [tilespmem:s3+$0x12CE0]  }
0x275: {  	[tilespmem:s3+$0x12C80] =	vst v6;
	v1 =	vmul.f32 $8.000000000e+00, v1;
	v6 =	vld [tilespmem:s3+$0x12CF0]  }
0x276: {  	[tilespmem:s3+$0x12C90] =	vst v5;
	v0 =	vmul.f32 $8.000000000e+00, v0  }
0x277: {  	[tilespmem:s3+$0x12CA0] =	vst v1;
	v1 =	vmul.f32 $8.000000000e+00, v2  }
0x278: {  	[tilespmem:s3+$0x12CB0] =	vst v0;
	v0 =	vmul.f32 $8.000000000e+00, v3  }
0x279: {  	[tilespmem:s3+$0x12CC0] =	vst v1;
	v1 =	vmul.f32 $8.000000000e+00, v4  }
0x27a: {  	[tilespmem:s3+$0x12CD0] =	vst v0;
	v0 =	vmul.f32 $8.000000000e+00, v6  }
0x27b: {  	[tilespmem:s3+$0x12CE0] =	vst v1  }
0x27c: {  	s23 =	simm.s32 $0x0;
	s7 =	rddreg [dreg:$0x8];
	s16 =	simm.s32 $0x12C00;
	[tilespmem:s3+$0x12CF0] =	vst v0  }
0x27d: {  	[hbm4b:s7+s23] =	stream.linear.scatter [tilespmem:s16], [sflag:$0xD], $0x3200, $0x38;
	[tilespmem:$0x1F400] =	vst v63  }
0x27e: {  	_ =	swait.ge [sflag:s22], $0x3200  }
0x27f: {  	[sflag:s22] =	ssyncset.done $0x0  }
0x280: {  	s3 =	simm.s32 $0x0;
	[sflag:s22] =	ssyncadd.s32 $0xFFFFCE00  }
0x281: {  	v0 =	vld [tilespmem:s3+$0x15E00]  }
0x282: {  	v1 =	vld [tilespmem:s3+$0x15E10]  }
0x283: {  	v2 =	vld [tilespmem:s3+$0x15E20]  }
0x284: {  	v3 =	vld [tilespmem:s3+$0x15E30]  }
0x285: {  	v4 =	vld [tilespmem:s3+$0x15E40]  }
0x286: {  	v5 =	vld [tilespmem:s3+$0x15E50];
	v0 =	vmul.f32 $8.000000000e+00, v0  }
0x287: {  	v6 =	vld [tilespmem:s3+$0x15E60];
	v1 =	vmul.f32 $8.000000000e+00, v1  }
0x288: {  	v7 =	vld [tilespmem:s3+$0x15E70];
	[tilespmem:s3+$0x15E00] =	vst v0;
	v0 =	vmul.f32 $8.000000000e+00, v2  }
0x289: {  	v8 =	vld [tilespmem:s3+$0x15E80];
	[tilespmem:s3+$0x15E10] =	vst v1;
	v1 =	vmul.f32 $8.000000000e+00, v3  }
0x28a: {  	v9 =	vld [tilespmem:s3+$0x15E90];
	[tilespmem:s3+$0x15E20] =	vst v0;
	v0 =	vmul.f32 $8.000000000e+00, v4  }
0x28b: {  	v2 =	vmul.f32 $8.000000000e+00, v5;
	[tilespmem:s3+$0x15E30] =	vst v1;
	v1 =	vld [tilespmem:s3+$0x15EA0]  }
0x28c: {  	v3 =	vmul.f32 $8.000000000e+00, v6;
	[tilespmem:s3+$0x15E40] =	vst v0;
	v0 =	vld [tilespmem:s3+$0x15EB0]  }
0x28d: {  	[tilespmem:s3+$0x15E50] =	vst v2;
	v2 =	vld [tilespmem:s3+$0x15EC0];
	v4 =	vmul.f32 $8.000000000e+00, v7  }
0x28e: {  	v6 =	vmul.f32 $8.000000000e+00, v8;
	[tilespmem:s3+$0x15E60] =	vst v3;
	v3 =	vld [tilespmem:s3+$0x15ED0]  }
0x28f: {  	s7 =	simm.s32 $0x400;
	v5 =	vmul.f32 $8.000000000e+00, v9;
	[tilespmem:s3+$0x15E70] =	vst v4;
	v4 =	vld [tilespmem:s3+$0x15EE0]  }
.LBB2_30:
0x290: {  	s16 =	sshra.s32 s7, $0x2;
	p0 =	sne.s32 s7, $0xC400;
	[tilespmem:s3+$0x15E80] =	vst v6;
	v1 =	vmul.f32 $8.000000000e+00, v1;
	v6 =	vld [tilespmem:s3+$0x15EF0]  }
0x291: {  	v7 =	vld [tilespmem:s16+$0x15E00];
	[tilespmem:s3+$0x15E90] =	vst v5;
	v0 =	vmul.f32 $8.000000000e+00, v0  }
0x292: {  	v5 =	vld [tilespmem:s16+$0x15E10];
	[tilespmem:s3+$0x15EA0] =	vst v1;
	v1 =	vmul.f32 $8.000000000e+00, v2  }
0x293: {  	v2 =	vld [tilespmem:s16+$0x15E20];
	[tilespmem:s3+$0x15EB0] =	vst v0;
	v0 =	vmul.f32 $8.000000000e+00, v3  }
0x294: {  	v3 =	vld [tilespmem:s16+$0x15E30];
	[tilespmem:s3+$0x15EC0] =	vst v1;
	v1 =	vmul.f32 $8.000000000e+00, v4  }
0x295: {  	v4 =	vld [tilespmem:s16+$0x15E40];
	[tilespmem:s3+$0x15ED0] =	vst v0;
	v0 =	vmul.f32 $8.000000000e+00, v6  }
0x296: {  	v6 =	vmul.f32 $8.000000000e+00, v7;
	v7 =	vld [tilespmem:s16+$0x15E50];
	[tilespmem:s3+$0x15EE0] =	vst v1  }
0x297: {  	v1 =	vmul.f32 $8.000000000e+00, v5;
	v5 =	vld [tilespmem:s16+$0x15E60];
	[tilespmem:s3+$0x15EF0] =	vst v0;
	s3 =	smov.u32 s16  }
0x298: {  	[tilespmem:s3+$0x15E00] =	vst v6;
	v0 =	vmul.f32 $8.000000000e+00, v2;
	v2 =	vld [tilespmem:s3+$0x15E70]  }
0x299: {  	[tilespmem:s3+$0x15E10] =	vst v1;
	v1 =	vmul.f32 $8.000000000e+00, v3;
	v3 =	vld [tilespmem:s3+$0x15E80]  }
0x29a: {  	[tilespmem:s3+$0x15E20] =	vst v0;
	v0 =	vmul.f32 $8.000000000e+00, v4;
	v4 =	vld [tilespmem:s3+$0x15E90]  }
.Ltmp14:
0x29b: {  	[tilespmem:s3+$0x15E30] =	vst v1;
	v6 =	vmul.f32 $8.000000000e+00, v7;
	v1 =	vld [tilespmem:s3+$0x15EA0];
	(pc) =	sbr.rel @p0 .LBB2_30-.Ltmp14, $4  }
0x29c: {  	[tilespmem:s3+$0x15E40] =	vst v0;
	v5 =	vmul.f32 $8.000000000e+00, v5;
	v0 =	vld [tilespmem:s3+$0x15EB0]  }
0x29d: {  	[tilespmem:s3+$0x15E50] =	vst v6;
	v7 =	vmul.f32 $8.000000000e+00, v2;
	v2 =	vld [tilespmem:s3+$0x15EC0]  }
0x29e: {  	[tilespmem:s3+$0x15E60] =	vst v5;
	v6 =	vmul.f32 $8.000000000e+00, v3;
	v3 =	vld [tilespmem:s3+$0x15ED0]  }
0x29f: {  	s7 =	sadd.s32 $0x400, s7;
	[tilespmem:s3+$0x15E70] =	vst v7;
	v5 =	vmul.f32 $8.000000000e+00, v4;
	v4 =	vld [tilespmem:s3+$0x15EE0]  }
0x2a0: {  	[tilespmem:s3+$0x15E80] =	vst v6;
	v1 =	vmul.f32 $8.000000000e+00, v1;
	v6 =	vld [tilespmem:s3+$0x15EF0]  }
0x2a1: {  	[tilespmem:s3+$0x15E90] =	vst v5;
	v0 =	vmul.f32 $8.000000000e+00, v0  }
0x2a2: {  	[tilespmem:s3+$0x15EA0] =	vst v1;
	v1 =	vmul.f32 $8.000000000e+00, v2  }
0x2a3: {  	[tilespmem:s3+$0x15EB0] =	vst v0;
	v0 =	vmul.f32 $8.000000000e+00, v3  }
0x2a4: {  	[tilespmem:s3+$0x15EC0] =	vst v1;
	v1 =	vmul.f32 $8.000000000e+00, v4  }
0x2a5: {  	[tilespmem:s3+$0x15ED0] =	vst v0;
	v0 =	vmul.f32 $8.000000000e+00, v6  }
0x2a6: {  	[tilespmem:s3+$0x15EE0] =	vst v1  }
0x2a7: {  	s23 =	simm.s32 $0x0;
	s7 =	rddreg [dreg:$0x9];
	s16 =	simm.s32 $0x15E00;
	[tilespmem:s3+$0x15EF0] =	vst v0  }
0x2a8: {  	[hbm4b:s7+s23] =	stream.linear.scatter [tilespmem:s16], [sflag:$0xE], $0x3200, $0x38;
	[tilespmem:$0x1F400] =	vst v63  }
0x2a9: {  	_ =	swait.ge [sflag:s8], $0x3200  }
0x2aa: {  	[sflag:s8] =	ssyncset.done $0x0  }
0x2ab: {  	s3 =	simm.s32 $0x0;
	[sflag:s8] =	ssyncadd.s32 $0xFFFFCE00  }
0x2ac: {  	v0 =	vld [tilespmem:s3+$0x19000]  }
0x2ad: {  	v1 =	vld [tilespmem:s3+$0x19010]  }
0x2ae: {  	v2 =	vld [tilespmem:s3+$0x19020]  }
0x2af: {  	v3 =	vld [tilespmem:s3+$0x19030]  }
0x2b0: {  	v4 =	vld [tilespmem:s3+$0x19040]  }
0x2b1: {  	v5 =	vld [tilespmem:s3+$0x19050];
	v0 =	vmul.f32 $8.000000000e+00, v0  }
0x2b2: {  	v6 =	vld [tilespmem:s3+$0x19060];
	v1 =	vmul.f32 $8.000000000e+00, v1  }
0x2b3: {  	v7 =	vld [tilespmem:s3+$0x19070];
	[tilespmem:s3+$0x19000] =	vst v0;
	v0 =	vmul.f32 $8.000000000e+00, v2  }
0x2b4: {  	v8 =	vld [tilespmem:s3+$0x19080];
	[tilespmem:s3+$0x19010] =	vst v1;
	v1 =	vmul.f32 $8.000000000e+00, v3  }
0x2b5: {  	v9 =	vld [tilespmem:s3+$0x19090];
	[tilespmem:s3+$0x19020] =	vst v0;
	v0 =	vmul.f32 $8.000000000e+00, v4  }
0x2b6: {  	v2 =	vmul.f32 $8.000000000e+00, v5;
	[tilespmem:s3+$0x19030] =	vst v1;
	v1 =	vld [tilespmem:s3+$0x190A0]  }
0x2b7: {  	v3 =	vmul.f32 $8.000000000e+00, v6;
	[tilespmem:s3+$0x19040] =	vst v0;
	v0 =	vld [tilespmem:s3+$0x190B0]  }
0x2b8: {  	[tilespmem:s3+$0x19050] =	vst v2;
	v2 =	vld [tilespmem:s3+$0x190C0];
	v4 =	vmul.f32 $8.000000000e+00, v7  }
0x2b9: {  	v6 =	vmul.f32 $8.000000000e+00, v8;
	[tilespmem:s3+$0x19060] =	vst v3;
	v3 =	vld [tilespmem:s3+$0x190D0]  }
0x2ba: {  	s7 =	simm.s32 $0x400;
	v5 =	vmul.f32 $8.000000000e+00, v9;
	[tilespmem:s3+$0x19070] =	vst v4;
	v4 =	vld [tilespmem:s3+$0x190E0]  }
.LBB2_32:
0x2bb: {  	s16 =	sshra.s32 s7, $0x2;
	p0 =	sne.s32 s7, $0xC400;
	[tilespmem:s3+$0x19080] =	vst v6;
	v1 =	vmul.f32 $8.000000000e+00, v1;
	v6 =	vld [tilespmem:s3+$0x190F0]  }
0x2bc: {  	v7 =	vld [tilespmem:s16+$0x19000];
	[tilespmem:s3+$0x19090] =	vst v5;
	v0 =	vmul.f32 $8.000000000e+00, v0  }
0x2bd: {  	v5 =	vld [tilespmem:s16+$0x19010];
	[tilespmem:s3+$0x190A0] =	vst v1;
	v1 =	vmul.f32 $8.000000000e+00, v2  }
0x2be: {  	v2 =	vld [tilespmem:s16+$0x19020];
	[tilespmem:s3+$0x190B0] =	vst v0;
	v0 =	vmul.f32 $8.000000000e+00, v3  }
0x2bf: {  	v3 =	vld [tilespmem:s16+$0x19030];
	[tilespmem:s3+$0x190C0] =	vst v1;
	v1 =	vmul.f32 $8.000000000e+00, v4  }
0x2c0: {  	v4 =	vld [tilespmem:s16+$0x19040];
	[tilespmem:s3+$0x190D0] =	vst v0;
	v0 =	vmul.f32 $8.000000000e+00, v6  }
0x2c1: {  	v6 =	vmul.f32 $8.000000000e+00, v7;
	v7 =	vld [tilespmem:s16+$0x19050];
	[tilespmem:s3+$0x190E0] =	vst v1  }
0x2c2: {  	v1 =	vmul.f32 $8.000000000e+00, v5;
	v5 =	vld [tilespmem:s16+$0x19060];
	[tilespmem:s3+$0x190F0] =	vst v0;
	s3 =	smov.u32 s16  }
0x2c3: {  	[tilespmem:s3+$0x19000] =	vst v6;
	v0 =	vmul.f32 $8.000000000e+00, v2;
	v2 =	vld [tilespmem:s3+$0x19070]  }
0x2c4: {  	[tilespmem:s3+$0x19010] =	vst v1;
	v1 =	vmul.f32 $8.000000000e+00, v3;
	v3 =	vld [tilespmem:s3+$0x19080]  }
0x2c5: {  	[tilespmem:s3+$0x19020] =	vst v0;
	v0 =	vmul.f32 $8.000000000e+00, v4;
	v4 =	vld [tilespmem:s3+$0x19090]  }
.Ltmp15:
0x2c6: {  	[tilespmem:s3+$0x19030] =	vst v1;
	v6 =	vmul.f32 $8.000000000e+00, v7;
	v1 =	vld [tilespmem:s3+$0x190A0];
	(pc) =	sbr.rel @p0 .LBB2_32-.Ltmp15, $4  }
0x2c7: {  	[tilespmem:s3+$0x19040] =	vst v0;
	v5 =	vmul.f32 $8.000000000e+00, v5;
	v0 =	vld [tilespmem:s3+$0x190B0]  }
0x2c8: {  	[tilespmem:s3+$0x19050] =	vst v6;
	v7 =	vmul.f32 $8.000000000e+00, v2;
	v2 =	vld [tilespmem:s3+$0x190C0]  }
0x2c9: {  	[tilespmem:s3+$0x19060] =	vst v5;
	v6 =	vmul.f32 $8.000000000e+00, v3;
	v3 =	vld [tilespmem:s3+$0x190D0]  }
0x2ca: {  	s7 =	sadd.s32 $0x400, s7;
	[tilespmem:s3+$0x19070] =	vst v7;
	v5 =	vmul.f32 $8.000000000e+00, v4;
	v4 =	vld [tilespmem:s3+$0x190E0]  }
0x2cb: {  	[tilespmem:s3+$0x19080] =	vst v6;
	v1 =	vmul.f32 $8.000000000e+00, v1;
	v6 =	vld [tilespmem:s3+$0x190F0]  }
0x2cc: {  	[tilespmem:s3+$0x19090] =	vst v5;
	v0 =	vmul.f32 $8.000000000e+00, v0  }
0x2cd: {  	[tilespmem:s3+$0x190A0] =	vst v1;
	v1 =	vmul.f32 $8.000000000e+00, v2  }
0x2ce: {  	[tilespmem:s3+$0x190B0] =	vst v0;
	v0 =	vmul.f32 $8.000000000e+00, v3  }
0x2cf: {  	[tilespmem:s3+$0x190C0] =	vst v1;
	v1 =	vmul.f32 $8.000000000e+00, v4  }
0x2d0: {  	[tilespmem:s3+$0x190D0] =	vst v0;
	v0 =	vmul.f32 $8.000000000e+00, v6  }
0x2d1: {  	[tilespmem:s3+$0x190E0] =	vst v1  }
0x2d2: {  	s23 =	simm.s32 $0x0;
	s7 =	rddreg [dreg:$0xa];
	[tilespmem:s3+$0x190F0] =	vst v0  }
0x2d3: {  	[hbm4b:s7+s23] =	stream.linear.scatter [tilespmem:s1], [sflag:$0xF], $0x3200, $0x38;
	[tilespmem:$0x1F400] =	vst v63  }
0x2d4: {  	_ =	swait.ge [sflag:s10], $0x3200  }
0x2d5: {  	[sflag:s10] =	ssyncset.done $0x0  }
0x2d6: {  	s3 =	simm.s32 $0x0;
	[sflag:s10] =	ssyncadd.s32 $0xFFFFCE00  }
0x2d7: {  	v0 =	vld [tilespmem:s3+$0x1C200]  }
0x2d8: {  	v1 =	vld [tilespmem:s3+$0x1C210]  }
0x2d9: {  	v2 =	vld [tilespmem:s3+$0x1C220]  }
0x2da: {  	v3 =	vld [tilespmem:s3+$0x1C230]  }
0x2db: {  	v4 =	vld [tilespmem:s3+$0x1C240]  }
0x2dc: {  	v5 =	vld [tilespmem:s3+$0x1C250];
	v0 =	vmul.f32 $8.000000000e+00, v0  }
0x2dd: {  	v6 =	vld [tilespmem:s3+$0x1C260];
	v1 =	vmul.f32 $8.000000000e+00, v1  }
0x2de: {  	v7 =	vld [tilespmem:s3+$0x1C270];
	[tilespmem:s3+$0x1C200] =	vst v0;
	v0 =	vmul.f32 $8.000000000e+00, v2  }
0x2df: {  	v8 =	vld [tilespmem:s3+$0x1C280];
	[tilespmem:s3+$0x1C210] =	vst v1;
	v1 =	vmul.f32 $8.000000000e+00, v3  }
0x2e0: {  	v9 =	vld [tilespmem:s3+$0x1C290];
	[tilespmem:s3+$0x1C220] =	vst v0;
	v0 =	vmul.f32 $8.000000000e+00, v4  }
0x2e1: {  	v2 =	vmul.f32 $8.000000000e+00, v5;
	[tilespmem:s3+$0x1C230] =	vst v1;
	v1 =	vld [tilespmem:s3+$0x1C2A0]  }
0x2e2: {  	v3 =	vmul.f32 $8.000000000e+00, v6;
	[tilespmem:s3+$0x1C240] =	vst v0;
	v0 =	vld [tilespmem:s3+$0x1C2B0]  }
0x2e3: {  	[tilespmem:s3+$0x1C250] =	vst v2;
	v2 =	vld [tilespmem:s3+$0x1C2C0];
	v4 =	vmul.f32 $8.000000000e+00, v7  }
0x2e4: {  	v6 =	vmul.f32 $8.000000000e+00, v8;
	[tilespmem:s3+$0x1C260] =	vst v3;
	v3 =	vld [tilespmem:s3+$0x1C2D0]  }
0x2e5: {  	s7 =	simm.s32 $0x400;
	v5 =	vmul.f32 $8.000000000e+00, v9;
	[tilespmem:s3+$0x1C270] =	vst v4;
	v4 =	vld [tilespmem:s3+$0x1C2E0]  }
.LBB2_34:
0x2e6: {  	s16 =	sshra.s32 s7, $0x2;
	p0 =	sne.s32 s7, $0xC400;
	[tilespmem:s3+$0x1C280] =	vst v6;
	v1 =	vmul.f32 $8.000000000e+00, v1;
	v6 =	vld [tilespmem:s3+$0x1C2F0]  }
0x2e7: {  	v7 =	vld [tilespmem:s16+$0x1C200];
	[tilespmem:s3+$0x1C290] =	vst v5;
	v0 =	vmul.f32 $8.000000000e+00, v0  }
0x2e8: {  	v5 =	vld [tilespmem:s16+$0x1C210];
	[tilespmem:s3+$0x1C2A0] =	vst v1;
	v1 =	vmul.f32 $8.000000000e+00, v2  }
0x2e9: {  	v2 =	vld [tilespmem:s16+$0x1C220];
	[tilespmem:s3+$0x1C2B0] =	vst v0;
	v0 =	vmul.f32 $8.000000000e+00, v3  }
0x2ea: {  	v3 =	vld [tilespmem:s16+$0x1C230];
	[tilespmem:s3+$0x1C2C0] =	vst v1;
	v1 =	vmul.f32 $8.000000000e+00, v4  }
0x2eb: {  	v4 =	vld [tilespmem:s16+$0x1C240];
	[tilespmem:s3+$0x1C2D0] =	vst v0;
	v0 =	vmul.f32 $8.000000000e+00, v6  }
0x2ec: {  	v6 =	vmul.f32 $8.000000000e+00, v7;
	v7 =	vld [tilespmem:s16+$0x1C250];
	[tilespmem:s3+$0x1C2E0] =	vst v1  }
0x2ed: {  	v1 =	vmul.f32 $8.000000000e+00, v5;
	v5 =	vld [tilespmem:s16+$0x1C260];
	[tilespmem:s3+$0x1C2F0] =	vst v0;
	s3 =	smov.u32 s16  }
0x2ee: {  	[tilespmem:s3+$0x1C200] =	vst v6;
	v0 =	vmul.f32 $8.000000000e+00, v2;
	v2 =	vld [tilespmem:s3+$0x1C270]  }
0x2ef: {  	[tilespmem:s3+$0x1C210] =	vst v1;
	v1 =	vmul.f32 $8.000000000e+00, v3;
	v3 =	vld [tilespmem:s3+$0x1C280]  }
0x2f0: {  	[tilespmem:s3+$0x1C220] =	vst v0;
	v0 =	vmul.f32 $8.000000000e+00, v4;
	v4 =	vld [tilespmem:s3+$0x1C290]  }
.Ltmp16:
0x2f1: {  	[tilespmem:s3+$0x1C230] =	vst v1;
	v6 =	vmul.f32 $8.000000000e+00, v7;
	v1 =	vld [tilespmem:s3+$0x1C2A0];
	(pc) =	sbr.rel @p0 .LBB2_34-.Ltmp16, $4  }
0x2f2: {  	[tilespmem:s3+$0x1C240] =	vst v0;
	v5 =	vmul.f32 $8.000000000e+00, v5;
	v0 =	vld [tilespmem:s3+$0x1C2B0]  }
0x2f3: {  	[tilespmem:s3+$0x1C250] =	vst v6;
	v7 =	vmul.f32 $8.000000000e+00, v2;
	v2 =	vld [tilespmem:s3+$0x1C2C0]  }
0x2f4: {  	[tilespmem:s3+$0x1C260] =	vst v5;
	v6 =	vmul.f32 $8.000000000e+00, v3;
	v3 =	vld [tilespmem:s3+$0x1C2D0]  }
0x2f5: {  	s7 =	sadd.s32 $0x400, s7;
	[tilespmem:s3+$0x1C270] =	vst v7;
	v5 =	vmul.f32 $8.000000000e+00, v4;
	v4 =	vld [tilespmem:s3+$0x1C2E0]  }
0x2f6: {  	[tilespmem:s3+$0x1C280] =	vst v6;
	v1 =	vmul.f32 $8.000000000e+00, v1;
	v59 =	vld [tilespmem:s3+$0x1C2F0]  }
0x2f7: {  	[tilespmem:s3+$0x1C290] =	vst v5;
	v0 =	vmul.f32 $8.000000000e+00, v0  }
0x2f8: {  	[tilespmem:s3+$0x1C2A0] =	vst v1;
	v60 =	vmul.f32 $8.000000000e+00, v2  }
0x2f9: {  	[tilespmem:s3+$0x1C2B0] =	vst v0;
	v61 =	vmul.f32 $8.000000000e+00, v3  }
0x2fa: {  	[tilespmem:s3+$0x1C2C0] =	vst v60;
	v62 =	vmul.f32 $8.000000000e+00, v4  }
0x2fb: {  	[tilespmem:s3+$0x1C2D0] =	vst v61;
	v63 =	vmul.f32 $8.000000000e+00, v59  }
0x2fc: {  	[tilespmem:s3+$0x1C2E0] =	vst v62  }
0x2fd: {  	s21 =	rddreg [dreg:$0xb];
	[tilespmem:s3+$0x1C2F0] =	vst v63  }
0x2fe: {  	[hbm4b:s21+s18] =	stream.linear.scatter [tilespmem:s25], [sflag:$0x10], $0x3200, $0x38;
	[tilespmem:$0x1F400] =	vst v63  }
0x2ff: {  	_ =	swait.ge [sflag:s0], $0x3200  }
0x300: {  	[sflag:s0] =	ssyncset.done $0x0  }
0x301: {  	[sflag:s0] =	ssyncadd.s32 $0xFFFFCE00  }
0x302: {  	_ =	swait.ge [sflag:s6], $0x3200  }
0x303: {  	[sflag:s6] =	ssyncset.done $0x0  }
0x304: {  	[sflag:s6] =	ssyncadd.s32 $0xFFFFCE00  }
0x305: {  	_ =	swait.ge [sflag:s9], $0x3200  }
0x306: {  	[sflag:s9] =	ssyncset.done $0x0  }
0x307: {  	[sflag:s9] =	ssyncadd.s32 $0xFFFFCE00  }
0x308: {  	_ =	swait.ge [sflag:s11], $0x3200  }
0x309: {  	[sflag:s11] =	ssyncset.done $0x0  }
0x30a: {  	[sflag:s11] =	ssyncadd.s32 $0xFFFFCE00  }
0x30b: {  	_ =	swait.ge [sflag:s12], $0x3200  }
0x30c: {  	[sflag:s12] =	ssyncset.done $0x0  }
0x30d: {  	[sflag:s12] =	ssyncadd.s32 $0xFFFFCE00  }
0x30e: {  	_ =	swait.ge [sflag:s13], $0x3200  }
0x30f: {  	[sflag:s13] =	ssyncset.done $0x0  }
0x310: {  	[sflag:s13] =	ssyncadd.s32 $0xFFFFCE00  }
0x311: {  	_ =	swait.ge [sflag:s14], $0x3200  }
0x312: {  	[sflag:s14] =	ssyncset.done $0x0  }
0x313: {  	[sflag:s14] =	ssyncadd.s32 $0xFFFFCE00  }
0x314: {  	_ =	swait.ge [sflag:s15], $0x3200  }
0x315: {  	s7 =	rddreg [dreg:$0xd]  }
0x316: {  	s23 =	rddreg [dreg:$0xc];
	s7 =	sadd.s32 $0x1, s7  }
0x317: {  	p0 =	sne.s32 s7, s23  }
.Ltmp17:
0x318: {  	_ = 	snop;
	(pc) =	sbr.rel @p0 .LBB2_1-.Ltmp17, $3  }
0x319: {  	_ =	sdelay $0x1  }
0x31a: {  	[sflag:s15] =	ssyncset.done $0x0  }
0x31b: {  	[sflag:s15] =	ssyncadd.s32 $0xFFFFCE00  }
0x31c: {  	_ =	sfence.sel $0x180000  }
0x31d: {  	[bflag:$0x0] =	sbarrier.arrive $0xFFFF  }
0x31e: {  	_ =	strace $0x90000047  }
0x31f: {  	s0 =	stileid.u32;
	[bflag:$0x2] =	sbarrier.arrive $0xFFFF  }
0x320: {  	p0 =	sne.s32 s0, $0x0;
	s0 =	rddreg [dreg:$0x2]  }
0x321: {  	s0 =	sadd.s32 @!p0 $0x100000, s0  }
0x322: {  	[sflag:s0] =	ssyncadd.tile.s32 @!p0 $0x1;
	_ =	shalt  }
.Lfunc_end2:
_tile_overlayer_lowered:
.L_overlay_start_2:
0x323: {  	(tag) =	ssettag $0x2  }
0x324: {  	s0 =	rddreg [dreg:$0x0];
	s2 =	stileid.u32  }
0x325: {  	s1 =	rddreg [dreg:$0x1];
	p0 =	sne.s32 s2, $0x0  }
0x326: {  	s3 =	rddreg [dreg:$0x2];
	[bflag:$0x3] =	sbarrier.arrive $0xFFFF;
	s2 =	simm.s32 @!p0 $0x1C11  }
0x327: {  	[timem:s3], [sflag:s2] =	dma.local @!p0 [hbm:s0], s1  }
0x328: {  	s0 =	simm.s32 @!p0 $0x11  }
0x329: {  	_ =	swait.ge @!p0 [sflag:s0], s1  }
0x32a: {  	s1 =	ssub.s32 @!p0 $0x0, s1;
	[sflag:s0] =	ssyncset.done @!p0 $0x0  }
0x32b: {  	[sflag:s0] =	ssyncadd.s32 @!p0 s1  }
0x32c: {  	[bflag:$0x3] =	sbarrier.arrive $0xFFFF  }
0x32d: {  	_ =	shalt  }

// kernel: sparse-core-data-format-call.cloned.1.call-start
scs
called_computation_lowered:
.L_overlay_start_0:
0x0: {  	s2 =	sld [smem:$0x3FD9]  }
0x1: {  	s3 =	sld [smem:$0x3FFE];
	_ =	sdelay $0x1  }
0x2: {  	s1 =	srdreg.scid  }
0x3: {  	s0 =	sand.u32 $0x1, s1  }
0x4: {  	s18 =	sshll.u32 s0, $0xA;
	s2 =	sadd.s32 s3, s2  }
0x5: {  	s2 =	sadd.s32 s2, s18  }
0x6: {  	[smem:$0x3FC6] =	sst s2  }
0x7: {  	_ = 	snop  }
0x8: {  	s2 =	sld [smem:$0x3FD0];
	(tm) =	ssettm $0x1  }
0x9: {  	s19 =	sld [smem:$0x3FFB];
	_ =	sdelay $0x3  }
0xa: {  	_ =	strace s19  }
0xb: {  	s3 =	sld [smem:$0x3FFC];
	_ =	sdelay $0x3  }
0xc: {  	_ =	strace s3  }
0xd: {  	s3 =	sld [smem:$0x3FFD];
	_ =	sdelay $0x3  }
0xe: {  	_ =	strace s3  }
0xf: {  	_ =	strace $0x8FFFFFFF  }
0x10: {  	s20 =	sld [smem:$0x3FDB];
	_ =	sdelay $0x1  }
0x11: {  	s4 =	simm.s32 $_scs_section_size  }
0x12: {  	s5 =	simm.s32 $_size__tile_overlayer_lowered;
	s6 =	simm.s32 $_tile_overlayer_lowered  }
0x13: {  	s23 =	simm.s32 $0x1BFF;
	s22 =	sshll.u32 s6, $0x1;
	s3 =	sadd.s32 s4, s20  }
0x14: {  	s7 =	simm.s32 $0x0;
	s21 =	sshll.u32 s5, $0x1;
	s5 =	sadd.s32 s22, s3  }
0x15: {  	[timem:s7], [sflag:s23] =	dma.local [hbm:s5], s21  }
0x16: {  	_ =	swait.ge [sflag:s23], s21  }
0x17: {  	s4 =	ssub.s32 $0x0, s21;
	[sflag:s23] =	ssyncset.done $0x0  }
0x18: {  	[sflag:s23] =	ssyncadd.s32 s4;
	_ =	sdelay $0x1  }
0x19: {  	s24 =	simm.s32 $0x1B8B  }
0x1a: {  	_ =	swait.ge [sflag:s24], $0x1  }
0x1b: {  	[sflag:s24] =	ssyncset.done $0x0  }
0x1c: {  	s26 =	simm.s32 $0x1B8E;
	s25 =	sld [smem:$0x3FFE];
	[sflag:s24] =	ssyncadd.s32 $0xFFFFFFFF  }
0x1d: {  	s27 =	simm.s32 $execute0_lowered;
	[smem:$0x3FD2] =	sst s26  }
0x1e: {  	s5 =	sshll.u32 s27, $0x1;
	_ =	strace $0x80000049;
	[dreg:$0x1] =	wrdreg $0xFFFFFFFF  }
0x1f: {  	s28 =	simm.s32 $_size_execute0_lowered;
	s3 =	sadd.s32 s3, s5;
	[dreg:$0x0] =	wrdreg $0x0  }
0x20: {  	s5 =	sshll.u32 s28, $0x1;
	[dreg:$0x2] =	wrdreg s3  }
0x21: {  	[dreg:$0x3] =	wrdreg s5  }
0x22: {  	[dreg:$0x4] =	wrdreg $0xC0  }
0x23: {  	_ =	task [dreg:s7], $0x5FFFF  }
0x24: {  	[dreg:$0x1] =	wrdreg $0xFFFFFFFF  }
0x25: {  	[dreg:$0x0] =	wrdreg $0x60  }
0x26: {  	[dreg:$0x2] =	wrdreg s25  }
0x27: {  	[dreg:$0x3] =	wrdreg s2  }
0x28: {  	[dreg:$0x4] =	wrdreg $0x9  }
0x29: {  	_ =	task.clear_ibuf [dreg:s7], $0x5FFFF;
	_ =	strace $0x90000049  }
0x2a: {  	s29 =	simm.s32 $0x9;
	_ =	strace $0x8000004B  }
0x2b: {  	_ =	swait.ge [sflag:s29], $0x1  }
0x2c: {  	[sflag:s29] =	ssyncadd.s32 $0xFFFFFFFF  }
0x2d: {  	_ =	strace $0x9000004B  }
0x2e: {  	_ =	sfence  }
0x2f: {  	s30 =	sld [smem:$0x0];
	_ =	sdelay $0x2  }
0x30: {  	s31 =	sshll.u32 s1, $0xD;
	s1 =	sshrl.u32 s1, $0x2  }
0x31: {  	s3 =	sand.u32 $0x4000, s31;
	s1 =	sadd.s32 s1, s30  }
0x32: {  	s0 =	sor.u32 s3, s0;
	s1 =	sshll.u32 s1, $0x11  }
0x33: {  	s0 =	sor.u32 s1, s0  }
0x34: {  	s0 =	sadd.s32 $0x8F2B, s0  }
0x35: {  	[sflag:s0] =	ssyncadd.remote.s32 $0x1  }
0x36: {  	_ =	sfence.sel $0xFFFF  }
0x37: {  	[dreg:$0x0] =	wrdreg $0xFFFFFFFF;
	(pc) =	sbr.abs _section_cstart, $3  }
0x38: {  	[dreg:$0x1] =	wrdreg $0xFFFFFFFF  }
0x39: {  	_ =	task.clear_ibuf [dreg:s7], $0x2FFFF;
	_ =	strace $0x9FFFFFFF  }
0x3a: {  	(tm) =	ssettm $0x7FFFFFFF  }
0x3b: {  	_ =	shalt  }
tec
execute0_lowered:
.L_overlay_start_1:
0x0: {  	(tag) =	ssettag $0x1  }
0x1: {  	s0 =	srdreg.scid  }
0x2: {  	s1 =	sshll.u32 s0, $0x4  }
0x3: {  	s0 =	stileid.u32;
	s1 =	sand.u32 $0x10, s1  }
0x4: {  	s1 =	sor.u32 s0, s1  }
0x5: {  	s6 =	rddreg [dreg:$0x0];
	s4 =	simm.s32 $0x1;
	s2 =	sshll.u32 s1, $0x7  }
0x6: {  	s7 =	simm.s32 $0x2;
	s12 =	simm.s32 $0x0;
	s1 =	ssub.s32 $0x1000, s2  }
0x7: {  	s8 =	simm.s32 $0x8000;
	s13 =	simm.s32 $0x0;
	s3 =	sand.u32 $0xF80, s1  }
0x8: {  	s9 =	simm.s32 $0x0;
	s5 =	sshrl.u32 s1, $0xC;
	p0 =	sne.s32 s3, $0x0  }
.Ltmp0:
0x9: {  	s1 =	rddreg [dreg:$0x2];
	s4 =	simm.s32 @!p0 $0x0;
	(pc) =	sbr.rel .LBB1_1-.Ltmp0, $4  }
0xa: {  	s11 =	simm.s32 $0x0;
	s3 =	rddreg [dreg:$0x1];
	s5 =	sadd.s32 s4, s5  }
0xb: {  	_ =	strace $0x8000004A;
	s4 =	simm.s32 $0x1;
	s5 =	smul.u32 $0xC8, s5  }
0xc: {  	s6 =	sadd.s32 $0xA00, s6;
	s10 =	smov.u32 s2;
	[sflag:s4] =	ssyncpa.u1 $0x0  }
0xd: {  	p0 =	por $0x0, $0x0;
	[sflag:s7] =	ssyncpa.u1 $0x0;
	s7 =	sor.u32 $0x1, s5  }
.LBB1_4:
0xe: {  	s16 =	sshll.u32 s13, $0x3;
	s17 =	sand.u32 $0x78, s13  }
0xf: {  	s30 =	sand.u32 $0x7E00, s13;
	s12 =	sshll.u32 s12, $0xF;
	s16 =	sand.u32 $0xC00, s16  }
0x10: {  	[tilespmem:s15+$0x810 ss:$0x81] =	vst.msk $0xffff, v2;
	s31 =	sand.u32 $0x7, s13;
	s16 =	sor.u32 s17, s16;
	s17 =	sadd.s32 s3, s30  }
0x11: {  	[tilespmem:s15+$0x1020 ss:$0x81] =	vst.msk $0xffff, v0;
	s13 =	sshll.u32 s31, $0x12;
	s12 =	sadd.s32 s12, s17;
	s16 =	sshrl.u32 s16, $0x3  }
0x12: {  	[tilespmem:s15+$0x0 ss:$0x81] =	vst.msk $0xffff, v1;
	s13 =	sor.u32 $0x400, s13;
	s12 =	sadd.s32 s16, s12  }
0x13: {  	[hbm4b:s12+s13] =	stream.strided.scatter [tilespmem:s14], [sflag:$0x2], $0x2000, s8, s13, $0x20;
	[tilespmem:$0x8080] =	vst v63  }
.LBB1_5:
0x14: {  	s14 =	sadd.s32 $0x1, s9  }
0x15: {  	s12 =	sadd.s32 $0x1000, s10;
	s16 =	smov.u32 s10;
	p2 =	sgt.s32 s14, $0xC7  }
0x16: {  	s16 =	smov.u32 @p2 s12  }
0x17: {  	s14 =	simm.s32 @p2 $0x0;
	p2 =	sgt.s32 s16, $0xFFF  }
0x18: {  	s16 =	smov.u32 @p2 s2;
	p2 =	sne.s32 s11, s7  }
.Ltmp1:
0x19: {  	p1 =	slt.u32 s11, $0x2;
	(pc) =	sbr.rel @!p2 .LBB1_6-.Ltmp1, $4  }
0x1a: {  	s15 =	simm.s32 @!p1 $0x2  }
0x1b: {  	s13 =	smov.u32 s10;
	p0 =	por !p0, !p0;
	_ =	swait.ge @!p1 [sflag:s15], $0x2000  }
0x1c: {  	s12 =	smov.u32 s9;
	[sflag:s15] =	ssyncset.done @!p1 $0x0;
	s9 =	smov.u32 s14  }
0x1d: {  	s11 =	sadd.s32 $0x1, s11;
	[sflag:s15] =	ssyncadd.s32 @!p1 $0xFFFFE000;
	s10 =	smov.u32 s16  }
.LBB1_1:
0x1e: {  	p1 =	sge.u32 s11, s5  }
0x1f: {  	s14 =	sand.u32 @!p1 $0x1FFFFFF, s9  }
0x20: {  	s15 =	smulhi.u32 @!p1 $0x147AE15, s14;
	_ =	sdelay $0x1  }
0x21: {  	s15 =	smul.u32 @!p1 $0xC8, s15  }
0x22: {  	s16 =	sxor.u32 @!p1 $0xFFFFFFFF, s11;
	s17 =	smul.u32 @!p1 $0xC80, s10  }
0x23: {  	s31 =	sadd.s32 $0xFFFFFFFF, s11;
	s16 =	sshll.u32 @!p1 s16, $0xD;
	s14 =	ssub.s32 @!p1 s14, s15  }
0x24: {  	s15 =	sand.u32 @!p1 $0x2000, s16;
	s16 =	sadd.s32 @!p1 s6, s17;
	s14 =	sshll.u32 @!p1 s14, $0x4  }
0x25: {  	s17 =	simm.s32 @!p1 $0x6400;
	s14 =	sadd.s32 @!p1 s14, s16;
	s16 =	simm.s32 @!p1 $0x40  }
0x26: {  	[tilespmem:s15], [sflag:$0x1] =	stream.strided.gather @!p1 [hbm4b:s14+s16], $0x2000, s17, s16, $0x38;
	[tilespmem:$0x8080] =	vst v63  }
0x27: {  	p1 =	sge.u32 s31, s5  }
.Ltmp2:
0x28: {  	_ = 	snop;
	(pc) =	sbr.rel @p1 .LBB1_5-.Ltmp2, $1  }
0x29: {  	_ =	sdelay $0x3  }
0x2a: {  	s14 =	simm.s32 $0x1  }
0x2b: {  	_ =	swait.ge [sflag:s4], $0x2000;
	s14 =	simm.s32 @!p0 $0x0  }
0x2c: {  	[sflag:s4] =	ssyncset.done $0x0;
	s15 =	sshll.u32 s14, $0xD  }
0x2d: {  	[sflag:s4] =	ssyncadd.s32 $0xFFFFE000;
	s18 =	sor.u32 $0x20, s15  }
0x2e: {  	s14 =	smul.u32 $0x8100, s14;
	v3 =	vld [tilespmem:s18+$0x10]  }
0x2f: {  	s30 =	sand.u32 $0x1, s11;
	v2 =	vld [tilespmem:s18+$0xFFFFFFF0]  }
0x30: {  	s15 =	smul.u32 $0x8100, s30;
	s14 =	sshrl.u32 s14, $0x2;
	v0 =	vld [tilespmem:s18+$0x0]  }
0x31: {  	v1 =	vld [tilespmem:s18+$0xFFFFFFE0];
	s16 =	sor.u32 $0x4000, s14  }
0x32: {  	s31 =	sshrl.u32 s15, $0x2;
	s15 =	sadd.s32 $0x0, s16  }
0x33: {  	s17 =	simm.s32 $0x4;
	s18 =	sadd.s32 $0x40, s18;
	s14 =	sor.u32 $0x4000, s31;
	[tilespmem:s15+$0x1830 ss:$0x81] =	vst.msk $0xffff, v3  }
.LBB1_3:
0x34: {  	v3 =	vld [tilespmem:s18+$0x10];
	p1 =	sne.s32 s17, $0x1FC;
	[tilespmem:s15+$0x810 ss:$0x81] =	vst.msk $0xffff, v2;
	s19 =	smov.u32 s17;
	s17 =	sadd.s32 $0x4, s17  }
.Ltmp3:
0x35: {  	v2 =	vld [tilespmem:s18+$0xFFFFFFF0];
	[tilespmem:s15+$0x1020 ss:$0x81] =	vst.msk $0xffff, v0;
	(pc) =	sbr.rel @p1 .LBB1_3-.Ltmp3, $4  }
0x36: {  	v0 =	vld [tilespmem:s18+$0x0];
	[tilespmem:s15+$0x0 ss:$0x81] =	vst.msk $0xffff, v1  }
0x37: {  	s15 =	sshra.s32 s19, $0x2;
	v1 =	vld [tilespmem:s18+$0xFFFFFFE0]  }
0x38: {  	s15 =	sadd.s32 s15, s16  }
0x39: {  	s18 =	sadd.s32 $0x40, s18;
	[tilespmem:s15+$0x1830 ss:$0x81] =	vst.msk $0xffff, v3  }
.Ltmp4:
0x3a: {  	_ = 	snop;
	(pc) =	sbr.rel .LBB1_4-.Ltmp4, $1  }
0x3b: {  	_ =	sdelay $0x3  }
.LBB1_6:
0x3c: {  	_ =	sfence.sel $0x180000  }
0x3d: {  	s2 =	simm.s32 $0x1;
	[bflag:$0x0] =	sbarrier.arrive $0xFFFF  }
0x3e: {  	s31 =	simm.s32 $0x2;
	[sflag:s2] =	ssyncpa.u1 $0x1  }
0x3f: {  	[sflag:s31] =	ssyncpa.u1 $0x1  }
0x40: {  	p0 =	sne.s32 s0, $0x0;
	_ =	strace $0x9000004A  }
0x41: {  	s0 =	sadd.s32 @!p0 $0x100000, s1;
	[bflag:$0x2] =	sbarrier.arrive $0xFFFF  }
0x42: {  	[sflag:s0] =	ssyncadd.tile.s32 @!p0 $0x1;
	_ =	shalt  }
.Lfunc_end1:
_tile_overlayer_lowered:
.L_overlay_start_2:
0x43: {  	(tag) =	ssettag $0x2  }
0x44: {  	s0 =	rddreg [dreg:$0x0];
	s2 =	stileid.u32  }
0x45: {  	s1 =	rddreg [dreg:$0x1];
	p0 =	sne.s32 s2, $0x0  }
0x46: {  	s3 =	rddreg [dreg:$0x2];
	[bflag:$0x3] =	sbarrier.arrive $0xFFFF;
	s2 =	simm.s32 @!p0 $0x1C01  }
0x47: {  	[timem:s3], [sflag:s2] =	dma.local @!p0 [hbm:s0], s1  }
0x48: {  	s0 =	simm.s32 @!p0 $0x1  }
0x49: {  	_ =	swait.ge @!p0 [sflag:s0], s1  }
0x4a: {  	s1 =	ssub.s32 @!p0 $0x0, s1;
	[sflag:s0] =	ssyncset.done @!p0 $0x0  }
0x4b: {  	[sflag:s0] =	ssyncadd.s32 @!p0 s1  }
0x4c: {  	[bflag:$0x3] =	sbarrier.arrive $0xFFFF  }
0x4d: {  	_ =	shalt  }

</sc_bundles>
